<compile_context>
chip_gen: v7x
topology: tpu7x:2x2x1
jax: 0.10.2.dev20260603
libtpu: 0.0.44.dev20260713+nightly
codegen_flags: <defaults>
</compile_context>

<pallas_src>
import functools

import jax
import jax.numpy as jnp
from jax import lax
from jax.experimental import pallas as pl
from jax.experimental.pallas import tpu as pltpu
from jax.experimental.pallas import tpu_sc as plsc

T, D, F, E, K = 2048, 1024, 2048, 8, 2
P = K * T
TB = 128
NBMAX = 40
NS = NBMAX * TB
BE_PAD = 64

NCORES, NSUB = 2, 16
NW = NCORES * NSUB
PPT = P // NW
DCH = 32
TPT = T // NW
CCH = 16


def _prefix_lanes(a, n):
    sh = 1
    while sh < n:
        a = a + jnp.pad(a, ((0, 0), (sh, 0)))[:, :n]
        sh *= 2
    return a


def _meta_body(x_ref, wr_ref, pos_ref, pp_ref, be_ref, nb_ref):
    x = x_ref[...]
    wr = wr_ref[...]
    scores = lax.dot_general(wr, x, (((1,), (1,)), ((), ())),
                             preferred_element_type=jnp.float32)
    eidx = lax.broadcasted_iota(jnp.int32, (E, T), 0)
    m1 = jnp.max(scores, axis=0, keepdims=True)
    i1 = jnp.min(jnp.where(scores == m1, eidx, E), axis=0, keepdims=True)
    s2 = jnp.where(eidx == i1, -jnp.inf, scores)
    m2 = jnp.max(s2, axis=0, keepdims=True)
    i2 = jnp.min(jnp.where(s2 == m2, eidx, E), axis=0, keepdims=True)
    q = jnp.exp(m2 - m1)
    p1 = 1.0 / (1.0 + q)
    p2 = q * p1

    e_pair = jnp.concatenate([i1, i2], axis=1)
    p_pair = jnp.concatenate([p1, p2], axis=1)
    eiota = lax.broadcasted_iota(jnp.int32, (E, P), 0)
    onehot = (e_pair == eiota).astype(jnp.int32)

    csum = _prefix_lanes(onehot, P)
    rank = jnp.sum(onehot * csum, axis=0, keepdims=True) - 1
    count = csum[:, P - 1:P]
    nbk = (count + TB - 1) // TB
    incl = nbk
    for sh in (1, 2, 4):
        incl = incl + jnp.pad(incl, ((sh, 0), (0, 0)))[:E, :]
    bo = incl - nbk
    poff = jnp.sum(onehot * (bo * TB), axis=0, keepdims=True)
    pos = poff + rank
    total = jnp.max(incl)

    biota = lax.broadcasted_iota(jnp.int32, (E, BE_PAD), 1)
    be = jnp.sum((biota >= incl).astype(jnp.int32), axis=0, keepdims=True)
    e8 = lax.broadcasted_iota(jnp.int32, (E, 1), 0)
    be_last = jnp.max(jnp.where(nbk > 0, e8, 0))
    bvec = lax.broadcasted_iota(jnp.int32, (1, BE_PAD), 1)
    be = jnp.where(bvec >= total, be_last, jnp.minimum(be, E - 1))

    pos_ref[...] = pos
    pp_ref[...] = p_pair
    be_ref[...] = be
    nb_ref[...] = jnp.full((1, 8), total, jnp.int32)


_meta_call = pl.pallas_call(
    _meta_body,
    in_specs=[pl.BlockSpec((T, D), lambda: (0, 0)),
              pl.BlockSpec((E, D), lambda: (0, 0))],
    out_specs=[pl.BlockSpec((1, P), lambda: (0, 0)),
               pl.BlockSpec((1, P), lambda: (0, 0)),
               pl.BlockSpec((1, BE_PAD), lambda: (0, 0)),
               pl.BlockSpec((1, 8), lambda: (0, 0))],
    out_shape=[jax.ShapeDtypeStruct((1, P), jnp.int32),
               jax.ShapeDtypeStruct((1, P), jnp.float32),
               jax.ShapeDtypeStruct((1, BE_PAD), jnp.int32),
               jax.ShapeDtypeStruct((1, 8), jnp.int32)],
)


def _dispatch_body(x_hbm, pos_hbm, pp_hbm, xs_hbm, ws_hbm,
                   rows_v, idx_v, posall_v, pall_v, wsort_v):
    wid = lax.axis_index("s") * NCORES + lax.axis_index("c")
    base = wid * PPT
    tok0 = base - jnp.where(base >= T, T, 0)
    for c in range(PPT // DCH):
        pltpu.sync_copy(x_hbm.at[pl.ds(tok0 + c * DCH, DCH)], rows_v)
        pltpu.sync_copy(pos_hbm.at[pl.ds(base + c * DCH, DCH)], idx_v)
        pltpu.sync_copy(rows_v, xs_hbm.at[idx_v])

    @pl.when(wid == 0)
    def _weights():
        zeros16 = jnp.zeros((16,), jnp.float32)

        def _zero(i, _):
            wsort_v[pl.ds(i * 16, 16)] = zeros16
            return 0
        lax.fori_loop(0, NS // 16, _zero, 0)
        pltpu.sync_copy(pos_hbm, posall_v)
        pltpu.sync_copy(pp_hbm, pall_v)

        def _scat(c, _):
            k = posall_v[pl.ds(c * 16, 16)]
            w = pall_v[pl.ds(c * 16, 16)]
            plsc.store_scatter(wsort_v, [k], w)
            return 0
        lax.fori_loop(0, P // 16, _scat, 0)
        pltpu.sync_copy(wsort_v, ws_hbm)


_dispatch_call = pl.kernel(
    _dispatch_body,
    out_type=[jax.ShapeDtypeStruct((NS, D), jnp.float32),
              jax.ShapeDtypeStruct((NS,), jnp.float32)],
    mesh=plsc.VectorSubcoreMesh(core_axis_name="c", subcore_axis_name="s",
                                num_cores=NCORES, num_subcores=NSUB),
    scratch_types=[pltpu.VMEM((DCH, D), jnp.float32),
                   pltpu.VMEM((DCH,), jnp.int32),
                   pltpu.VMEM((P,), jnp.int32),
                   pltpu.VMEM((P,), jnp.float32),
                   pltpu.VMEM((NS,), jnp.float32)],
    compiler_params=pltpu.CompilerParams(needs_layout_passes=False),
)


def _mlp_body(be_ref, nb_ref, xs_ref, ws_ref, wg_ref, wu_ref, wd_ref, out_ref):
    b = pl.program_id(0)

    @pl.when(b < nb_ref[0])
    def _():
        xb = xs_ref[...].astype(jnp.bfloat16)
        wg = wg_ref[0]
        wu = wu_ref[0]
        wd = wd_ref[0]
        h1 = lax.dot_general(xb, wg, (((1,), (1,)), ((), ())),
                             preferred_element_type=jnp.float32)
        h2 = lax.dot_general(xb, wu, (((1,), (1,)), ((), ())),
                             preferred_element_type=jnp.float32)
        h = (h1 / (1.0 + jnp.exp(-h1))) * h2
        out = lax.dot_general(h.astype(jnp.bfloat16), wd,
                              (((1,), (1,)), ((), ())),
                              preferred_element_type=jnp.float32)
        w = ws_ref[0]
        ri = lax.broadcasted_iota(jnp.int32, (TB, TB), 0)
        ci = lax.broadcasted_iota(jnp.int32, (TB, TB), 1)
        diag = jnp.where(ri == ci, jnp.broadcast_to(w, (TB, TB)), 0.0)
        out_ref[...] = lax.dot_general(
            diag.astype(jnp.bfloat16), out.astype(jnp.bfloat16),
            (((1,), (0,)), ((), ())), preferred_element_type=jnp.float32)


_mlp_call = pl.pallas_call(
    _mlp_body,
    grid_spec=pltpu.PrefetchScalarGridSpec(
        num_scalar_prefetch=2,
        grid=(NBMAX,),
        in_specs=[
            pl.BlockSpec((TB, D), lambda b, be, nb: (jnp.minimum(b, nb[0] - 1), 0)),
            pl.BlockSpec((1, 1, TB), lambda b, be, nb: (jnp.minimum(b, nb[0] - 1), 0, 0)),
            pl.BlockSpec((1, F, D), lambda b, be, nb: (be[b], 0, 0)),
            pl.BlockSpec((1, F, D), lambda b, be, nb: (be[b], 0, 0)),
            pl.BlockSpec((1, D, F), lambda b, be, nb: (be[b], 0, 0)),
        ],
        out_specs=pl.BlockSpec((TB, D), lambda b, be, nb: (jnp.minimum(b, nb[0] - 1), 0)),
    ),
    out_shape=jax.ShapeDtypeStruct((NS, D), jnp.float32),
    compiler_params=pltpu.CompilerParams(
        dimension_semantics=("arbitrary",),
    ),
)


def _combine_body(os_hbm, pos_hbm, y_hbm, a_v, b_v, ia_v, ib_v, sem_a, sem_b):
    wid = lax.axis_index("s") * NCORES + lax.axis_index("c")
    for c in range(TPT // CCH):
        tb = wid * TPT + c * CCH
        pltpu.sync_copy(pos_hbm.at[pl.ds(tb, CCH)], ia_v)
        pltpu.sync_copy(pos_hbm.at[pl.ds(T + tb, CCH)], ib_v)
        cp_a = pltpu.async_copy(os_hbm.at[ia_v], a_v, sem_a)
        cp_b = pltpu.async_copy(os_hbm.at[ib_v], b_v, sem_b)
        cp_a.wait()
        cp_b.wait()
        for i in range(CCH):
            def _add(s, _):
                sl = pl.ds(s * 16, 16)
                a_v[i, sl] = a_v[i, sl] + b_v[i, sl]
                return 0
            lax.fori_loop(0, D // 16, _add, 0)
        pltpu.sync_copy(a_v, y_hbm.at[pl.ds(tb, CCH)])


_combine_call = pl.kernel(
    _combine_body,
    out_type=jax.ShapeDtypeStruct((T, D), jnp.float32),
    mesh=plsc.VectorSubcoreMesh(core_axis_name="c", subcore_axis_name="s",
                                num_cores=NCORES, num_subcores=NSUB),
    scratch_types=[pltpu.VMEM((CCH, D), jnp.float32),
                   pltpu.VMEM((CCH, D), jnp.float32),
                   pltpu.VMEM((CCH,), jnp.int32),
                   pltpu.VMEM((CCH,), jnp.int32),
                   pltpu.SemaphoreType.DMA,
                   pltpu.SemaphoreType.DMA],
)


@jax.jit
def kernel(x, W_router, W_gate, W_up, W_down):
    pos2, pp2, be2, nb2 = _meta_call(x, W_router)
    pos = pos2.reshape(P)
    pp = pp2.reshape(P)
    be = be2.reshape(BE_PAD)
    nb = nb2.reshape(8)[:1]
    xs, ws = _dispatch_call(x, pos, pp)
    ws3 = ws.reshape(NBMAX, 1, TB)
    wg16 = W_gate.astype(jnp.bfloat16)
    wu16 = W_up.astype(jnp.bfloat16)
    wd16 = W_down.astype(jnp.bfloat16)
    out_sorted = _mlp_call(be, nb, xs, ws3, wg16, wu16, wd16)
    return _combine_call(out_sorted, pos)

# --- scband reference (transcript-rebuilt; emitter-appended) ---
"""Pipeline reference for scband-mo-emlp-23570780520542 (READ-ONLY COPY).

The authoritative reference and input builder live on the scoring server;
editing this copy changes nothing except your own understanding.
"""

import jax, jax.numpy as jnp
import numpy as np

T, D, F, E, K = 2048, 1024, 2048, 8, 2

def setup_inputs(seed: int = 0) -> dict:
    key = jax.random.key(seed)
    ks = jax.random.split(key, 5)
    def init_w(k, shape, fan_in):
        return (jax.random.uniform(k, shape, dtype=jnp.float32) * 2.0 - 1.0) * (fan_in ** -0.5)
    return {
        "x": jax.random.normal(ks[0], (T, D), dtype=jnp.float32),
        "W_router": init_w(ks[1], (E, D), D),
        "W_gate": init_w(ks[2], (E, F, D), D),
        "W_up": init_w(ks[3], (E, F, D), D),
        "W_down": init_w(ks[4], (E, D, F), F),
    }

def reference(x, W_router, W_gate, W_up, W_down):
    # router
    scores = x @ W_router.T                                   # [T, E]
    topk_scores, topk_idx = jax.lax.top_k(scores, K)          # [T, K]
    topk_probs = jax.nn.softmax(topk_scores, axis=-1)         # [T, K]
    # dense expert computation (all experts on all tokens, as in the torch module)
    h = jax.nn.silu(jnp.einsum('td,efd->tef', x, W_gate)) * jnp.einsum('td,efd->tef', x, W_up)  # [T, E, F]
    expert_out = jnp.einsum('tef,edf->ted', h, W_down)        # [T, E, D]
    # scatter top-k probs into dense gating matrix (top_k indices are unique per row)
    rows = jnp.arange(x.shape[0])[:, None]
    gating = jnp.zeros_like(scores).at[rows, topk_idx].set(topk_probs)  # [T, E]
    y = (gating[..., None] * expert_out).sum(axis=1)          # [T, D]
    return y

if __name__ == "__main__":
    import jax
    _d = setup_inputs()
    print(jax.jit(kernel)(*tuple(_d.values())))

</pallas_src>

<mosaic_0001>
#map = affine_map<(d0, d1) -> (0, 0)>
#map1 = affine_map<(d0, d1) -> (0)>
module attributes {stable_mosaic.version = 14 : i64} {
  func.func @_dispatch_body(%arg0: i32, %arg1: i32, %arg2: memref<2048x1024xf32, #tpu.memory_space<hbm>>, %arg3: memref<4096xi32, #tpu.memory_space<hbm>>, %arg4: memref<4096xf32, #tpu.memory_space<hbm>>, %arg5: memref<5120x1024xf32, #tpu.memory_space<hbm>>, %arg6: memref<5120xf32, #tpu.memory_space<hbm>>, %arg7: memref<32x1024xf32, #tpu.memory_space<vmem>>, %arg8: memref<32xi32, #tpu.memory_space<vmem>>, %arg9: memref<4096xi32, #tpu.memory_space<vmem>>, %arg10: memref<4096xf32, #tpu.memory_space<vmem>>, %arg11: memref<5120xf32, #tpu.memory_space<vmem>>) attributes {dimension_semantics = [#tpu.dimension_semantics<core_parallel>, #tpu.dimension_semantics<subcore_parallel>], iteration_bounds = array<i64: 2, 16>, scalar_prefetch = 0 : i64, scratch_operands = 5 : i64, tpu.core_type = #tpu.core_type<sc_vector_subcore>, window_params = [{transform_indices = #map}, {transform_indices = #map1}, {transform_indices = #map1}, {transform_indices = #map}, {transform_indices = #map1}]} {
    %mul3A = arith.constant 2 : i32
    %mul3A_0 = arith.muli %arg1, %mul3A : i32
    %add3A = arith.addi %mul3A_0, %arg0 : i32
    %mul3A_1 = arith.constant 128 : i32
    %mul3A_2 = arith.muli %add3A, %mul3A_1 : i32
    %ge3A = arith.constant 2048 : i32
    %ge3A_3 = arith.cmpi sge, %mul3A_2, %ge3A : i32
    %jit3A = arith.constant 2048 : i32
    %jit3A_4 = arith.constant 0 : i32
    %select_n3A = arith.select %ge3A_3, %jit3A, %jit3A_4 : i32
    %sub3A = arith.subi %mul3A_2, %select_n3A : i32
    %add3A_5 = arith.constant 0 : i32
    %add3A_6 = arith.addi %sub3A, %add3A_5 : i32
    "tpu.region"() ({
      %run_scoped3A = tpu.sem_alloc : memref<!tpu.dma_semaphore, #tpu.memory_space<semaphore_mem>>
      %dma_start3A = arith.constant 0 : i32
      %dma_start3A_23 = tpu.memref_slice %arg2[%add3A_6, %dma_start3A] : memref<2048x1024xf32, #tpu.memory_space<hbm>> -> memref<32x1024xf32, #tpu.memory_space<hbm>>
      %dma_start3A_24 = arith.constant 0 : i32
      %dma_start3A_25 = tpu.memref_slice %arg2[%add3A_6, %dma_start3A_24] : memref<2048x1024xf32, #tpu.memory_space<hbm>> -> memref<32x1024xf32, #tpu.memory_space<hbm>>
      tpu.enqueue_dma source(%dma_start3A_25 : memref<32x1024xf32, #tpu.memory_space<hbm>>) target(%arg7 : memref<32x1024xf32, #tpu.memory_space<vmem>>) target_semaphore(%run_scoped3A : memref<!tpu.dma_semaphore, #tpu.memory_space<semaphore_mem>>)
      %dma_wait3A = arith.constant 0 : i32
      %dma_wait3A_26 = tpu.memref_slice %arg2[%add3A_6, %dma_wait3A] : memref<2048x1024xf32, #tpu.memory_space<hbm>> -> memref<32x1024xf32, #tpu.memory_space<hbm>>
      %dma_wait3A_27 = arith.constant 0 : i32
      %dma_wait3A_28 = tpu.memref_slice %arg2[%add3A_6, %dma_wait3A_27] : memref<2048x1024xf32, #tpu.memory_space<hbm>> -> memref<32x1024xf32, #tpu.memory_space<hbm>>
      tpu.wait_dma2 semaphore(%run_scoped3A : memref<!tpu.dma_semaphore, #tpu.memory_space<semaphore_mem>>) src(%dma_wait3A_28 : memref<32x1024xf32, #tpu.memory_space<hbm>>) dst(%arg7 : memref<32x1024xf32, #tpu.memory_space<vmem>>)
      tpu.yield
    }) : () -> ()
    %add3A_7 = arith.constant 0 : i32
    %add3A_8 = arith.addi %mul3A_2, %add3A_7 : i32
    "tpu.region"() ({
      %run_scoped3A = tpu.sem_alloc : memref<!tpu.dma_semaphore, #tpu.memory_space<semaphore_mem>>
      %dma_start3A = tpu.memref_slice %arg3[%add3A_8] : memref<4096xi32, #tpu.memory_space<hbm>> -> memref<32xi32, #tpu.memory_space<hbm>>
      %dma_start3A_23 = tpu.memref_slice %arg3[%add3A_8] : memref<4096xi32, #tpu.memory_space<hbm>> -> memref<32xi32, #tpu.memory_space<hbm>>
      tpu.enqueue_dma source(%dma_start3A_23 : memref<32xi32, #tpu.memory_space<hbm>>) target(%arg8 : memref<32xi32, #tpu.memory_space<vmem>>) target_semaphore(%run_scoped3A : memref<!tpu.dma_semaphore, #tpu.memory_space<semaphore_mem>>)
      %dma_wait3A = tpu.memref_slice %arg3[%add3A_8] : memref<4096xi32, #tpu.memory_space<hbm>> -> memref<32xi32, #tpu.memory_space<hbm>>
      %dma_wait3A_24 = tpu.memref_slice %arg3[%add3A_8] : memref<4096xi32, #tpu.memory_space<hbm>> -> memref<32xi32, #tpu.memory_space<hbm>>
      tpu.wait_dma2 semaphore(%run_scoped3A : memref<!tpu.dma_semaphore, #tpu.memory_space<semaphore_mem>>) src(%dma_wait3A_24 : memref<32xi32, #tpu.memory_space<hbm>>) dst(%arg8 : memref<32xi32, #tpu.memory_space<vmem>>)
      tpu.yield
    }) : () -> ()
    "tpu.region"() ({
      %run_scoped3A = tpu.sem_alloc : memref<!tpu.dma_semaphore, #tpu.memory_space<semaphore_mem>>
      %dma_start3A = arith.constant 0 : i32
      %dma_start3A_23 = arith.constant 0 : i32
      %dma_start3A_24 = tpu.memref_slice %arg5[%dma_start3A, %dma_start3A_23] : memref<5120x1024xf32, #tpu.memory_space<hbm>> -> memref<5120x1024xf32, #tpu.memory_space<hbm>>
      tpu.enqueue_indirect_dma source(%arg7 : memref<32x1024xf32, #tpu.memory_space<vmem>>) target(%dma_start3A_24 : memref<5120x1024xf32, #tpu.memory_space<hbm>>) offsets(%arg8 : memref<32xi32, #tpu.memory_space<vmem>>) semaphore(%run_scoped3A : memref<!tpu.dma_semaphore, #tpu.memory_space<semaphore_mem>>)
      %dma_wait3A = arith.constant 0 : i32
      %dma_wait3A_25 = arith.constant 0 : i32
      %dma_wait3A_26 = tpu.memref_slice %arg5[%dma_wait3A, %dma_wait3A_25] : memref<5120x1024xf32, #tpu.memory_space<hbm>> -> memref<5120x1024xf32, #tpu.memory_space<hbm>>
      tpu.wait_indirect_dma semaphore(%run_scoped3A : memref<!tpu.dma_semaphore, #tpu.memory_space<semaphore_mem>>) src(%arg7 : memref<32x1024xf32, #tpu.memory_space<vmem>>) dst(%dma_wait3A_26 : memref<5120x1024xf32, #tpu.memory_space<hbm>>)
      tpu.yield
    }) : () -> ()
    %add3A_9 = arith.constant 32 : i32
    %add3A_10 = arith.addi %sub3A, %add3A_9 : i32
    "tpu.region"() ({
      %run_scoped3A = tpu.sem_alloc : memref<!tpu.dma_semaphore, #tpu.memory_space<semaphore_mem>>
      %dma_start3A = arith.constant 0 : i32
      %dma_start3A_23 = tpu.memref_slice %arg2[%add3A_10, %dma_start3A] : memref<2048x1024xf32, #tpu.memory_space<hbm>> -> memref<32x1024xf32, #tpu.memory_space<hbm>>
      %dma_start3A_24 = arith.constant 0 : i32
      %dma_start3A_25 = tpu.memref_slice %arg2[%add3A_10, %dma_start3A_24] : memref<2048x1024xf32, #tpu.memory_space<hbm>> -> memref<32x1024xf32, #tpu.memory_space<hbm>>
      tpu.enqueue_dma source(%dma_start3A_25 : memref<32x1024xf32, #tpu.memory_space<hbm>>) target(%arg7 : memref<32x1024xf32, #tpu.memory_space<vmem>>) target_semaphore(%run_scoped3A : memref<!tpu.dma_semaphore, #tpu.memory_space<semaphore_mem>>)
      %dma_wait3A = arith.constant 0 : i32
      %dma_wait3A_26 = tpu.memref_slice %arg2[%add3A_10, %dma_wait3A] : memref<2048x1024xf32, #tpu.memory_space<hbm>> -> memref<32x1024xf32, #tpu.memory_space<hbm>>
      %dma_wait3A_27 = arith.constant 0 : i32
      %dma_wait3A_28 = tpu.memref_slice %arg2[%add3A_10, %dma_wait3A_27] : memref<2048x1024xf32, #tpu.memory_space<hbm>> -> memref<32x1024xf32, #tpu.memory_space<hbm>>
      tpu.wait_dma2 semaphore(%run_scoped3A : memref<!tpu.dma_semaphore, #tpu.memory_space<semaphore_mem>>) src(%dma_wait3A_28 : memref<32x1024xf32, #tpu.memory_space<hbm>>) dst(%arg7 : memref<32x1024xf32, #tpu.memory_space<vmem>>)
      tpu.yield
    }) : () -> ()
    %add3A_11 = arith.constant 32 : i32
    %add3A_12 = arith.addi %mul3A_2, %add3A_11 : i32
    "tpu.region"() ({
      %run_scoped3A = tpu.sem_alloc : memref<!tpu.dma_semaphore, #tpu.memory_space<semaphore_mem>>
      %dma_start3A = tpu.memref_slice %arg3[%add3A_12] : memref<4096xi32, #tpu.memory_space<hbm>> -> memref<32xi32, #tpu.memory_space<hbm>>
      %dma_start3A_23 = tpu.memref_slice %arg3[%add3A_12] : memref<4096xi32, #tpu.memory_space<hbm>> -> memref<32xi32, #tpu.memory_space<hbm>>
      tpu.enqueue_dma source(%dma_start3A_23 : memref<32xi32, #tpu.memory_space<hbm>>) target(%arg8 : memref<32xi32, #tpu.memory_space<vmem>>) target_semaphore(%run_scoped3A : memref<!tpu.dma_semaphore, #tpu.memory_space<semaphore_mem>>)
      %dma_wait3A = tpu.memref_slice %arg3[%add3A_12] : memref<4096xi32, #tpu.memory_space<hbm>> -> memref<32xi32, #tpu.memory_space<hbm>>
      %dma_wait3A_24 = tpu.memref_slice %arg3[%add3A_12] : memref<4096xi32, #tpu.memory_space<hbm>> -> memref<32xi32, #tpu.memory_space<hbm>>
      tpu.wait_dma2 semaphore(%run_scoped3A : memref<!tpu.dma_semaphore, #tpu.memory_space<semaphore_mem>>) src(%dma_wait3A_24 : memref<32xi32, #tpu.memory_space<hbm>>) dst(%arg8 : memref<32xi32, #tpu.memory_space<vmem>>)
      tpu.yield
    }) : () -> ()
    "tpu.region"() ({
      %run_scoped3A = tpu.sem_alloc : memref<!tpu.dma_semaphore, #tpu.memory_space<semaphore_mem>>
      %dma_start3A = arith.constant 0 : i32
      %dma_start3A_23 = arith.constant 0 : i32
      %dma_start3A_24 = tpu.memref_slice %arg5[%dma_start3A, %dma_start3A_23] : memref<5120x1024xf32, #tpu.memory_space<hbm>> -> memref<5120x1024xf32, #tpu.memory_space<hbm>>
      tpu.enqueue_indirect_dma source(%arg7 : memref<32x1024xf32, #tpu.memory_space<vmem>>) target(%dma_start3A_24 : memref<5120x1024xf32, #tpu.memory_space<hbm>>) offsets(%arg8 : memref<32xi32, #tpu.memory_space<vmem>>) semaphore(%run_scoped3A : memref<!tpu.dma_semaphore, #tpu.memory_space<semaphore_mem>>)
      %dma_wait3A = arith.constant 0 : i32
      %dma_wait3A_25 = arith.constant 0 : i32
      %dma_wait3A_26 = tpu.memref_slice %arg5[%dma_wait3A, %dma_wait3A_25] : memref<5120x1024xf32, #tpu.memory_space<hbm>> -> memref<5120x1024xf32, #tpu.memory_space<hbm>>
      tpu.wait_indirect_dma semaphore(%run_scoped3A : memref<!tpu.dma_semaphore, #tpu.memory_space<semaphore_mem>>) src(%arg7 : memref<32x1024xf32, #tpu.memory_space<vmem>>) dst(%dma_wait3A_26 : memref<5120x1024xf32, #tpu.memory_space<hbm>>)
      tpu.yield
    }) : () -> ()
    %add3A_13 = arith.constant 64 : i32
    %add3A_14 = arith.addi %sub3A, %add3A_13 : i32
    "tpu.region"() ({
      %run_scoped3A = tpu.sem_alloc : memref<!tpu.dma_semaphore, #tpu.memory_space<semaphore_mem>>
      %dma_start3A = arith.constant 0 : i32
      %dma_start3A_23 = tpu.memref_slice %arg2[%add3A_14, %dma_start3A] : memref<2048x1024xf32, #tpu.memory_space<hbm>> -> memref<32x1024xf32, #tpu.memory_space<hbm>>
      %dma_start3A_24 = arith.constant 0 : i32
      %dma_start3A_25 = tpu.memref_slice %arg2[%add3A_14, %dma_start3A_24] : memref<2048x1024xf32, #tpu.memory_space<hbm>> -> memref<32x1024xf32, #tpu.memory_space<hbm>>
      tpu.enqueue_dma source(%dma_start3A_25 : memref<32x1024xf32, #tpu.memory_space<hbm>>) target(%arg7 : memref<32x1024xf32, #tpu.memory_space<vmem>>) target_semaphore(%run_scoped3A : memref<!tpu.dma_semaphore, #tpu.memory_space<semaphore_mem>>)
      %dma_wait3A = arith.constant 0 : i32
      %dma_wait3A_26 = tpu.memref_slice %arg2[%add3A_14, %dma_wait3A] : memref<2048x1024xf32, #tpu.memory_space<hbm>> -> memref<32x1024xf32, #tpu.memory_space<hbm>>
      %dma_wait3A_27 = arith.constant 0 : i32
      %dma_wait3A_28 = tpu.memref_slice %arg2[%add3A_14, %dma_wait3A_27] : memref<2048x1024xf32, #tpu.memory_space<hbm>> -> memref<32x1024xf32, #tpu.memory_space<hbm>>
      tpu.wait_dma2 semaphore(%run_scoped3A : memref<!tpu.dma_semaphore, #tpu.memory_space<semaphore_mem>>) src(%dma_wait3A_28 : memref<32x1024xf32, #tpu.memory_space<hbm>>) dst(%arg7 : memref<32x1024xf32, #tpu.memory_space<vmem>>)
      tpu.yield
    }) : () -> ()
    %add3A_15 = arith.constant 64 : i32
    %add3A_16 = arith.addi %mul3A_2, %add3A_15 : i32
    "tpu.region"() ({
      %run_scoped3A = tpu.sem_alloc : memref<!tpu.dma_semaphore, #tpu.memory_space<semaphore_mem>>
      %dma_start3A = tpu.memref_slice %arg3[%add3A_16] : memref<4096xi32, #tpu.memory_space<hbm>> -> memref<32xi32, #tpu.memory_space<hbm>>
      %dma_start3A_23 = tpu.memref_slice %arg3[%add3A_16] : memref<4096xi32, #tpu.memory_space<hbm>> -> memref<32xi32, #tpu.memory_space<hbm>>
      tpu.enqueue_dma source(%dma_start3A_23 : memref<32xi32, #tpu.memory_space<hbm>>) target(%arg8 : memref<32xi32, #tpu.memory_space<vmem>>) target_semaphore(%run_scoped3A : memref<!tpu.dma_semaphore, #tpu.memory_space<semaphore_mem>>)
      %dma_wait3A = tpu.memref_slice %arg3[%add3A_16] : memref<4096xi32, #tpu.memory_space<hbm>> -> memref<32xi32, #tpu.memory_space<hbm>>
      %dma_wait3A_24 = tpu.memref_slice %arg3[%add3A_16] : memref<4096xi32, #tpu.memory_space<hbm>> -> memref<32xi32, #tpu.memory_space<hbm>>
      tpu.wait_dma2 semaphore(%run_scoped3A : memref<!tpu.dma_semaphore, #tpu.memory_space<semaphore_mem>>) src(%dma_wait3A_24 : memref<32xi32, #tpu.memory_space<hbm>>) dst(%arg8 : memref<32xi32, #tpu.memory_space<vmem>>)
      tpu.yield
    }) : () -> ()
    "tpu.region"() ({
      %run_scoped3A = tpu.sem_alloc : memref<!tpu.dma_semaphore, #tpu.memory_space<semaphore_mem>>
      %dma_start3A = arith.constant 0 : i32
      %dma_start3A_23 = arith.constant 0 : i32
      %dma_start3A_24 = tpu.memref_slice %arg5[%dma_start3A, %dma_start3A_23] : memref<5120x1024xf32, #tpu.memory_space<hbm>> -> memref<5120x1024xf32, #tpu.memory_space<hbm>>
      tpu.enqueue_indirect_dma source(%arg7 : memref<32x1024xf32, #tpu.memory_space<vmem>>) target(%dma_start3A_24 : memref<5120x1024xf32, #tpu.memory_space<hbm>>) offsets(%arg8 : memref<32xi32, #tpu.memory_space<vmem>>) semaphore(%run_scoped3A : memref<!tpu.dma_semaphore, #tpu.memory_space<semaphore_mem>>)
      %dma_wait3A = arith.constant 0 : i32
      %dma_wait3A_25 = arith.constant 0 : i32
      %dma_wait3A_26 = tpu.memref_slice %arg5[%dma_wait3A, %dma_wait3A_25] : memref<5120x1024xf32, #tpu.memory_space<hbm>> -> memref<5120x1024xf32, #tpu.memory_space<hbm>>
      tpu.wait_indirect_dma semaphore(%run_scoped3A : memref<!tpu.dma_semaphore, #tpu.memory_space<semaphore_mem>>) src(%arg7 : memref<32x1024xf32, #tpu.memory_space<vmem>>) dst(%dma_wait3A_26 : memref<5120x1024xf32, #tpu.memory_space<hbm>>)
      tpu.yield
    }) : () -> ()
    %add3A_17 = arith.constant 96 : i32
    %add3A_18 = arith.addi %sub3A, %add3A_17 : i32
    "tpu.region"() ({
      %run_scoped3A = tpu.sem_alloc : memref<!tpu.dma_semaphore, #tpu.memory_space<semaphore_mem>>
      %dma_start3A = arith.constant 0 : i32
      %dma_start3A_23 = tpu.memref_slice %arg2[%add3A_18, %dma_start3A] : memref<2048x1024xf32, #tpu.memory_space<hbm>> -> memref<32x1024xf32, #tpu.memory_space<hbm>>
      %dma_start3A_24 = arith.constant 0 : i32
      %dma_start3A_25 = tpu.memref_slice %arg2[%add3A_18, %dma_start3A_24] : memref<2048x1024xf32, #tpu.memory_space<hbm>> -> memref<32x1024xf32, #tpu.memory_space<hbm>>
      tpu.enqueue_dma source(%dma_start3A_25 : memref<32x1024xf32, #tpu.memory_space<hbm>>) target(%arg7 : memref<32x1024xf32, #tpu.memory_space<vmem>>) target_semaphore(%run_scoped3A : memref<!tpu.dma_semaphore, #tpu.memory_space<semaphore_mem>>)
      %dma_wait3A = arith.constant 0 : i32
      %dma_wait3A_26 = tpu.memref_slice %arg2[%add3A_18, %dma_wait3A] : memref<2048x1024xf32, #tpu.memory_space<hbm>> -> memref<32x1024xf32, #tpu.memory_space<hbm>>
      %dma_wait3A_27 = arith.constant 0 : i32
      %dma_wait3A_28 = tpu.memref_slice %arg2[%add3A_18, %dma_wait3A_27] : memref<2048x1024xf32, #tpu.memory_space<hbm>> -> memref<32x1024xf32, #tpu.memory_space<hbm>>
      tpu.wait_dma2 semaphore(%run_scoped3A : memref<!tpu.dma_semaphore, #tpu.memory_space<semaphore_mem>>) src(%dma_wait3A_28 : memref<32x1024xf32, #tpu.memory_space<hbm>>) dst(%arg7 : memref<32x1024xf32, #tpu.memory_space<vmem>>)
      tpu.yield
    }) : () -> ()
    %add3A_19 = arith.constant 96 : i32
    %add3A_20 = arith.addi %mul3A_2, %add3A_19 : i32
    "tpu.region"() ({
      %run_scoped3A = tpu.sem_alloc : memref<!tpu.dma_semaphore, #tpu.memory_space<semaphore_mem>>
      %dma_start3A = tpu.memref_slice %arg3[%add3A_20] : memref<4096xi32, #tpu.memory_space<hbm>> -> memref<32xi32, #tpu.memory_space<hbm>>
      %dma_start3A_23 = tpu.memref_slice %arg3[%add3A_20] : memref<4096xi32, #tpu.memory_space<hbm>> -> memref<32xi32, #tpu.memory_space<hbm>>
      tpu.enqueue_dma source(%dma_start3A_23 : memref<32xi32, #tpu.memory_space<hbm>>) target(%arg8 : memref<32xi32, #tpu.memory_space<vmem>>) target_semaphore(%run_scoped3A : memref<!tpu.dma_semaphore, #tpu.memory_space<semaphore_mem>>)
      %dma_wait3A = tpu.memref_slice %arg3[%add3A_20] : memref<4096xi32, #tpu.memory_space<hbm>> -> memref<32xi32, #tpu.memory_space<hbm>>
      %dma_wait3A_24 = tpu.memref_slice %arg3[%add3A_20] : memref<4096xi32, #tpu.memory_space<hbm>> -> memref<32xi32, #tpu.memory_space<hbm>>
      tpu.wait_dma2 semaphore(%run_scoped3A : memref<!tpu.dma_semaphore, #tpu.memory_space<semaphore_mem>>) src(%dma_wait3A_24 : memref<32xi32, #tpu.memory_space<hbm>>) dst(%arg8 : memref<32xi32, #tpu.memory_space<vmem>>)
      tpu.yield
    }) : () -> ()
    "tpu.region"() ({
      %run_scoped3A = tpu.sem_alloc : memref<!tpu.dma_semaphore, #tpu.memory_space<semaphore_mem>>
      %dma_start3A = arith.constant 0 : i32
      %dma_start3A_23 = arith.constant 0 : i32
      %dma_start3A_24 = tpu.memref_slice %arg5[%dma_start3A, %dma_start3A_23] : memref<5120x1024xf32, #tpu.memory_space<hbm>> -> memref<5120x1024xf32, #tpu.memory_space<hbm>>
      tpu.enqueue_indirect_dma source(%arg7 : memref<32x1024xf32, #tpu.memory_space<vmem>>) target(%dma_start3A_24 : memref<5120x1024xf32, #tpu.memory_space<hbm>>) offsets(%arg8 : memref<32xi32, #tpu.memory_space<vmem>>) semaphore(%run_scoped3A : memref<!tpu.dma_semaphore, #tpu.memory_space<semaphore_mem>>)
      %dma_wait3A = arith.constant 0 : i32
      %dma_wait3A_25 = arith.constant 0 : i32
      %dma_wait3A_26 = tpu.memref_slice %arg5[%dma_wait3A, %dma_wait3A_25] : memref<5120x1024xf32, #tpu.memory_space<hbm>> -> memref<5120x1024xf32, #tpu.memory_space<hbm>>
      tpu.wait_indirect_dma semaphore(%run_scoped3A : memref<!tpu.dma_semaphore, #tpu.memory_space<semaphore_mem>>) src(%arg7 : memref<32x1024xf32, #tpu.memory_space<vmem>>) dst(%dma_wait3A_26 : memref<5120x1024xf32, #tpu.memory_space<hbm>>)
      tpu.yield
    }) : () -> ()
    %eq3A = arith.constant 0 : i32
    %eq3A_21 = arith.cmpi eq, %add3A, %eq3A : i32
    %convert_element_type3A = arith.extui %eq3A_21 : i1 to i32
    %cond3A = arith.constant 0 : i32
    %cond3A_22 = arith.cmpi ne, %convert_element_type3A, %cond3A : i32
    scf.if %cond3A_22 {
      %broadcast_in_dim3A = arith.constant 0.000000e+00 : f32
      %broadcast_in_dim3A_23 = vector.broadcast %broadcast_in_dim3A : f32 to vector<16xf32>
      %scan3A = arith.constant 0 : i32
      %scan3A_24 = arith.constant 0 : i32
      %scan3A_25 = arith.constant 320 : i32
      %scan3A_26 = arith.addi %scan3A_24, %scan3A_25 : i32
      %scan3A_27 = arith.constant 1 : i32
      %scan3A_28 = scf.for %scan3A_37 = %scan3A_24 to %scan3A_26 step %scan3A_27 iter_args(%scan3A_38 = %scan3A) -> (i32)  : i32 {
        %mul3A_39 = arith.constant 16 : i32
        %mul3A_40 = arith.muli %scan3A_37, %mul3A_39 : i32
        %swap3A = arith.index_cast %mul3A_40 : i32 to index
        %swap3A_41 = tpu.vector_load %arg11[%swap3A] {strides = array<i32>} : memref<5120xf32, #tpu.memory_space<vmem>>, vector<16xf32>,
        tpu.vector_store %arg11[%swap3A], %broadcast_in_dim3A_23 {strides = array<i32>} : memref<5120xf32, #tpu.memory_space<vmem>>, vector<16xf32>,
        %scan3A_42 = arith.constant 0 : i32
        scf.yield %scan3A_42 : i32
      }
      %scan3A_29 = arith.constant 320 : i32
      "tpu.region"() ({
        %run_scoped3A = tpu.sem_alloc : memref<!tpu.dma_semaphore, #tpu.memory_space<semaphore_mem>>
        tpu.enqueue_dma source(%arg3 : memref<4096xi32, #tpu.memory_space<hbm>>) target(%arg9 : memref<4096xi32, #tpu.memory_space<vmem>>) target_semaphore(%run_scoped3A : memref<!tpu.dma_semaphore, #tpu.memory_space<semaphore_mem>>)
        tpu.wait_dma2 semaphore(%run_scoped3A : memref<!tpu.dma_semaphore, #tpu.memory_space<semaphore_mem>>) src(%arg3 : memref<4096xi32, #tpu.memory_space<hbm>>) dst(%arg9 : memref<4096xi32, #tpu.memory_space<vmem>>)
        tpu.yield
      }) : () -> ()
      "tpu.region"() ({
        %run_scoped3A = tpu.sem_alloc : memref<!tpu.dma_semaphore, #tpu.memory_space<semaphore_mem>>
        tpu.enqueue_dma source(%arg4 : memref<4096xf32, #tpu.memory_space<hbm>>) target(%arg10 : memref<4096xf32, #tpu.memory_space<vmem>>) target_semaphore(%run_scoped3A : memref<!tpu.dma_semaphore, #tpu.memory_space<semaphore_mem>>)
        tpu.wait_dma2 semaphore(%run_scoped3A : memref<!tpu.dma_semaphore, #tpu.memory_space<semaphore_mem>>) src(%arg4 : memref<4096xf32, #tpu.memory_space<hbm>>) dst(%arg10 : memref<4096xf32, #tpu.memory_space<vmem>>)
        tpu.yield
      }) : () -> ()
      %scan3A_30 = arith.constant 0 : i32
      %scan3A_31 = arith.constant 0 : i32
      %scan3A_32 = arith.constant 256 : i32
      %scan3A_33 = arith.addi %scan3A_31, %scan3A_32 : i32
      %scan3A_34 = arith.constant 1 : i32
      %scan3A_35 = scf.for %scan3A_37 = %scan3A_31 to %scan3A_33 step %scan3A_34 iter_args(%scan3A_38 = %scan3A_30) -> (i32)  : i32 {
        %mul3A_39 = arith.constant 16 : i32
        %mul3A_40 = arith.muli %scan3A_37, %mul3A_39 : i32
        %get3A = arith.index_cast %mul3A_40 : i32 to index
        %get3A_41 = tpu.vector_load %arg9[%get3A] {strides = array<i32>} : memref<4096xi32, #tpu.memory_space<vmem>>, vector<16xi32>,
        %mul3A_42 = arith.constant 16 : i32
        %mul3A_43 = arith.muli %scan3A_37, %mul3A_42 : i32
        %get3A_44 = arith.index_cast %mul3A_43 : i32 to index
        %get3A_45 = tpu.vector_load %arg10[%get3A_44] {strides = array<i32>} : memref<4096xf32, #tpu.memory_space<vmem>>, vector<16xf32>,
        tpu.vector_store_idx %arg11[%get3A_41], %get3A_45 : memref<5120xf32, #tpu.memory_space<vmem>>[vector<16xi32>], vector<16xf32>,
        %scan3A_46 = arith.constant 0 : i32
        scf.yield %scan3A_46 : i32
      }
      %scan3A_36 = arith.constant 256 : i32
      "tpu.region"() ({
        %run_scoped3A = tpu.sem_alloc : memref<!tpu.dma_semaphore, #tpu.memory_space<semaphore_mem>>
        tpu.enqueue_dma source(%arg11 : memref<5120xf32, #tpu.memory_space<vmem>>) target(%arg6 : memref<5120xf32, #tpu.memory_space<hbm>>) target_semaphore(%run_scoped3A : memref<!tpu.dma_semaphore, #tpu.memory_space<semaphore_mem>>)
        tpu.wait_dma2 semaphore(%run_scoped3A : memref<!tpu.dma_semaphore, #tpu.memory_space<semaphore_mem>>) src(%arg11 : memref<5120xf32, #tpu.memory_space<vmem>>) dst(%arg6 : memref<5120xf32, #tpu.memory_space<hbm>>)
        tpu.yield
      }) : () -> ()
    } else {
    }
    return
  }
}

#map = affine_map<(d0, d1) -> (0, 0)>
#map1 = affine_map<(d0, d1) -> (0)>
module attributes {stable_mosaic.version = 14 : i64} {
  func.func @_combine_body(%arg0: i32, %arg1: i32, %arg2: memref<5120x1024xf32, #tpu.memory_space<hbm>>, %arg3: memref<4096xi32, #tpu.memory_space<hbm>>, %arg4: memref<2048x1024xf32, #tpu.memory_space<hbm>>, %arg5: memref<16x1024xf32, #tpu.memory_space<vmem>>, %arg6: memref<16x1024xf32, #tpu.memory_space<vmem>>, %arg7: memref<16xi32, #tpu.memory_space<vmem>>, %arg8: memref<16xi32, #tpu.memory_space<vmem>>, %arg9: memref<!tpu.dma_semaphore, #tpu.memory_space<semaphore_mem>>, %arg10: memref<!tpu.dma_semaphore, #tpu.memory_space<semaphore_mem>>) attributes {dimension_semantics = [#tpu.dimension_semantics<core_parallel>, #tpu.dimension_semantics<subcore_parallel>], iteration_bounds = array<i64: 2, 16>, scalar_prefetch = 0 : i64, scratch_operands = 6 : i64, tpu.core_type = #tpu.core_type<sc_vector_subcore>, window_params = [{transform_indices = #map}, {transform_indices = #map1}, {transform_indices = #map}]} {
    %mul3A = arith.constant 2 : i32
    %mul3A_0 = arith.muli %arg1, %mul3A : i32
    %add3A = arith.addi %mul3A_0, %arg0 : i32
    %mul3A_1 = arith.constant 64 : i32
    %mul3A_2 = arith.muli %add3A, %mul3A_1 : i32
    %add3A_3 = arith.constant 0 : i32
    %add3A_4 = arith.addi %mul3A_2, %add3A_3 : i32
    "tpu.region"() ({
      %run_scoped3A = tpu.sem_alloc : memref<!tpu.dma_semaphore, #tpu.memory_space<semaphore_mem>>
      %dma_start3A_518 = tpu.memref_slice %arg3[%add3A_4] : memref<4096xi32, #tpu.memory_space<hbm>> -> memref<16xi32, #tpu.memory_space<hbm>>
      %dma_start3A_519 = tpu.memref_slice %arg3[%add3A_4] : memref<4096xi32, #tpu.memory_space<hbm>> -> memref<16xi32, #tpu.memory_space<hbm>>
      tpu.enqueue_dma source(%dma_start3A_519 : memref<16xi32, #tpu.memory_space<hbm>>) target(%arg7 : memref<16xi32, #tpu.memory_space<vmem>>) target_semaphore(%run_scoped3A : memref<!tpu.dma_semaphore, #tpu.memory_space<semaphore_mem>>)
      %dma_wait3A_520 = tpu.memref_slice %arg3[%add3A_4] : memref<4096xi32, #tpu.memory_space<hbm>> -> memref<16xi32, #tpu.memory_space<hbm>>
      %dma_wait3A_521 = tpu.memref_slice %arg3[%add3A_4] : memref<4096xi32, #tpu.memory_space<hbm>> -> memref<16xi32, #tpu.memory_space<hbm>>
      tpu.wait_dma2 semaphore(%run_scoped3A : memref<!tpu.dma_semaphore, #tpu.memory_space<semaphore_mem>>) src(%dma_wait3A_521 : memref<16xi32, #tpu.memory_space<hbm>>) dst(%arg7 : memref<16xi32, #tpu.memory_space<vmem>>)
      tpu.yield
    }) : () -> ()
    %add3A_5 = arith.constant 2048 : i32
    %add3A_6 = arith.addi %add3A_5, %add3A_4 : i32
    "tpu.region"() ({
      %run_scoped3A = tpu.sem_alloc : memref<!tpu.dma_semaphore, #tpu.memory_space<semaphore_mem>>
      %dma_start3A_518 = tpu.memref_slice %arg3[%add3A_6] : memref<4096xi32, #tpu.memory_space<hbm>> -> memref<16xi32, #tpu.memory_space<hbm>>
      %dma_start3A_519 = tpu.memref_slice %arg3[%add3A_6] : memref<4096xi32, #tpu.memory_space<hbm>> -> memref<16xi32, #tpu.memory_space<hbm>>
      tpu.enqueue_dma source(%dma_start3A_519 : memref<16xi32, #tpu.memory_space<hbm>>) target(%arg8 : memref<16xi32, #tpu.memory_space<vmem>>) target_semaphore(%run_scoped3A : memref<!tpu.dma_semaphore, #tpu.memory_space<semaphore_mem>>)
      %dma_wait3A_520 = tpu.memref_slice %arg3[%add3A_6] : memref<4096xi32, #tpu.memory_space<hbm>> -> memref<16xi32, #tpu.memory_space<hbm>>
      %dma_wait3A_521 = tpu.memref_slice %arg3[%add3A_6] : memref<4096xi32, #tpu.memory_space<hbm>> -> memref<16xi32, #tpu.memory_space<hbm>>
      tpu.wait_dma2 semaphore(%run_scoped3A : memref<!tpu.dma_semaphore, #tpu.memory_space<semaphore_mem>>) src(%dma_wait3A_521 : memref<16xi32, #tpu.memory_space<hbm>>) dst(%arg8 : memref<16xi32, #tpu.memory_space<vmem>>)
      tpu.yield
    }) : () -> ()
    %dma_start3A = arith.constant 0 : i32
    %dma_start3A_7 = arith.constant 0 : i32
    %dma_start3A_8 = tpu.memref_slice %arg2[%dma_start3A, %dma_start3A_7] : memref<5120x1024xf32, #tpu.memory_space<hbm>> -> memref<5120x1024xf32, #tpu.memory_space<hbm>>
    tpu.enqueue_indirect_dma source(%dma_start3A_8 : memref<5120x1024xf32, #tpu.memory_space<hbm>>) target(%arg5 : memref<16x1024xf32, #tpu.memory_space<vmem>>) offsets(%arg7 : memref<16xi32, #tpu.memory_space<vmem>>) semaphore(%arg9 : memref<!tpu.dma_semaphore, #tpu.memory_space<semaphore_mem>>)
    %dma_start3A_9 = arith.constant 0 : i32
    %dma_start3A_10 = arith.constant 0 : i32
    %dma_start3A_11 = tpu.memref_slice %arg2[%dma_start3A_9, %dma_start3A_10] : memref<5120x1024xf32, #tpu.memory_space<hbm>> -> memref<5120x1024xf32, #tpu.memory_space<hbm>>
    tpu.enqueue_indirect_dma source(%dma_start3A_11 : memref<5120x1024xf32, #tpu.memory_space<hbm>>) target(%arg6 : memref<16x1024xf32, #tpu.memory_space<vmem>>) offsets(%arg8 : memref<16xi32, #tpu.memory_space<vmem>>) semaphore(%arg10 : memref<!tpu.dma_semaphore, #tpu.memory_space<semaphore_mem>>)
    %dma_wait3A = arith.constant 0 : i32
    %dma_wait3A_12 = arith.constant 0 : i32
    %dma_wait3A_13 = tpu.memref_slice %arg2[%dma_wait3A, %dma_wait3A_12] : memref<5120x1024xf32, #tpu.memory_space<hbm>> -> memref<5120x1024xf32, #tpu.memory_space<hbm>>
    tpu.wait_indirect_dma semaphore(%arg9 : memref<!tpu.dma_semaphore, #tpu.memory_space<semaphore_mem>>) src(%dma_wait3A_13 : memref<5120x1024xf32, #tpu.memory_space<hbm>>) dst(%arg5 : memref<16x1024xf32, #tpu.memory_space<vmem>>)
    %dma_wait3A_14 = arith.constant 0 : i32
    %dma_wait3A_15 = arith.constant 0 : i32
    %dma_wait3A_16 = tpu.memref_slice %arg2[%dma_wait3A_14, %dma_wait3A_15] : memref<5120x1024xf32, #tpu.memory_space<hbm>> -> memref<5120x1024xf32, #tpu.memory_space<hbm>>
    tpu.wait_indirect_dma semaphore(%arg10 : memref<!tpu.dma_semaphore, #tpu.memory_space<semaphore_mem>>) src(%dma_wait3A_16 : memref<5120x1024xf32, #tpu.memory_space<hbm>>) dst(%arg6 : memref<16x1024xf32, #tpu.memory_space<vmem>>)
    %scan3A = arith.constant 0 : i32
    %scan3A_17 = arith.constant 0 : i32
    %scan3A_18 = arith.constant 64 : i32
    %scan3A_19 = arith.addi %scan3A_17, %scan3A_18 : i32
    %scan3A_20 = arith.constant 1 : i32
    %scan3A_21 = scf.for %scan3A_518 = %scan3A_17 to %scan3A_19 step %scan3A_20 iter_args(%scan3A_519 = %scan3A) -> (i32)  : i32 {
      %mul3A_520 = arith.constant 16 : i32
      %mul3A_521 = arith.muli %scan3A_518, %mul3A_520 : i32
      %get3A = arith.constant 0 : i32
      %get3A_522 = arith.index_cast %get3A : i32 to index
      %get3A_523 = arith.index_cast %mul3A_521 : i32 to index
      %get3A_524 = tpu.vector_load %arg5[%get3A_522, %get3A_523] {strides = array<i32>} : memref<16x1024xf32, #tpu.memory_space<vmem>>, vector<1x16xf32>,
      %get3A_525 = vector.shape_cast %get3A_524 : vector<1x16xf32> to vector<16xf32>
      %get3A_526 = arith.constant 0 : i32
      %get3A_527 = arith.index_cast %get3A_526 : i32 to index
      %get3A_528 = arith.index_cast %mul3A_521 : i32 to index
      %get3A_529 = tpu.vector_load %arg6[%get3A_527, %get3A_528] {strides = array<i32>} : memref<16x1024xf32, #tpu.memory_space<vmem>>, vector<1x16xf32>,
      %get3A_530 = vector.shape_cast %get3A_529 : vector<1x16xf32> to vector<16xf32>
      %add3A_531 = arith.addf %get3A_525, %get3A_530 : vector<16xf32>
      %swap3A = arith.constant 0 : i32
      %swap3A_532 = arith.index_cast %swap3A : i32 to index
      %swap3A_533 = arith.index_cast %mul3A_521 : i32 to index
      %swap3A_534 = tpu.vector_load %arg5[%swap3A_532, %swap3A_533] {strides = array<i32>} : memref<16x1024xf32, #tpu.memory_space<vmem>>, vector<1x16xf32>,
      %swap3A_535 = vector.shape_cast %swap3A_534 : vector<1x16xf32> to vector<16xf32>
      %swap3A_536 = vector.shape_cast %add3A_531 : vector<16xf32> to vector<1x16xf32>
      tpu.vector_store %arg5[%swap3A_532, %swap3A_533], %swap3A_536 {strides = array<i32>} : memref<16x1024xf32, #tpu.memory_space<vmem>>, vector<1x16xf32>,
      %scan3A_537 = arith.constant 0 : i32
      scf.yield %scan3A_537 : i32
    }
    %scan3A_22 = arith.constant 64 : i32
    %scan3A_23 = arith.constant 0 : i32
    %scan3A_24 = arith.constant 0 : i32
    %scan3A_25 = arith.constant 64 : i32
    %scan3A_26 = arith.addi %scan3A_24, %scan3A_25 : i32
    %scan3A_27 = arith.constant 1 : i32
    %scan3A_28 = scf.for %scan3A_518 = %scan3A_24 to %scan3A_26 step %scan3A_27 iter_args(%scan3A_519 = %scan3A_23) -> (i32)  : i32 {
      %mul3A_520 = arith.constant 16 : i32
      %mul3A_521 = arith.muli %scan3A_518, %mul3A_520 : i32
      %get3A = arith.constant 1 : i32
      %get3A_522 = arith.index_cast %get3A : i32 to index
      %get3A_523 = arith.index_cast %mul3A_521 : i32 to index
      %get3A_524 = tpu.vector_load %arg5[%get3A_522, %get3A_523] {strides = array<i32>} : memref<16x1024xf32, #tpu.memory_space<vmem>>, vector<1x16xf32>,
      %get3A_525 = vector.shape_cast %get3A_524 : vector<1x16xf32> to vector<16xf32>
      %get3A_526 = arith.constant 1 : i32
      %get3A_527 = arith.index_cast %get3A_526 : i32 to index
      %get3A_528 = arith.index_cast %mul3A_521 : i32 to index
      %get3A_529 = tpu.vector_load %arg6[%get3A_527, %get3A_528] {strides = array<i32>} : memref<16x1024xf32, #tpu.memory_space<vmem>>, vector<1x16xf32>,
      %get3A_530 = vector.shape_cast %get3A_529 : vector<1x16xf32> to vector<16xf32>
      %add3A_531 = arith.addf %get3A_525, %get3A_530 : vector<16xf32>
      %swap3A = arith.constant 1 : i32
      %swap3A_532 = arith.index_cast %swap3A : i32 to index
      %swap3A_533 = arith.index_cast %mul3A_521 : i32 to index
      %swap3A_534 = tpu.vector_load %arg5[%swap3A_532, %swap3A_533] {strides = array<i32>} : memref<16x1024xf32, #tpu.memory_space<vmem>>, vector<1x16xf32>,
      %swap3A_535 = vector.shape_cast %swap3A_534 : vector<1x16xf32> to vector<16xf32>
      %swap3A_536 = vector.shape_cast %add3A_531 : vector<16xf32> to vector<1x16xf32>
      tpu.vector_store %arg5[%swap3A_532, %swap3A_533], %swap3A_536 {strides = array<i32>} : memref<16x1024xf32, #tpu.memory_space<vmem>>, vector<1x16xf32>,
      %scan3A_537 = arith.constant 0 : i32
      scf.yield %scan3A_537 : i32
    }
    %scan3A_29 = arith.constant 64 : i32
    %scan3A_30 = arith.constant 0 : i32
    %scan3A_31 = arith.constant 0 : i32
    %scan3A_32 = arith.constant 64 : i32
    %scan3A_33 = arith.addi %scan3A_31, %scan3A_32 : i32
    %scan3A_34 = arith.constant 1 : i32
    %scan3A_35 = scf.for %scan3A_518 = %scan3A_31 to %scan3A_33 step %scan3A_34 iter_args(%scan3A_519 = %scan3A_30) -> (i32)  : i32 {
      %mul3A_520 = arith.constant 16 : i32
      %mul3A_521 = arith.muli %scan3A_518, %mul3A_520 : i32
      %get3A = arith.constant 2 : i32
      %get3A_522 = arith.index_cast %get3A : i32 to index
      %get3A_523 = arith.index_cast %mul3A_521 : i32 to index
      %get3A_524 = tpu.vector_load %arg5[%get3A_522, %get3A_523] {strides = array<i32>} : memref<16x1024xf32, #tpu.memory_space<vmem>>, vector<1x16xf32>,
      %get3A_525 = vector.shape_cast %get3A_524 : vector<1x16xf32> to vector<16xf32>
      %get3A_526 = arith.constant 2 : i32
      %get3A_527 = arith.index_cast %get3A_526 : i32 to index
      %get3A_528 = arith.index_cast %mul3A_521 : i32 to index
      %get3A_529 = tpu.vector_load %arg6[%get3A_527, %get3A_528] {strides = array<i32>} : memref<16x1024xf32, #tpu.memory_space<vmem>>, vector<1x16xf32>,
      %get3A_530 = vector.shape_cast %get3A_529 : vector<1x16xf32> to vector<16xf32>
      %add3A_531 = arith.addf %get3A_525, %get3A_530 : vector<16xf32>
      %swap3A = arith.constant 2 : i32
      %swap3A_532 = arith.index_cast %swap3A : i32 to index
      %swap3A_533 = arith.index_cast %mul3A_521 : i32 to index
      %swap3A_534 = tpu.vector_load %arg5[%swap3A_532, %swap3A_533] {strides = array<i32>} : memref<16x1024xf32, #tpu.memory_space<vmem>>, vector<1x16xf32>,
      %swap3A_535 = vector.shape_cast %swap3A_534 : vector<1x16xf32> to vector<16xf32>
      %swap3A_536 = vector.shape_cast %add3A_531 : vector<16xf32> to vector<1x16xf32>
      tpu.vector_store %arg5[%swap3A_532, %swap3A_533], %swap3A_536 {strides = array<i32>} : memref<16x1024xf32, #tpu.memory_space<vmem>>, vector<1x16xf32>,
      %scan3A_537 = arith.constant 0 : i32
      scf.yield %scan3A_537 : i32
    }
    %scan3A_36 = arith.constant 64 : i32
    %scan3A_37 = arith.constant 0 : i32
    %scan3A_38 = arith.constant 0 : i32
    %scan3A_39 = arith.constant 64 : i32
    %scan3A_40 = arith.addi %scan3A_38, %scan3A_39 : i32
    %scan3A_41 = arith.constant 1 : i32
    %scan3A_42 = scf.for %scan3A_518 = %scan3A_38 to %scan3A_40 step %scan3A_41 iter_args(%scan3A_519 = %scan3A_37) -> (i32)  : i32 {
      %mul3A_520 = arith.constant 16 : i32
      %mul3A_521 = arith.muli %scan3A_518, %mul3A_520 : i32
      %get3A = arith.constant 3 : i32
      %get3A_522 = arith.index_cast %get3A : i32 to index
      %get3A_523 = arith.index_cast %mul3A_521 : i32 to index
      %get3A_524 = tpu.vector_load %arg5[%get3A_522, %get3A_523] {strides = array<i32>} : memref<16x1024xf32, #tpu.memory_space<vmem>>, vector<1x16xf32>,
      %get3A_525 = vector.shape_cast %get3A_524 : vector<1x16xf32> to vector<16xf32>
      %get3A_526 = arith.constant 3 : i32
      %get3A_527 = arith.index_cast %get3A_526 : i32 to index
      %get3A_528 = arith.index_cast %mul3A_521 : i32 to index
      %get3A_529 = tpu.vector_load %arg6[%get3A_527, %get3A_528] {strides = array<i32>} : memref<16x1024xf32, #tpu.memory_space<vmem>>, vector<1x16xf32>,
      %get3A_530 = vector.shape_cast %get3A_529 : vector<1x16xf32> to vector<16xf32>
      %add3A_531 = arith.addf %get3A_525, %get3A_530 : vector<16xf32>
      %swap3A = arith.constant 3 : i32
      %swap3A_532 = arith.index_cast %swap3A : i32 to index
      %swap3A_533 = arith.index_cast %mul3A_521 : i32 to index
      %swap3A_534 = tpu.vector_load %arg5[%swap3A_532, %swap3A_533] {strides = array<i32>} : memref<16x1024xf32, #tpu.memory_space<vmem>>, vector<1x16xf32>,
      %swap3A_535 = vector.shape_cast %swap3A_534 : vector<1x16xf32> to vector<16xf32>
      %swap3A_536 = vector.shape_cast %add3A_531 : vector<16xf32> to vector<1x16xf32>
      tpu.vector_store %arg5[%swap3A_532, %swap3A_533], %swap3A_536 {strides = array<i32>} : memref<16x1024xf32, #tpu.memory_space<vmem>>, vector<1x16xf32>,
      %scan3A_537 = arith.constant 0 : i32
      scf.yield %scan3A_537 : i32
    }
    %scan3A_43 = arith.constant 64 : i32
    %scan3A_44 = arith.constant 0 : i32
    %scan3A_45 = arith.constant 0 : i32
    %scan3A_46 = arith.constant 64 : i32
    %scan3A_47 = arith.addi %scan3A_45, %scan3A_46 : i32
    %scan3A_48 = arith.constant 1 : i32
    %scan3A_49 = scf.for %scan3A_518 = %scan3A_45 to %scan3A_47 step %scan3A_48 iter_args(%scan3A_519 = %scan3A_44) -> (i32)  : i32 {
      %mul3A_520 = arith.constant 16 : i32
      %mul3A_521 = arith.muli %scan3A_518, %mul3A_520 : i32
      %get3A = arith.constant 4 : i32
      %get3A_522 = arith.index_cast %get3A : i32 to index
      %get3A_523 = arith.index_cast %mul3A_521 : i32 to index
      %get3A_524 = tpu.vector_load %arg5[%get3A_522, %get3A_523] {strides = array<i32>} : memref<16x1024xf32, #tpu.memory_space<vmem>>, vector<1x16xf32>,
      %get3A_525 = vector.shape_cast %get3A_524 : vector<1x16xf32> to vector<16xf32>
      %get3A_526 = arith.constant 4 : i32
      %get3A_527 = arith.index_cast %get3A_526 : i32 to index
      %get3A_528 = arith.index_cast %mul3A_521 : i32 to index
      %get3A_529 = tpu.vector_load %arg6[%get3A_527, %get3A_528] {strides = array<i32>} : memref<16x1024xf32, #tpu.memory_space<vmem>>, vector<1x16xf32>,
      %get3A_530 = vector.shape_cast %get3A_529 : vector<1x16xf32> to vector<16xf32>
      %add3A_531 = arith.addf %get3A_525, %get3A_530 : vector<16xf32>
      %swap3A = arith.constant 4 : i32
      %swap3A_532 = arith.index_cast %swap3A : i32 to index
      %swap3A_533 = arith.index_cast %mul3A_521 : i32 to index
      %swap3A_534 = tpu.vector_load %arg5[%swap3A_532, %swap3A_533] {strides = array<i32>} : memref<16x1024xf32, #tpu.memory_space<vmem>>, vector<1x16xf32>,
      %swap3A_535 = vector.shape_cast %swap3A_534 : vector<1x16xf32> to vector<16xf32>
      %swap3A_536 = vector.shape_cast %add3A_531 : vector<16xf32> to vector<1x16xf32>
      tpu.vector_store %arg5[%swap3A_532, %swap3A_533], %swap3A_536 {strides = array<i32>} : memref<16x1024xf32, #tpu.memory_space<vmem>>, vector<1x16xf32>,
      %scan3A_537 = arith.constant 0 : i32
      scf.yield %scan3A_537 : i32
    }
    %scan3A_50 = arith.constant 64 : i32
    %scan3A_51 = arith.constant 0 : i32
    %scan3A_52 = arith.constant 0 : i32
    %scan3A_53 = arith.constant 64 : i32
    %scan3A_54 = arith.addi %scan3A_52, %scan3A_53 : i32
    %scan3A_55 = arith.constant 1 : i32
    %scan3A_56 = scf.for %scan3A_518 = %scan3A_52 to %scan3A_54 step %scan3A_55 iter_args(%scan3A_519 = %scan3A_51) -> (i32)  : i32 {
      %mul3A_520 = arith.constant 16 : i32
      %mul3A_521 = arith.muli %scan3A_518, %mul3A_520 : i32
      %get3A = arith.constant 5 : i32
      %get3A_522 = arith.index_cast %get3A : i32 to index
      %get3A_523 = arith.index_cast %mul3A_521 : i32 to index
      %get3A_524 = tpu.vector_load %arg5[%get3A_522, %get3A_523] {strides = array<i32>} : memref<16x1024xf32, #tpu.memory_space<vmem>>, vector<1x16xf32>,
      %get3A_525 = vector.shape_cast %get3A_524 : vector<1x16xf32> to vector<16xf32>
      %get3A_526 = arith.constant 5 : i32
      %get3A_527 = arith.index_cast %get3A_526 : i32 to index
      %get3A_528 = arith.index_cast %mul3A_521 : i32 to index
      %get3A_529 = tpu.vector_load %arg6[%get3A_527, %get3A_528] {strides = array<i32>} : memref<16x1024xf32, #tpu.memory_space<vmem>>, vector<1x16xf32>,
      %get3A_530 = vector.shape_cast %get3A_529 : vector<1x16xf32> to vector<16xf32>
      %add3A_531 = arith.addf %get3A_525, %get3A_530 : vector<16xf32>
      %swap3A = arith.constant 5 : i32
      %swap3A_532 = arith.index_cast %swap3A : i32 to index
      %swap3A_533 = arith.index_cast %mul3A_521 : i32 to index
      %swap3A_534 = tpu.vector_load %arg5[%swap3A_532, %swap3A_533] {strides = array<i32>} : memref<16x1024xf32, #tpu.memory_space<vmem>>, vector<1x16xf32>,
      %swap3A_535 = vector.shape_cast %swap3A_534 : vector<1x16xf32> to vector<16xf32>
      %swap3A_536 = vector.shape_cast %add3A_531 : vector<16xf32> to vector<1x16xf32>
      tpu.vector_store %arg5[%swap3A_532, %swap3A_533], %swap3A_536 {strides = array<i32>} : memref<16x1024xf32, #tpu.memory_space<vmem>>, vector<1x16xf32>,
      %scan3A_537 = arith.constant 0 : i32
      scf.yield %scan3A_537 : i32
    }
    %scan3A_57 = arith.constant 64 : i32
    %scan3A_58 = arith.constant 0 : i32
    %scan3A_59 = arith.constant 0 : i32
    %scan3A_60 = arith.constant 64 : i32
    %scan3A_61 = arith.addi %scan3A_59, %scan3A_60 : i32
    %scan3A_62 = arith.constant 1 : i32
    %scan3A_63 = scf.for %scan3A_518 = %scan3A_59 to %scan3A_61 step %scan3A_62 iter_args(%scan3A_519 = %scan3A_58) -> (i32)  : i32 {
      %mul3A_520 = arith.constant 16 : i32
      %mul3A_521 = arith.muli %scan3A_518, %mul3A_520 : i32
      %get3A = arith.constant 6 : i32
      %get3A_522 = arith.index_cast %get3A : i32 to index
      %get3A_523 = arith.index_cast %mul3A_521 : i32 to index
      %get3A_524 = tpu.vector_load %arg5[%get3A_522, %get3A_523] {strides = array<i32>} : memref<16x1024xf32, #tpu.memory_space<vmem>>, vector<1x16xf32>,
      %get3A_525 = vector.shape_cast %get3A_524 : vector<1x16xf32> to vector<16xf32>
      %get3A_526 = arith.constant 6 : i32
      %get3A_527 = arith.index_cast %get3A_526 : i32 to index
      %get3A_528 = arith.index_cast %mul3A_521 : i32 to index
      %get3A_529 = tpu.vector_load %arg6[%get3A_527, %get3A_528] {strides = array<i32>} : memref<16x1024xf32, #tpu.memory_space<vmem>>, vector<1x16xf32>,
      %get3A_530 = vector.shape_cast %get3A_529 : vector<1x16xf32> to vector<16xf32>
      %add3A_531 = arith.addf %get3A_525, %get3A_530 : vector<16xf32>
      %swap3A = arith.constant 6 : i32
      %swap3A_532 = arith.index_cast %swap3A : i32 to index
      %swap3A_533 = arith.index_cast %mul3A_521 : i32 to index
      %swap3A_534 = tpu.vector_load %arg5[%swap3A_532, %swap3A_533] {strides = array<i32>} : memref<16x1024xf32, #tpu.memory_space<vmem>>, vector<1x16xf32>,
      %swap3A_535 = vector.shape_cast %swap3A_534 : vector<1x16xf32> to vector<16xf32>
      %swap3A_536 = vector.shape_cast %add3A_531 : vector<16xf32> to vector<1x16xf32>
      tpu.vector_store %arg5[%swap3A_532, %swap3A_533], %swap3A_536 {strides = array<i32>} : memref<16x1024xf32, #tpu.memory_space<vmem>>, vector<1x16xf32>,
      %scan3A_537 = arith.constant 0 : i32
      scf.yield %scan3A_537 : i32
    }
    %scan3A_64 = arith.constant 64 : i32
    %scan3A_65 = arith.constant 0 : i32
    %scan3A_66 = arith.constant 0 : i32
    %scan3A_67 = arith.constant 64 : i32
    %scan3A_68 = arith.addi %scan3A_66, %scan3A_67 : i32
    %scan3A_69 = arith.constant 1 : i32
    %scan3A_70 = scf.for %scan3A_518 = %scan3A_66 to %scan3A_68 step %scan3A_69 iter_args(%scan3A_519 = %scan3A_65) -> (i32)  : i32 {
      %mul3A_520 = arith.constant 16 : i32
      %mul3A_521 = arith.muli %scan3A_518, %mul3A_520 : i32
      %get3A = arith.constant 7 : i32
      %get3A_522 = arith.index_cast %get3A : i32 to index
      %get3A_523 = arith.index_cast %mul3A_521 : i32 to index
      %get3A_524 = tpu.vector_load %arg5[%get3A_522, %get3A_523] {strides = array<i32>} : memref<16x1024xf32, #tpu.memory_space<vmem>>, vector<1x16xf32>,
      %get3A_525 = vector.shape_cast %get3A_524 : vector<1x16xf32> to vector<16xf32>
      %get3A_526 = arith.constant 7 : i32
      %get3A_527 = arith.index_cast %get3A_526 : i32 to index
      %get3A_528 = arith.index_cast %mul3A_521 : i32 to index
      %get3A_529 = tpu.vector_load %arg6[%get3A_527, %get3A_528] {strides = array<i32>} : memref<16x1024xf32, #tpu.memory_space<vmem>>, vector<1x16xf32>,
      %get3A_530 = vector.shape_cast %get3A_529 : vector<1x16xf32> to vector<16xf32>
      %add3A_531 = arith.addf %get3A_525, %get3A_530 : vector<16xf32>
      %swap3A = arith.constant 7 : i32
      %swap3A_532 = arith.index_cast %swap3A : i32 to index
      %swap3A_533 = arith.index_cast %mul3A_521 : i32 to index
      %swap3A_534 = tpu.vector_load %arg5[%swap3A_532, %swap3A_533] {strides = array<i32>} : memref<16x1024xf32, #tpu.memory_space<vmem>>, vector<1x16xf32>,
      %swap3A_535 = vector.shape_cast %swap3A_534 : vector<1x16xf32> to vector<16xf32>
      %swap3A_536 = vector.shape_cast %add3A_531 : vector<16xf32> to vector<1x16xf32>
      tpu.vector_store %arg5[%swap3A_532, %swap3A_533], %swap3A_536 {strides = array<i32>} : memref<16x1024xf32, #tpu.memory_space<vmem>>, vector<1x16xf32>,
      %scan3A_537 = arith.constant 0 : i32
      scf.yield %scan3A_537 : i32
    }
    %scan3A_71 = arith.constant 64 : i32
    %scan3A_72 = arith.constant 0 : i32
    %scan3A_73 = arith.constant 0 : i32
    %scan3A_74 = arith.constant 64 : i32
    %scan3A_75 = arith.addi %scan3A_73, %scan3A_74 : i32
    %scan3A_76 = arith.constant 1 : i32
    %scan3A_77 = scf.for %scan3A_518 = %scan3A_73 to %scan3A_75 step %scan3A_76 iter_args(%scan3A_519 = %scan3A_72) -> (i32)  : i32 {
      %mul3A_520 = arith.constant 16 : i32
      %mul3A_521 = arith.muli %scan3A_518, %mul3A_520 : i32
      %get3A = arith.constant 8 : i32
      %get3A_522 = arith.index_cast %get3A : i32 to index
      %get3A_523 = arith.index_cast %mul3A_521 : i32 to index
      %get3A_524 = tpu.vector_load %arg5[%get3A_522, %get3A_523] {strides = array<i32>} : memref<16x1024xf32, #tpu.memory_space<vmem>>, vector<1x16xf32>,
      %get3A_525 = vector.shape_cast %get3A_524 : vector<1x16xf32> to vector<16xf32>
      %get3A_526 = arith.constant 8 : i32
      %get3A_527 = arith.index_cast %get3A_526 : i32 to index
      %get3A_528 = arith.index_cast %mul3A_521 : i32 to index
      %get3A_529 = tpu.vector_load %arg6[%get3A_527, %get3A_528] {strides = array<i32>} : memref<16x1024xf32, #tpu.memory_space<vmem>>, vector<1x16xf32>,
      %get3A_530 = vector.shape_cast %get3A_529 : vector<1x16xf32> to vector<16xf32>
      %add3A_531 = arith.addf %get3A_525, %get3A_530 : vector<16xf32>
      %swap3A = arith.constant 8 : i32
      %swap3A_532 = arith.index_cast %swap3A : i32 to index
      %swap3A_533 = arith.index_cast %mul3A_521 : i32 to index
      %swap3A_534 = tpu.vector_load %arg5[%swap3A_532, %swap3A_533] {strides = array<i32>} : memref<16x1024xf32, #tpu.memory_space<vmem>>, vector<1x16xf32>,
      %swap3A_535 = vector.shape_cast %swap3A_534 : vector<1x16xf32> to vector<16xf32>
      %swap3A_536 = vector.shape_cast %add3A_531 : vector<16xf32> to vector<1x16xf32>
      tpu.vector_store %arg5[%swap3A_532, %swap3A_533], %swap3A_536 {strides = array<i32>} : memref<16x1024xf32, #tpu.memory_space<vmem>>, vector<1x16xf32>,
      %scan3A_537 = arith.constant 0 : i32
      scf.yield %scan3A_537 : i32
    }
    %scan3A_78 = arith.constant 64 : i32
    %scan3A_79 = arith.constant 0 : i32
    %scan3A_80 = arith.constant 0 : i32
    %scan3A_81 = arith.constant 64 : i32
    %scan3A_82 = arith.addi %scan3A_80, %scan3A_81 : i32
    %scan3A_83 = arith.constant 1 : i32
    %scan3A_84 = scf.for %scan3A_518 = %scan3A_80 to %scan3A_82 step %scan3A_83 iter_args(%scan3A_519 = %scan3A_79) -> (i32)  : i32 {
      %mul3A_520 = arith.constant 16 : i32
      %mul3A_521 = arith.muli %scan3A_518, %mul3A_520 : i32
      %get3A = arith.constant 9 : i32
      %get3A_522 = arith.index_cast %get3A : i32 to index
      %get3A_523 = arith.index_cast %mul3A_521 : i32 to index
      %get3A_524 = tpu.vector_load %arg5[%get3A_522, %get3A_523] {strides = array<i32>} : memref<16x1024xf32, #tpu.memory_space<vmem>>, vector<1x16xf32>,
      %get3A_525 = vector.shape_cast %get3A_524 : vector<1x16xf32> to vector<16xf32>
      %get3A_526 = arith.constant 9 : i32
      %get3A_527 = arith.index_cast %get3A_526 : i32 to index
      %get3A_528 = arith.index_cast %mul3A_521 : i32 to index
      %get3A_529 = tpu.vector_load %arg6[%get3A_527, %get3A_528] {strides = array<i32>} : memref<16x1024xf32, #tpu.memory_space<vmem>>, vector<1x16xf32>,
      %get3A_530 = vector.shape_cast %get3A_529 : vector<1x16xf32> to vector<16xf32>
      %add3A_531 = arith.addf %get3A_525, %get3A_530 : vector<16xf32>
      %swap3A = arith.constant 9 : i32
      %swap3A_532 = arith.index_cast %swap3A : i32 to index
      %swap3A_533 = arith.index_cast %mul3A_521 : i32 to index
      %swap3A_534 = tpu.vector_load %arg5[%swap3A_532, %swap3A_533] {strides = array<i32>} : memref<16x1024xf32, #tpu.memory_space<vmem>>, vector<1x16xf32>,
      %swap3A_535 = vector.shape_cast %swap3A_534 : vector<1x16xf32> to vector<16xf32>
      %swap3A_536 = vector.shape_cast %add3A_531 : vector<16xf32> to vector<1x16xf32>
      tpu.vector_store %arg5[%swap3A_532, %swap3A_533], %swap3A_536 {strides = array<i32>} : memref<16x1024xf32, #tpu.memory_space<vmem>>, vector<1x16xf32>,
      %scan3A_537 = arith.constant 0 : i32
      scf.yield %scan3A_537 : i32
    }
    %scan3A_85 = arith.constant 64 : i32
    %scan3A_86 = arith.constant 0 : i32
    %scan3A_87 = arith.constant 0 : i32
    %scan3A_88 = arith.constant 64 : i32
    %scan3A_89 = arith.addi %scan3A_87, %scan3A_88 : i32
    %scan3A_90 = arith.constant 1 : i32
    %scan3A_91 = scf.for %scan3A_518 = %scan3A_87 to %scan3A_89 step %scan3A_90 iter_args(%scan3A_519 = %scan3A_86) -> (i32)  : i32 {
      %mul3A_520 = arith.constant 16 : i32
      %mul3A_521 = arith.muli %scan3A_518, %mul3A_520 : i32
      %get3A = arith.constant 10 : i32
      %get3A_522 = arith.index_cast %get3A : i32 to index
      %get3A_523 = arith.index_cast %mul3A_521 : i32 to index
      %get3A_524 = tpu.vector_load %arg5[%get3A_522, %get3A_523] {strides = array<i32>} : memref<16x1024xf32, #tpu.memory_space<vmem>>, vector<1x16xf32>,
      %get3A_525 = vector.shape_cast %get3A_524 : vector<1x16xf32> to vector<16xf32>
      %get3A_526 = arith.constant 10 : i32
      %get3A_527 = arith.index_cast %get3A_526 : i32 to index
      %get3A_528 = arith.index_cast %mul3A_521 : i32 to index
      %get3A_529 = tpu.vector_load %arg6[%get3A_527, %get3A_528] {strides = array<i32>} : memref<16x1024xf32, #tpu.memory_space<vmem>>, vector<1x16xf32>,
      %get3A_530 = vector.shape_cast %get3A_529 : vector<1x16xf32> to vector<16xf32>
      %add3A_531 = arith.addf %get3A_525, %get3A_530 : vector<16xf32>
      %swap3A = arith.constant 10 : i32
      %swap3A_532 = arith.index_cast %swap3A : i32 to index
      %swap3A_533 = arith.index_cast %mul3A_521 : i32 to index
      %swap3A_534 = tpu.vector_load %arg5[%swap3A_532, %swap3A_533] {strides = array<i32>} : memref<16x1024xf32, #tpu.memory_space<vmem>>, vector<1x16xf32>,
      %swap3A_535 = vector.shape_cast %swap3A_534 : vector<1x16xf32> to vector<16xf32>
      %swap3A_536 = vector.shape_cast %add3A_531 : vector<16xf32> to vector<1x16xf32>
      tpu.vector_store %arg5[%swap3A_532, %swap3A_533], %swap3A_536 {strides = array<i32>} : memref<16x1024xf32, #tpu.memory_space<vmem>>, vector<1x16xf32>,
      %scan3A_537 = arith.constant 0 : i32
      scf.yield %scan3A_537 : i32
    }
    %scan3A_92 = arith.constant 64 : i32
    %scan3A_93 = arith.constant 0 : i32
    %scan3A_94 = arith.constant 0 : i32
    %scan3A_95 = arith.constant 64 : i32
    %scan3A_96 = arith.addi %scan3A_94, %scan3A_95 : i32
    %scan3A_97 = arith.constant 1 : i32
    %scan3A_98 = scf.for %scan3A_518 = %scan3A_94 to %scan3A_96 step %scan3A_97 iter_args(%scan3A_519 = %scan3A_93) -> (i32)  : i32 {
      %mul3A_520 = arith.constant 16 : i32
      %mul3A_521 = arith.muli %scan3A_518, %mul3A_520 : i32
      %get3A = arith.constant 11 : i32
      %get3A_522 = arith.index_cast %get3A : i32 to index
      %get3A_523 = arith.index_cast %mul3A_521 : i32 to index
      %get3A_524 = tpu.vector_load %arg5[%get3A_522, %get3A_523] {strides = array<i32>} : memref<16x1024xf32, #tpu.memory_space<vmem>>, vector<1x16xf32>,
      %get3A_525 = vector.shape_cast %get3A_524 : vector<1x16xf32> to vector<16xf32>
      %get3A_526 = arith.constant 11 : i32
      %get3A_527 = arith.index_cast %get3A_526 : i32 to index
      %get3A_528 = arith.index_cast %mul3A_521 : i32 to index
      %get3A_529 = tpu.vector_load %arg6[%get3A_527, %get3A_528] {strides = array<i32>} : memref<16x1024xf32, #tpu.memory_space<vmem>>, vector<1x16xf32>,
      %get3A_530 = vector.shape_cast %get3A_529 : vector<1x16xf32> to vector<16xf32>
      %add3A_531 = arith.addf %get3A_525, %get3A_530 : vector<16xf32>
      %swap3A = arith.constant 11 : i32
      %swap3A_532 = arith.index_cast %swap3A : i32 to index
      %swap3A_533 = arith.index_cast %mul3A_521 : i32 to index
      %swap3A_534 = tpu.vector_load %arg5[%swap3A_532, %swap3A_533] {strides = array<i32>} : memref<16x1024xf32, #tpu.memory_space<vmem>>, vector<1x16xf32>,
      %swap3A_535 = vector.shape_cast %swap3A_534 : vector<1x16xf32> to vector<16xf32>
      %swap3A_536 = vector.shape_cast %add3A_531 : vector<16xf32> to vector<1x16xf32>
      tpu.vector_store %arg5[%swap3A_532, %swap3A_533], %swap3A_536 {strides = array<i32>} : memref<16x1024xf32, #tpu.memory_space<vmem>>, vector<1x16xf32>,
      %scan3A_537 = arith.constant 0 : i32
      scf.yield %scan3A_537 : i32
    }
    %scan3A_99 = arith.constant 64 : i32
    %scan3A_100 = arith.constant 0 : i32
    %scan3A_101 = arith.constant 0 : i32
    %scan3A_102 = arith.constant 64 : i32
    %scan3A_103 = arith.addi %scan3A_101, %scan3A_102 : i32
    %scan3A_104 = arith.constant 1 : i32
    %scan3A_105 = scf.for %scan3A_518 = %scan3A_101 to %scan3A_103 step %scan3A_104 iter_args(%scan3A_519 = %scan3A_100) -> (i32)  : i32 {
      %mul3A_520 = arith.constant 16 : i32
      %mul3A_521 = arith.muli %scan3A_518, %mul3A_520 : i32
      %get3A = arith.constant 12 : i32
      %get3A_522 = arith.index_cast %get3A : i32 to index
      %get3A_523 = arith.index_cast %mul3A_521 : i32 to index
      %get3A_524 = tpu.vector_load %arg5[%get3A_522, %get3A_523] {strides = array<i32>} : memref<16x1024xf32, #tpu.memory_space<vmem>>, vector<1x16xf32>,
      %get3A_525 = vector.shape_cast %get3A_524 : vector<1x16xf32> to vector<16xf32>
      %get3A_526 = arith.constant 12 : i32
      %get3A_527 = arith.index_cast %get3A_526 : i32 to index
      %get3A_528 = arith.index_cast %mul3A_521 : i32 to index
      %get3A_529 = tpu.vector_load %arg6[%get3A_527, %get3A_528] {strides = array<i32>} : memref<16x1024xf32, #tpu.memory_space<vmem>>, vector<1x16xf32>,
      %get3A_530 = vector.shape_cast %get3A_529 : vector<1x16xf32> to vector<16xf32>
      %add3A_531 = arith.addf %get3A_525, %get3A_530 : vector<16xf32>
      %swap3A = arith.constant 12 : i32
      %swap3A_532 = arith.index_cast %swap3A : i32 to index
      %swap3A_533 = arith.index_cast %mul3A_521 : i32 to index
      %swap3A_534 = tpu.vector_load %arg5[%swap3A_532, %swap3A_533] {strides = array<i32>} : memref<16x1024xf32, #tpu.memory_space<vmem>>, vector<1x16xf32>,
      %swap3A_535 = vector.shape_cast %swap3A_534 : vector<1x16xf32> to vector<16xf32>
      %swap3A_536 = vector.shape_cast %add3A_531 : vector<16xf32> to vector<1x16xf32>
      tpu.vector_store %arg5[%swap3A_532, %swap3A_533], %swap3A_536 {strides = array<i32>} : memref<16x1024xf32, #tpu.memory_space<vmem>>, vector<1x16xf32>,
      %scan3A_537 = arith.constant 0 : i32
      scf.yield %scan3A_537 : i32
    }
    %scan3A_106 = arith.constant 64 : i32
    %scan3A_107 = arith.constant 0 : i32
    %scan3A_108 = arith.constant 0 : i32
    %scan3A_109 = arith.constant 64 : i32
    %scan3A_110 = arith.addi %scan3A_108, %scan3A_109 : i32
    %scan3A_111 = arith.constant 1 : i32
    %scan3A_112 = scf.for %scan3A_518 = %scan3A_108 to %scan3A_110 step %scan3A_111 iter_args(%scan3A_519 = %scan3A_107) -> (i32)  : i32 {
      %mul3A_520 = arith.constant 16 : i32
      %mul3A_521 = arith.muli %scan3A_518, %mul3A_520 : i32
      %get3A = arith.constant 13 : i32
      %get3A_522 = arith.index_cast %get3A : i32 to index
      %get3A_523 = arith.index_cast %mul3A_521 : i32 to index
      %get3A_524 = tpu.vector_load %arg5[%get3A_522, %get3A_523] {strides = array<i32>} : memref<16x1024xf32, #tpu.memory_space<vmem>>, vector<1x16xf32>,
      %get3A_525 = vector.shape_cast %get3A_524 : vector<1x16xf32> to vector<16xf32>
      %get3A_526 = arith.constant 13 : i32
      %get3A_527 = arith.index_cast %get3A_526 : i32 to index
      %get3A_528 = arith.index_cast %mul3A_521 : i32 to index
      %get3A_529 = tpu.vector_load %arg6[%get3A_527, %get3A_528] {strides = array<i32>} : memref<16x1024xf32, #tpu.memory_space<vmem>>, vector<1x16xf32>,
      %get3A_530 = vector.shape_cast %get3A_529 : vector<1x16xf32> to vector<16xf32>
      %add3A_531 = arith.addf %get3A_525, %get3A_530 : vector<16xf32>
      %swap3A = arith.constant 13 : i32
      %swap3A_532 = arith.index_cast %swap3A : i32 to index
      %swap3A_533 = arith.index_cast %mul3A_521 : i32 to index
      %swap3A_534 = tpu.vector_load %arg5[%swap3A_532, %swap3A_533] {strides = array<i32>} : memref<16x1024xf32, #tpu.memory_space<vmem>>, vector<1x16xf32>,
      %swap3A_535 = vector.shape_cast %swap3A_534 : vector<1x16xf32> to vector<16xf32>
      %swap3A_536 = vector.shape_cast %add3A_531 : vector<16xf32> to vector<1x16xf32>
      tpu.vector_store %arg5[%swap3A_532, %swap3A_533], %swap3A_536 {strides = array<i32>} : memref<16x1024xf32, #tpu.memory_space<vmem>>, vector<1x16xf32>,
      %scan3A_537 = arith.constant 0 : i32
      scf.yield %scan3A_537 : i32
    }
    %scan3A_113 = arith.constant 64 : i32
    %scan3A_114 = arith.constant 0 : i32
    %scan3A_115 = arith.constant 0 : i32
    %scan3A_116 = arith.constant 64 : i32
    %scan3A_117 = arith.addi %scan3A_115, %scan3A_116 : i32
    %scan3A_118 = arith.constant 1 : i32
    %scan3A_119 = scf.for %scan3A_518 = %scan3A_115 to %scan3A_117 step %scan3A_118 iter_args(%scan3A_519 = %scan3A_114) -> (i32)  : i32 {
      %mul3A_520 = arith.constant 16 : i32
      %mul3A_521 = arith.muli %scan3A_518, %mul3A_520 : i32
      %get3A = arith.constant 14 : i32
      %get3A_522 = arith.index_cast %get3A : i32 to index
      %get3A_523 = arith.index_cast %mul3A_521 : i32 to index
      %get3A_524 = tpu.vector_load %arg5[%get3A_522, %get3A_523] {strides = array<i32>} : memref<16x1024xf32, #tpu.memory_space<vmem>>, vector<1x16xf32>,
      %get3A_525 = vector.shape_cast %get3A_524 : vector<1x16xf32> to vector<16xf32>
      %get3A_526 = arith.constant 14 : i32
      %get3A_527 = arith.index_cast %get3A_526 : i32 to index
      %get3A_528 = arith.index_cast %mul3A_521 : i32 to index
      %get3A_529 = tpu.vector_load %arg6[%get3A_527, %get3A_528] {strides = array<i32>} : memref<16x1024xf32, #tpu.memory_space<vmem>>, vector<1x16xf32>,
      %get3A_530 = vector.shape_cast %get3A_529 : vector<1x16xf32> to vector<16xf32>
      %add3A_531 = arith.addf %get3A_525, %get3A_530 : vector<16xf32>
      %swap3A = arith.constant 14 : i32
      %swap3A_532 = arith.index_cast %swap3A : i32 to index
      %swap3A_533 = arith.index_cast %mul3A_521 : i32 to index
      %swap3A_534 = tpu.vector_load %arg5[%swap3A_532, %swap3A_533] {strides = array<i32>} : memref<16x1024xf32, #tpu.memory_space<vmem>>, vector<1x16xf32>,
      %swap3A_535 = vector.shape_cast %swap3A_534 : vector<1x16xf32> to vector<16xf32>
      %swap3A_536 = vector.shape_cast %add3A_531 : vector<16xf32> to vector<1x16xf32>
      tpu.vector_store %arg5[%swap3A_532, %swap3A_533], %swap3A_536 {strides = array<i32>} : memref<16x1024xf32, #tpu.memory_space<vmem>>, vector<1x16xf32>,
      %scan3A_537 = arith.constant 0 : i32
      scf.yield %scan3A_537 : i32
    }
    %scan3A_120 = arith.constant 64 : i32
    %scan3A_121 = arith.constant 0 : i32
    %scan3A_122 = arith.constant 0 : i32
    %scan3A_123 = arith.constant 64 : i32
    %scan3A_124 = arith.addi %scan3A_122, %scan3A_123 : i32
    %scan3A_125 = arith.constant 1 : i32
    %scan3A_126 = scf.for %scan3A_518 = %scan3A_122 to %scan3A_124 step %scan3A_125 iter_args(%scan3A_519 = %scan3A_121) -> (i32)  : i32 {
      %mul3A_520 = arith.constant 16 : i32
      %mul3A_521 = arith.muli %scan3A_518, %mul3A_520 : i32
      %get3A = arith.constant 15 : i32
      %get3A_522 = arith.index_cast %get3A : i32 to index
      %get3A_523 = arith.index_cast %mul3A_521 : i32 to index
      %get3A_524 = tpu.vector_load %arg5[%get3A_522, %get3A_523] {strides = array<i32>} : memref<16x1024xf32, #tpu.memory_space<vmem>>, vector<1x16xf32>,
      %get3A_525 = vector.shape_cast %get3A_524 : vector<1x16xf32> to vector<16xf32>
      %get3A_526 = arith.constant 15 : i32
      %get3A_527 = arith.index_cast %get3A_526 : i32 to index
      %get3A_528 = arith.index_cast %mul3A_521 : i32 to index
      %get3A_529 = tpu.vector_load %arg6[%get3A_527, %get3A_528] {strides = array<i32>} : memref<16x1024xf32, #tpu.memory_space<vmem>>, vector<1x16xf32>,
      %get3A_530 = vector.shape_cast %get3A_529 : vector<1x16xf32> to vector<16xf32>
      %add3A_531 = arith.addf %get3A_525, %get3A_530 : vector<16xf32>
      %swap3A = arith.constant 15 : i32
      %swap3A_532 = arith.index_cast %swap3A : i32 to index
      %swap3A_533 = arith.index_cast %mul3A_521 : i32 to index
      %swap3A_534 = tpu.vector_load %arg5[%swap3A_532, %swap3A_533] {strides = array<i32>} : memref<16x1024xf32, #tpu.memory_space<vmem>>, vector<1x16xf32>,
      %swap3A_535 = vector.shape_cast %swap3A_534 : vector<1x16xf32> to vector<16xf32>
      %swap3A_536 = vector.shape_cast %add3A_531 : vector<16xf32> to vector<1x16xf32>
      tpu.vector_store %arg5[%swap3A_532, %swap3A_533], %swap3A_536 {strides = array<i32>} : memref<16x1024xf32, #tpu.memory_space<vmem>>, vector<1x16xf32>,
      %scan3A_537 = arith.constant 0 : i32
      scf.yield %scan3A_537 : i32
    }
    %scan3A_127 = arith.constant 64 : i32
    "tpu.region"() ({
      %run_scoped3A = tpu.sem_alloc : memref<!tpu.dma_semaphore, #tpu.memory_space<semaphore_mem>>
      %dma_start3A_518 = arith.constant 0 : i32
      %dma_start3A_519 = tpu.memref_slice %arg4[%add3A_4, %dma_start3A_518] : memref<2048x1024xf32, #tpu.memory_space<hbm>> -> memref<16x1024xf32, #tpu.memory_space<hbm>>
      %dma_start3A_520 = arith.constant 0 : i32
      %dma_start3A_521 = tpu.memref_slice %arg4[%add3A_4, %dma_start3A_520] : memref<2048x1024xf32, #tpu.memory_space<hbm>> -> memref<16x1024xf32, #tpu.memory_space<hbm>>
      tpu.enqueue_dma source(%arg5 : memref<16x1024xf32, #tpu.memory_space<vmem>>) target(%dma_start3A_521 : memref<16x1024xf32, #tpu.memory_space<hbm>>) target_semaphore(%run_scoped3A : memref<!tpu.dma_semaphore, #tpu.memory_space<semaphore_mem>>)
      %dma_wait3A_522 = arith.constant 0 : i32
      %dma_wait3A_523 = tpu.memref_slice %arg4[%add3A_4, %dma_wait3A_522] : memref<2048x1024xf32, #tpu.memory_space<hbm>> -> memref<16x1024xf32, #tpu.memory_space<hbm>>
      %dma_wait3A_524 = arith.constant 0 : i32
      %dma_wait3A_525 = tpu.memref_slice %arg4[%add3A_4, %dma_wait3A_524] : memref<2048x1024xf32, #tpu.memory_space<hbm>> -> memref<16x1024xf32, #tpu.memory_space<hbm>>
      tpu.wait_dma2 semaphore(%run_scoped3A : memref<!tpu.dma_semaphore, #tpu.memory_space<semaphore_mem>>) src(%arg5 : memref<16x1024xf32, #tpu.memory_space<vmem>>) dst(%dma_wait3A_525 : memref<16x1024xf32, #tpu.memory_space<hbm>>)
      tpu.yield
    }) : () -> ()
    %mul3A_128 = arith.constant 64 : i32
    %mul3A_129 = arith.muli %add3A, %mul3A_128 : i32
    %add3A_130 = arith.constant 16 : i32
    %add3A_131 = arith.addi %mul3A_129, %add3A_130 : i32
    "tpu.region"() ({
      %run_scoped3A = tpu.sem_alloc : memref<!tpu.dma_semaphore, #tpu.memory_space<semaphore_mem>>
      %dma_start3A_518 = tpu.memref_slice %arg3[%add3A_131] : memref<4096xi32, #tpu.memory_space<hbm>> -> memref<16xi32, #tpu.memory_space<hbm>>
      %dma_start3A_519 = tpu.memref_slice %arg3[%add3A_131] : memref<4096xi32, #tpu.memory_space<hbm>> -> memref<16xi32, #tpu.memory_space<hbm>>
      tpu.enqueue_dma source(%dma_start3A_519 : memref<16xi32, #tpu.memory_space<hbm>>) target(%arg7 : memref<16xi32, #tpu.memory_space<vmem>>) target_semaphore(%run_scoped3A : memref<!tpu.dma_semaphore, #tpu.memory_space<semaphore_mem>>)
      %dma_wait3A_520 = tpu.memref_slice %arg3[%add3A_131] : memref<4096xi32, #tpu.memory_space<hbm>> -> memref<16xi32, #tpu.memory_space<hbm>>
      %dma_wait3A_521 = tpu.memref_slice %arg3[%add3A_131] : memref<4096xi32, #tpu.memory_space<hbm>> -> memref<16xi32, #tpu.memory_space<hbm>>
      tpu.wait_dma2 semaphore(%run_scoped3A : memref<!tpu.dma_semaphore, #tpu.memory_space<semaphore_mem>>) src(%dma_wait3A_521 : memref<16xi32, #tpu.memory_space<hbm>>) dst(%arg7 : memref<16xi32, #tpu.memory_space<vmem>>)
      tpu.yield
    }) : () -> ()
    %add3A_132 = arith.constant 2048 : i32
    %add3A_133 = arith.addi %add3A_132, %add3A_131 : i32
    "tpu.region"() ({
      %run_scoped3A = tpu.sem_alloc : memref<!tpu.dma_semaphore, #tpu.memory_space<semaphore_mem>>
      %dma_start3A_518 = tpu.memref_slice %arg3[%add3A_133] : memref<4096xi32, #tpu.memory_space<hbm>> -> memref<16xi32, #tpu.memory_space<hbm>>
      %dma_start3A_519 = tpu.memref_slice %arg3[%add3A_133] : memref<4096xi32, #tpu.memory_space<hbm>> -> memref<16xi32, #tpu.memory_space<hbm>>
      tpu.enqueue_dma source(%dma_start3A_519 : memref<16xi32, #tpu.memory_space<hbm>>) target(%arg8 : memref<16xi32, #tpu.memory_space<vmem>>) target_semaphore(%run_scoped3A : memref<!tpu.dma_semaphore, #tpu.memory_space<semaphore_mem>>)
      %dma_wait3A_520 = tpu.memref_slice %arg3[%add3A_133] : memref<4096xi32, #tpu.memory_space<hbm>> -> memref<16xi32, #tpu.memory_space<hbm>>
      %dma_wait3A_521 = tpu.memref_slice %arg3[%add3A_133] : memref<4096xi32, #tpu.memory_space<hbm>> -> memref<16xi32, #tpu.memory_space<hbm>>
      tpu.wait_dma2 semaphore(%run_scoped3A : memref<!tpu.dma_semaphore, #tpu.memory_space<semaphore_mem>>) src(%dma_wait3A_521 : memref<16xi32, #tpu.memory_space<hbm>>) dst(%arg8 : memref<16xi32, #tpu.memory_space<vmem>>)
      tpu.yield
    }) : () -> ()
    %dma_start3A_134 = arith.constant 0 : i32
    %dma_start3A_135 = arith.constant 0 : i32
    %dma_start3A_136 = tpu.memref_slice %arg2[%dma_start3A_134, %dma_start3A_135] : memref<5120x1024xf32, #tpu.memory_space<hbm>> -> memref<5120x1024xf32, #tpu.memory_space<hbm>>
    tpu.enqueue_indirect_dma source(%dma_start3A_136 : memref<5120x1024xf32, #tpu.memory_space<hbm>>) target(%arg5 : memref<16x1024xf32, #tpu.memory_space<vmem>>) offsets(%arg7 : memref<16xi32, #tpu.memory_space<vmem>>) semaphore(%arg9 : memref<!tpu.dma_semaphore, #tpu.memory_space<semaphore_mem>>)
    %dma_start3A_137 = arith.constant 0 : i32
    %dma_start3A_138 = arith.constant 0 : i32
    %dma_start3A_139 = tpu.memref_slice %arg2[%dma_start3A_137, %dma_start3A_138] : memref<5120x1024xf32, #tpu.memory_space<hbm>> -> memref<5120x1024xf32, #tpu.memory_space<hbm>>
    tpu.enqueue_indirect_dma source(%dma_start3A_139 : memref<5120x1024xf32, #tpu.memory_space<hbm>>) target(%arg6 : memref<16x1024xf32, #tpu.memory_space<vmem>>) offsets(%arg8 : memref<16xi32, #tpu.memory_space<vmem>>) semaphore(%arg10 : memref<!tpu.dma_semaphore, #tpu.memory_space<semaphore_mem>>)
    %dma_wait3A_140 = arith.constant 0 : i32
    %dma_wait3A_141 = arith.constant 0 : i32
    %dma_wait3A_142 = tpu.memref_slice %arg2[%dma_wait3A_140, %dma_wait3A_141] : memref<5120x1024xf32, #tpu.memory_space<hbm>> -> memref<5120x1024xf32, #tpu.memory_space<hbm>>
    tpu.wait_indirect_dma semaphore(%arg9 : memref<!tpu.dma_semaphore, #tpu.memory_space<semaphore_mem>>) src(%dma_wait3A_142 : memref<5120x1024xf32, #tpu.memory_space<hbm>>) dst(%arg5 : memref<16x1024xf32, #tpu.memory_space<vmem>>)
    %dma_wait3A_143 = arith.constant 0 : i32
    %dma_wait3A_144 = arith.constant 0 : i32
    %dma_wait3A_145 = tpu.memref_slice %arg2[%dma_wait3A_143, %dma_wait3A_144] : memref<5120x1024xf32, #tpu.memory_space<hbm>> -> memref<5120x1024xf32, #tpu.memory_space<hbm>>
    tpu.wait_indirect_dma semaphore(%arg10 : memref<!tpu.dma_semaphore, #tpu.memory_space<semaphore_mem>>) src(%dma_wait3A_145 : memref<5120x1024xf32, #tpu.memory_space<hbm>>) dst(%arg6 : memref<16x1024xf32, #tpu.memory_space<vmem>>)
    %scan3A_146 = arith.constant 0 : i32
    %scan3A_147 = arith.constant 0 : i32
    %scan3A_148 = arith.constant 64 : i32
    %scan3A_149 = arith.addi %scan3A_147, %scan3A_148 : i32
    %scan3A_150 = arith.constant 1 : i32
    %scan3A_151 = scf.for %scan3A_518 = %scan3A_147 to %scan3A_149 step %scan3A_150 iter_args(%scan3A_519 = %scan3A_146) -> (i32)  : i32 {
      %mul3A_520 = arith.constant 16 : i32
      %mul3A_521 = arith.muli %scan3A_518, %mul3A_520 : i32
      %get3A = arith.constant 0 : i32
      %get3A_522 = arith.index_cast %get3A : i32 to index
      %get3A_523 = arith.index_cast %mul3A_521 : i32 to index
      %get3A_524 = tpu.vector_load %arg5[%get3A_522, %get3A_523] {strides = array<i32>} : memref<16x1024xf32, #tpu.memory_space<vmem>>, vector<1x16xf32>,
      %get3A_525 = vector.shape_cast %get3A_524 : vector<1x16xf32> to vector<16xf32>
      %get3A_526 = arith.constant 0 : i32
      %get3A_527 = arith.index_cast %get3A_526 : i32 to index
      %get3A_528 = arith.index_cast %mul3A_521 : i32 to index
      %get3A_529 = tpu.vector_load %arg6[%get3A_527, %get3A_528] {strides = array<i32>} : memref<16x1024xf32, #tpu.memory_space<vmem>>, vector<1x16xf32>,
      %get3A_530 = vector.shape_cast %get3A_529 : vector<1x16xf32> to vector<16xf32>
      %add3A_531 = arith.addf %get3A_525, %get3A_530 : vector<16xf32>
      %swap3A = arith.constant 0 : i32
      %swap3A_532 = arith.index_cast %swap3A : i32 to index
      %swap3A_533 = arith.index_cast %mul3A_521 : i32 to index
      %swap3A_534 = tpu.vector_load %arg5[%swap3A_532, %swap3A_533] {strides = array<i32>} : memref<16x1024xf32, #tpu.memory_space<vmem>>, vector<1x16xf32>,
      %swap3A_535 = vector.shape_cast %swap3A_534 : vector<1x16xf32> to vector<16xf32>
      %swap3A_536 = vector.shape_cast %add3A_531 : vector<16xf32> to vector<1x16xf32>
      tpu.vector_store %arg5[%swap3A_532, %swap3A_533], %swap3A_536 {strides = array<i32>} : memref<16x1024xf32, #tpu.memory_space<vmem>>, vector<1x16xf32>,
      %scan3A_537 = arith.constant 0 : i32
      scf.yield %scan3A_537 : i32
    }
    %scan3A_152 = arith.constant 64 : i32
    %scan3A_153 = arith.constant 0 : i32
    %scan3A_154 = arith.constant 0 : i32
    %scan3A_155 = arith.constant 64 : i32
    %scan3A_156 = arith.addi %scan3A_154, %scan3A_155 : i32
    %scan3A_157 = arith.constant 1 : i32
    %scan3A_158 = scf.for %scan3A_518 = %scan3A_154 to %scan3A_156 step %scan3A_157 iter_args(%scan3A_519 = %scan3A_153) -> (i32)  : i32 {
      %mul3A_520 = arith.constant 16 : i32
      %mul3A_521 = arith.muli %scan3A_518, %mul3A_520 : i32
      %get3A = arith.constant 1 : i32
      %get3A_522 = arith.index_cast %get3A : i32 to index
      %get3A_523 = arith.index_cast %mul3A_521 : i32 to index
      %get3A_524 = tpu.vector_load %arg5[%get3A_522, %get3A_523] {strides = array<i32>} : memref<16x1024xf32, #tpu.memory_space<vmem>>, vector<1x16xf32>,
      %get3A_525 = vector.shape_cast %get3A_524 : vector<1x16xf32> to vector<16xf32>
      %get3A_526 = arith.constant 1 : i32
      %get3A_527 = arith.index_cast %get3A_526 : i32 to index
      %get3A_528 = arith.index_cast %mul3A_521 : i32 to index
      %get3A_529 = tpu.vector_load %arg6[%get3A_527, %get3A_528] {strides = array<i32>} : memref<16x1024xf32, #tpu.memory_space<vmem>>, vector<1x16xf32>,
      %get3A_530 = vector.shape_cast %get3A_529 : vector<1x16xf32> to vector<16xf32>
      %add3A_531 = arith.addf %get3A_525, %get3A_530 : vector<16xf32>
      %swap3A = arith.constant 1 : i32
      %swap3A_532 = arith.index_cast %swap3A : i32 to index
      %swap3A_533 = arith.index_cast %mul3A_521 : i32 to index
      %swap3A_534 = tpu.vector_load %arg5[%swap3A_532, %swap3A_533] {strides = array<i32>} : memref<16x1024xf32, #tpu.memory_space<vmem>>, vector<1x16xf32>,
      %swap3A_535 = vector.shape_cast %swap3A_534 : vector<1x16xf32> to vector<16xf32>
      %swap3A_536 = vector.shape_cast %add3A_531 : vector<16xf32> to vector<1x16xf32>
      tpu.vector_store %arg5[%swap3A_532, %swap3A_533], %swap3A_536 {strides = array<i32>} : memref<16x1024xf32, #tpu.memory_space<vmem>>, vector<1x16xf32>,
      %scan3A_537 = arith.constant 0 : i32
      scf.yield %scan3A_537 : i32
    }
    %scan3A_159 = arith.constant 64 : i32
    %scan3A_160 = arith.constant 0 : i32
    %scan3A_161 = arith.constant 0 : i32
    %scan3A_162 = arith.constant 64 : i32
    %scan3A_163 = arith.addi %scan3A_161, %scan3A_162 : i32
    %scan3A_164 = arith.constant 1 : i32
    %scan3A_165 = scf.for %scan3A_518 = %scan3A_161 to %scan3A_163 step %scan3A_164 iter_args(%scan3A_519 = %scan3A_160) -> (i32)  : i32 {
      %mul3A_520 = arith.constant 16 : i32
      %mul3A_521 = arith.muli %scan3A_518, %mul3A_520 : i32
      %get3A = arith.constant 2 : i32
      %get3A_522 = arith.index_cast %get3A : i32 to index
      %get3A_523 = arith.index_cast %mul3A_521 : i32 to index
      %get3A_524 = tpu.vector_load %arg5[%get3A_522, %get3A_523] {strides = array<i32>} : memref<16x1024xf32, #tpu.memory_space<vmem>>, vector<1x16xf32>,
      %get3A_525 = vector.shape_cast %get3A_524 : vector<1x16xf32> to vector<16xf32>
      %get3A_526 = arith.constant 2 : i32
      %get3A_527 = arith.index_cast %get3A_526 : i32 to index
      %get3A_528 = arith.index_cast %mul3A_521 : i32 to index
      %get3A_529 = tpu.vector_load %arg6[%get3A_527, %get3A_528] {strides = array<i32>} : memref<16x1024xf32, #tpu.memory_space<vmem>>, vector<1x16xf32>,
      %get3A_530 = vector.shape_cast %get3A_529 : vector<1x16xf32> to vector<16xf32>
      %add3A_531 = arith.addf %get3A_525, %get3A_530 : vector<16xf32>
      %swap3A = arith.constant 2 : i32
      %swap3A_532 = arith.index_cast %swap3A : i32 to index
      %swap3A_533 = arith.index_cast %mul3A_521 : i32 to index
      %swap3A_534 = tpu.vector_load %arg5[%swap3A_532, %swap3A_533] {strides = array<i32>} : memref<16x1024xf32, #tpu.memory_space<vmem>>, vector<1x16xf32>,
      %swap3A_535 = vector.shape_cast %swap3A_534 : vector<1x16xf32> to vector<16xf32>
      %swap3A_536 = vector.shape_cast %add3A_531 : vector<16xf32> to vector<1x16xf32>
      tpu.vector_store %arg5[%swap3A_532, %swap3A_533], %swap3A_536 {strides = array<i32>} : memref<16x1024xf32, #tpu.memory_space<vmem>>, vector<1x16xf32>,
      %scan3A_537 = arith.constant 0 : i32
      scf.yield %scan3A_537 : i32
    }
    %scan3A_166 = arith.constant 64 : i32
    %scan3A_167 = arith.constant 0 : i32
    %scan3A_168 = arith.constant 0 : i32
    %scan3A_169 = arith.constant 64 : i32
    %scan3A_170 = arith.addi %scan3A_168, %scan3A_169 : i32
    %scan3A_171 = arith.constant 1 : i32
    %scan3A_172 = scf.for %scan3A_518 = %scan3A_168 to %scan3A_170 step %scan3A_171 iter_args(%scan3A_519 = %scan3A_167) -> (i32)  : i32 {
      %mul3A_520 = arith.constant 16 : i32
      %mul3A_521 = arith.muli %scan3A_518, %mul3A_520 : i32
      %get3A = arith.constant 3 : i32
      %get3A_522 = arith.index_cast %get3A : i32 to index
      %get3A_523 = arith.index_cast %mul3A_521 : i32 to index
      %get3A_524 = tpu.vector_load %arg5[%get3A_522, %get3A_523] {strides = array<i32>} : memref<16x1024xf32, #tpu.memory_space<vmem>>, vector<1x16xf32>,
      %get3A_525 = vector.shape_cast %get3A_524 : vector<1x16xf32> to vector<16xf32>
      %get3A_526 = arith.constant 3 : i32
      %get3A_527 = arith.index_cast %get3A_526 : i32 to index
      %get3A_528 = arith.index_cast %mul3A_521 : i32 to index
      %get3A_529 = tpu.vector_load %arg6[%get3A_527, %get3A_528] {strides = array<i32>} : memref<16x1024xf32, #tpu.memory_space<vmem>>, vector<1x16xf32>,
      %get3A_530 = vector.shape_cast %get3A_529 : vector<1x16xf32> to vector<16xf32>
      %add3A_531 = arith.addf %get3A_525, %get3A_530 : vector<16xf32>
      %swap3A = arith.constant 3 : i32
      %swap3A_532 = arith.index_cast %swap3A : i32 to index
      %swap3A_533 = arith.index_cast %mul3A_521 : i32 to index
      %swap3A_534 = tpu.vector_load %arg5[%swap3A_532, %swap3A_533] {strides = array<i32>} : memref<16x1024xf32, #tpu.memory_space<vmem>>, vector<1x16xf32>,
      %swap3A_535 = vector.shape_cast %swap3A_534 : vector<1x16xf32> to vector<16xf32>
      %swap3A_536 = vector.shape_cast %add3A_531 : vector<16xf32> to vector<1x16xf32>
      tpu.vector_store %arg5[%swap3A_532, %swap3A_533], %swap3A_536 {strides = array<i32>} : memref<16x1024xf32, #tpu.memory_space<vmem>>, vector<1x16xf32>,
      %scan3A_537 = arith.constant 0 : i32
      scf.yield %scan3A_537 : i32
    }
    %scan3A_173 = arith.constant 64 : i32
    %scan3A_174 = arith.constant 0 : i32
    %scan3A_175 = arith.constant 0 : i32
    %scan3A_176 = arith.constant 64 : i32
    %scan3A_177 = arith.addi %scan3A_175, %scan3A_176 : i32
    %scan3A_178 = arith.constant 1 : i32
    %scan3A_179 = scf.for %scan3A_518 = %scan3A_175 to %scan3A_177 step %scan3A_178 iter_args(%scan3A_519 = %scan3A_174) -> (i32)  : i32 {
      %mul3A_520 = arith.constant 16 : i32
      %mul3A_521 = arith.muli %scan3A_518, %mul3A_520 : i32
      %get3A = arith.constant 4 : i32
      %get3A_522 = arith.index_cast %get3A : i32 to index
      %get3A_523 = arith.index_cast %mul3A_521 : i32 to index
      %get3A_524 = tpu.vector_load %arg5[%get3A_522, %get3A_523] {strides = array<i32>} : memref<16x1024xf32, #tpu.memory_space<vmem>>, vector<1x16xf32>,
      %get3A_525 = vector.shape_cast %get3A_524 : vector<1x16xf32> to vector<16xf32>
      %get3A_526 = arith.constant 4 : i32
      %get3A_527 = arith.index_cast %get3A_526 : i32 to index
      %get3A_528 = arith.index_cast %mul3A_521 : i32 to index
      %get3A_529 = tpu.vector_load %arg6[%get3A_527, %get3A_528] {strides = array<i32>} : memref<16x1024xf32, #tpu.memory_space<vmem>>, vector<1x16xf32>,
      %get3A_530 = vector.shape_cast %get3A_529 : vector<1x16xf32> to vector<16xf32>
      %add3A_531 = arith.addf %get3A_525, %get3A_530 : vector<16xf32>
      %swap3A = arith.constant 4 : i32
      %swap3A_532 = arith.index_cast %swap3A : i32 to index
      %swap3A_533 = arith.index_cast %mul3A_521 : i32 to index
      %swap3A_534 = tpu.vector_load %arg5[%swap3A_532, %swap3A_533] {strides = array<i32>} : memref<16x1024xf32, #tpu.memory_space<vmem>>, vector<1x16xf32>,
      %swap3A_535 = vector.shape_cast %swap3A_534 : vector<1x16xf32> to vector<16xf32>
      %swap3A_536 = vector.shape_cast %add3A_531 : vector<16xf32> to vector<1x16xf32>
      tpu.vector_store %arg5[%swap3A_532, %swap3A_533], %swap3A_536 {strides = array<i32>} : memref<16x1024xf32, #tpu.memory_space<vmem>>, vector<1x16xf32>,
      %scan3A_537 = arith.constant 0 : i32
      scf.yield %scan3A_537 : i32
    }
    %scan3A_180 = arith.constant 64 : i32
    %scan3A_181 = arith.constant 0 : i32
    %scan3A_182 = arith.constant 0 : i32
    %scan3A_183 = arith.constant 64 : i32
    %scan3A_184 = arith.addi %scan3A_182, %scan3A_183 : i32
    %scan3A_185 = arith.constant 1 : i32
    %scan3A_186 = scf.for %scan3A_518 = %scan3A_182 to %scan3A_184 step %scan3A_185 iter_args(%scan3A_519 = %scan3A_181) -> (i32)  : i32 {
      %mul3A_520 = arith.constant 16 : i32
      %mul3A_521 = arith.muli %scan3A_518, %mul3A_520 : i32
      %get3A = arith.constant 5 : i32
      %get3A_522 = arith.index_cast %get3A : i32 to index
      %get3A_523 = arith.index_cast %mul3A_521 : i32 to index
      %get3A_524 = tpu.vector_load %arg5[%get3A_522, %get3A_523] {strides = array<i32>} : memref<16x1024xf32, #tpu.memory_space<vmem>>, vector<1x16xf32>,
      %get3A_525 = vector.shape_cast %get3A_524 : vector<1x16xf32> to vector<16xf32>
      %get3A_526 = arith.constant 5 : i32
      %get3A_527 = arith.index_cast %get3A_526 : i32 to index
      %get3A_528 = arith.index_cast %mul3A_521 : i32 to index
      %get3A_529 = tpu.vector_load %arg6[%get3A_527, %get3A_528] {strides = array<i32>} : memref<16x1024xf32, #tpu.memory_space<vmem>>, vector<1x16xf32>,
      %get3A_530 = vector.shape_cast %get3A_529 : vector<1x16xf32> to vector<16xf32>
      %add3A_531 = arith.addf %get3A_525, %get3A_530 : vector<16xf32>
      %swap3A = arith.constant 5 : i32
      %swap3A_532 = arith.index_cast %swap3A : i32 to index
      %swap3A_533 = arith.index_cast %mul3A_521 : i32 to index
      %swap3A_534 = tpu.vector_load %arg5[%swap3A_532, %swap3A_533] {strides = array<i32>} : memref<16x1024xf32, #tpu.memory_space<vmem>>, vector<1x16xf32>,
      %swap3A_535 = vector.shape_cast %swap3A_534 : vector<1x16xf32> to vector<16xf32>
      %swap3A_536 = vector.shape_cast %add3A_531 : vector<16xf32> to vector<1x16xf32>
      tpu.vector_store %arg5[%swap3A_532, %swap3A_533], %swap3A_536 {strides = array<i32>} : memref<16x1024xf32, #tpu.memory_space<vmem>>, vector<1x16xf32>,
      %scan3A_537 = arith.constant 0 : i32
      scf.yield %scan3A_537 : i32
    }
    %scan3A_187 = arith.constant 64 : i32
    %scan3A_188 = arith.constant 0 : i32
    %scan3A_189 = arith.constant 0 : i32
    %scan3A_190 = arith.constant 64 : i32
    %scan3A_191 = arith.addi %scan3A_189, %scan3A_190 : i32
    %scan3A_192 = arith.constant 1 : i32
    %scan3A_193 = scf.for %scan3A_518 = %scan3A_189 to %scan3A_191 step %scan3A_192 iter_args(%scan3A_519 = %scan3A_188) -> (i32)  : i32 {
      %mul3A_520 = arith.constant 16 : i32
      %mul3A_521 = arith.muli %scan3A_518, %mul3A_520 : i32
      %get3A = arith.constant 6 : i32
      %get3A_522 = arith.index_cast %get3A : i32 to index
      %get3A_523 = arith.index_cast %mul3A_521 : i32 to index
      %get3A_524 = tpu.vector_load %arg5[%get3A_522, %get3A_523] {strides = array<i32>} : memref<16x1024xf32, #tpu.memory_space<vmem>>, vector<1x16xf32>,
      %get3A_525 = vector.shape_cast %get3A_524 : vector<1x16xf32> to vector<16xf32>
      %get3A_526 = arith.constant 6 : i32
      %get3A_527 = arith.index_cast %get3A_526 : i32 to index
      %get3A_528 = arith.index_cast %mul3A_521 : i32 to index
      %get3A_529 = tpu.vector_load %arg6[%get3A_527, %get3A_528] {strides = array<i32>} : memref<16x1024xf32, #tpu.memory_space<vmem>>, vector<1x16xf32>,
      %get3A_530 = vector.shape_cast %get3A_529 : vector<1x16xf32> to vector<16xf32>
      %add3A_531 = arith.addf %get3A_525, %get3A_530 : vector<16xf32>
      %swap3A = arith.constant 6 : i32
      %swap3A_532 = arith.index_cast %swap3A : i32 to index
      %swap3A_533 = arith.index_cast %mul3A_521 : i32 to index
      %swap3A_534 = tpu.vector_load %arg5[%swap3A_532, %swap3A_533] {strides = array<i32>} : memref<16x1024xf32, #tpu.memory_space<vmem>>, vector<1x16xf32>,
      %swap3A_535 = vector.shape_cast %swap3A_534 : vector<1x16xf32> to vector<16xf32>
      %swap3A_536 = vector.shape_cast %add3A_531 : vector<16xf32> to vector<1x16xf32>
      tpu.vector_store %arg5[%swap3A_532, %swap3A_533], %swap3A_536 {strides = array<i32>} : memref<16x1024xf32, #tpu.memory_space<vmem>>, vector<1x16xf32>,
      %scan3A_537 = arith.constant 0 : i32
      scf.yield %scan3A_537 : i32
    }
    %scan3A_194 = arith.constant 64 : i32
    %scan3A_195 = arith.constant 0 : i32
    %scan3A_196 = arith.constant 0 : i32
    %scan3A_197 = arith.constant 64 : i32
    %scan3A_198 = arith.addi %scan3A_196, %scan3A_197 : i32
    %scan3A_199 = arith.constant 1 : i32
    %scan3A_200 = scf.for %scan3A_518 = %scan3A_196 to %scan3A_198 step %scan3A_199 iter_args(%scan3A_519 = %scan3A_195) -> (i32)  : i32 {
      %mul3A_520 = arith.constant 16 : i32
      %mul3A_521 = arith.muli %scan3A_518, %mul3A_520 : i32
      %get3A = arith.constant 7 : i32
      %get3A_522 = arith.index_cast %get3A : i32 to index
      %get3A_523 = arith.index_cast %mul3A_521 : i32 to index
      %get3A_524 = tpu.vector_load %arg5[%get3A_522, %get3A_523] {strides = array<i32>} : memref<16x1024xf32, #tpu.memory_space<vmem>>, vector<1x16xf32>,
      %get3A_525 = vector.shape_cast %get3A_524 : vector<1x16xf32> to vector<16xf32>
      %get3A_526 = arith.constant 7 : i32
      %get3A_527 = arith.index_cast %get3A_526 : i32 to index
      %get3A_528 = arith.index_cast %mul3A_521 : i32 to index
      %get3A_529 = tpu.vector_load %arg6[%get3A_527, %get3A_528] {strides = array<i32>} : memref<16x1024xf32, #tpu.memory_space<vmem>>, vector<1x16xf32>,
      %get3A_530 = vector.shape_cast %get3A_529 : vector<1x16xf32> to vector<16xf32>
      %add3A_531 = arith.addf %get3A_525, %get3A_530 : vector<16xf32>
      %swap3A = arith.constant 7 : i32
      %swap3A_532 = arith.index_cast %swap3A : i32 to index
      %swap3A_533 = arith.index_cast %mul3A_521 : i32 to index
      %swap3A_534 = tpu.vector_load %arg5[%swap3A_532, %swap3A_533] {strides = array<i32>} : memref<16x1024xf32, #tpu.memory_space<vmem>>, vector<1x16xf32>,
      %swap3A_535 = vector.shape_cast %swap3A_534 : vector<1x16xf32> to vector<16xf32>
      %swap3A_536 = vector.shape_cast %add3A_531 : vector<16xf32> to vector<1x16xf32>
      tpu.vector_store %arg5[%swap3A_532, %swap3A_533], %swap3A_536 {strides = array<i32>} : memref<16x1024xf32, #tpu.memory_space<vmem>>, vector<1x16xf32>,
      %scan3A_537 = arith.constant 0 : i32
      scf.yield %scan3A_537 : i32
    }
    %scan3A_201 = arith.constant 64 : i32
    %scan3A_202 = arith.constant 0 : i32
    %scan3A_203 = arith.constant 0 : i32
    %scan3A_204 = arith.constant 64 : i32
    %scan3A_205 = arith.addi %scan3A_203, %scan3A_204 : i32
    %scan3A_206 = arith.constant 1 : i32
    %scan3A_207 = scf.for %scan3A_518 = %scan3A_203 to %scan3A_205 step %scan3A_206 iter_args(%scan3A_519 = %scan3A_202) -> (i32)  : i32 {
      %mul3A_520 = arith.constant 16 : i32
      %mul3A_521 = arith.muli %scan3A_518, %mul3A_520 : i32
      %get3A = arith.constant 8 : i32
      %get3A_522 = arith.index_cast %get3A : i32 to index
      %get3A_523 = arith.index_cast %mul3A_521 : i32 to index
      %get3A_524 = tpu.vector_load %arg5[%get3A_522, %get3A_523] {strides = array<i32>} : memref<16x1024xf32, #tpu.memory_space<vmem>>, vector<1x16xf32>,
      %get3A_525 = vector.shape_cast %get3A_524 : vector<1x16xf32> to vector<16xf32>
      %get3A_526 = arith.constant 8 : i32
      %get3A_527 = arith.index_cast %get3A_526 : i32 to index
      %get3A_528 = arith.index_cast %mul3A_521 : i32 to index
      %get3A_529 = tpu.vector_load %arg6[%get3A_527, %get3A_528] {strides = array<i32>} : memref<16x1024xf32, #tpu.memory_space<vmem>>, vector<1x16xf32>,
      %get3A_530 = vector.shape_cast %get3A_529 : vector<1x16xf32> to vector<16xf32>
      %add3A_531 = arith.addf %get3A_525, %get3A_530 : vector<16xf32>
      %swap3A = arith.constant 8 : i32
      %swap3A_532 = arith.index_cast %swap3A : i32 to index
      %swap3A_533 = arith.index_cast %mul3A_521 : i32 to index
      %swap3A_534 = tpu.vector_load %arg5[%swap3A_532, %swap3A_533] {strides = array<i32>} : memref<16x1024xf32, #tpu.memory_space<vmem>>, vector<1x16xf32>,
      %swap3A_535 = vector.shape_cast %swap3A_534 : vector<1x16xf32> to vector<16xf32>
      %swap3A_536 = vector.shape_cast %add3A_531 : vector<16xf32> to vector<1x16xf32>
      tpu.vector_store %arg5[%swap3A_532, %swap3A_533], %swap3A_536 {strides = array<i32>} : memref<16x1024xf32, #tpu.memory_space<vmem>>, vector<1x16xf32>,
      %scan3A_537 = arith.constant 0 : i32
      scf.yield %scan3A_537 : i32
    }
    %scan3A_208 = arith.constant 64 : i32
    %scan3A_209 = arith.constant 0 : i32
    %scan3A_210 = arith.constant 0 : i32
    %scan3A_211 = arith.constant 64 : i32
    %scan3A_212 = arith.addi %scan3A_210, %scan3A_211 : i32
    %scan3A_213 = arith.constant 1 : i32
    %scan3A_214 = scf.for %scan3A_518 = %scan3A_210 to %scan3A_212 step %scan3A_213 iter_args(%scan3A_519 = %scan3A_209) -> (i32)  : i32 {
      %mul3A_520 = arith.constant 16 : i32
      %mul3A_521 = arith.muli %scan3A_518, %mul3A_520 : i32
      %get3A = arith.constant 9 : i32
      %get3A_522 = arith.index_cast %get3A : i32 to index
      %get3A_523 = arith.index_cast %mul3A_521 : i32 to index
      %get3A_524 = tpu.vector_load %arg5[%get3A_522, %get3A_523] {strides = array<i32>} : memref<16x1024xf32, #tpu.memory_space<vmem>>, vector<1x16xf32>,
      %get3A_525 = vector.shape_cast %get3A_524 : vector<1x16xf32> to vector<16xf32>
      %get3A_526 = arith.constant 9 : i32
      %get3A_527 = arith.index_cast %get3A_526 : i32 to index
      %get3A_528 = arith.index_cast %mul3A_521 : i32 to index
      %get3A_529 = tpu.vector_load %arg6[%get3A_527, %get3A_528] {strides = array<i32>} : memref<16x1024xf32, #tpu.memory_space<vmem>>, vector<1x16xf32>,
      %get3A_530 = vector.shape_cast %get3A_529 : vector<1x16xf32> to vector<16xf32>
      %add3A_531 = arith.addf %get3A_525, %get3A_530 : vector<16xf32>
      %swap3A = arith.constant 9 : i32
      %swap3A_532 = arith.index_cast %swap3A : i32 to index
      %swap3A_533 = arith.index_cast %mul3A_521 : i32 to index
      %swap3A_534 = tpu.vector_load %arg5[%swap3A_532, %swap3A_533] {strides = array<i32>} : memref<16x1024xf32, #tpu.memory_space<vmem>>, vector<1x16xf32>,
      %swap3A_535 = vector.shape_cast %swap3A_534 : vector<1x16xf32> to vector<16xf32>
      %swap3A_536 = vector.shape_cast %add3A_531 : vector<16xf32> to vector<1x16xf32>
      tpu.vector_store %arg5[%swap3A_532, %swap3A_533], %swap3A_536 {strides = array<i32>} : memref<16x1024xf32, #tpu.memory_space<vmem>>, vector<1x16xf32>,
      %scan3A_537 = arith.constant 0 : i32
      scf.yield %scan3A_537 : i32
    }
    %scan3A_215 = arith.constant 64 : i32
    %scan3A_216 = arith.constant 0 : i32
    %scan3A_217 = arith.constant 0 : i32
    %scan3A_218 = arith.constant 64 : i32
    %scan3A_219 = arith.addi %scan3A_217, %scan3A_218 : i32
    %scan3A_220 = arith.constant 1 : i32
    %scan3A_221 = scf.for %scan3A_518 = %scan3A_217 to %scan3A_219 step %scan3A_220 iter_args(%scan3A_519 = %scan3A_216) -> (i32)  : i32 {
      %mul3A_520 = arith.constant 16 : i32
      %mul3A_521 = arith.muli %scan3A_518, %mul3A_520 : i32
      %get3A = arith.constant 10 : i32
      %get3A_522 = arith.index_cast %get3A : i32 to index
      %get3A_523 = arith.index_cast %mul3A_521 : i32 to index
      %get3A_524 = tpu.vector_load %arg5[%get3A_522, %get3A_523] {strides = array<i32>} : memref<16x1024xf32, #tpu.memory_space<vmem>>, vector<1x16xf32>,
      %get3A_525 = vector.shape_cast %get3A_524 : vector<1x16xf32> to vector<16xf32>
      %get3A_526 = arith.constant 10 : i32
      %get3A_527 = arith.index_cast %get3A_526 : i32 to index
      %get3A_528 = arith.index_cast %mul3A_521 : i32 to index
      %get3A_529 = tpu.vector_load %arg6[%get3A_527, %get3A_528] {strides = array<i32>} : memref<16x1024xf32, #tpu.memory_space<vmem>>, vector<1x16xf32>,
      %get3A_530 = vector.shape_cast %get3A_529 : vector<1x16xf32> to vector<16xf32>
      %add3A_531 = arith.addf %get3A_525, %get3A_530 : vector<16xf32>
      %swap3A = arith.constant 10 : i32
      %swap3A_532 = arith.index_cast %swap3A : i32 to index
      %swap3A_533 = arith.index_cast %mul3A_521 : i32 to index
      %swap3A_534 = tpu.vector_load %arg5[%swap3A_532, %swap3A_533] {strides = array<i32>} : memref<16x1024xf32, #tpu.memory_space<vmem>>, vector<1x16xf32>,
      %swap3A_535 = vector.shape_cast %swap3A_534 : vector<1x16xf32> to vector<16xf32>
      %swap3A_536 = vector.shape_cast %add3A_531 : vector<16xf32> to vector<1x16xf32>
      tpu.vector_store %arg5[%swap3A_532, %swap3A_533], %swap3A_536 {strides = array<i32>} : memref<16x1024xf32, #tpu.memory_space<vmem>>, vector<1x16xf32>,
      %scan3A_537 = arith.constant 0 : i32
      scf.yield %scan3A_537 : i32
    }
    %scan3A_222 = arith.constant 64 : i32
    %scan3A_223 = arith.constant 0 : i32
    %scan3A_224 = arith.constant 0 : i32
    %scan3A_225 = arith.constant 64 : i32
    %scan3A_226 = arith.addi %scan3A_224, %scan3A_225 : i32
    %scan3A_227 = arith.constant 1 : i32
    %scan3A_228 = scf.for %scan3A_518 = %scan3A_224 to %scan3A_226 step %scan3A_227 iter_args(%scan3A_519 = %scan3A_223) -> (i32)  : i32 {
      %mul3A_520 = arith.constant 16 : i32
      %mul3A_521 = arith.muli %scan3A_518, %mul3A_520 : i32
      %get3A = arith.constant 11 : i32
      %get3A_522 = arith.index_cast %get3A : i32 to index
      %get3A_523 = arith.index_cast %mul3A_521 : i32 to index
      %get3A_524 = tpu.vector_load %arg5[%get3A_522, %get3A_523] {strides = array<i32>} : memref<16x1024xf32, #tpu.memory_space<vmem>>, vector<1x16xf32>,
      %get3A_525 = vector.shape_cast %get3A_524 : vector<1x16xf32> to vector<16xf32>
      %get3A_526 = arith.constant 11 : i32
      %get3A_527 = arith.index_cast %get3A_526 : i32 to index
      %get3A_528 = arith.index_cast %mul3A_521 : i32 to index
      %get3A_529 = tpu.vector_load %arg6[%get3A_527, %get3A_528] {strides = array<i32>} : memref<16x1024xf32, #tpu.memory_space<vmem>>, vector<1x16xf32>,
      %get3A_530 = vector.shape_cast %get3A_529 : vector<1x16xf32> to vector<16xf32>
      %add3A_531 = arith.addf %get3A_525, %get3A_530 : vector<16xf32>
      %swap3A = arith.constant 11 : i32
      %swap3A_532 = arith.index_cast %swap3A : i32 to index
      %swap3A_533 = arith.index_cast %mul3A_521 : i32 to index
      %swap3A_534 = tpu.vector_load %arg5[%swap3A_532, %swap3A_533] {strides = array<i32>} : memref<16x1024xf32, #tpu.memory_space<vmem>>, vector<1x16xf32>,
      %swap3A_535 = vector.shape_cast %swap3A_534 : vector<1x16xf32> to vector<16xf32>
      %swap3A_536 = vector.shape_cast %add3A_531 : vector<16xf32> to vector<1x16xf32>
      tpu.vector_store %arg5[%swap3A_532, %swap3A_533], %swap3A_536 {strides = array<i32>} : memref<16x1024xf32, #tpu.memory_space<vmem>>, vector<1x16xf32>,
      %scan3A_537 = arith.constant 0 : i32
      scf.yield %scan3A_537 : i32
    }
    %scan3A_229 = arith.constant 64 : i32
    %scan3A_230 = arith.constant 0 : i32
    %scan3A_231 = arith.constant 0 : i32
    %scan3A_232 = arith.constant 64 : i32
    %scan3A_233 = arith.addi %scan3A_231, %scan3A_232 : i32
    %scan3A_234 = arith.constant 1 : i32
    %scan3A_235 = scf.for %scan3A_518 = %scan3A_231 to %scan3A_233 step %scan3A_234 iter_args(%scan3A_519 = %scan3A_230) -> (i32)  : i32 {
      %mul3A_520 = arith.constant 16 : i32
      %mul3A_521 = arith.muli %scan3A_518, %mul3A_520 : i32
      %get3A = arith.constant 12 : i32
      %get3A_522 = arith.index_cast %get3A : i32 to index
      %get3A_523 = arith.index_cast %mul3A_521 : i32 to index
      %get3A_524 = tpu.vector_load %arg5[%get3A_522, %get3A_523] {strides = array<i32>} : memref<16x1024xf32, #tpu.memory_space<vmem>>, vector<1x16xf32>,
      %get3A_525 = vector.shape_cast %get3A_524 : vector<1x16xf32> to vector<16xf32>
      %get3A_526 = arith.constant 12 : i32
      %get3A_527 = arith.index_cast %get3A_526 : i32 to index
      %get3A_528 = arith.index_cast %mul3A_521 : i32 to index
      %get3A_529 = tpu.vector_load %arg6[%get3A_527, %get3A_528] {strides = array<i32>} : memref<16x1024xf32, #tpu.memory_space<vmem>>, vector<1x16xf32>,
      %get3A_530 = vector.shape_cast %get3A_529 : vector<1x16xf32> to vector<16xf32>
      %add3A_531 = arith.addf %get3A_525, %get3A_530 : vector<16xf32>
      %swap3A = arith.constant 12 : i32
      %swap3A_532 = arith.index_cast %swap3A : i32 to index
      %swap3A_533 = arith.index_cast %mul3A_521 : i32 to index
      %swap3A_534 = tpu.vector_load %arg5[%swap3A_532, %swap3A_533] {strides = array<i32>} : memref<16x1024xf32, #tpu.memory_space<vmem>>, vector<1x16xf32>,
      %swap3A_535 = vector.shape_cast %swap3A_534 : vector<1x16xf32> to vector<16xf32>
      %swap3A_536 = vector.shape_cast %add3A_531 : vector<16xf32> to vector<1x16xf32>
      tpu.vector_store %arg5[%swap3A_532, %swap3A_533], %swap3A_536 {strides = array<i32>} : memref<16x1024xf32, #tpu.memory_space<vmem>>, vector<1x16xf32>,
      %scan3A_537 = arith.constant 0 : i32
      scf.yield %scan3A_537 : i32
    }
    %scan3A_236 = arith.constant 64 : i32
    %scan3A_237 = arith.constant 0 : i32
    %scan3A_238 = arith.constant 0 : i32
    %scan3A_239 = arith.constant 64 : i32
    %scan3A_240 = arith.addi %scan3A_238, %scan3A_239 : i32
    %scan3A_241 = arith.constant 1 : i32
    %scan3A_242 = scf.for %scan3A_518 = %scan3A_238 to %scan3A_240 step %scan3A_241 iter_args(%scan3A_519 = %scan3A_237) -> (i32)  : i32 {
      %mul3A_520 = arith.constant 16 : i32
      %mul3A_521 = arith.muli %scan3A_518, %mul3A_520 : i32
      %get3A = arith.constant 13 : i32
      %get3A_522 = arith.index_cast %get3A : i32 to index
      %get3A_523 = arith.index_cast %mul3A_521 : i32 to index
      %get3A_524 = tpu.vector_load %arg5[%get3A_522, %get3A_523] {strides = array<i32>} : memref<16x1024xf32, #tpu.memory_space<vmem>>, vector<1x16xf32>,
      %get3A_525 = vector.shape_cast %get3A_524 : vector<1x16xf32> to vector<16xf32>
      %get3A_526 = arith.constant 13 : i32
      %get3A_527 = arith.index_cast %get3A_526 : i32 to index
      %get3A_528 = arith.index_cast %mul3A_521 : i32 to index
      %get3A_529 = tpu.vector_load %arg6[%get3A_527, %get3A_528] {strides = array<i32>} : memref<16x1024xf32, #tpu.memory_space<vmem>>, vector<1x16xf32>,
      %get3A_530 = vector.shape_cast %get3A_529 : vector<1x16xf32> to vector<16xf32>
      %add3A_531 = arith.addf %get3A_525, %get3A_530 : vector<16xf32>
      %swap3A = arith.constant 13 : i32
      %swap3A_532 = arith.index_cast %swap3A : i32 to index
      %swap3A_533 = arith.index_cast %mul3A_521 : i32 to index
      %swap3A_534 = tpu.vector_load %arg5[%swap3A_532, %swap3A_533] {strides = array<i32>} : memref<16x1024xf32, #tpu.memory_space<vmem>>, vector<1x16xf32>,
      %swap3A_535 = vector.shape_cast %swap3A_534 : vector<1x16xf32> to vector<16xf32>
      %swap3A_536 = vector.shape_cast %add3A_531 : vector<16xf32> to vector<1x16xf32>
      tpu.vector_store %arg5[%swap3A_532, %swap3A_533], %swap3A_536 {strides = array<i32>} : memref<16x1024xf32, #tpu.memory_space<vmem>>, vector<1x16xf32>,
      %scan3A_537 = arith.constant 0 : i32
      scf.yield %scan3A_537 : i32
    }
    %scan3A_243 = arith.constant 64 : i32
    %scan3A_244 = arith.constant 0 : i32
    %scan3A_245 = arith.constant 0 : i32
    %scan3A_246 = arith.constant 64 : i32
    %scan3A_247 = arith.addi %scan3A_245, %scan3A_246 : i32
    %scan3A_248 = arith.constant 1 : i32
    %scan3A_249 = scf.for %scan3A_518 = %scan3A_245 to %scan3A_247 step %scan3A_248 iter_args(%scan3A_519 = %scan3A_244) -> (i32)  : i32 {
      %mul3A_520 = arith.constant 16 : i32
      %mul3A_521 = arith.muli %scan3A_518, %mul3A_520 : i32
      %get3A = arith.constant 14 : i32
      %get3A_522 = arith.index_cast %get3A : i32 to index
      %get3A_523 = arith.index_cast %mul3A_521 : i32 to index
      %get3A_524 = tpu.vector_load %arg5[%get3A_522, %get3A_523] {strides = array<i32>} : memref<16x1024xf32, #tpu.memory_space<vmem>>, vector<1x16xf32>,
      %get3A_525 = vector.shape_cast %get3A_524 : vector<1x16xf32> to vector<16xf32>
      %get3A_526 = arith.constant 14 : i32
      %get3A_527 = arith.index_cast %get3A_526 : i32 to index
      %get3A_528 = arith.index_cast %mul3A_521 : i32 to index
      %get3A_529 = tpu.vector_load %arg6[%get3A_527, %get3A_528] {strides = array<i32>} : memref<16x1024xf32, #tpu.memory_space<vmem>>, vector<1x16xf32>,
      %get3A_530 = vector.shape_cast %get3A_529 : vector<1x16xf32> to vector<16xf32>
      %add3A_531 = arith.addf %get3A_525, %get3A_530 : vector<16xf32>
      %swap3A = arith.constant 14 : i32
      %swap3A_532 = arith.index_cast %swap3A : i32 to index
      %swap3A_533 = arith.index_cast %mul3A_521 : i32 to index
      %swap3A_534 = tpu.vector_load %arg5[%swap3A_532, %swap3A_533] {strides = array<i32>} : memref<16x1024xf32, #tpu.memory_space<vmem>>, vector<1x16xf32>,
      %swap3A_535 = vector.shape_cast %swap3A_534 : vector<1x16xf32> to vector<16xf32>
      %swap3A_536 = vector.shape_cast %add3A_531 : vector<16xf32> to vector<1x16xf32>
      tpu.vector_store %arg5[%swap3A_532, %swap3A_533], %swap3A_536 {strides = array<i32>} : memref<16x1024xf32, #tpu.memory_space<vmem>>, vector<1x16xf32>,
      %scan3A_537 = arith.constant 0 : i32
      scf.yield %scan3A_537 : i32
    }
    %scan3A_250 = arith.constant 64 : i32
    %scan3A_251 = arith.constant 0 : i32
    %scan3A_252 = arith.constant 0 : i32
    %scan3A_253 = arith.constant 64 : i32
    %scan3A_254 = arith.addi %scan3A_252, %scan3A_253 : i32
    %scan3A_255 = arith.constant 1 : i32
    %scan3A_256 = scf.for %scan3A_518 = %scan3A_252 to %scan3A_254 step %scan3A_255 iter_args(%scan3A_519 = %scan3A_251) -> (i32)  : i32 {
      %mul3A_520 = arith.constant 16 : i32
      %mul3A_521 = arith.muli %scan3A_518, %mul3A_520 : i32
      %get3A = arith.constant 15 : i32
      %get3A_522 = arith.index_cast %get3A : i32 to index
      %get3A_523 = arith.index_cast %mul3A_521 : i32 to index
      %get3A_524 = tpu.vector_load %arg5[%get3A_522, %get3A_523] {strides = array<i32>} : memref<16x1024xf32, #tpu.memory_space<vmem>>, vector<1x16xf32>,
      %get3A_525 = vector.shape_cast %get3A_524 : vector<1x16xf32> to vector<16xf32>
      %get3A_526 = arith.constant 15 : i32
      %get3A_527 = arith.index_cast %get3A_526 : i32 to index
      %get3A_528 = arith.index_cast %mul3A_521 : i32 to index
      %get3A_529 = tpu.vector_load %arg6[%get3A_527, %get3A_528] {strides = array<i32>} : memref<16x1024xf32, #tpu.memory_space<vmem>>, vector<1x16xf32>,
      %get3A_530 = vector.shape_cast %get3A_529 : vector<1x16xf32> to vector<16xf32>
      %add3A_531 = arith.addf %get3A_525, %get3A_530 : vector<16xf32>
      %swap3A = arith.constant 15 : i32
      %swap3A_532 = arith.index_cast %swap3A : i32 to index
      %swap3A_533 = arith.index_cast %mul3A_521 : i32 to index
      %swap3A_534 = tpu.vector_load %arg5[%swap3A_532, %swap3A_533] {strides = array<i32>} : memref<16x1024xf32, #tpu.memory_space<vmem>>, vector<1x16xf32>,
      %swap3A_535 = vector.shape_cast %swap3A_534 : vector<1x16xf32> to vector<16xf32>
      %swap3A_536 = vector.shape_cast %add3A_531 : vector<16xf32> to vector<1x16xf32>
      tpu.vector_store %arg5[%swap3A_532, %swap3A_533], %swap3A_536 {strides = array<i32>} : memref<16x1024xf32, #tpu.memory_space<vmem>>, vector<1x16xf32>,
      %scan3A_537 = arith.constant 0 : i32
      scf.yield %scan3A_537 : i32
    }
    %scan3A_257 = arith.constant 64 : i32
    "tpu.region"() ({
      %run_scoped3A = tpu.sem_alloc : memref<!tpu.dma_semaphore, #tpu.memory_space<semaphore_mem>>
      %dma_start3A_518 = arith.constant 0 : i32
      %dma_start3A_519 = tpu.memref_slice %arg4[%add3A_131, %dma_start3A_518] : memref<2048x1024xf32, #tpu.memory_space<hbm>> -> memref<16x1024xf32, #tpu.memory_space<hbm>>
      %dma_start3A_520 = arith.constant 0 : i32
      %dma_start3A_521 = tpu.memref_slice %arg4[%add3A_131, %dma_start3A_520] : memref<2048x1024xf32, #tpu.memory_space<hbm>> -> memref<16x1024xf32, #tpu.memory_space<hbm>>
      tpu.enqueue_dma source(%arg5 : memref<16x1024xf32, #tpu.memory_space<vmem>>) target(%dma_start3A_521 : memref<16x1024xf32, #tpu.memory_space<hbm>>) target_semaphore(%run_scoped3A : memref<!tpu.dma_semaphore, #tpu.memory_space<semaphore_mem>>)
      %dma_wait3A_522 = arith.constant 0 : i32
      %dma_wait3A_523 = tpu.memref_slice %arg4[%add3A_131, %dma_wait3A_522] : memref<2048x1024xf32, #tpu.memory_space<hbm>> -> memref<16x1024xf32, #tpu.memory_space<hbm>>
      %dma_wait3A_524 = arith.constant 0 : i32
      %dma_wait3A_525 = tpu.memref_slice %arg4[%add3A_131, %dma_wait3A_524] : memref<2048x1024xf32, #tpu.memory_space<hbm>> -> memref<16x1024xf32, #tpu.memory_space<hbm>>
      tpu.wait_dma2 semaphore(%run_scoped3A : memref<!tpu.dma_semaphore, #tpu.memory_space<semaphore_mem>>) src(%arg5 : memref<16x1024xf32, #tpu.memory_space<vmem>>) dst(%dma_wait3A_525 : memref<16x1024xf32, #tpu.memory_space<hbm>>)
      tpu.yield
    }) : () -> ()
    %mul3A_258 = arith.constant 64 : i32
    %mul3A_259 = arith.muli %add3A, %mul3A_258 : i32
    %add3A_260 = arith.constant 32 : i32
    %add3A_261 = arith.addi %mul3A_259, %add3A_260 : i32
    "tpu.region"() ({
      %run_scoped3A = tpu.sem_alloc : memref<!tpu.dma_semaphore, #tpu.memory_space<semaphore_mem>>
      %dma_start3A_518 = tpu.memref_slice %arg3[%add3A_261] : memref<4096xi32, #tpu.memory_space<hbm>> -> memref<16xi32, #tpu.memory_space<hbm>>
      %dma_start3A_519 = tpu.memref_slice %arg3[%add3A_261] : memref<4096xi32, #tpu.memory_space<hbm>> -> memref<16xi32, #tpu.memory_space<hbm>>
      tpu.enqueue_dma source(%dma_start3A_519 : memref<16xi32, #tpu.memory_space<hbm>>) target(%arg7 : memref<16xi32, #tpu.memory_space<vmem>>) target_semaphore(%run_scoped3A : memref<!tpu.dma_semaphore, #tpu.memory_space<semaphore_mem>>)
      %dma_wait3A_520 = tpu.memref_slice %arg3[%add3A_261] : memref<4096xi32, #tpu.memory_space<hbm>> -> memref<16xi32, #tpu.memory_space<hbm>>
      %dma_wait3A_521 = tpu.memref_slice %arg3[%add3A_261] : memref<4096xi32, #tpu.memory_space<hbm>> -> memref<16xi32, #tpu.memory_space<hbm>>
      tpu.wait_dma2 semaphore(%run_scoped3A : memref<!tpu.dma_semaphore, #tpu.memory_space<semaphore_mem>>) src(%dma_wait3A_521 : memref<16xi32, #tpu.memory_space<hbm>>) dst(%arg7 : memref<16xi32, #tpu.memory_space<vmem>>)
      tpu.yield
    }) : () -> ()
    %add3A_262 = arith.constant 2048 : i32
    %add3A_263 = arith.addi %add3A_262, %add3A_261 : i32
    "tpu.region"() ({
      %run_scoped3A = tpu.sem_alloc : memref<!tpu.dma_semaphore, #tpu.memory_space<semaphore_mem>>
      %dma_start3A_518 = tpu.memref_slice %arg3[%add3A_263] : memref<4096xi32, #tpu.memory_space<hbm>> -> memref<16xi32, #tpu.memory_space<hbm>>
      %dma_start3A_519 = tpu.memref_slice %arg3[%add3A_263] : memref<4096xi32, #tpu.memory_space<hbm>> -> memref<16xi32, #tpu.memory_space<hbm>>
      tpu.enqueue_dma source(%dma_start3A_519 : memref<16xi32, #tpu.memory_space<hbm>>) target(%arg8 : memref<16xi32, #tpu.memory_space<vmem>>) target_semaphore(%run_scoped3A : memref<!tpu.dma_semaphore, #tpu.memory_space<semaphore_mem>>)
      %dma_wait3A_520 = tpu.memref_slice %arg3[%add3A_263] : memref<4096xi32, #tpu.memory_space<hbm>> -> memref<16xi32, #tpu.memory_space<hbm>>
      %dma_wait3A_521 = tpu.memref_slice %arg3[%add3A_263] : memref<4096xi32, #tpu.memory_space<hbm>> -> memref<16xi32, #tpu.memory_space<hbm>>
      tpu.wait_dma2 semaphore(%run_scoped3A : memref<!tpu.dma_semaphore, #tpu.memory_space<semaphore_mem>>) src(%dma_wait3A_521 : memref<16xi32, #tpu.memory_space<hbm>>) dst(%arg8 : memref<16xi32, #tpu.memory_space<vmem>>)
      tpu.yield
    }) : () -> ()
    %dma_start3A_264 = arith.constant 0 : i32
    %dma_start3A_265 = arith.constant 0 : i32
    %dma_start3A_266 = tpu.memref_slice %arg2[%dma_start3A_264, %dma_start3A_265] : memref<5120x1024xf32, #tpu.memory_space<hbm>> -> memref<5120x1024xf32, #tpu.memory_space<hbm>>
    tpu.enqueue_indirect_dma source(%dma_start3A_266 : memref<5120x1024xf32, #tpu.memory_space<hbm>>) target(%arg5 : memref<16x1024xf32, #tpu.memory_space<vmem>>) offsets(%arg7 : memref<16xi32, #tpu.memory_space<vmem>>) semaphore(%arg9 : memref<!tpu.dma_semaphore, #tpu.memory_space<semaphore_mem>>)
    %dma_start3A_267 = arith.constant 0 : i32
    %dma_start3A_268 = arith.constant 0 : i32
    %dma_start3A_269 = tpu.memref_slice %arg2[%dma_start3A_267, %dma_start3A_268] : memref<5120x1024xf32, #tpu.memory_space<hbm>> -> memref<5120x1024xf32, #tpu.memory_space<hbm>>
    tpu.enqueue_indirect_dma source(%dma_start3A_269 : memref<5120x1024xf32, #tpu.memory_space<hbm>>) target(%arg6 : memref<16x1024xf32, #tpu.memory_space<vmem>>) offsets(%arg8 : memref<16xi32, #tpu.memory_space<vmem>>) semaphore(%arg10 : memref<!tpu.dma_semaphore, #tpu.memory_space<semaphore_mem>>)
    %dma_wait3A_270 = arith.constant 0 : i32
    %dma_wait3A_271 = arith.constant 0 : i32
    %dma_wait3A_272 = tpu.memref_slice %arg2[%dma_wait3A_270, %dma_wait3A_271] : memref<5120x1024xf32, #tpu.memory_space<hbm>> -> memref<5120x1024xf32, #tpu.memory_space<hbm>>
    tpu.wait_indirect_dma semaphore(%arg9 : memref<!tpu.dma_semaphore, #tpu.memory_space<semaphore_mem>>) src(%dma_wait3A_272 : memref<5120x1024xf32, #tpu.memory_space<hbm>>) dst(%arg5 : memref<16x1024xf32, #tpu.memory_space<vmem>>)
    %dma_wait3A_273 = arith.constant 0 : i32
    %dma_wait3A_274 = arith.constant 0 : i32
    %dma_wait3A_275 = tpu.memref_slice %arg2[%dma_wait3A_273, %dma_wait3A_274] : memref<5120x1024xf32, #tpu.memory_space<hbm>> -> memref<5120x1024xf32, #tpu.memory_space<hbm>>
    tpu.wait_indirect_dma semaphore(%arg10 : memref<!tpu.dma_semaphore, #tpu.memory_space<semaphore_mem>>) src(%dma_wait3A_275 : memref<5120x1024xf32, #tpu.memory_space<hbm>>) dst(%arg6 : memref<16x1024xf32, #tpu.memory_space<vmem>>)
    %scan3A_276 = arith.constant 0 : i32
    %scan3A_277 = arith.constant 0 : i32
    %scan3A_278 = arith.constant 64 : i32
    %scan3A_279 = arith.addi %scan3A_277, %scan3A_278 : i32
    %scan3A_280 = arith.constant 1 : i32
    %scan3A_281 = scf.for %scan3A_518 = %scan3A_277 to %scan3A_279 step %scan3A_280 iter_args(%scan3A_519 = %scan3A_276) -> (i32)  : i32 {
      %mul3A_520 = arith.constant 16 : i32
      %mul3A_521 = arith.muli %scan3A_518, %mul3A_520 : i32
      %get3A = arith.constant 0 : i32
      %get3A_522 = arith.index_cast %get3A : i32 to index
      %get3A_523 = arith.index_cast %mul3A_521 : i32 to index
      %get3A_524 = tpu.vector_load %arg5[%get3A_522, %get3A_523] {strides = array<i32>} : memref<16x1024xf32, #tpu.memory_space<vmem>>, vector<1x16xf32>,
      %get3A_525 = vector.shape_cast %get3A_524 : vector<1x16xf32> to vector<16xf32>
      %get3A_526 = arith.constant 0 : i32
      %get3A_527 = arith.index_cast %get3A_526 : i32 to index
      %get3A_528 = arith.index_cast %mul3A_521 : i32 to index
      %get3A_529 = tpu.vector_load %arg6[%get3A_527, %get3A_528] {strides = array<i32>} : memref<16x1024xf32, #tpu.memory_space<vmem>>, vector<1x16xf32>,
      %get3A_530 = vector.shape_cast %get3A_529 : vector<1x16xf32> to vector<16xf32>
      %add3A_531 = arith.addf %get3A_525, %get3A_530 : vector<16xf32>
      %swap3A = arith.constant 0 : i32
      %swap3A_532 = arith.index_cast %swap3A : i32 to index
      %swap3A_533 = arith.index_cast %mul3A_521 : i32 to index
      %swap3A_534 = tpu.vector_load %arg5[%swap3A_532, %swap3A_533] {strides = array<i32>} : memref<16x1024xf32, #tpu.memory_space<vmem>>, vector<1x16xf32>,
      %swap3A_535 = vector.shape_cast %swap3A_534 : vector<1x16xf32> to vector<16xf32>
      %swap3A_536 = vector.shape_cast %add3A_531 : vector<16xf32> to vector<1x16xf32>
      tpu.vector_store %arg5[%swap3A_532, %swap3A_533], %swap3A_536 {strides = array<i32>} : memref<16x1024xf32, #tpu.memory_space<vmem>>, vector<1x16xf32>,
      %scan3A_537 = arith.constant 0 : i32
      scf.yield %scan3A_537 : i32
    }
    %scan3A_282 = arith.constant 64 : i32
    %scan3A_283 = arith.constant 0 : i32
    %scan3A_284 = arith.constant 0 : i32
    %scan3A_285 = arith.constant 64 : i32
    %scan3A_286 = arith.addi %scan3A_284, %scan3A_285 : i32
    %scan3A_287 = arith.constant 1 : i32
    %scan3A_288 = scf.for %scan3A_518 = %scan3A_284 to %scan3A_286 step %scan3A_287 iter_args(%scan3A_519 = %scan3A_283) -> (i32)  : i32 {
      %mul3A_520 = arith.constant 16 : i32
      %mul3A_521 = arith.muli %scan3A_518, %mul3A_520 : i32
      %get3A = arith.constant 1 : i32
      %get3A_522 = arith.index_cast %get3A : i32 to index
      %get3A_523 = arith.index_cast %mul3A_521 : i32 to index
      %get3A_524 = tpu.vector_load %arg5[%get3A_522, %get3A_523] {strides = array<i32>} : memref<16x1024xf32, #tpu.memory_space<vmem>>, vector<1x16xf32>,
      %get3A_525 = vector.shape_cast %get3A_524 : vector<1x16xf32> to vector<16xf32>
      %get3A_526 = arith.constant 1 : i32
      %get3A_527 = arith.index_cast %get3A_526 : i32 to index
      %get3A_528 = arith.index_cast %mul3A_521 : i32 to index
      %get3A_529 = tpu.vector_load %arg6[%get3A_527, %get3A_528] {strides = array<i32>} : memref<16x1024xf32, #tpu.memory_space<vmem>>, vector<1x16xf32>,
      %get3A_530 = vector.shape_cast %get3A_529 : vector<1x16xf32> to vector<16xf32>
      %add3A_531 = arith.addf %get3A_525, %get3A_530 : vector<16xf32>
      %swap3A = arith.constant 1 : i32
      %swap3A_532 = arith.index_cast %swap3A : i32 to index
      %swap3A_533 = arith.index_cast %mul3A_521 : i32 to index
      %swap3A_534 = tpu.vector_load %arg5[%swap3A_532, %swap3A_533] {strides = array<i32>} : memref<16x1024xf32, #tpu.memory_space<vmem>>, vector<1x16xf32>,
      %swap3A_535 = vector.shape_cast %swap3A_534 : vector<1x16xf32> to vector<16xf32>
      %swap3A_536 = vector.shape_cast %add3A_531 : vector<16xf32> to vector<1x16xf32>
      tpu.vector_store %arg5[%swap3A_532, %swap3A_533], %swap3A_536 {strides = array<i32>} : memref<16x1024xf32, #tpu.memory_space<vmem>>, vector<1x16xf32>,
      %scan3A_537 = arith.constant 0 : i32
      scf.yield %scan3A_537 : i32
    }
    %scan3A_289 = arith.constant 64 : i32
    %scan3A_290 = arith.constant 0 : i32
    %scan3A_291 = arith.constant 0 : i32
    %scan3A_292 = arith.constant 64 : i32
    %scan3A_293 = arith.addi %scan3A_291, %scan3A_292 : i32
    %scan3A_294 = arith.constant 1 : i32
    %scan3A_295 = scf.for %scan3A_518 = %scan3A_291 to %scan3A_293 step %scan3A_294 iter_args(%scan3A_519 = %scan3A_290) -> (i32)  : i32 {
      %mul3A_520 = arith.constant 16 : i32
      %mul3A_521 = arith.muli %scan3A_518, %mul3A_520 : i32
      %get3A = arith.constant 2 : i32
      %get3A_522 = arith.index_cast %get3A : i32 to index
      %get3A_523 = arith.index_cast %mul3A_521 : i32 to index
      %get3A_524 = tpu.vector_load %arg5[%get3A_522, %get3A_523] {strides = array<i32>} : memref<16x1024xf32, #tpu.memory_space<vmem>>, vector<1x16xf32>,
      %get3A_525 = vector.shape_cast %get3A_524 : vector<1x16xf32> to vector<16xf32>
      %get3A_526 = arith.constant 2 : i32
      %get3A_527 = arith.index_cast %get3A_526 : i32 to index
      %get3A_528 = arith.index_cast %mul3A_521 : i32 to index
      %get3A_529 = tpu.vector_load %arg6[%get3A_527, %get3A_528] {strides = array<i32>} : memref<16x1024xf32, #tpu.memory_space<vmem>>, vector<1x16xf32>,
      %get3A_530 = vector.shape_cast %get3A_529 : vector<1x16xf32> to vector<16xf32>
      %add3A_531 = arith.addf %get3A_525, %get3A_530 : vector<16xf32>
      %swap3A = arith.constant 2 : i32
      %swap3A_532 = arith.index_cast %swap3A : i32 to index
      %swap3A_533 = arith.index_cast %mul3A_521 : i32 to index
      %swap3A_534 = tpu.vector_load %arg5[%swap3A_532, %swap3A_533] {strides = array<i32>} : memref<16x1024xf32, #tpu.memory_space<vmem>>, vector<1x16xf32>,
      %swap3A_535 = vector.shape_cast %swap3A_534 : vector<1x16xf32> to vector<16xf32>
      %swap3A_536 = vector.shape_cast %add3A_531 : vector<16xf32> to vector<1x16xf32>
      tpu.vector_store %arg5[%swap3A_532, %swap3A_533], %swap3A_536 {strides = array<i32>} : memref<16x1024xf32, #tpu.memory_space<vmem>>, vector<1x16xf32>,
      %scan3A_537 = arith.constant 0 : i32
      scf.yield %scan3A_537 : i32
    }
    %scan3A_296 = arith.constant 64 : i32
    %scan3A_297 = arith.constant 0 : i32
    %scan3A_298 = arith.constant 0 : i32
    %scan3A_299 = arith.constant 64 : i32
    %scan3A_300 = arith.addi %scan3A_298, %scan3A_299 : i32
    %scan3A_301 = arith.constant 1 : i32
    %scan3A_302 = scf.for %scan3A_518 = %scan3A_298 to %scan3A_300 step %scan3A_301 iter_args(%scan3A_519 = %scan3A_297) -> (i32)  : i32 {
      %mul3A_520 = arith.constant 16 : i32
      %mul3A_521 = arith.muli %scan3A_518, %mul3A_520 : i32
      %get3A = arith.constant 3 : i32
      %get3A_522 = arith.index_cast %get3A : i32 to index
      %get3A_523 = arith.index_cast %mul3A_521 : i32 to index
      %get3A_524 = tpu.vector_load %arg5[%get3A_522, %get3A_523] {strides = array<i32>} : memref<16x1024xf32, #tpu.memory_space<vmem>>, vector<1x16xf32>,
      %get3A_525 = vector.shape_cast %get3A_524 : vector<1x16xf32> to vector<16xf32>
      %get3A_526 = arith.constant 3 : i32
      %get3A_527 = arith.index_cast %get3A_526 : i32 to index
      %get3A_528 = arith.index_cast %mul3A_521 : i32 to index
      %get3A_529 = tpu.vector_load %arg6[%get3A_527, %get3A_528] {strides = array<i32>} : memref<16x1024xf32, #tpu.memory_space<vmem>>, vector<1x16xf32>,
      %get3A_530 = vector.shape_cast %get3A_529 : vector<1x16xf32> to vector<16xf32>
      %add3A_531 = arith.addf %get3A_525, %get3A_530 : vector<16xf32>
      %swap3A = arith.constant 3 : i32
      %swap3A_532 = arith.index_cast %swap3A : i32 to index
      %swap3A_533 = arith.index_cast %mul3A_521 : i32 to index
      %swap3A_534 = tpu.vector_load %arg5[%swap3A_532, %swap3A_533] {strides = array<i32>} : memref<16x1024xf32, #tpu.memory_space<vmem>>, vector<1x16xf32>,
      %swap3A_535 = vector.shape_cast %swap3A_534 : vector<1x16xf32> to vector<16xf32>
      %swap3A_536 = vector.shape_cast %add3A_531 : vector<16xf32> to vector<1x16xf32>
      tpu.vector_store %arg5[%swap3A_532, %swap3A_533], %swap3A_536 {strides = array<i32>} : memref<16x1024xf32, #tpu.memory_space<vmem>>, vector<1x16xf32>,
      %scan3A_537 = arith.constant 0 : i32
      scf.yield %scan3A_537 : i32
    }
    %scan3A_303 = arith.constant 64 : i32
    %scan3A_304 = arith.constant 0 : i32
    %scan3A_305 = arith.constant 0 : i32
    %scan3A_306 = arith.constant 64 : i32
    %scan3A_307 = arith.addi %scan3A_305, %scan3A_306 : i32
    %scan3A_308 = arith.constant 1 : i32
    %scan3A_309 = scf.for %scan3A_518 = %scan3A_305 to %scan3A_307 step %scan3A_308 iter_args(%scan3A_519 = %scan3A_304) -> (i32)  : i32 {
      %mul3A_520 = arith.constant 16 : i32
      %mul3A_521 = arith.muli %scan3A_518, %mul3A_520 : i32
      %get3A = arith.constant 4 : i32
      %get3A_522 = arith.index_cast %get3A : i32 to index
      %get3A_523 = arith.index_cast %mul3A_521 : i32 to index
      %get3A_524 = tpu.vector_load %arg5[%get3A_522, %get3A_523] {strides = array<i32>} : memref<16x1024xf32, #tpu.memory_space<vmem>>, vector<1x16xf32>,
      %get3A_525 = vector.shape_cast %get3A_524 : vector<1x16xf32> to vector<16xf32>
      %get3A_526 = arith.constant 4 : i32
      %get3A_527 = arith.index_cast %get3A_526 : i32 to index
      %get3A_528 = arith.index_cast %mul3A_521 : i32 to index
      %get3A_529 = tpu.vector_load %arg6[%get3A_527, %get3A_528] {strides = array<i32>} : memref<16x1024xf32, #tpu.memory_space<vmem>>, vector<1x16xf32>,
      %get3A_530 = vector.shape_cast %get3A_529 : vector<1x16xf32> to vector<16xf32>
      %add3A_531 = arith.addf %get3A_525, %get3A_530 : vector<16xf32>
      %swap3A = arith.constant 4 : i32
      %swap3A_532 = arith.index_cast %swap3A : i32 to index
      %swap3A_533 = arith.index_cast %mul3A_521 : i32 to index
      %swap3A_534 = tpu.vector_load %arg5[%swap3A_532, %swap3A_533] {strides = array<i32>} : memref<16x1024xf32, #tpu.memory_space<vmem>>, vector<1x16xf32>,
      %swap3A_535 = vector.shape_cast %swap3A_534 : vector<1x16xf32> to vector<16xf32>
      %swap3A_536 = vector.shape_cast %add3A_531 : vector<16xf32> to vector<1x16xf32>
      tpu.vector_store %arg5[%swap3A_532, %swap3A_533], %swap3A_536 {strides = array<i32>} : memref<16x1024xf32, #tpu.memory_space<vmem>>, vector<1x16xf32>,
      %scan3A_537 = arith.constant 0 : i32
      scf.yield %scan3A_537 : i32
    }
    %scan3A_310 = arith.constant 64 : i32
    %scan3A_311 = arith.constant 0 : i32
    %scan3A_312 = arith.constant 0 : i32
    %scan3A_313 = arith.constant 64 : i32
    %scan3A_314 = arith.addi %scan3A_312, %scan3A_313 : i32
    %scan3A_315 = arith.constant 1 : i32
    %scan3A_316 = scf.for %scan3A_518 = %scan3A_312 to %scan3A_314 step %scan3A_315 iter_args(%scan3A_519 = %scan3A_311) -> (i32)  : i32 {
      %mul3A_520 = arith.constant 16 : i32
      %mul3A_521 = arith.muli %scan3A_518, %mul3A_520 : i32
      %get3A = arith.constant 5 : i32
      %get3A_522 = arith.index_cast %get3A : i32 to index
      %get3A_523 = arith.index_cast %mul3A_521 : i32 to index
      %get3A_524 = tpu.vector_load %arg5[%get3A_522, %get3A_523] {strides = array<i32>} : memref<16x1024xf32, #tpu.memory_space<vmem>>, vector<1x16xf32>,
      %get3A_525 = vector.shape_cast %get3A_524 : vector<1x16xf32> to vector<16xf32>
      %get3A_526 = arith.constant 5 : i32
      %get3A_527 = arith.index_cast %get3A_526 : i32 to index
      %get3A_528 = arith.index_cast %mul3A_521 : i32 to index
      %get3A_529 = tpu.vector_load %arg6[%get3A_527, %get3A_528] {strides = array<i32>} : memref<16x1024xf32, #tpu.memory_space<vmem>>, vector<1x16xf32>,
      %get3A_530 = vector.shape_cast %get3A_529 : vector<1x16xf32> to vector<16xf32>
      %add3A_531 = arith.addf %get3A_525, %get3A_530 : vector<16xf32>
      %swap3A = arith.constant 5 : i32
      %swap3A_532 = arith.index_cast %swap3A : i32 to index
      %swap3A_533 = arith.index_cast %mul3A_521 : i32 to index
      %swap3A_534 = tpu.vector_load %arg5[%swap3A_532, %swap3A_533] {strides = array<i32>} : memref<16x1024xf32, #tpu.memory_space<vmem>>, vector<1x16xf32>,
      %swap3A_535 = vector.shape_cast %swap3A_534 : vector<1x16xf32> to vector<16xf32>
      %swap3A_536 = vector.shape_cast %add3A_531 : vector<16xf32> to vector<1x16xf32>
      tpu.vector_store %arg5[%swap3A_532, %swap3A_533], %swap3A_536 {strides = array<i32>} : memref<16x1024xf32, #tpu.memory_space<vmem>>, vector<1x16xf32>,
      %scan3A_537 = arith.constant 0 : i32
      scf.yield %scan3A_537 : i32
    }
    %scan3A_317 = arith.constant 64 : i32
    %scan3A_318 = arith.constant 0 : i32
    %scan3A_319 = arith.constant 0 : i32
    %scan3A_320 = arith.constant 64 : i32
    %scan3A_321 = arith.addi %scan3A_319, %scan3A_320 : i32
    %scan3A_322 = arith.constant 1 : i32
    %scan3A_323 = scf.for %scan3A_518 = %scan3A_319 to %scan3A_321 step %scan3A_322 iter_args(%scan3A_519 = %scan3A_318) -> (i32)  : i32 {
      %mul3A_520 = arith.constant 16 : i32
      %mul3A_521 = arith.muli %scan3A_518, %mul3A_520 : i32
      %get3A = arith.constant 6 : i32
      %get3A_522 = arith.index_cast %get3A : i32 to index
      %get3A_523 = arith.index_cast %mul3A_521 : i32 to index
      %get3A_524 = tpu.vector_load %arg5[%get3A_522, %get3A_523] {strides = array<i32>} : memref<16x1024xf32, #tpu.memory_space<vmem>>, vector<1x16xf32>,
      %get3A_525 = vector.shape_cast %get3A_524 : vector<1x16xf32> to vector<16xf32>
      %get3A_526 = arith.constant 6 : i32
      %get3A_527 = arith.index_cast %get3A_526 : i32 to index
      %get3A_528 = arith.index_cast %mul3A_521 : i32 to index
      %get3A_529 = tpu.vector_load %arg6[%get3A_527, %get3A_528] {strides = array<i32>} : memref<16x1024xf32, #tpu.memory_space<vmem>>, vector<1x16xf32>,
      %get3A_530 = vector.shape_cast %get3A_529 : vector<1x16xf32> to vector<16xf32>
      %add3A_531 = arith.addf %get3A_525, %get3A_530 : vector<16xf32>
      %swap3A = arith.constant 6 : i32
      %swap3A_532 = arith.index_cast %swap3A : i32 to index
      %swap3A_533 = arith.index_cast %mul3A_521 : i32 to index
      %swap3A_534 = tpu.vector_load %arg5[%swap3A_532, %swap3A_533] {strides = array<i32>} : memref<16x1024xf32, #tpu.memory_space<vmem>>, vector<1x16xf32>,
      %swap3A_535 = vector.shape_cast %swap3A_534 : vector<1x16xf32> to vector<16xf32>
      %swap3A_536 = vector.shape_cast %add3A_531 : vector<16xf32> to vector<1x16xf32>
      tpu.vector_store %arg5[%swap3A_532, %swap3A_533], %swap3A_536 {strides = array<i32>} : memref<16x1024xf32, #tpu.memory_space<vmem>>, vector<1x16xf32>,
      %scan3A_537 = arith.constant 0 : i32
      scf.yield %scan3A_537 : i32
    }
    %scan3A_324 = arith.constant 64 : i32
    %scan3A_325 = arith.constant 0 : i32
    %scan3A_326 = arith.constant 0 : i32
    %scan3A_327 = arith.constant 64 : i32
    %scan3A_328 = arith.addi %scan3A_326, %scan3A_327 : i32
    %scan3A_329 = arith.constant 1 : i32
    %scan3A_330 = scf.for %scan3A_518 = %scan3A_326 to %scan3A_328 step %scan3A_329 iter_args(%scan3A_519 = %scan3A_325) -> (i32)  : i32 {
      %mul3A_520 = arith.constant 16 : i32
      %mul3A_521 = arith.muli %scan3A_518, %mul3A_520 : i32
      %get3A = arith.constant 7 : i32
      %get3A_522 = arith.index_cast %get3A : i32 to index
      %get3A_523 = arith.index_cast %mul3A_521 : i32 to index
      %get3A_524 = tpu.vector_load %arg5[%get3A_522, %get3A_523] {strides = array<i32>} : memref<16x1024xf32, #tpu.memory_space<vmem>>, vector<1x16xf32>,
      %get3A_525 = vector.shape_cast %get3A_524 : vector<1x16xf32> to vector<16xf32>
      %get3A_526 = arith.constant 7 : i32
      %get3A_527 = arith.index_cast %get3A_526 : i32 to index
      %get3A_528 = arith.index_cast %mul3A_521 : i32 to index
      %get3A_529 = tpu.vector_load %arg6[%get3A_527, %get3A_528] {strides = array<i32>} : memref<16x1024xf32, #tpu.memory_space<vmem>>, vector<1x16xf32>,
      %get3A_530 = vector.shape_cast %get3A_529 : vector<1x16xf32> to vector<16xf32>
      %add3A_531 = arith.addf %get3A_525, %get3A_530 : vector<16xf32>
      %swap3A = arith.constant 7 : i32
      %swap3A_532 = arith.index_cast %swap3A : i32 to index
      %swap3A_533 = arith.index_cast %mul3A_521 : i32 to index
      %swap3A_534 = tpu.vector_load %arg5[%swap3A_532, %swap3A_533] {strides = array<i32>} : memref<16x1024xf32, #tpu.memory_space<vmem>>, vector<1x16xf32>,
      %swap3A_535 = vector.shape_cast %swap3A_534 : vector<1x16xf32> to vector<16xf32>
      %swap3A_536 = vector.shape_cast %add3A_531 : vector<16xf32> to vector<1x16xf32>
      tpu.vector_store %arg5[%swap3A_532, %swap3A_533], %swap3A_536 {strides = array<i32>} : memref<16x1024xf32, #tpu.memory_space<vmem>>, vector<1x16xf32>,
      %scan3A_537 = arith.constant 0 : i32
      scf.yield %scan3A_537 : i32
    }
    %scan3A_331 = arith.constant 64 : i32
    %scan3A_332 = arith.constant 0 : i32
    %scan3A_333 = arith.constant 0 : i32
    %scan3A_334 = arith.constant 64 : i32
    %scan3A_335 = arith.addi %scan3A_333, %scan3A_334 : i32
    %scan3A_336 = arith.constant 1 : i32
    %scan3A_337 = scf.for %scan3A_518 = %scan3A_333 to %scan3A_335 step %scan3A_336 iter_args(%scan3A_519 = %scan3A_332) -> (i32)  : i32 {
      %mul3A_520 = arith.constant 16 : i32
      %mul3A_521 = arith.muli %scan3A_518, %mul3A_520 : i32
      %get3A = arith.constant 8 : i32
      %get3A_522 = arith.index_cast %get3A : i32 to index
      %get3A_523 = arith.index_cast %mul3A_521 : i32 to index
      %get3A_524 = tpu.vector_load %arg5[%get3A_522, %get3A_523] {strides = array<i32>} : memref<16x1024xf32, #tpu.memory_space<vmem>>, vector<1x16xf32>,
      %get3A_525 = vector.shape_cast %get3A_524 : vector<1x16xf32> to vector<16xf32>
      %get3A_526 = arith.constant 8 : i32
      %get3A_527 = arith.index_cast %get3A_526 : i32 to index
      %get3A_528 = arith.index_cast %mul3A_521 : i32 to index
      %get3A_529 = tpu.vector_load %arg6[%get3A_527, %get3A_528] {strides = array<i32>} : memref<16x1024xf32, #tpu.memory_space<vmem>>, vector<1x16xf32>,
      %get3A_530 = vector.shape_cast %get3A_529 : vector<1x16xf32> to vector<16xf32>
      %add3A_531 = arith.addf %get3A_525, %get3A_530 : vector<16xf32>
      %swap3A = arith.constant 8 : i32
      %swap3A_532 = arith.index_cast %swap3A : i32 to index
      %swap3A_533 = arith.index_cast %mul3A_521 : i32 to index
      %swap3A_534 = tpu.vector_load %arg5[%swap3A_532, %swap3A_533] {strides = array<i32>} : memref<16x1024xf32, #tpu.memory_space<vmem>>, vector<1x16xf32>,
      %swap3A_535 = vector.shape_cast %swap3A_534 : vector<1x16xf32> to vector<16xf32>
      %swap3A_536 = vector.shape_cast %add3A_531 : vector<16xf32> to vector<1x16xf32>
      tpu.vector_store %arg5[%swap3A_532, %swap3A_533], %swap3A_536 {strides = array<i32>} : memref<16x1024xf32, #tpu.memory_space<vmem>>, vector<1x16xf32>,
      %scan3A_537 = arith.constant 0 : i32
      scf.yield %scan3A_537 : i32
    }
    %scan3A_338 = arith.constant 64 : i32
    %scan3A_339 = arith.constant 0 : i32
    %scan3A_340 = arith.constant 0 : i32
    %scan3A_341 = arith.constant 64 : i32
    %scan3A_342 = arith.addi %scan3A_340, %scan3A_341 : i32
    %scan3A_343 = arith.constant 1 : i32
    %scan3A_344 = scf.for %scan3A_518 = %scan3A_340 to %scan3A_342 step %scan3A_343 iter_args(%scan3A_519 = %scan3A_339) -> (i32)  : i32 {
      %mul3A_520 = arith.constant 16 : i32
      %mul3A_521 = arith.muli %scan3A_518, %mul3A_520 : i32
      %get3A = arith.constant 9 : i32
      %get3A_522 = arith.index_cast %get3A : i32 to index
      %get3A_523 = arith.index_cast %mul3A_521 : i32 to index
      %get3A_524 = tpu.vector_load %arg5[%get3A_522, %get3A_523] {strides = array<i32>} : memref<16x1024xf32, #tpu.memory_space<vmem>>, vector<1x16xf32>,
      %get3A_525 = vector.shape_cast %get3A_524 : vector<1x16xf32> to vector<16xf32>
      %get3A_526 = arith.constant 9 : i32
      %get3A_527 = arith.index_cast %get3A_526 : i32 to index
      %get3A_528 = arith.index_cast %mul3A_521 : i32 to index
      %get3A_529 = tpu.vector_load %arg6[%get3A_527, %get3A_528] {strides = array<i32>} : memref<16x1024xf32, #tpu.memory_space<vmem>>, vector<1x16xf32>,
      %get3A_530 = vector.shape_cast %get3A_529 : vector<1x16xf32> to vector<16xf32>
      %add3A_531 = arith.addf %get3A_525, %get3A_530 : vector<16xf32>
      %swap3A = arith.constant 9 : i32
      %swap3A_532 = arith.index_cast %swap3A : i32 to index
      %swap3A_533 = arith.index_cast %mul3A_521 : i32 to index
      %swap3A_534 = tpu.vector_load %arg5[%swap3A_532, %swap3A_533] {strides = array<i32>} : memref<16x1024xf32, #tpu.memory_space<vmem>>, vector<1x16xf32>,
      %swap3A_535 = vector.shape_cast %swap3A_534 : vector<1x16xf32> to vector<16xf32>
      %swap3A_536 = vector.shape_cast %add3A_531 : vector<16xf32> to vector<1x16xf32>
      tpu.vector_store %arg5[%swap3A_532, %swap3A_533], %swap3A_536 {strides = array<i32>} : memref<16x1024xf32, #tpu.memory_space<vmem>>, vector<1x16xf32>,
      %scan3A_537 = arith.constant 0 : i32
      scf.yield %scan3A_537 : i32
    }
    %scan3A_345 = arith.constant 64 : i32
    %scan3A_346 = arith.constant 0 : i32
    %scan3A_347 = arith.constant 0 : i32
    %scan3A_348 = arith.constant 64 : i32
    %scan3A_349 = arith.addi %scan3A_347, %scan3A_348 : i32
    %scan3A_350 = arith.constant 1 : i32
    %scan3A_351 = scf.for %scan3A_518 = %scan3A_347 to %scan3A_349 step %scan3A_350 iter_args(%scan3A_519 = %scan3A_346) -> (i32)  : i32 {
      %mul3A_520 = arith.constant 16 : i32
      %mul3A_521 = arith.muli %scan3A_518, %mul3A_520 : i32
      %get3A = arith.constant 10 : i32
      %get3A_522 = arith.index_cast %get3A : i32 to index
      %get3A_523 = arith.index_cast %mul3A_521 : i32 to index
      %get3A_524 = tpu.vector_load %arg5[%get3A_522, %get3A_523] {strides = array<i32>} : memref<16x1024xf32, #tpu.memory_space<vmem>>, vector<1x16xf32>,
      %get3A_525 = vector.shape_cast %get3A_524 : vector<1x16xf32> to vector<16xf32>
      %get3A_526 = arith.constant 10 : i32
      %get3A_527 = arith.index_cast %get3A_526 : i32 to index
      %get3A_528 = arith.index_cast %mul3A_521 : i32 to index
      %get3A_529 = tpu.vector_load %arg6[%get3A_527, %get3A_528] {strides = array<i32>} : memref<16x1024xf32, #tpu.memory_space<vmem>>, vector<1x16xf32>,
      %get3A_530 = vector.shape_cast %get3A_529 : vector<1x16xf32> to vector<16xf32>
      %add3A_531 = arith.addf %get3A_525, %get3A_530 : vector<16xf32>
      %swap3A = arith.constant 10 : i32
      %swap3A_532 = arith.index_cast %swap3A : i32 to index
      %swap3A_533 = arith.index_cast %mul3A_521 : i32 to index
      %swap3A_534 = tpu.vector_load %arg5[%swap3A_532, %swap3A_533] {strides = array<i32>} : memref<16x1024xf32, #tpu.memory_space<vmem>>, vector<1x16xf32>,
      %swap3A_535 = vector.shape_cast %swap3A_534 : vector<1x16xf32> to vector<16xf32>
      %swap3A_536 = vector.shape_cast %add3A_531 : vector<16xf32> to vector<1x16xf32>
      tpu.vector_store %arg5[%swap3A_532, %swap3A_533], %swap3A_536 {strides = array<i32>} : memref<16x1024xf32, #tpu.memory_space<vmem>>, vector<1x16xf32>,
      %scan3A_537 = arith.constant 0 : i32
      scf.yield %scan3A_537 : i32
    }
    %scan3A_352 = arith.constant 64 : i32
    %scan3A_353 = arith.constant 0 : i32
    %scan3A_354 = arith.constant 0 : i32
    %scan3A_355 = arith.constant 64 : i32
    %scan3A_356 = arith.addi %scan3A_354, %scan3A_355 : i32
    %scan3A_357 = arith.constant 1 : i32
    %scan3A_358 = scf.for %scan3A_518 = %scan3A_354 to %scan3A_356 step %scan3A_357 iter_args(%scan3A_519 = %scan3A_353) -> (i32)  : i32 {
      %mul3A_520 = arith.constant 16 : i32
      %mul3A_521 = arith.muli %scan3A_518, %mul3A_520 : i32
      %get3A = arith.constant 11 : i32
      %get3A_522 = arith.index_cast %get3A : i32 to index
      %get3A_523 = arith.index_cast %mul3A_521 : i32 to index
      %get3A_524 = tpu.vector_load %arg5[%get3A_522, %get3A_523] {strides = array<i32>} : memref<16x1024xf32, #tpu.memory_space<vmem>>, vector<1x16xf32>,
      %get3A_525 = vector.shape_cast %get3A_524 : vector<1x16xf32> to vector<16xf32>
      %get3A_526 = arith.constant 11 : i32
      %get3A_527 = arith.index_cast %get3A_526 : i32 to index
      %get3A_528 = arith.index_cast %mul3A_521 : i32 to index
      %get3A_529 = tpu.vector_load %arg6[%get3A_527, %get3A_528] {strides = array<i32>} : memref<16x1024xf32, #tpu.memory_space<vmem>>, vector<1x16xf32>,
      %get3A_530 = vector.shape_cast %get3A_529 : vector<1x16xf32> to vector<16xf32>
      %add3A_531 = arith.addf %get3A_525, %get3A_530 : vector<16xf32>
      %swap3A = arith.constant 11 : i32
      %swap3A_532 = arith.index_cast %swap3A : i32 to index
      %swap3A_533 = arith.index_cast %mul3A_521 : i32 to index
      %swap3A_534 = tpu.vector_load %arg5[%swap3A_532, %swap3A_533] {strides = array<i32>} : memref<16x1024xf32, #tpu.memory_space<vmem>>, vector<1x16xf32>,
      %swap3A_535 = vector.shape_cast %swap3A_534 : vector<1x16xf32> to vector<16xf32>
      %swap3A_536 = vector.shape_cast %add3A_531 : vector<16xf32> to vector<1x16xf32>
      tpu.vector_store %arg5[%swap3A_532, %swap3A_533], %swap3A_536 {strides = array<i32>} : memref<16x1024xf32, #tpu.memory_space<vmem>>, vector<1x16xf32>,
      %scan3A_537 = arith.constant 0 : i32
      scf.yield %scan3A_537 : i32
    }
    %scan3A_359 = arith.constant 64 : i32
    %scan3A_360 = arith.constant 0 : i32
    %scan3A_361 = arith.constant 0 : i32
    %scan3A_362 = arith.constant 64 : i32
    %scan3A_363 = arith.addi %scan3A_361, %scan3A_362 : i32
    %scan3A_364 = arith.constant 1 : i32
    %scan3A_365 = scf.for %scan3A_518 = %scan3A_361 to %scan3A_363 step %scan3A_364 iter_args(%scan3A_519 = %scan3A_360) -> (i32)  : i32 {
      %mul3A_520 = arith.constant 16 : i32
      %mul3A_521 = arith.muli %scan3A_518, %mul3A_520 : i32
      %get3A = arith.constant 12 : i32
      %get3A_522 = arith.index_cast %get3A : i32 to index
      %get3A_523 = arith.index_cast %mul3A_521 : i32 to index
      %get3A_524 = tpu.vector_load %arg5[%get3A_522, %get3A_523] {strides = array<i32>} : memref<16x1024xf32, #tpu.memory_space<vmem>>, vector<1x16xf32>,
      %get3A_525 = vector.shape_cast %get3A_524 : vector<1x16xf32> to vector<16xf32>
      %get3A_526 = arith.constant 12 : i32
      %get3A_527 = arith.index_cast %get3A_526 : i32 to index
      %get3A_528 = arith.index_cast %mul3A_521 : i32 to index
      %get3A_529 = tpu.vector_load %arg6[%get3A_527, %get3A_528] {strides = array<i32>} : memref<16x1024xf32, #tpu.memory_space<vmem>>, vector<1x16xf32>,
      %get3A_530 = vector.shape_cast %get3A_529 : vector<1x16xf32> to vector<16xf32>
      %add3A_531 = arith.addf %get3A_525, %get3A_530 : vector<16xf32>
      %swap3A = arith.constant 12 : i32
      %swap3A_532 = arith.index_cast %swap3A : i32 to index
      %swap3A_533 = arith.index_cast %mul3A_521 : i32 to index
      %swap3A_534 = tpu.vector_load %arg5[%swap3A_532, %swap3A_533] {strides = array<i32>} : memref<16x1024xf32, #tpu.memory_space<vmem>>, vector<1x16xf32>,
      %swap3A_535 = vector.shape_cast %swap3A_534 : vector<1x16xf32> to vector<16xf32>
      %swap3A_536 = vector.shape_cast %add3A_531 : vector<16xf32> to vector<1x16xf32>
      tpu.vector_store %arg5[%swap3A_532, %swap3A_533], %swap3A_536 {strides = array<i32>} : memref<16x1024xf32, #tpu.memory_space<vmem>>, vector<1x16xf32>,
      %scan3A_537 = arith.constant 0 : i32
      scf.yield %scan3A_537 : i32
    }
    %scan3A_366 = arith.constant 64 : i32
    %scan3A_367 = arith.constant 0 : i32
    %scan3A_368 = arith.constant 0 : i32
    %scan3A_369 = arith.constant 64 : i32
    %scan3A_370 = arith.addi %scan3A_368, %scan3A_369 : i32
    %scan3A_371 = arith.constant 1 : i32
    %scan3A_372 = scf.for %scan3A_518 = %scan3A_368 to %scan3A_370 step %scan3A_371 iter_args(%scan3A_519 = %scan3A_367) -> (i32)  : i32 {
      %mul3A_520 = arith.constant 16 : i32
      %mul3A_521 = arith.muli %scan3A_518, %mul3A_520 : i32
      %get3A = arith.constant 13 : i32
      %get3A_522 = arith.index_cast %get3A : i32 to index
      %get3A_523 = arith.index_cast %mul3A_521 : i32 to index
      %get3A_524 = tpu.vector_load %arg5[%get3A_522, %get3A_523] {strides = array<i32>} : memref<16x1024xf32, #tpu.memory_space<vmem>>, vector<1x16xf32>,
      %get3A_525 = vector.shape_cast %get3A_524 : vector<1x16xf32> to vector<16xf32>
      %get3A_526 = arith.constant 13 : i32
      %get3A_527 = arith.index_cast %get3A_526 : i32 to index
      %get3A_528 = arith.index_cast %mul3A_521 : i32 to index
      %get3A_529 = tpu.vector_load %arg6[%get3A_527, %get3A_528] {strides = array<i32>} : memref<16x1024xf32, #tpu.memory_space<vmem>>, vector<1x16xf32>,
      %get3A_530 = vector.shape_cast %get3A_529 : vector<1x16xf32> to vector<16xf32>
      %add3A_531 = arith.addf %get3A_525, %get3A_530 : vector<16xf32>
      %swap3A = arith.constant 13 : i32
      %swap3A_532 = arith.index_cast %swap3A : i32 to index
      %swap3A_533 = arith.index_cast %mul3A_521 : i32 to index
      %swap3A_534 = tpu.vector_load %arg5[%swap3A_532, %swap3A_533] {strides = array<i32>} : memref<16x1024xf32, #tpu.memory_space<vmem>>, vector<1x16xf32>,
      %swap3A_535 = vector.shape_cast %swap3A_534 : vector<1x16xf32> to vector<16xf32>
      %swap3A_536 = vector.shape_cast %add3A_531 : vector<16xf32> to vector<1x16xf32>
      tpu.vector_store %arg5[%swap3A_532, %swap3A_533], %swap3A_536 {strides = array<i32>} : memref<16x1024xf32, #tpu.memory_space<vmem>>, vector<1x16xf32>,
      %scan3A_537 = arith.constant 0 : i32
      scf.yield %scan3A_537 : i32
    }
    %scan3A_373 = arith.constant 64 : i32
    %scan3A_374 = arith.constant 0 : i32
    %scan3A_375 = arith.constant 0 : i32
    %scan3A_376 = arith.constant 64 : i32
    %scan3A_377 = arith.addi %scan3A_375, %scan3A_376 : i32
    %scan3A_378 = arith.constant 1 : i32
    %scan3A_379 = scf.for %scan3A_518 = %scan3A_375 to %scan3A_377 step %scan3A_378 iter_args(%scan3A_519 = %scan3A_374) -> (i32)  : i32 {
      %mul3A_520 = arith.constant 16 : i32
      %mul3A_521 = arith.muli %scan3A_518, %mul3A_520 : i32
      %get3A = arith.constant 14 : i32
      %get3A_522 = arith.index_cast %get3A : i32 to index
      %get3A_523 = arith.index_cast %mul3A_521 : i32 to index
      %get3A_524 = tpu.vector_load %arg5[%get3A_522, %get3A_523] {strides = array<i32>} : memref<16x1024xf32, #tpu.memory_space<vmem>>, vector<1x16xf32>,
      %get3A_525 = vector.shape_cast %get3A_524 : vector<1x16xf32> to vector<16xf32>
      %get3A_526 = arith.constant 14 : i32
      %get3A_527 = arith.index_cast %get3A_526 : i32 to index
      %get3A_528 = arith.index_cast %mul3A_521 : i32 to index
      %get3A_529 = tpu.vector_load %arg6[%get3A_527, %get3A_528] {strides = array<i32>} : memref<16x1024xf32, #tpu.memory_space<vmem>>, vector<1x16xf32>,
      %get3A_530 = vector.shape_cast %get3A_529 : vector<1x16xf32> to vector<16xf32>
      %add3A_531 = arith.addf %get3A_525, %get3A_530 : vector<16xf32>
      %swap3A = arith.constant 14 : i32
      %swap3A_532 = arith.index_cast %swap3A : i32 to index
      %swap3A_533 = arith.index_cast %mul3A_521 : i32 to index
      %swap3A_534 = tpu.vector_load %arg5[%swap3A_532, %swap3A_533] {strides = array<i32>} : memref<16x1024xf32, #tpu.memory_space<vmem>>, vector<1x16xf32>,
      %swap3A_535 = vector.shape_cast %swap3A_534 : vector<1x16xf32> to vector<16xf32>
      %swap3A_536 = vector.shape_cast %add3A_531 : vector<16xf32> to vector<1x16xf32>
      tpu.vector_store %arg5[%swap3A_532, %swap3A_533], %swap3A_536 {strides = array<i32>} : memref<16x1024xf32, #tpu.memory_space<vmem>>, vector<1x16xf32>,
      %scan3A_537 = arith.constant 0 : i32
      scf.yield %scan3A_537 : i32
    }
    %scan3A_380 = arith.constant 64 : i32
    %scan3A_381 = arith.constant 0 : i32
    %scan3A_382 = arith.constant 0 : i32
    %scan3A_383 = arith.constant 64 : i32
    %scan3A_384 = arith.addi %scan3A_382, %scan3A_383 : i32
    %scan3A_385 = arith.constant 1 : i32
    %scan3A_386 = scf.for %scan3A_518 = %scan3A_382 to %scan3A_384 step %scan3A_385 iter_args(%scan3A_519 = %scan3A_381) -> (i32)  : i32 {
      %mul3A_520 = arith.constant 16 : i32
      %mul3A_521 = arith.muli %scan3A_518, %mul3A_520 : i32
      %get3A = arith.constant 15 : i32
      %get3A_522 = arith.index_cast %get3A : i32 to index
      %get3A_523 = arith.index_cast %mul3A_521 : i32 to index
      %get3A_524 = tpu.vector_load %arg5[%get3A_522, %get3A_523] {strides = array<i32>} : memref<16x1024xf32, #tpu.memory_space<vmem>>, vector<1x16xf32>,
      %get3A_525 = vector.shape_cast %get3A_524 : vector<1x16xf32> to vector<16xf32>
      %get3A_526 = arith.constant 15 : i32
      %get3A_527 = arith.index_cast %get3A_526 : i32 to index
      %get3A_528 = arith.index_cast %mul3A_521 : i32 to index
      %get3A_529 = tpu.vector_load %arg6[%get3A_527, %get3A_528] {strides = array<i32>} : memref<16x1024xf32, #tpu.memory_space<vmem>>, vector<1x16xf32>,
      %get3A_530 = vector.shape_cast %get3A_529 : vector<1x16xf32> to vector<16xf32>
      %add3A_531 = arith.addf %get3A_525, %get3A_530 : vector<16xf32>
      %swap3A = arith.constant 15 : i32
      %swap3A_532 = arith.index_cast %swap3A : i32 to index
      %swap3A_533 = arith.index_cast %mul3A_521 : i32 to index
      %swap3A_534 = tpu.vector_load %arg5[%swap3A_532, %swap3A_533] {strides = array<i32>} : memref<16x1024xf32, #tpu.memory_space<vmem>>, vector<1x16xf32>,
      %swap3A_535 = vector.shape_cast %swap3A_534 : vector<1x16xf32> to vector<16xf32>
      %swap3A_536 = vector.shape_cast %add3A_531 : vector<16xf32> to vector<1x16xf32>
      tpu.vector_store %arg5[%swap3A_532, %swap3A_533], %swap3A_536 {strides = array<i32>} : memref<16x1024xf32, #tpu.memory_space<vmem>>, vector<1x16xf32>,
      %scan3A_537 = arith.constant 0 : i32
      scf.yield %scan3A_537 : i32
    }
    %scan3A_387 = arith.constant 64 : i32
    "tpu.region"() ({
      %run_scoped3A = tpu.sem_alloc : memref<!tpu.dma_semaphore, #tpu.memory_space<semaphore_mem>>
      %dma_start3A_518 = arith.constant 0 : i32
      %dma_start3A_519 = tpu.memref_slice %arg4[%add3A_261, %dma_start3A_518] : memref<2048x1024xf32, #tpu.memory_space<hbm>> -> memref<16x1024xf32, #tpu.memory_space<hbm>>
      %dma_start3A_520 = arith.constant 0 : i32
      %dma_start3A_521 = tpu.memref_slice %arg4[%add3A_261, %dma_start3A_520] : memref<2048x1024xf32, #tpu.memory_space<hbm>> -> memref<16x1024xf32, #tpu.memory_space<hbm>>
      tpu.enqueue_dma source(%arg5 : memref<16x1024xf32, #tpu.memory_space<vmem>>) target(%dma_start3A_521 : memref<16x1024xf32, #tpu.memory_space<hbm>>) target_semaphore(%run_scoped3A : memref<!tpu.dma_semaphore, #tpu.memory_space<semaphore_mem>>)
      %dma_wait3A_522 = arith.constant 0 : i32
      %dma_wait3A_523 = tpu.memref_slice %arg4[%add3A_261, %dma_wait3A_522] : memref<2048x1024xf32, #tpu.memory_space<hbm>> -> memref<16x1024xf32, #tpu.memory_space<hbm>>
      %dma_wait3A_524 = arith.constant 0 : i32
      %dma_wait3A_525 = tpu.memref_slice %arg4[%add3A_261, %dma_wait3A_524] : memref<2048x1024xf32, #tpu.memory_space<hbm>> -> memref<16x1024xf32, #tpu.memory_space<hbm>>
      tpu.wait_dma2 semaphore(%run_scoped3A : memref<!tpu.dma_semaphore, #tpu.memory_space<semaphore_mem>>) src(%arg5 : memref<16x1024xf32, #tpu.memory_space<vmem>>) dst(%dma_wait3A_525 : memref<16x1024xf32, #tpu.memory_space<hbm>>)
      tpu.yield
    }) : () -> ()
    %mul3A_388 = arith.constant 64 : i32
    %mul3A_389 = arith.muli %add3A, %mul3A_388 : i32
    %add3A_390 = arith.constant 48 : i32
    %add3A_391 = arith.addi %mul3A_389, %add3A_390 : i32
    "tpu.region"() ({
      %run_scoped3A = tpu.sem_alloc : memref<!tpu.dma_semaphore, #tpu.memory_space<semaphore_mem>>
      %dma_start3A_518 = tpu.memref_slice %arg3[%add3A_391] : memref<4096xi32, #tpu.memory_space<hbm>> -> memref<16xi32, #tpu.memory_space<hbm>>
      %dma_start3A_519 = tpu.memref_slice %arg3[%add3A_391] : memref<4096xi32, #tpu.memory_space<hbm>> -> memref<16xi32, #tpu.memory_space<hbm>>
      tpu.enqueue_dma source(%dma_start3A_519 : memref<16xi32, #tpu.memory_space<hbm>>) target(%arg7 : memref<16xi32, #tpu.memory_space<vmem>>) target_semaphore(%run_scoped3A : memref<!tpu.dma_semaphore, #tpu.memory_space<semaphore_mem>>)
      %dma_wait3A_520 = tpu.memref_slice %arg3[%add3A_391] : memref<4096xi32, #tpu.memory_space<hbm>> -> memref<16xi32, #tpu.memory_space<hbm>>
      %dma_wait3A_521 = tpu.memref_slice %arg3[%add3A_391] : memref<4096xi32, #tpu.memory_space<hbm>> -> memref<16xi32, #tpu.memory_space<hbm>>
      tpu.wait_dma2 semaphore(%run_scoped3A : memref<!tpu.dma_semaphore, #tpu.memory_space<semaphore_mem>>) src(%dma_wait3A_521 : memref<16xi32, #tpu.memory_space<hbm>>) dst(%arg7 : memref<16xi32, #tpu.memory_space<vmem>>)
      tpu.yield
    }) : () -> ()
    %add3A_392 = arith.constant 2048 : i32
    %add3A_393 = arith.addi %add3A_392, %add3A_391 : i32
    "tpu.region"() ({
      %run_scoped3A = tpu.sem_alloc : memref<!tpu.dma_semaphore, #tpu.memory_space<semaphore_mem>>
      %dma_start3A_518 = tpu.memref_slice %arg3[%add3A_393] : memref<4096xi32, #tpu.memory_space<hbm>> -> memref<16xi32, #tpu.memory_space<hbm>>
      %dma_start3A_519 = tpu.memref_slice %arg3[%add3A_393] : memref<4096xi32, #tpu.memory_space<hbm>> -> memref<16xi32, #tpu.memory_space<hbm>>
      tpu.enqueue_dma source(%dma_start3A_519 : memref<16xi32, #tpu.memory_space<hbm>>) target(%arg8 : memref<16xi32, #tpu.memory_space<vmem>>) target_semaphore(%run_scoped3A : memref<!tpu.dma_semaphore, #tpu.memory_space<semaphore_mem>>)
      %dma_wait3A_520 = tpu.memref_slice %arg3[%add3A_393] : memref<4096xi32, #tpu.memory_space<hbm>> -> memref<16xi32, #tpu.memory_space<hbm>>
      %dma_wait3A_521 = tpu.memref_slice %arg3[%add3A_393] : memref<4096xi32, #tpu.memory_space<hbm>> -> memref<16xi32, #tpu.memory_space<hbm>>
      tpu.wait_dma2 semaphore(%run_scoped3A : memref<!tpu.dma_semaphore, #tpu.memory_space<semaphore_mem>>) src(%dma_wait3A_521 : memref<16xi32, #tpu.memory_space<hbm>>) dst(%arg8 : memref<16xi32, #tpu.memory_space<vmem>>)
      tpu.yield
    }) : () -> ()
    %dma_start3A_394 = arith.constant 0 : i32
    %dma_start3A_395 = arith.constant 0 : i32
    %dma_start3A_396 = tpu.memref_slice %arg2[%dma_start3A_394, %dma_start3A_395] : memref<5120x1024xf32, #tpu.memory_space<hbm>> -> memref<5120x1024xf32, #tpu.memory_space<hbm>>
    tpu.enqueue_indirect_dma source(%dma_start3A_396 : memref<5120x1024xf32, #tpu.memory_space<hbm>>) target(%arg5 : memref<16x1024xf32, #tpu.memory_space<vmem>>) offsets(%arg7 : memref<16xi32, #tpu.memory_space<vmem>>) semaphore(%arg9 : memref<!tpu.dma_semaphore, #tpu.memory_space<semaphore_mem>>)
    %dma_start3A_397 = arith.constant 0 : i32
    %dma_start3A_398 = arith.constant 0 : i32
    %dma_start3A_399 = tpu.memref_slice %arg2[%dma_start3A_397, %dma_start3A_398] : memref<5120x1024xf32, #tpu.memory_space<hbm>> -> memref<5120x1024xf32, #tpu.memory_space<hbm>>
    tpu.enqueue_indirect_dma source(%dma_start3A_399 : memref<5120x1024xf32, #tpu.memory_space<hbm>>) target(%arg6 : memref<16x1024xf32, #tpu.memory_space<vmem>>) offsets(%arg8 : memref<16xi32, #tpu.memory_space<vmem>>) semaphore(%arg10 : memref<!tpu.dma_semaphore, #tpu.memory_space<semaphore_mem>>)
    %dma_wait3A_400 = arith.constant 0 : i32
    %dma_wait3A_401 = arith.constant 0 : i32
    %dma_wait3A_402 = tpu.memref_slice %arg2[%dma_wait3A_400, %dma_wait3A_401] : memref<5120x1024xf32, #tpu.memory_space<hbm>> -> memref<5120x1024xf32, #tpu.memory_space<hbm>>
    tpu.wait_indirect_dma semaphore(%arg9 : memref<!tpu.dma_semaphore, #tpu.memory_space<semaphore_mem>>) src(%dma_wait3A_402 : memref<5120x1024xf32, #tpu.memory_space<hbm>>) dst(%arg5 : memref<16x1024xf32, #tpu.memory_space<vmem>>)
    %dma_wait3A_403 = arith.constant 0 : i32
    %dma_wait3A_404 = arith.constant 0 : i32
    %dma_wait3A_405 = tpu.memref_slice %arg2[%dma_wait3A_403, %dma_wait3A_404] : memref<5120x1024xf32, #tpu.memory_space<hbm>> -> memref<5120x1024xf32, #tpu.memory_space<hbm>>
    tpu.wait_indirect_dma semaphore(%arg10 : memref<!tpu.dma_semaphore, #tpu.memory_space<semaphore_mem>>) src(%dma_wait3A_405 : memref<5120x1024xf32, #tpu.memory_space<hbm>>) dst(%arg6 : memref<16x1024xf32, #tpu.memory_space<vmem>>)
    %scan3A_406 = arith.constant 0 : i32
    %scan3A_407 = arith.constant 0 : i32
    %scan3A_408 = arith.constant 64 : i32
    %scan3A_409 = arith.addi %scan3A_407, %scan3A_408 : i32
    %scan3A_410 = arith.constant 1 : i32
    %scan3A_411 = scf.for %scan3A_518 = %scan3A_407 to %scan3A_409 step %scan3A_410 iter_args(%scan3A_519 = %scan3A_406) -> (i32)  : i32 {
      %mul3A_520 = arith.constant 16 : i32
      %mul3A_521 = arith.muli %scan3A_518, %mul3A_520 : i32
      %get3A = arith.constant 0 : i32
      %get3A_522 = arith.index_cast %get3A : i32 to index
      %get3A_523 = arith.index_cast %mul3A_521 : i32 to index
      %get3A_524 = tpu.vector_load %arg5[%get3A_522, %get3A_523] {strides = array<i32>} : memref<16x1024xf32, #tpu.memory_space<vmem>>, vector<1x16xf32>,
      %get3A_525 = vector.shape_cast %get3A_524 : vector<1x16xf32> to vector<16xf32>
      %get3A_526 = arith.constant 0 : i32
      %get3A_527 = arith.index_cast %get3A_526 : i32 to index
      %get3A_528 = arith.index_cast %mul3A_521 : i32 to index
      %get3A_529 = tpu.vector_load %arg6[%get3A_527, %get3A_528] {strides = array<i32>} : memref<16x1024xf32, #tpu.memory_space<vmem>>, vector<1x16xf32>,
      %get3A_530 = vector.shape_cast %get3A_529 : vector<1x16xf32> to vector<16xf32>
      %add3A_531 = arith.addf %get3A_525, %get3A_530 : vector<16xf32>
      %swap3A = arith.constant 0 : i32
      %swap3A_532 = arith.index_cast %swap3A : i32 to index
      %swap3A_533 = arith.index_cast %mul3A_521 : i32 to index
      %swap3A_534 = tpu.vector_load %arg5[%swap3A_532, %swap3A_533] {strides = array<i32>} : memref<16x1024xf32, #tpu.memory_space<vmem>>, vector<1x16xf32>,
      %swap3A_535 = vector.shape_cast %swap3A_534 : vector<1x16xf32> to vector<16xf32>
      %swap3A_536 = vector.shape_cast %add3A_531 : vector<16xf32> to vector<1x16xf32>
      tpu.vector_store %arg5[%swap3A_532, %swap3A_533], %swap3A_536 {strides = array<i32>} : memref<16x1024xf32, #tpu.memory_space<vmem>>, vector<1x16xf32>,
      %scan3A_537 = arith.constant 0 : i32
      scf.yield %scan3A_537 : i32
    }
    %scan3A_412 = arith.constant 64 : i32
    %scan3A_413 = arith.constant 0 : i32
    %scan3A_414 = arith.constant 0 : i32
    %scan3A_415 = arith.constant 64 : i32
    %scan3A_416 = arith.addi %scan3A_414, %scan3A_415 : i32
    %scan3A_417 = arith.constant 1 : i32
    %scan3A_418 = scf.for %scan3A_518 = %scan3A_414 to %scan3A_416 step %scan3A_417 iter_args(%scan3A_519 = %scan3A_413) -> (i32)  : i32 {
      %mul3A_520 = arith.constant 16 : i32
      %mul3A_521 = arith.muli %scan3A_518, %mul3A_520 : i32
      %get3A = arith.constant 1 : i32
      %get3A_522 = arith.index_cast %get3A : i32 to index
      %get3A_523 = arith.index_cast %mul3A_521 : i32 to index
      %get3A_524 = tpu.vector_load %arg5[%get3A_522, %get3A_523] {strides = array<i32>} : memref<16x1024xf32, #tpu.memory_space<vmem>>, vector<1x16xf32>,
      %get3A_525 = vector.shape_cast %get3A_524 : vector<1x16xf32> to vector<16xf32>
      %get3A_526 = arith.constant 1 : i32
      %get3A_527 = arith.index_cast %get3A_526 : i32 to index
      %get3A_528 = arith.index_cast %mul3A_521 : i32 to index
      %get3A_529 = tpu.vector_load %arg6[%get3A_527, %get3A_528] {strides = array<i32>} : memref<16x1024xf32, #tpu.memory_space<vmem>>, vector<1x16xf32>,
      %get3A_530 = vector.shape_cast %get3A_529 : vector<1x16xf32> to vector<16xf32>
      %add3A_531 = arith.addf %get3A_525, %get3A_530 : vector<16xf32>
      %swap3A = arith.constant 1 : i32
      %swap3A_532 = arith.index_cast %swap3A : i32 to index
      %swap3A_533 = arith.index_cast %mul3A_521 : i32 to index
      %swap3A_534 = tpu.vector_load %arg5[%swap3A_532, %swap3A_533] {strides = array<i32>} : memref<16x1024xf32, #tpu.memory_space<vmem>>, vector<1x16xf32>,
      %swap3A_535 = vector.shape_cast %swap3A_534 : vector<1x16xf32> to vector<16xf32>
      %swap3A_536 = vector.shape_cast %add3A_531 : vector<16xf32> to vector<1x16xf32>
      tpu.vector_store %arg5[%swap3A_532, %swap3A_533], %swap3A_536 {strides = array<i32>} : memref<16x1024xf32, #tpu.memory_space<vmem>>, vector<1x16xf32>,
      %scan3A_537 = arith.constant 0 : i32
      scf.yield %scan3A_537 : i32
    }
    %scan3A_419 = arith.constant 64 : i32
    %scan3A_420 = arith.constant 0 : i32
    %scan3A_421 = arith.constant 0 : i32
    %scan3A_422 = arith.constant 64 : i32
    %scan3A_423 = arith.addi %scan3A_421, %scan3A_422 : i32
    %scan3A_424 = arith.constant 1 : i32
    %scan3A_425 = scf.for %scan3A_518 = %scan3A_421 to %scan3A_423 step %scan3A_424 iter_args(%scan3A_519 = %scan3A_420) -> (i32)  : i32 {
      %mul3A_520 = arith.constant 16 : i32
      %mul3A_521 = arith.muli %scan3A_518, %mul3A_520 : i32
      %get3A = arith.constant 2 : i32
      %get3A_522 = arith.index_cast %get3A : i32 to index
      %get3A_523 = arith.index_cast %mul3A_521 : i32 to index
      %get3A_524 = tpu.vector_load %arg5[%get3A_522, %get3A_523] {strides = array<i32>} : memref<16x1024xf32, #tpu.memory_space<vmem>>, vector<1x16xf32>,
      %get3A_525 = vector.shape_cast %get3A_524 : vector<1x16xf32> to vector<16xf32>
      %get3A_526 = arith.constant 2 : i32
      %get3A_527 = arith.index_cast %get3A_526 : i32 to index
      %get3A_528 = arith.index_cast %mul3A_521 : i32 to index
      %get3A_529 = tpu.vector_load %arg6[%get3A_527, %get3A_528] {strides = array<i32>} : memref<16x1024xf32, #tpu.memory_space<vmem>>, vector<1x16xf32>,
      %get3A_530 = vector.shape_cast %get3A_529 : vector<1x16xf32> to vector<16xf32>
      %add3A_531 = arith.addf %get3A_525, %get3A_530 : vector<16xf32>
      %swap3A = arith.constant 2 : i32
      %swap3A_532 = arith.index_cast %swap3A : i32 to index
      %swap3A_533 = arith.index_cast %mul3A_521 : i32 to index
      %swap3A_534 = tpu.vector_load %arg5[%swap3A_532, %swap3A_533] {strides = array<i32>} : memref<16x1024xf32, #tpu.memory_space<vmem>>, vector<1x16xf32>,
      %swap3A_535 = vector.shape_cast %swap3A_534 : vector<1x16xf32> to vector<16xf32>
      %swap3A_536 = vector.shape_cast %add3A_531 : vector<16xf32> to vector<1x16xf32>
      tpu.vector_store %arg5[%swap3A_532, %swap3A_533], %swap3A_536 {strides = array<i32>} : memref<16x1024xf32, #tpu.memory_space<vmem>>, vector<1x16xf32>,
      %scan3A_537 = arith.constant 0 : i32
      scf.yield %scan3A_537 : i32
    }
    %scan3A_426 = arith.constant 64 : i32
    %scan3A_427 = arith.constant 0 : i32
    %scan3A_428 = arith.constant 0 : i32
    %scan3A_429 = arith.constant 64 : i32
    %scan3A_430 = arith.addi %scan3A_428, %scan3A_429 : i32
    %scan3A_431 = arith.constant 1 : i32
    %scan3A_432 = scf.for %scan3A_518 = %scan3A_428 to %scan3A_430 step %scan3A_431 iter_args(%scan3A_519 = %scan3A_427) -> (i32)  : i32 {
      %mul3A_520 = arith.constant 16 : i32
      %mul3A_521 = arith.muli %scan3A_518, %mul3A_520 : i32
      %get3A = arith.constant 3 : i32
      %get3A_522 = arith.index_cast %get3A : i32 to index
      %get3A_523 = arith.index_cast %mul3A_521 : i32 to index
      %get3A_524 = tpu.vector_load %arg5[%get3A_522, %get3A_523] {strides = array<i32>} : memref<16x1024xf32, #tpu.memory_space<vmem>>, vector<1x16xf32>,
      %get3A_525 = vector.shape_cast %get3A_524 : vector<1x16xf32> to vector<16xf32>
      %get3A_526 = arith.constant 3 : i32
      %get3A_527 = arith.index_cast %get3A_526 : i32 to index
      %get3A_528 = arith.index_cast %mul3A_521 : i32 to index
      %get3A_529 = tpu.vector_load %arg6[%get3A_527, %get3A_528] {strides = array<i32>} : memref<16x1024xf32, #tpu.memory_space<vmem>>, vector<1x16xf32>,
      %get3A_530 = vector.shape_cast %get3A_529 : vector<1x16xf32> to vector<16xf32>
      %add3A_531 = arith.addf %get3A_525, %get3A_530 : vector<16xf32>
      %swap3A = arith.constant 3 : i32
      %swap3A_532 = arith.index_cast %swap3A : i32 to index
      %swap3A_533 = arith.index_cast %mul3A_521 : i32 to index
      %swap3A_534 = tpu.vector_load %arg5[%swap3A_532, %swap3A_533] {strides = array<i32>} : memref<16x1024xf32, #tpu.memory_space<vmem>>, vector<1x16xf32>,
      %swap3A_535 = vector.shape_cast %swap3A_534 : vector<1x16xf32> to vector<16xf32>
      %swap3A_536 = vector.shape_cast %add3A_531 : vector<16xf32> to vector<1x16xf32>
      tpu.vector_store %arg5[%swap3A_532, %swap3A_533], %swap3A_536 {strides = array<i32>} : memref<16x1024xf32, #tpu.memory_space<vmem>>, vector<1x16xf32>,
      %scan3A_537 = arith.constant 0 : i32
      scf.yield %scan3A_537 : i32
    }
    %scan3A_433 = arith.constant 64 : i32
    %scan3A_434 = arith.constant 0 : i32
    %scan3A_435 = arith.constant 0 : i32
    %scan3A_436 = arith.constant 64 : i32
    %scan3A_437 = arith.addi %scan3A_435, %scan3A_436 : i32
    %scan3A_438 = arith.constant 1 : i32
    %scan3A_439 = scf.for %scan3A_518 = %scan3A_435 to %scan3A_437 step %scan3A_438 iter_args(%scan3A_519 = %scan3A_434) -> (i32)  : i32 {
      %mul3A_520 = arith.constant 16 : i32
      %mul3A_521 = arith.muli %scan3A_518, %mul3A_520 : i32
      %get3A = arith.constant 4 : i32
      %get3A_522 = arith.index_cast %get3A : i32 to index
      %get3A_523 = arith.index_cast %mul3A_521 : i32 to index
      %get3A_524 = tpu.vector_load %arg5[%get3A_522, %get3A_523] {strides = array<i32>} : memref<16x1024xf32, #tpu.memory_space<vmem>>, vector<1x16xf32>,
      %get3A_525 = vector.shape_cast %get3A_524 : vector<1x16xf32> to vector<16xf32>
      %get3A_526 = arith.constant 4 : i32
      %get3A_527 = arith.index_cast %get3A_526 : i32 to index
      %get3A_528 = arith.index_cast %mul3A_521 : i32 to index
      %get3A_529 = tpu.vector_load %arg6[%get3A_527, %get3A_528] {strides = array<i32>} : memref<16x1024xf32, #tpu.memory_space<vmem>>, vector<1x16xf32>,
      %get3A_530 = vector.shape_cast %get3A_529 : vector<1x16xf32> to vector<16xf32>
      %add3A_531 = arith.addf %get3A_525, %get3A_530 : vector<16xf32>
      %swap3A = arith.constant 4 : i32
      %swap3A_532 = arith.index_cast %swap3A : i32 to index
      %swap3A_533 = arith.index_cast %mul3A_521 : i32 to index
      %swap3A_534 = tpu.vector_load %arg5[%swap3A_532, %swap3A_533] {strides = array<i32>} : memref<16x1024xf32, #tpu.memory_space<vmem>>, vector<1x16xf32>,
      %swap3A_535 = vector.shape_cast %swap3A_534 : vector<1x16xf32> to vector<16xf32>
      %swap3A_536 = vector.shape_cast %add3A_531 : vector<16xf32> to vector<1x16xf32>
      tpu.vector_store %arg5[%swap3A_532, %swap3A_533], %swap3A_536 {strides = array<i32>} : memref<16x1024xf32, #tpu.memory_space<vmem>>, vector<1x16xf32>,
      %scan3A_537 = arith.constant 0 : i32
      scf.yield %scan3A_537 : i32
    }
    %scan3A_440 = arith.constant 64 : i32
    %scan3A_441 = arith.constant 0 : i32
    %scan3A_442 = arith.constant 0 : i32
    %scan3A_443 = arith.constant 64 : i32
    %scan3A_444 = arith.addi %scan3A_442, %scan3A_443 : i32
    %scan3A_445 = arith.constant 1 : i32
    %scan3A_446 = scf.for %scan3A_518 = %scan3A_442 to %scan3A_444 step %scan3A_445 iter_args(%scan3A_519 = %scan3A_441) -> (i32)  : i32 {
      %mul3A_520 = arith.constant 16 : i32
      %mul3A_521 = arith.muli %scan3A_518, %mul3A_520 : i32
      %get3A = arith.constant 5 : i32
      %get3A_522 = arith.index_cast %get3A : i32 to index
      %get3A_523 = arith.index_cast %mul3A_521 : i32 to index
      %get3A_524 = tpu.vector_load %arg5[%get3A_522, %get3A_523] {strides = array<i32>} : memref<16x1024xf32, #tpu.memory_space<vmem>>, vector<1x16xf32>,
      %get3A_525 = vector.shape_cast %get3A_524 : vector<1x16xf32> to vector<16xf32>
      %get3A_526 = arith.constant 5 : i32
      %get3A_527 = arith.index_cast %get3A_526 : i32 to index
      %get3A_528 = arith.index_cast %mul3A_521 : i32 to index
      %get3A_529 = tpu.vector_load %arg6[%get3A_527, %get3A_528] {strides = array<i32>} : memref<16x1024xf32, #tpu.memory_space<vmem>>, vector<1x16xf32>,
      %get3A_530 = vector.shape_cast %get3A_529 : vector<1x16xf32> to vector<16xf32>
      %add3A_531 = arith.addf %get3A_525, %get3A_530 : vector<16xf32>
      %swap3A = arith.constant 5 : i32
      %swap3A_532 = arith.index_cast %swap3A : i32 to index
      %swap3A_533 = arith.index_cast %mul3A_521 : i32 to index
      %swap3A_534 = tpu.vector_load %arg5[%swap3A_532, %swap3A_533] {strides = array<i32>} : memref<16x1024xf32, #tpu.memory_space<vmem>>, vector<1x16xf32>,
      %swap3A_535 = vector.shape_cast %swap3A_534 : vector<1x16xf32> to vector<16xf32>
      %swap3A_536 = vector.shape_cast %add3A_531 : vector<16xf32> to vector<1x16xf32>
      tpu.vector_store %arg5[%swap3A_532, %swap3A_533], %swap3A_536 {strides = array<i32>} : memref<16x1024xf32, #tpu.memory_space<vmem>>, vector<1x16xf32>,
      %scan3A_537 = arith.constant 0 : i32
      scf.yield %scan3A_537 : i32
    }
    %scan3A_447 = arith.constant 64 : i32
    %scan3A_448 = arith.constant 0 : i32
    %scan3A_449 = arith.constant 0 : i32
    %scan3A_450 = arith.constant 64 : i32
    %scan3A_451 = arith.addi %scan3A_449, %scan3A_450 : i32
    %scan3A_452 = arith.constant 1 : i32
    %scan3A_453 = scf.for %scan3A_518 = %scan3A_449 to %scan3A_451 step %scan3A_452 iter_args(%scan3A_519 = %scan3A_448) -> (i32)  : i32 {
      %mul3A_520 = arith.constant 16 : i32
      %mul3A_521 = arith.muli %scan3A_518, %mul3A_520 : i32
      %get3A = arith.constant 6 : i32
      %get3A_522 = arith.index_cast %get3A : i32 to index
      %get3A_523 = arith.index_cast %mul3A_521 : i32 to index
      %get3A_524 = tpu.vector_load %arg5[%get3A_522, %get3A_523] {strides = array<i32>} : memref<16x1024xf32, #tpu.memory_space<vmem>>, vector<1x16xf32>,
      %get3A_525 = vector.shape_cast %get3A_524 : vector<1x16xf32> to vector<16xf32>
      %get3A_526 = arith.constant 6 : i32
      %get3A_527 = arith.index_cast %get3A_526 : i32 to index
      %get3A_528 = arith.index_cast %mul3A_521 : i32 to index
      %get3A_529 = tpu.vector_load %arg6[%get3A_527, %get3A_528] {strides = array<i32>} : memref<16x1024xf32, #tpu.memory_space<vmem>>, vector<1x16xf32>,
      %get3A_530 = vector.shape_cast %get3A_529 : vector<1x16xf32> to vector<16xf32>
      %add3A_531 = arith.addf %get3A_525, %get3A_530 : vector<16xf32>
      %swap3A = arith.constant 6 : i32
      %swap3A_532 = arith.index_cast %swap3A : i32 to index
      %swap3A_533 = arith.index_cast %mul3A_521 : i32 to index
      %swap3A_534 = tpu.vector_load %arg5[%swap3A_532, %swap3A_533] {strides = array<i32>} : memref<16x1024xf32, #tpu.memory_space<vmem>>, vector<1x16xf32>,
      %swap3A_535 = vector.shape_cast %swap3A_534 : vector<1x16xf32> to vector<16xf32>
      %swap3A_536 = vector.shape_cast %add3A_531 : vector<16xf32> to vector<1x16xf32>
      tpu.vector_store %arg5[%swap3A_532, %swap3A_533], %swap3A_536 {strides = array<i32>} : memref<16x1024xf32, #tpu.memory_space<vmem>>, vector<1x16xf32>,
      %scan3A_537 = arith.constant 0 : i32
      scf.yield %scan3A_537 : i32
    }
    %scan3A_454 = arith.constant 64 : i32
    %scan3A_455 = arith.constant 0 : i32
    %scan3A_456 = arith.constant 0 : i32
    %scan3A_457 = arith.constant 64 : i32
    %scan3A_458 = arith.addi %scan3A_456, %scan3A_457 : i32
    %scan3A_459 = arith.constant 1 : i32
    %scan3A_460 = scf.for %scan3A_518 = %scan3A_456 to %scan3A_458 step %scan3A_459 iter_args(%scan3A_519 = %scan3A_455) -> (i32)  : i32 {
      %mul3A_520 = arith.constant 16 : i32
      %mul3A_521 = arith.muli %scan3A_518, %mul3A_520 : i32
      %get3A = arith.constant 7 : i32
      %get3A_522 = arith.index_cast %get3A : i32 to index
      %get3A_523 = arith.index_cast %mul3A_521 : i32 to index
      %get3A_524 = tpu.vector_load %arg5[%get3A_522, %get3A_523] {strides = array<i32>} : memref<16x1024xf32, #tpu.memory_space<vmem>>, vector<1x16xf32>,
      %get3A_525 = vector.shape_cast %get3A_524 : vector<1x16xf32> to vector<16xf32>
      %get3A_526 = arith.constant 7 : i32
      %get3A_527 = arith.index_cast %get3A_526 : i32 to index
      %get3A_528 = arith.index_cast %mul3A_521 : i32 to index
      %get3A_529 = tpu.vector_load %arg6[%get3A_527, %get3A_528] {strides = array<i32>} : memref<16x1024xf32, #tpu.memory_space<vmem>>, vector<1x16xf32>,
      %get3A_530 = vector.shape_cast %get3A_529 : vector<1x16xf32> to vector<16xf32>
      %add3A_531 = arith.addf %get3A_525, %get3A_530 : vector<16xf32>
      %swap3A = arith.constant 7 : i32
      %swap3A_532 = arith.index_cast %swap3A : i32 to index
      %swap3A_533 = arith.index_cast %mul3A_521 : i32 to index
      %swap3A_534 = tpu.vector_load %arg5[%swap3A_532, %swap3A_533] {strides = array<i32>} : memref<16x1024xf32, #tpu.memory_space<vmem>>, vector<1x16xf32>,
      %swap3A_535 = vector.shape_cast %swap3A_534 : vector<1x16xf32> to vector<16xf32>
      %swap3A_536 = vector.shape_cast %add3A_531 : vector<16xf32> to vector<1x16xf32>
      tpu.vector_store %arg5[%swap3A_532, %swap3A_533], %swap3A_536 {strides = array<i32>} : memref<16x1024xf32, #tpu.memory_space<vmem>>, vector<1x16xf32>,
      %scan3A_537 = arith.constant 0 : i32
      scf.yield %scan3A_537 : i32
    }
    %scan3A_461 = arith.constant 64 : i32
    %scan3A_462 = arith.constant 0 : i32
    %scan3A_463 = arith.constant 0 : i32
    %scan3A_464 = arith.constant 64 : i32
    %scan3A_465 = arith.addi %scan3A_463, %scan3A_464 : i32
    %scan3A_466 = arith.constant 1 : i32
    %scan3A_467 = scf.for %scan3A_518 = %scan3A_463 to %scan3A_465 step %scan3A_466 iter_args(%scan3A_519 = %scan3A_462) -> (i32)  : i32 {
      %mul3A_520 = arith.constant 16 : i32
      %mul3A_521 = arith.muli %scan3A_518, %mul3A_520 : i32
      %get3A = arith.constant 8 : i32
      %get3A_522 = arith.index_cast %get3A : i32 to index
      %get3A_523 = arith.index_cast %mul3A_521 : i32 to index
      %get3A_524 = tpu.vector_load %arg5[%get3A_522, %get3A_523] {strides = array<i32>} : memref<16x1024xf32, #tpu.memory_space<vmem>>, vector<1x16xf32>,
      %get3A_525 = vector.shape_cast %get3A_524 : vector<1x16xf32> to vector<16xf32>
      %get3A_526 = arith.constant 8 : i32
      %get3A_527 = arith.index_cast %get3A_526 : i32 to index
      %get3A_528 = arith.index_cast %mul3A_521 : i32 to index
      %get3A_529 = tpu.vector_load %arg6[%get3A_527, %get3A_528] {strides = array<i32>} : memref<16x1024xf32, #tpu.memory_space<vmem>>, vector<1x16xf32>,
      %get3A_530 = vector.shape_cast %get3A_529 : vector<1x16xf32> to vector<16xf32>
      %add3A_531 = arith.addf %get3A_525, %get3A_530 : vector<16xf32>
      %swap3A = arith.constant 8 : i32
      %swap3A_532 = arith.index_cast %swap3A : i32 to index
      %swap3A_533 = arith.index_cast %mul3A_521 : i32 to index
      %swap3A_534 = tpu.vector_load %arg5[%swap3A_532, %swap3A_533] {strides = array<i32>} : memref<16x1024xf32, #tpu.memory_space<vmem>>, vector<1x16xf32>,
      %swap3A_535 = vector.shape_cast %swap3A_534 : vector<1x16xf32> to vector<16xf32>
      %swap3A_536 = vector.shape_cast %add3A_531 : vector<16xf32> to vector<1x16xf32>
      tpu.vector_store %arg5[%swap3A_532, %swap3A_533], %swap3A_536 {strides = array<i32>} : memref<16x1024xf32, #tpu.memory_space<vmem>>, vector<1x16xf32>,
      %scan3A_537 = arith.constant 0 : i32
      scf.yield %scan3A_537 : i32
    }
    %scan3A_468 = arith.constant 64 : i32
    %scan3A_469 = arith.constant 0 : i32
    %scan3A_470 = arith.constant 0 : i32
    %scan3A_471 = arith.constant 64 : i32
    %scan3A_472 = arith.addi %scan3A_470, %scan3A_471 : i32
    %scan3A_473 = arith.constant 1 : i32
    %scan3A_474 = scf.for %scan3A_518 = %scan3A_470 to %scan3A_472 step %scan3A_473 iter_args(%scan3A_519 = %scan3A_469) -> (i32)  : i32 {
      %mul3A_520 = arith.constant 16 : i32
      %mul3A_521 = arith.muli %scan3A_518, %mul3A_520 : i32
      %get3A = arith.constant 9 : i32
      %get3A_522 = arith.index_cast %get3A : i32 to index
      %get3A_523 = arith.index_cast %mul3A_521 : i32 to index
      %get3A_524 = tpu.vector_load %arg5[%get3A_522, %get3A_523] {strides = array<i32>} : memref<16x1024xf32, #tpu.memory_space<vmem>>, vector<1x16xf32>,
      %get3A_525 = vector.shape_cast %get3A_524 : vector<1x16xf32> to vector<16xf32>
      %get3A_526 = arith.constant 9 : i32
      %get3A_527 = arith.index_cast %get3A_526 : i32 to index
      %get3A_528 = arith.index_cast %mul3A_521 : i32 to index
      %get3A_529 = tpu.vector_load %arg6[%get3A_527, %get3A_528] {strides = array<i32>} : memref<16x1024xf32, #tpu.memory_space<vmem>>, vector<1x16xf32>,
      %get3A_530 = vector.shape_cast %get3A_529 : vector<1x16xf32> to vector<16xf32>
      %add3A_531 = arith.addf %get3A_525, %get3A_530 : vector<16xf32>
      %swap3A = arith.constant 9 : i32
      %swap3A_532 = arith.index_cast %swap3A : i32 to index
      %swap3A_533 = arith.index_cast %mul3A_521 : i32 to index
      %swap3A_534 = tpu.vector_load %arg5[%swap3A_532, %swap3A_533] {strides = array<i32>} : memref<16x1024xf32, #tpu.memory_space<vmem>>, vector<1x16xf32>,
      %swap3A_535 = vector.shape_cast %swap3A_534 : vector<1x16xf32> to vector<16xf32>
      %swap3A_536 = vector.shape_cast %add3A_531 : vector<16xf32> to vector<1x16xf32>
      tpu.vector_store %arg5[%swap3A_532, %swap3A_533], %swap3A_536 {strides = array<i32>} : memref<16x1024xf32, #tpu.memory_space<vmem>>, vector<1x16xf32>,
      %scan3A_537 = arith.constant 0 : i32
      scf.yield %scan3A_537 : i32
    }
    %scan3A_475 = arith.constant 64 : i32
    %scan3A_476 = arith.constant 0 : i32
    %scan3A_477 = arith.constant 0 : i32
    %scan3A_478 = arith.constant 64 : i32
    %scan3A_479 = arith.addi %scan3A_477, %scan3A_478 : i32
    %scan3A_480 = arith.constant 1 : i32
    %scan3A_481 = scf.for %scan3A_518 = %scan3A_477 to %scan3A_479 step %scan3A_480 iter_args(%scan3A_519 = %scan3A_476) -> (i32)  : i32 {
      %mul3A_520 = arith.constant 16 : i32
      %mul3A_521 = arith.muli %scan3A_518, %mul3A_520 : i32
      %get3A = arith.constant 10 : i32
      %get3A_522 = arith.index_cast %get3A : i32 to index
      %get3A_523 = arith.index_cast %mul3A_521 : i32 to index
      %get3A_524 = tpu.vector_load %arg5[%get3A_522, %get3A_523] {strides = array<i32>} : memref<16x1024xf32, #tpu.memory_space<vmem>>, vector<1x16xf32>,
      %get3A_525 = vector.shape_cast %get3A_524 : vector<1x16xf32> to vector<16xf32>
      %get3A_526 = arith.constant 10 : i32
      %get3A_527 = arith.index_cast %get3A_526 : i32 to index
      %get3A_528 = arith.index_cast %mul3A_521 : i32 to index
      %get3A_529 = tpu.vector_load %arg6[%get3A_527, %get3A_528] {strides = array<i32>} : memref<16x1024xf32, #tpu.memory_space<vmem>>, vector<1x16xf32>,
      %get3A_530 = vector.shape_cast %get3A_529 : vector<1x16xf32> to vector<16xf32>
      %add3A_531 = arith.addf %get3A_525, %get3A_530 : vector<16xf32>
      %swap3A = arith.constant 10 : i32
      %swap3A_532 = arith.index_cast %swap3A : i32 to index
      %swap3A_533 = arith.index_cast %mul3A_521 : i32 to index
      %swap3A_534 = tpu.vector_load %arg5[%swap3A_532, %swap3A_533] {strides = array<i32>} : memref<16x1024xf32, #tpu.memory_space<vmem>>, vector<1x16xf32>,
      %swap3A_535 = vector.shape_cast %swap3A_534 : vector<1x16xf32> to vector<16xf32>
      %swap3A_536 = vector.shape_cast %add3A_531 : vector<16xf32> to vector<1x16xf32>
      tpu.vector_store %arg5[%swap3A_532, %swap3A_533], %swap3A_536 {strides = array<i32>} : memref<16x1024xf32, #tpu.memory_space<vmem>>, vector<1x16xf32>,
      %scan3A_537 = arith.constant 0 : i32
      scf.yield %scan3A_537 : i32
    }
    %scan3A_482 = arith.constant 64 : i32
    %scan3A_483 = arith.constant 0 : i32
    %scan3A_484 = arith.constant 0 : i32
    %scan3A_485 = arith.constant 64 : i32
    %scan3A_486 = arith.addi %scan3A_484, %scan3A_485 : i32
    %scan3A_487 = arith.constant 1 : i32
    %scan3A_488 = scf.for %scan3A_518 = %scan3A_484 to %scan3A_486 step %scan3A_487 iter_args(%scan3A_519 = %scan3A_483) -> (i32)  : i32 {
      %mul3A_520 = arith.constant 16 : i32
      %mul3A_521 = arith.muli %scan3A_518, %mul3A_520 : i32
      %get3A = arith.constant 11 : i32
      %get3A_522 = arith.index_cast %get3A : i32 to index
      %get3A_523 = arith.index_cast %mul3A_521 : i32 to index
      %get3A_524 = tpu.vector_load %arg5[%get3A_522, %get3A_523] {strides = array<i32>} : memref<16x1024xf32, #tpu.memory_space<vmem>>, vector<1x16xf32>,
      %get3A_525 = vector.shape_cast %get3A_524 : vector<1x16xf32> to vector<16xf32>
      %get3A_526 = arith.constant 11 : i32
      %get3A_527 = arith.index_cast %get3A_526 : i32 to index
      %get3A_528 = arith.index_cast %mul3A_521 : i32 to index
      %get3A_529 = tpu.vector_load %arg6[%get3A_527, %get3A_528] {strides = array<i32>} : memref<16x1024xf32, #tpu.memory_space<vmem>>, vector<1x16xf32>,
      %get3A_530 = vector.shape_cast %get3A_529 : vector<1x16xf32> to vector<16xf32>
      %add3A_531 = arith.addf %get3A_525, %get3A_530 : vector<16xf32>
      %swap3A = arith.constant 11 : i32
      %swap3A_532 = arith.index_cast %swap3A : i32 to index
      %swap3A_533 = arith.index_cast %mul3A_521 : i32 to index
      %swap3A_534 = tpu.vector_load %arg5[%swap3A_532, %swap3A_533] {strides = array<i32>} : memref<16x1024xf32, #tpu.memory_space<vmem>>, vector<1x16xf32>,
      %swap3A_535 = vector.shape_cast %swap3A_534 : vector<1x16xf32> to vector<16xf32>
      %swap3A_536 = vector.shape_cast %add3A_531 : vector<16xf32> to vector<1x16xf32>
      tpu.vector_store %arg5[%swap3A_532, %swap3A_533], %swap3A_536 {strides = array<i32>} : memref<16x1024xf32, #tpu.memory_space<vmem>>, vector<1x16xf32>,
      %scan3A_537 = arith.constant 0 : i32
      scf.yield %scan3A_537 : i32
    }
    %scan3A_489 = arith.constant 64 : i32
    %scan3A_490 = arith.constant 0 : i32
    %scan3A_491 = arith.constant 0 : i32
    %scan3A_492 = arith.constant 64 : i32
    %scan3A_493 = arith.addi %scan3A_491, %scan3A_492 : i32
    %scan3A_494 = arith.constant 1 : i32
    %scan3A_495 = scf.for %scan3A_518 = %scan3A_491 to %scan3A_493 step %scan3A_494 iter_args(%scan3A_519 = %scan3A_490) -> (i32)  : i32 {
      %mul3A_520 = arith.constant 16 : i32
      %mul3A_521 = arith.muli %scan3A_518, %mul3A_520 : i32
      %get3A = arith.constant 12 : i32
      %get3A_522 = arith.index_cast %get3A : i32 to index
      %get3A_523 = arith.index_cast %mul3A_521 : i32 to index
      %get3A_524 = tpu.vector_load %arg5[%get3A_522, %get3A_523] {strides = array<i32>} : memref<16x1024xf32, #tpu.memory_space<vmem>>, vector<1x16xf32>,
      %get3A_525 = vector.shape_cast %get3A_524 : vector<1x16xf32> to vector<16xf32>
      %get3A_526 = arith.constant 12 : i32
      %get3A_527 = arith.index_cast %get3A_526 : i32 to index
      %get3A_528 = arith.index_cast %mul3A_521 : i32 to index
      %get3A_529 = tpu.vector_load %arg6[%get3A_527, %get3A_528] {strides = array<i32>} : memref<16x1024xf32, #tpu.memory_space<vmem>>, vector<1x16xf32>,
      %get3A_530 = vector.shape_cast %get3A_529 : vector<1x16xf32> to vector<16xf32>
      %add3A_531 = arith.addf %get3A_525, %get3A_530 : vector<16xf32>
      %swap3A = arith.constant 12 : i32
      %swap3A_532 = arith.index_cast %swap3A : i32 to index
      %swap3A_533 = arith.index_cast %mul3A_521 : i32 to index
      %swap3A_534 = tpu.vector_load %arg5[%swap3A_532, %swap3A_533] {strides = array<i32>} : memref<16x1024xf32, #tpu.memory_space<vmem>>, vector<1x16xf32>,
      %swap3A_535 = vector.shape_cast %swap3A_534 : vector<1x16xf32> to vector<16xf32>
      %swap3A_536 = vector.shape_cast %add3A_531 : vector<16xf32> to vector<1x16xf32>
      tpu.vector_store %arg5[%swap3A_532, %swap3A_533], %swap3A_536 {strides = array<i32>} : memref<16x1024xf32, #tpu.memory_space<vmem>>, vector<1x16xf32>,
      %scan3A_537 = arith.constant 0 : i32
      scf.yield %scan3A_537 : i32
    }
    %scan3A_496 = arith.constant 64 : i32
    %scan3A_497 = arith.constant 0 : i32
    %scan3A_498 = arith.constant 0 : i32
    %scan3A_499 = arith.constant 64 : i32
    %scan3A_500 = arith.addi %scan3A_498, %scan3A_499 : i32
    %scan3A_501 = arith.constant 1 : i32
    %scan3A_502 = scf.for %scan3A_518 = %scan3A_498 to %scan3A_500 step %scan3A_501 iter_args(%scan3A_519 = %scan3A_497) -> (i32)  : i32 {
      %mul3A_520 = arith.constant 16 : i32
      %mul3A_521 = arith.muli %scan3A_518, %mul3A_520 : i32
      %get3A = arith.constant 13 : i32
      %get3A_522 = arith.index_cast %get3A : i32 to index
      %get3A_523 = arith.index_cast %mul3A_521 : i32 to index
      %get3A_524 = tpu.vector_load %arg5[%get3A_522, %get3A_523] {strides = array<i32>} : memref<16x1024xf32, #tpu.memory_space<vmem>>, vector<1x16xf32>,
      %get3A_525 = vector.shape_cast %get3A_524 : vector<1x16xf32> to vector<16xf32>
      %get3A_526 = arith.constant 13 : i32
      %get3A_527 = arith.index_cast %get3A_526 : i32 to index
      %get3A_528 = arith.index_cast %mul3A_521 : i32 to index
      %get3A_529 = tpu.vector_load %arg6[%get3A_527, %get3A_528] {strides = array<i32>} : memref<16x1024xf32, #tpu.memory_space<vmem>>, vector<1x16xf32>,
      %get3A_530 = vector.shape_cast %get3A_529 : vector<1x16xf32> to vector<16xf32>
      %add3A_531 = arith.addf %get3A_525, %get3A_530 : vector<16xf32>
      %swap3A = arith.constant 13 : i32
      %swap3A_532 = arith.index_cast %swap3A : i32 to index
      %swap3A_533 = arith.index_cast %mul3A_521 : i32 to index
      %swap3A_534 = tpu.vector_load %arg5[%swap3A_532, %swap3A_533] {strides = array<i32>} : memref<16x1024xf32, #tpu.memory_space<vmem>>, vector<1x16xf32>,
      %swap3A_535 = vector.shape_cast %swap3A_534 : vector<1x16xf32> to vector<16xf32>
      %swap3A_536 = vector.shape_cast %add3A_531 : vector<16xf32> to vector<1x16xf32>
      tpu.vector_store %arg5[%swap3A_532, %swap3A_533], %swap3A_536 {strides = array<i32>} : memref<16x1024xf32, #tpu.memory_space<vmem>>, vector<1x16xf32>,
      %scan3A_537 = arith.constant 0 : i32
      scf.yield %scan3A_537 : i32
    }
    %scan3A_503 = arith.constant 64 : i32
    %scan3A_504 = arith.constant 0 : i32
    %scan3A_505 = arith.constant 0 : i32
    %scan3A_506 = arith.constant 64 : i32
    %scan3A_507 = arith.addi %scan3A_505, %scan3A_506 : i32
    %scan3A_508 = arith.constant 1 : i32
    %scan3A_509 = scf.for %scan3A_518 = %scan3A_505 to %scan3A_507 step %scan3A_508 iter_args(%scan3A_519 = %scan3A_504) -> (i32)  : i32 {
      %mul3A_520 = arith.constant 16 : i32
      %mul3A_521 = arith.muli %scan3A_518, %mul3A_520 : i32
      %get3A = arith.constant 14 : i32
      %get3A_522 = arith.index_cast %get3A : i32 to index
      %get3A_523 = arith.index_cast %mul3A_521 : i32 to index
      %get3A_524 = tpu.vector_load %arg5[%get3A_522, %get3A_523] {strides = array<i32>} : memref<16x1024xf32, #tpu.memory_space<vmem>>, vector<1x16xf32>,
      %get3A_525 = vector.shape_cast %get3A_524 : vector<1x16xf32> to vector<16xf32>
      %get3A_526 = arith.constant 14 : i32
      %get3A_527 = arith.index_cast %get3A_526 : i32 to index
      %get3A_528 = arith.index_cast %mul3A_521 : i32 to index
      %get3A_529 = tpu.vector_load %arg6[%get3A_527, %get3A_528] {strides = array<i32>} : memref<16x1024xf32, #tpu.memory_space<vmem>>, vector<1x16xf32>,
      %get3A_530 = vector.shape_cast %get3A_529 : vector<1x16xf32> to vector<16xf32>
      %add3A_531 = arith.addf %get3A_525, %get3A_530 : vector<16xf32>
      %swap3A = arith.constant 14 : i32
      %swap3A_532 = arith.index_cast %swap3A : i32 to index
      %swap3A_533 = arith.index_cast %mul3A_521 : i32 to index
      %swap3A_534 = tpu.vector_load %arg5[%swap3A_532, %swap3A_533] {strides = array<i32>} : memref<16x1024xf32, #tpu.memory_space<vmem>>, vector<1x16xf32>,
      %swap3A_535 = vector.shape_cast %swap3A_534 : vector<1x16xf32> to vector<16xf32>
      %swap3A_536 = vector.shape_cast %add3A_531 : vector<16xf32> to vector<1x16xf32>
      tpu.vector_store %arg5[%swap3A_532, %swap3A_533], %swap3A_536 {strides = array<i32>} : memref<16x1024xf32, #tpu.memory_space<vmem>>, vector<1x16xf32>,
      %scan3A_537 = arith.constant 0 : i32
      scf.yield %scan3A_537 : i32
    }
    %scan3A_510 = arith.constant 64 : i32
    %scan3A_511 = arith.constant 0 : i32
    %scan3A_512 = arith.constant 0 : i32
    %scan3A_513 = arith.constant 64 : i32
    %scan3A_514 = arith.addi %scan3A_512, %scan3A_513 : i32
    %scan3A_515 = arith.constant 1 : i32
    %scan3A_516 = scf.for %scan3A_518 = %scan3A_512 to %scan3A_514 step %scan3A_515 iter_args(%scan3A_519 = %scan3A_511) -> (i32)  : i32 {
      %mul3A_520 = arith.constant 16 : i32
      %mul3A_521 = arith.muli %scan3A_518, %mul3A_520 : i32
      %get3A = arith.constant 15 : i32
      %get3A_522 = arith.index_cast %get3A : i32 to index
      %get3A_523 = arith.index_cast %mul3A_521 : i32 to index
      %get3A_524 = tpu.vector_load %arg5[%get3A_522, %get3A_523] {strides = array<i32>} : memref<16x1024xf32, #tpu.memory_space<vmem>>, vector<1x16xf32>,
      %get3A_525 = vector.shape_cast %get3A_524 : vector<1x16xf32> to vector<16xf32>
      %get3A_526 = arith.constant 15 : i32
      %get3A_527 = arith.index_cast %get3A_526 : i32 to index
      %get3A_528 = arith.index_cast %mul3A_521 : i32 to index
      %get3A_529 = tpu.vector_load %arg6[%get3A_527, %get3A_528] {strides = array<i32>} : memref<16x1024xf32, #tpu.memory_space<vmem>>, vector<1x16xf32>,
      %get3A_530 = vector.shape_cast %get3A_529 : vector<1x16xf32> to vector<16xf32>
      %add3A_531 = arith.addf %get3A_525, %get3A_530 : vector<16xf32>
      %swap3A = arith.constant 15 : i32
      %swap3A_532 = arith.index_cast %swap3A : i32 to index
      %swap3A_533 = arith.index_cast %mul3A_521 : i32 to index
      %swap3A_534 = tpu.vector_load %arg5[%swap3A_532, %swap3A_533] {strides = array<i32>} : memref<16x1024xf32, #tpu.memory_space<vmem>>, vector<1x16xf32>,
      %swap3A_535 = vector.shape_cast %swap3A_534 : vector<1x16xf32> to vector<16xf32>
      %swap3A_536 = vector.shape_cast %add3A_531 : vector<16xf32> to vector<1x16xf32>
      tpu.vector_store %arg5[%swap3A_532, %swap3A_533], %swap3A_536 {strides = array<i32>} : memref<16x1024xf32, #tpu.memory_space<vmem>>, vector<1x16xf32>,
      %scan3A_537 = arith.constant 0 : i32
      scf.yield %scan3A_537 : i32
    }
    %scan3A_517 = arith.constant 64 : i32
    "tpu.region"() ({
      %run_scoped3A = tpu.sem_alloc : memref<!tpu.dma_semaphore, #tpu.memory_space<semaphore_mem>>
      %dma_start3A_518 = arith.constant 0 : i32
      %dma_start3A_519 = tpu.memref_slice %arg4[%add3A_391, %dma_start3A_518] : memref<2048x1024xf32, #tpu.memory_space<hbm>> -> memref<16x1024xf32, #tpu.memory_space<hbm>>
      %dma_start3A_520 = arith.constant 0 : i32
      %dma_start3A_521 = tpu.memref_slice %arg4[%add3A_391, %dma_start3A_520] : memref<2048x1024xf32, #tpu.memory_space<hbm>> -> memref<16x1024xf32, #tpu.memory_space<hbm>>
      tpu.enqueue_dma source(%arg5 : memref<16x1024xf32, #tpu.memory_space<vmem>>) target(%dma_start3A_521 : memref<16x1024xf32, #tpu.memory_space<hbm>>) target_semaphore(%run_scoped3A : memref<!tpu.dma_semaphore, #tpu.memory_space<semaphore_mem>>)
      %dma_wait3A_522 = arith.constant 0 : i32
      %dma_wait3A_523 = tpu.memref_slice %arg4[%add3A_391, %dma_wait3A_522] : memref<2048x1024xf32, #tpu.memory_space<hbm>> -> memref<16x1024xf32, #tpu.memory_space<hbm>>
      %dma_wait3A_524 = arith.constant 0 : i32
      %dma_wait3A_525 = tpu.memref_slice %arg4[%add3A_391, %dma_wait3A_524] : memref<2048x1024xf32, #tpu.memory_space<hbm>> -> memref<16x1024xf32, #tpu.memory_space<hbm>>
      tpu.wait_dma2 semaphore(%run_scoped3A : memref<!tpu.dma_semaphore, #tpu.memory_space<semaphore_mem>>) src(%arg5 : memref<16x1024xf32, #tpu.memory_space<vmem>>) dst(%dma_wait3A_525 : memref<16x1024xf32, #tpu.memory_space<hbm>>)
      tpu.yield
    }) : () -> ()
    return
  }
}

module attributes {stable_mosaic.version = 14 : i64} {
  func.func @_mlp_body(%arg0: i32, %arg1: memref<64xi32, #tpu.memory_space<smem>>, %arg2: memref<1xi32, #tpu.memory_space<smem>>, %arg3: memref<128x1024xf32, #tpu.memory_space<vmem>>, %arg4: memref<1x1x128xf32, #tpu.memory_space<vmem>>, %arg5: memref<1x2048x1024xbf16, #tpu.memory_space<vmem>>, %arg6: memref<1x2048x1024xbf16, #tpu.memory_space<vmem>>, %arg7: memref<1x1024x2048xbf16, #tpu.memory_space<vmem>>, %arg8: memref<128x1024xf32, #tpu.memory_space<vmem>>) attributes {dimension_semantics = [#tpu.dimension_semantics<arbitrary>], iteration_bounds = array<i64: 40>, scalar_prefetch = 2 : i64, scratch_operands = 0 : i64, tpu.core_type = #tpu.core_type<tc>, window_params = [{transform_indices = @transform_0, window_bounds = array<i64: 128, 1024>}, {transform_indices = @transform_1, window_bounds = array<i64: 1, 1, 128>}, {transform_indices = @transform_2, window_bounds = array<i64: 1, 2048, 1024>}, {transform_indices = @transform_3, window_bounds = array<i64: 1, 2048, 1024>}, {transform_indices = @transform_4, window_bounds = array<i64: 1, 1024, 2048>}, {transform_indices = @transform_5, window_bounds = array<i64: 128, 1024>}]} {
    %get3A = arith.constant 0 : index
    %get3A_0 = memref.load %arg2[%get3A] : memref<1xi32, #tpu.memory_space<smem>>
    %lt3A = arith.cmpi slt, %arg0, %get3A_0 : i32
    %convert_element_type3A = arith.extui %lt3A : i1 to i32
    %cond3A = arith.constant 0 : i32
    %cond3A_1 = arith.cmpi ne, %convert_element_type3A, %cond3A : i32
    scf.if %cond3A_1 {
      %get3A_2 = arith.constant 0 : index
      %get3A_3 = arith.constant 0 : index
      %get3A_4 = vector.load %arg3[%get3A_2, %get3A_3] : memref<128x1024xf32, #tpu.memory_space<vmem>>, vector<128x1024xf32>
      %convert_element_type3A_5 = arith.truncf %get3A_4 : vector<128x1024xf32> to vector<128x1024xbf16>
      %get3A_6 = arith.constant 0 : index
      %get3A_7 = arith.constant 0 : index
      %get3A_8 = arith.constant 0 : index
      %get3A_9 = vector.load %arg5[%get3A_6, %get3A_7, %get3A_8] : memref<1x2048x1024xbf16, #tpu.memory_space<vmem>>, vector<1x2048x1024xbf16>
      %get3A_10 = vector.shape_cast %get3A_9 : vector<1x2048x1024xbf16> to vector<2048x1024xbf16>
      %get3A_11 = arith.constant 0 : index
      %get3A_12 = arith.constant 0 : index
      %get3A_13 = arith.constant 0 : index
      %get3A_14 = vector.load %arg6[%get3A_11, %get3A_12, %get3A_13] : memref<1x2048x1024xbf16, #tpu.memory_space<vmem>>, vector<1x2048x1024xbf16>
      %get3A_15 = vector.shape_cast %get3A_14 : vector<1x2048x1024xbf16> to vector<2048x1024xbf16>
      %get3A_16 = arith.constant 0 : index
      %get3A_17 = arith.constant 0 : index
      %get3A_18 = arith.constant 0 : index
      %get3A_19 = vector.load %arg7[%get3A_16, %get3A_17, %get3A_18] : memref<1x1024x2048xbf16, #tpu.memory_space<vmem>>, vector<1x1024x2048xbf16>
      %get3A_20 = vector.shape_cast %get3A_19 : vector<1x1024x2048xbf16> to vector<1024x2048xbf16>
      %dot_general3A = arith.constant dense<0.000000e+00> : vector<128x2048xf32>
      %dot_general3A_21 = tpu.matmul %convert_element_type3A_5, %get3A_10, %dot_general3A {dimension_numbers = #tpu.dot_dimension_numbers<[1], [1], [0], [0], [0, 0, 1, 0], [], []>, transpose_lhs_hint = false} : vector<128x1024xbf16>, vector<2048x1024xbf16>, vector<128x2048xf32> -> vector<128x2048xf32>
      %dot_general3A_22 = arith.constant dense<0.000000e+00> : vector<128x2048xf32>
      %dot_general3A_23 = tpu.matmul %convert_element_type3A_5, %get3A_15, %dot_general3A_22 {dimension_numbers = #tpu.dot_dimension_numbers<[1], [1], [0], [0], [0, 0, 1, 0], [], []>, transpose_lhs_hint = false} : vector<128x1024xbf16>, vector<2048x1024xbf16>, vector<128x2048xf32> -> vector<128x2048xf32>
      %neg3A = arith.constant 0.000000e+00 : f32
      %neg3A_24 = vector.broadcast %neg3A : f32 to vector<128x2048xf32>
      %neg3A_25 = arith.subf %neg3A_24, %dot_general3A_21 : vector<128x2048xf32>
      %exp3A = math.exp %neg3A_25 : vector<128x2048xf32>
      %add3A = arith.constant 1.000000e+00 : f32
      %add3A_26 = vector.broadcast %add3A : f32 to vector<128x2048xf32>
      %add3A_27 = arith.addf %add3A_26, %exp3A : vector<128x2048xf32>
      %div3A = arith.divf %dot_general3A_21, %add3A_27 : vector<128x2048xf32>
      %mul3A = arith.mulf %div3A, %dot_general3A_23 : vector<128x2048xf32>
      %convert_element_type3A_28 = arith.truncf %mul3A : vector<128x2048xf32> to vector<128x2048xbf16>
      %dot_general3A_29 = arith.constant dense<0.000000e+00> : vector<128x1024xf32>
      %dot_general3A_30 = tpu.matmul %convert_element_type3A_28, %get3A_20, %dot_general3A_29 {dimension_numbers = #tpu.dot_dimension_numbers<[1], [1], [0], [0], [0, 0, 1, 0], [], []>, transpose_lhs_hint = false} : vector<128x2048xbf16>, vector<1024x2048xbf16>, vector<128x1024xf32> -> vector<128x1024xf32>
      %get3A_31 = arith.constant 0 : index
      %get3A_32 = arith.constant 0 : index
      %get3A_33 = arith.constant 0 : index
      %get3A_34 = vector.load %arg4[%get3A_31, %get3A_32, %get3A_33] : memref<1x1x128xf32, #tpu.memory_space<vmem>>, vector<1x1x128xf32>
      %get3A_35 = vector.shape_cast %get3A_34 : vector<1x1x128xf32> to vector<1x128xf32>
      %iota3A = tpu.iota {dimensions = array<i32: 0>} : vector<128x128xi32>
      %iota3A_36 = tpu.iota {dimensions = array<i32: 1>} : vector<128x128xi32>
      %eq3A = arith.cmpi eq, %iota3A, %iota3A_36 : vector<128x128xi32>
      %broadcast_in_dim3A = vector.shape_cast %get3A_35 : vector<1x128xf32> to vector<1x128xf32>
      %broadcast_in_dim3A_37 = vector.broadcast %broadcast_in_dim3A : vector<1x128xf32> to vector<128x128xf32>
      %jit3A = arith.constant 0.000000e+00 : f32
      %broadcast_in_dim3A_38 = vector.broadcast %jit3A : f32 to vector<128x128xf32>
      %select_n3A = arith.select %eq3A, %broadcast_in_dim3A_37, %broadcast_in_dim3A_38 : vector<128x128xi1>, vector<128x128xf32>
      %convert_element_type3A_39 = arith.truncf %select_n3A : vector<128x128xf32> to vector<128x128xbf16>
      %convert_element_type3A_40 = arith.truncf %dot_general3A_30 : vector<128x1024xf32> to vector<128x1024xbf16>
      %dot_general3A_41 = arith.constant dense<0.000000e+00> : vector<128x1024xf32>
      %dot_general3A_42 = tpu.matmul %convert_element_type3A_39, %convert_element_type3A_40, %dot_general3A_41 {dimension_numbers = #tpu.dot_dimension_numbers<[1], [0], [0], [1], [0, 0, 1, 1], [], []>, transpose_lhs_hint = false} : vector<128x128xbf16>, vector<128x1024xbf16>, vector<128x1024xf32> -> vector<128x1024xf32>
      %swap3A = arith.constant 0 : index
      %swap3A_43 = arith.constant 0 : index
      %swap3A_44 = vector.load %arg8[%swap3A, %swap3A_43] : memref<128x1024xf32, #tpu.memory_space<vmem>>, vector<128x1024xf32>
      tpu.vector_store %arg8[%swap3A, %swap3A_43], %dot_general3A_42 {strides = array<i32>} : memref<128x1024xf32, #tpu.memory_space<vmem>>, vector<128x1024xf32>,
    } else {
    }
    return
  }
  func.func @transform_0(%arg0: i32, %arg1: memref<64xi32, #tpu.memory_space<smem>>, %arg2: memref<1xi32, #tpu.memory_space<smem>>) -> (i32, i32) {
    %get3A = arith.constant 0 : index
    %get3A_0 = memref.load %arg2[%get3A] : memref<1xi32, #tpu.memory_space<smem>>
    %sub3A = arith.constant 1 : i32
    %sub3A_1 = arith.subi %get3A_0, %sub3A : i32
    %min3A = arith.minsi %arg0, %sub3A_1 : i32
    %c0_i32 = arith.constant 0 : i32
    %c0_i32_2 = arith.constant 0 : i32
    return %min3A, %c0_i32 : i32, i32
  }
  func.func @transform_1(%arg0: i32, %arg1: memref<64xi32, #tpu.memory_space<smem>>, %arg2: memref<1xi32, #tpu.memory_space<smem>>) -> (i32, i32, i32) {
    %get3A = arith.constant 0 : index
    %get3A_0 = memref.load %arg2[%get3A] : memref<1xi32, #tpu.memory_space<smem>>
    %sub3A = arith.constant 1 : i32
    %sub3A_1 = arith.subi %get3A_0, %sub3A : i32
    %min3A = arith.minsi %arg0, %sub3A_1 : i32
    %c0_i32 = arith.constant 0 : i32
    %c0_i32_2 = arith.constant 0 : i32
    %c0_i32_3 = arith.constant 0 : i32
    return %min3A, %c0_i32, %c0_i32_2 : i32, i32, i32
  }
  func.func @transform_2(%arg0: i32, %arg1: memref<64xi32, #tpu.memory_space<smem>>, %arg2: memref<1xi32, #tpu.memory_space<smem>>) -> (i32, i32, i32) {
    %get3A = arith.index_cast %arg0 : i32 to index
    %get3A_0 = memref.load %arg1[%get3A] : memref<64xi32, #tpu.memory_space<smem>>
    %c0_i32 = arith.constant 0 : i32
    %c0_i32_1 = arith.constant 0 : i32
    %c0_i32_2 = arith.constant 0 : i32
    return %get3A_0, %c0_i32, %c0_i32_1 : i32, i32, i32
  }
  func.func @transform_3(%arg0: i32, %arg1: memref<64xi32, #tpu.memory_space<smem>>, %arg2: memref<1xi32, #tpu.memory_space<smem>>) -> (i32, i32, i32) {
    %get3A = arith.index_cast %arg0 : i32 to index
    %get3A_0 = memref.load %arg1[%get3A] : memref<64xi32, #tpu.memory_space<smem>>
    %c0_i32 = arith.constant 0 : i32
    %c0_i32_1 = arith.constant 0 : i32
    %c0_i32_2 = arith.constant 0 : i32
    return %get3A_0, %c0_i32, %c0_i32_1 : i32, i32, i32
  }
  func.func @transform_4(%arg0: i32, %arg1: memref<64xi32, #tpu.memory_space<smem>>, %arg2: memref<1xi32, #tpu.memory_space<smem>>) -> (i32, i32, i32) {
    %get3A = arith.index_cast %arg0 : i32 to index
    %get3A_0 = memref.load %arg1[%get3A] : memref<64xi32, #tpu.memory_space<smem>>
    %c0_i32 = arith.constant 0 : i32
    %c0_i32_1 = arith.constant 0 : i32
    %c0_i32_2 = arith.constant 0 : i32
    return %get3A_0, %c0_i32, %c0_i32_1 : i32, i32, i32
  }
  func.func @transform_5(%arg0: i32, %arg1: memref<64xi32, #tpu.memory_space<smem>>, %arg2: memref<1xi32, #tpu.memory_space<smem>>) -> (i32, i32) {
    %get3A = arith.constant 0 : index
    %get3A_0 = memref.load %arg2[%get3A] : memref<1xi32, #tpu.memory_space<smem>>
    %sub3A = arith.constant 1 : i32
    %sub3A_1 = arith.subi %get3A_0, %sub3A : i32
    %min3A = arith.minsi %arg0, %sub3A_1 : i32
    %c0_i32 = arith.constant 0 : i32
    %c0_i32_2 = arith.constant 0 : i32
    return %min3A, %c0_i32 : i32, i32
  }
}

module attributes {stable_mosaic.version = 14 : i64} {
  func.func @_meta_body(%arg0: memref<2048x1024xf32, #tpu.memory_space<vmem>>, %arg1: memref<8x1024xf32, #tpu.memory_space<vmem>>, %arg2: memref<1x4096xi32, #tpu.memory_space<vmem>>, %arg3: memref<1x4096xf32, #tpu.memory_space<vmem>>, %arg4: memref<1x64xi32, #tpu.memory_space<vmem>>, %arg5: memref<1x8xi32, #tpu.memory_space<vmem>>) attributes {dimension_semantics = [], scalar_prefetch = 0 : i64, scratch_operands = 0 : i64, tpu.core_type = #tpu.core_type<tc>} {
    %get3A = arith.constant 0 : index
    %get3A_0 = arith.constant 0 : index
    %get3A_1 = vector.load %arg0[%get3A, %get3A_0] : memref<2048x1024xf32, #tpu.memory_space<vmem>>, vector<2048x1024xf32>
    %get3A_2 = arith.constant 0 : index
    %get3A_3 = arith.constant 0 : index
    %get3A_4 = vector.load %arg1[%get3A_2, %get3A_3] : memref<8x1024xf32, #tpu.memory_space<vmem>>, vector<8x1024xf32>
    %dot_general3A = arith.constant dense<0.000000e+00> : vector<8x2048xf32>
    %dot_general3A_5 = tpu.matmul %get3A_4, %get3A_1, %dot_general3A {dimension_numbers = #tpu.dot_dimension_numbers<[1], [1], [0], [0], [0, 0, 1, 0], [], []>, transpose_lhs_hint = false} : vector<8x1024xf32>, vector<2048x1024xf32>, vector<8x2048xf32> -> vector<8x2048xf32>
    %iota3A = tpu.iota {dimensions = array<i32: 0>} : vector<8x2048xi32>
    %reduce_max3A = arith.constant dense<0xFF800000> : vector<2048xf32>
    %reduce_max3A_6 = vector.multi_reduction <maximumf>, %dot_general3A_5, %reduce_max3A [0] : vector<8x2048xf32> to vector<2048xf32>
    %broadcast_in_dim3A = vector.shape_cast %reduce_max3A_6 : vector<2048xf32> to vector<1x2048xf32>
    %eq3A = vector.broadcast %broadcast_in_dim3A : vector<1x2048xf32> to vector<8x2048xf32>
    %eq3A_7 = arith.cmpf oeq, %dot_general3A_5, %eq3A : vector<8x2048xf32>
    %jit3A = arith.constant 8 : i32
    %broadcast_in_dim3A_8 = vector.broadcast %jit3A : i32 to vector<8x2048xi32>
    %select_n3A = arith.select %eq3A_7, %iota3A, %broadcast_in_dim3A_8 : vector<8x2048xi1>, vector<8x2048xi32>
    %reduce_min3A = arith.constant dense<2147483647> : vector<2048xi32>
    %reduce_min3A_9 = vector.multi_reduction <minsi>, %select_n3A, %reduce_min3A [0] : vector<8x2048xi32> to vector<2048xi32>
    %broadcast_in_dim3A_10 = vector.shape_cast %reduce_min3A_9 : vector<2048xi32> to vector<1x2048xi32>
    %eq3A_11 = vector.broadcast %broadcast_in_dim3A_10 : vector<1x2048xi32> to vector<8x2048xi32>
    %eq3A_12 = arith.cmpi eq, %iota3A, %eq3A_11 : vector<8x2048xi32>
    %jit3A_13 = arith.constant 0xFF800000 : f32
    %broadcast_in_dim3A_14 = vector.broadcast %jit3A_13 : f32 to vector<8x2048xf32>
    %select_n3A_15 = arith.select %eq3A_12, %broadcast_in_dim3A_14, %dot_general3A_5 : vector<8x2048xi1>, vector<8x2048xf32>
    %reduce_max3A_16 = arith.constant dense<0xFF800000> : vector<2048xf32>
    %reduce_max3A_17 = vector.multi_reduction <maximumf>, %select_n3A_15, %reduce_max3A_16 [0] : vector<8x2048xf32> to vector<2048xf32>
    %broadcast_in_dim3A_18 = vector.shape_cast %reduce_max3A_17 : vector<2048xf32> to vector<1x2048xf32>
    %eq3A_19 = vector.broadcast %broadcast_in_dim3A_18 : vector<1x2048xf32> to vector<8x2048xf32>
    %eq3A_20 = arith.cmpf oeq, %select_n3A_15, %eq3A_19 : vector<8x2048xf32>
    %jit3A_21 = arith.constant 8 : i32
    %broadcast_in_dim3A_22 = vector.broadcast %jit3A_21 : i32 to vector<8x2048xi32>
    %select_n3A_23 = arith.select %eq3A_20, %iota3A, %broadcast_in_dim3A_22 : vector<8x2048xi1>, vector<8x2048xi32>
    %reduce_min3A_24 = arith.constant dense<2147483647> : vector<2048xi32>
    %reduce_min3A_25 = vector.multi_reduction <minsi>, %select_n3A_23, %reduce_min3A_24 [0] : vector<8x2048xi32> to vector<2048xi32>
    %broadcast_in_dim3A_26 = vector.shape_cast %reduce_min3A_25 : vector<2048xi32> to vector<1x2048xi32>
    %sub3A = arith.subf %broadcast_in_dim3A_18, %broadcast_in_dim3A : vector<1x2048xf32>
    %exp3A = math.exp %sub3A : vector<1x2048xf32>
    %add3A = arith.constant 1.000000e+00 : f32
    %add3A_27 = vector.broadcast %add3A : f32 to vector<1x2048xf32>
    %add3A_28 = arith.addf %add3A_27, %exp3A : vector<1x2048xf32>
    %div3A = arith.constant 1.000000e+00 : f32
    %div3A_29 = vector.broadcast %div3A : f32 to vector<1x2048xf32>
    %div3A_30 = arith.divf %div3A_29, %add3A_28 : vector<1x2048xf32>
    %mul3A = arith.mulf %exp3A, %div3A_30 : vector<1x2048xf32>
    %concatenate3A = tpu.concatenate %broadcast_in_dim3A_10, %broadcast_in_dim3A_26 in 1 : vector<1x2048xi32>, vector<1x2048xi32> -> vector<1x4096xi32>
    %concatenate3A_31 = tpu.concatenate %div3A_30, %mul3A in 1 : vector<1x2048xf32>, vector<1x2048xf32> -> vector<1x4096xf32>
    %iota3A_32 = tpu.iota {dimensions = array<i32: 0>} : vector<8x4096xi32>
    %eq3A_33 = vector.broadcast %concatenate3A : vector<1x4096xi32> to vector<8x4096xi32>
    %eq3A_34 = arith.cmpi eq, %eq3A_33, %iota3A_32 : vector<8x4096xi32>
    %convert_element_type3A = arith.extui %eq3A_34 : vector<8x4096xi1> to vector<8x4096xi32>
    %jit3A_35 = arith.constant 0 : i32
    %pad3A = vector.broadcast %jit3A_35 : i32 to vector<8x1xi32>
    %pad3A_36 = tpu.concatenate %pad3A, %convert_element_type3A in 1 : vector<8x1xi32>, vector<8x4096xi32> -> vector<8x4097xi32>
    %slice3A = vector.extract_strided_slice %pad3A_36 {offsets = [0, 0], sizes = [8, 4096], strides = [1, 1]} : vector<8x4097xi32> to vector<8x4096xi32>
    %add3A_37 = arith.addi %convert_element_type3A, %slice3A : vector<8x4096xi32>
    %jit3A_38 = arith.constant 0 : i32
    %pad3A_39 = vector.broadcast %jit3A_38 : i32 to vector<8x2xi32>
    %pad3A_40 = tpu.concatenate %pad3A_39, %add3A_37 in 1 : vector<8x2xi32>, vector<8x4096xi32> -> vector<8x4098xi32>
    %slice3A_41 = vector.extract_strided_slice %pad3A_40 {offsets = [0, 0], sizes = [8, 4096], strides = [1, 1]} : vector<8x4098xi32> to vector<8x4096xi32>
    %add3A_42 = arith.addi %add3A_37, %slice3A_41 : vector<8x4096xi32>
    %jit3A_43 = arith.constant 0 : i32
    %pad3A_44 = vector.broadcast %jit3A_43 : i32 to vector<8x4xi32>
    %pad3A_45 = tpu.concatenate %pad3A_44, %add3A_42 in 1 : vector<8x4xi32>, vector<8x4096xi32> -> vector<8x4100xi32>
    %slice3A_46 = vector.extract_strided_slice %pad3A_45 {offsets = [0, 0], sizes = [8, 4096], strides = [1, 1]} : vector<8x4100xi32> to vector<8x4096xi32>
    %add3A_47 = arith.addi %add3A_42, %slice3A_46 : vector<8x4096xi32>
    %jit3A_48 = arith.constant 0 : i32
    %pad3A_49 = vector.broadcast %jit3A_48 : i32 to vector<8x8xi32>
    %pad3A_50 = tpu.concatenate %pad3A_49, %add3A_47 in 1 : vector<8x8xi32>, vector<8x4096xi32> -> vector<8x4104xi32>
    %slice3A_51 = vector.extract_strided_slice %pad3A_50 {offsets = [0, 0], sizes = [8, 4096], strides = [1, 1]} : vector<8x4104xi32> to vector<8x4096xi32>
    %add3A_52 = arith.addi %add3A_47, %slice3A_51 : vector<8x4096xi32>
    %jit3A_53 = arith.constant 0 : i32
    %pad3A_54 = vector.broadcast %jit3A_53 : i32 to vector<8x16xi32>
    %pad3A_55 = tpu.concatenate %pad3A_54, %add3A_52 in 1 : vector<8x16xi32>, vector<8x4096xi32> -> vector<8x4112xi32>
    %slice3A_56 = vector.extract_strided_slice %pad3A_55 {offsets = [0, 0], sizes = [8, 4096], strides = [1, 1]} : vector<8x4112xi32> to vector<8x4096xi32>
    %add3A_57 = arith.addi %add3A_52, %slice3A_56 : vector<8x4096xi32>
    %jit3A_58 = arith.constant 0 : i32
    %pad3A_59 = vector.broadcast %jit3A_58 : i32 to vector<8x32xi32>
    %pad3A_60 = tpu.concatenate %pad3A_59, %add3A_57 in 1 : vector<8x32xi32>, vector<8x4096xi32> -> vector<8x4128xi32>
    %slice3A_61 = vector.extract_strided_slice %pad3A_60 {offsets = [0, 0], sizes = [8, 4096], strides = [1, 1]} : vector<8x4128xi32> to vector<8x4096xi32>
    %add3A_62 = arith.addi %add3A_57, %slice3A_61 : vector<8x4096xi32>
    %jit3A_63 = arith.constant 0 : i32
    %pad3A_64 = vector.broadcast %jit3A_63 : i32 to vector<8x64xi32>
    %pad3A_65 = tpu.concatenate %pad3A_64, %add3A_62 in 1 : vector<8x64xi32>, vector<8x4096xi32> -> vector<8x4160xi32>
    %slice3A_66 = vector.extract_strided_slice %pad3A_65 {offsets = [0, 0], sizes = [8, 4096], strides = [1, 1]} : vector<8x4160xi32> to vector<8x4096xi32>
    %add3A_67 = arith.addi %add3A_62, %slice3A_66 : vector<8x4096xi32>
    %jit3A_68 = arith.constant 0 : i32
    %pad3A_69 = vector.broadcast %jit3A_68 : i32 to vector<8x128xi32>
    %pad3A_70 = tpu.concatenate %pad3A_69, %add3A_67 in 1 : vector<8x128xi32>, vector<8x4096xi32> -> vector<8x4224xi32>
    %slice3A_71 = vector.extract_strided_slice %pad3A_70 {offsets = [0, 0], sizes = [8, 4096], strides = [1, 1]} : vector<8x4224xi32> to vector<8x4096xi32>
    %add3A_72 = arith.addi %add3A_67, %slice3A_71 : vector<8x4096xi32>
    %jit3A_73 = arith.constant 0 : i32
    %pad3A_74 = vector.broadcast %jit3A_73 : i32 to vector<8x256xi32>
    %pad3A_75 = tpu.concatenate %pad3A_74, %add3A_72 in 1 : vector<8x256xi32>, vector<8x4096xi32> -> vector<8x4352xi32>
    %slice3A_76 = vector.extract_strided_slice %pad3A_75 {offsets = [0, 0], sizes = [8, 4096], strides = [1, 1]} : vector<8x4352xi32> to vector<8x4096xi32>
    %add3A_77 = arith.addi %add3A_72, %slice3A_76 : vector<8x4096xi32>
    %jit3A_78 = arith.constant 0 : i32
    %pad3A_79 = vector.broadcast %jit3A_78 : i32 to vector<8x512xi32>
    %pad3A_80 = tpu.concatenate %pad3A_79, %add3A_77 in 1 : vector<8x512xi32>, vector<8x4096xi32> -> vector<8x4608xi32>
    %slice3A_81 = vector.extract_strided_slice %pad3A_80 {offsets = [0, 0], sizes = [8, 4096], strides = [1, 1]} : vector<8x4608xi32> to vector<8x4096xi32>
    %add3A_82 = arith.addi %add3A_77, %slice3A_81 : vector<8x4096xi32>
    %jit3A_83 = arith.constant 0 : i32
    %pad3A_84 = vector.broadcast %jit3A_83 : i32 to vector<8x1024xi32>
    %pad3A_85 = tpu.concatenate %pad3A_84, %add3A_82 in 1 : vector<8x1024xi32>, vector<8x4096xi32> -> vector<8x5120xi32>
    %slice3A_86 = vector.extract_strided_slice %pad3A_85 {offsets = [0, 0], sizes = [8, 4096], strides = [1, 1]} : vector<8x5120xi32> to vector<8x4096xi32>
    %add3A_87 = arith.addi %add3A_82, %slice3A_86 : vector<8x4096xi32>
    %jit3A_88 = arith.constant 0 : i32
    %pad3A_89 = vector.broadcast %jit3A_88 : i32 to vector<8x2048xi32>
    %pad3A_90 = tpu.concatenate %pad3A_89, %add3A_87 in 1 : vector<8x2048xi32>, vector<8x4096xi32> -> vector<8x6144xi32>
    %slice3A_91 = vector.extract_strided_slice %pad3A_90 {offsets = [0, 0], sizes = [8, 4096], strides = [1, 1]} : vector<8x6144xi32> to vector<8x4096xi32>
    %add3A_92 = arith.addi %add3A_87, %slice3A_91 : vector<8x4096xi32>
    %mul3A_93 = arith.muli %convert_element_type3A, %add3A_92 : vector<8x4096xi32>
    %reduce_sum3A = arith.constant dense<0> : vector<4096xi32>
    %reduce_sum3A_94 = vector.multi_reduction <add>, %mul3A_93, %reduce_sum3A [0] : vector<8x4096xi32> to vector<4096xi32>
    %broadcast_in_dim3A_95 = vector.shape_cast %reduce_sum3A_94 : vector<4096xi32> to vector<1x4096xi32>
    %sub3A_96 = arith.constant 1 : i32
    %sub3A_97 = vector.broadcast %sub3A_96 : i32 to vector<1x4096xi32>
    %sub3A_98 = arith.subi %broadcast_in_dim3A_95, %sub3A_97 : vector<1x4096xi32>
    %slice3A_99 = vector.extract_strided_slice %add3A_92 {offsets = [0, 4095], sizes = [8, 1], strides = [1, 1]} : vector<8x4096xi32> to vector<8x1xi32>
    %add3A_100 = arith.constant 128 : i32
    %add3A_101 = vector.broadcast %add3A_100 : i32 to vector<8x1xi32>
    %add3A_102 = arith.addi %slice3A_99, %add3A_101 : vector<8x1xi32>
    %sub3A_103 = arith.constant 1 : i32
    %sub3A_104 = vector.broadcast %sub3A_103 : i32 to vector<8x1xi32>
    %sub3A_105 = arith.subi %add3A_102, %sub3A_104 : vector<8x1xi32>
    %jit3A_106 = arith.constant 128 : i32
    %div3A_107 = vector.broadcast %jit3A_106 : i32 to vector<8x1xi32>
    %div3A_108 = arith.divsi %sub3A_105, %div3A_107 : vector<8x1xi32>
    %sign3A = arith.constant 0 : i32
    %sign3A_109 = vector.broadcast %sign3A : i32 to vector<8x1xi32>
    %sign3A_110 = arith.cmpi sgt, %sub3A_105, %sign3A_109 : vector<8x1xi32>
    %sign3A_111 = arith.extui %sign3A_110 : vector<8x1xi1> to vector<8x1xi32>
    %sign3A_112 = arith.constant 0 : i32
    %sign3A_113 = vector.broadcast %sign3A_112 : i32 to vector<8x1xi32>
    %sign3A_114 = arith.cmpi slt, %sub3A_105, %sign3A_113 : vector<8x1xi32>
    %sign3A_115 = arith.extui %sign3A_114 : vector<8x1xi1> to vector<8x1xi32>
    %sign3A_116 = arith.subi %sign3A_111, %sign3A_115 : vector<8x1xi32>
    %sign3A_117 = arith.constant 0 : i32
    %sign3A_118 = arith.cmpi sgt, %jit3A_106, %sign3A_117 : i32
    %sign3A_119 = arith.extui %sign3A_118 : i1 to i32
    %sign3A_120 = arith.constant 0 : i32
    %sign3A_121 = arith.cmpi slt, %jit3A_106, %sign3A_120 : i32
    %sign3A_122 = arith.extui %sign3A_121 : i1 to i32
    %sign3A_123 = arith.subi %sign3A_119, %sign3A_122 : i32
    %ne3A = vector.broadcast %sign3A_123 : i32 to vector<8x1xi32>
    %ne3A_124 = arith.cmpi ne, %sign3A_116, %ne3A : vector<8x1xi32>
    %rem3A = vector.broadcast %jit3A_106 : i32 to vector<8x1xi32>
    %rem3A_125 = arith.remsi %sub3A_105, %rem3A : vector<8x1xi32>
    %ne3A_126 = arith.constant 0 : i32
    %ne3A_127 = vector.broadcast %ne3A_126 : i32 to vector<8x1xi32>
    %ne3A_128 = arith.cmpi ne, %rem3A_125, %ne3A_127 : vector<8x1xi32>
    %and3A = arith.andi %ne3A_124, %ne3A_128 : vector<8x1xi1>
    %sub3A_129 = arith.constant 1 : i32
    %sub3A_130 = vector.broadcast %sub3A_129 : i32 to vector<8x1xi32>
    %sub3A_131 = arith.subi %div3A_108, %sub3A_130 : vector<8x1xi32>
    %select_n3A_132 = arith.select %and3A, %sub3A_131, %div3A_108 : vector<8x1xi1>, vector<8x1xi32>
    %jit3A_133 = arith.constant 0 : i32
    %pad3A_134 = vector.broadcast %jit3A_133 : i32 to vector<1x1xi32>
    %pad3A_135 = tpu.concatenate %pad3A_134, %select_n3A_132 in 0 : vector<1x1xi32>, vector<8x1xi32> -> vector<9x1xi32>
    %slice3A_136 = vector.extract_strided_slice %pad3A_135 {offsets = [0, 0], sizes = [8, 1], strides = [1, 1]} : vector<9x1xi32> to vector<8x1xi32>
    %add3A_137 = arith.addi %select_n3A_132, %slice3A_136 : vector<8x1xi32>
    %jit3A_138 = arith.constant 0 : i32
    %pad3A_139 = vector.broadcast %jit3A_138 : i32 to vector<2x1xi32>
    %pad3A_140 = tpu.concatenate %pad3A_139, %add3A_137 in 0 : vector<2x1xi32>, vector<8x1xi32> -> vector<10x1xi32>
    %slice3A_141 = vector.extract_strided_slice %pad3A_140 {offsets = [0, 0], sizes = [8, 1], strides = [1, 1]} : vector<10x1xi32> to vector<8x1xi32>
    %add3A_142 = arith.addi %add3A_137, %slice3A_141 : vector<8x1xi32>
    %jit3A_143 = arith.constant 0 : i32
    %pad3A_144 = vector.broadcast %jit3A_143 : i32 to vector<4x1xi32>
    %pad3A_145 = tpu.concatenate %pad3A_144, %add3A_142 in 0 : vector<4x1xi32>, vector<8x1xi32> -> vector<12x1xi32>
    %slice3A_146 = vector.extract_strided_slice %pad3A_145 {offsets = [0, 0], sizes = [8, 1], strides = [1, 1]} : vector<12x1xi32> to vector<8x1xi32>
    %add3A_147 = arith.addi %add3A_142, %slice3A_146 : vector<8x1xi32>
    %sub3A_148 = arith.subi %add3A_147, %select_n3A_132 : vector<8x1xi32>
    %mul3A_149 = arith.constant 128 : i32
    %mul3A_150 = vector.broadcast %mul3A_149 : i32 to vector<8x1xi32>
    %mul3A_151 = arith.muli %sub3A_148, %mul3A_150 : vector<8x1xi32>
    %mul3A_152 = vector.broadcast %mul3A_151 : vector<8x1xi32> to vector<8x4096xi32>
    %mul3A_153 = arith.muli %convert_element_type3A, %mul3A_152 : vector<8x4096xi32>
    %reduce_sum3A_154 = arith.constant dense<0> : vector<4096xi32>
    %reduce_sum3A_155 = vector.multi_reduction <add>, %mul3A_153, %reduce_sum3A_154 [0] : vector<8x4096xi32> to vector<4096xi32>
    %broadcast_in_dim3A_156 = vector.shape_cast %reduce_sum3A_155 : vector<4096xi32> to vector<1x4096xi32>
    %add3A_157 = arith.addi %broadcast_in_dim3A_156, %sub3A_98 : vector<1x4096xi32>
    %reduce_max3A_158 = vector.shape_cast %add3A_147 : vector<8x1xi32> to vector<1x8x1xi32>
    %reduce_max3A_159 = arith.constant dense<-2147483648> : vector<1xi32>
    %reduce_max3A_160 = vector.multi_reduction <maxsi>, %reduce_max3A_158, %reduce_max3A_159 [1, 2] : vector<1x8x1xi32> to vector<1xi32>
    %reduce_max3A_161 = vector.shape_cast %reduce_max3A_160 : vector<1xi32> to vector<1x1x1xi32>
    %reduce_max3A_162 = vector.extract %reduce_max3A_161[0, 0, 0] : i32 from vector<1x1x1xi32>
    %iota3A_163 = tpu.iota {dimensions = array<i32: 1>} : vector<8x64xi32>
    %ge3A = vector.broadcast %add3A_147 : vector<8x1xi32> to vector<8x64xi32>
    %ge3A_164 = arith.cmpi sge, %iota3A_163, %ge3A : vector<8x64xi32>
    %convert_element_type3A_165 = arith.extui %ge3A_164 : vector<8x64xi1> to vector<8x64xi32>
    %reduce_sum3A_166 = arith.constant dense<0> : vector<64xi32>
    %reduce_sum3A_167 = vector.multi_reduction <add>, %convert_element_type3A_165, %reduce_sum3A_166 [0] : vector<8x64xi32> to vector<64xi32>
    %broadcast_in_dim3A_168 = vector.shape_cast %reduce_sum3A_167 : vector<64xi32> to vector<1x64xi32>
    %iota3A_169 = tpu.iota {dimensions = array<i32: 0>} : vector<8x1xi32>
    %gt3A = arith.constant 0 : i32
    %gt3A_170 = vector.broadcast %gt3A : i32 to vector<8x1xi32>
    %gt3A_171 = arith.cmpi sgt, %select_n3A_132, %gt3A_170 : vector<8x1xi32>
    %jit3A_172 = arith.constant 0 : i32
    %broadcast_in_dim3A_173 = vector.broadcast %jit3A_172 : i32 to vector<8x1xi32>
    %select_n3A_174 = arith.select %gt3A_171, %iota3A_169, %broadcast_in_dim3A_173 : vector<8x1xi1>, vector<8x1xi32>
    %reduce_max3A_175 = vector.shape_cast %select_n3A_174 : vector<8x1xi32> to vector<1x8x1xi32>
    %reduce_max3A_176 = arith.constant dense<-2147483648> : vector<1xi32>
    %reduce_max3A_177 = vector.multi_reduction <maxsi>, %reduce_max3A_175, %reduce_max3A_176 [1, 2] : vector<1x8x1xi32> to vector<1xi32>
    %reduce_max3A_178 = vector.shape_cast %reduce_max3A_177 : vector<1xi32> to vector<1x1x1xi32>
    %reduce_max3A_179 = vector.extract %reduce_max3A_178[0, 0, 0] : i32 from vector<1x1x1xi32>
    %iota3A_180 = tpu.iota {dimensions = array<i32: 1>} : vector<1x64xi32>
    %ge3A_181 = vector.broadcast %reduce_max3A_162 : i32 to vector<1x64xi32>
    %ge3A_182 = arith.cmpi sge, %iota3A_180, %ge3A_181 : vector<1x64xi32>
    %min3A = arith.constant 7 : i32
    %min3A_183 = vector.broadcast %min3A : i32 to vector<1x64xi32>
    %min3A_184 = arith.minsi %broadcast_in_dim3A_168, %min3A_183 : vector<1x64xi32>
    %broadcast_in_dim3A_185 = vector.broadcast %reduce_max3A_179 : i32 to vector<1x64xi32>
    %select_n3A_186 = arith.select %ge3A_182, %broadcast_in_dim3A_185, %min3A_184 : vector<1x64xi1>, vector<1x64xi32>
    %swap3A = arith.constant 0 : index
    %swap3A_187 = arith.constant 0 : index
    %swap3A_188 = vector.load %arg2[%swap3A, %swap3A_187] : memref<1x4096xi32, #tpu.memory_space<vmem>>, vector<1x4096xi32>
    tpu.vector_store %arg2[%swap3A, %swap3A_187], %add3A_157 {strides = array<i32>} : memref<1x4096xi32, #tpu.memory_space<vmem>>, vector<1x4096xi32>,
    %swap3A_189 = arith.constant 0 : index
    %swap3A_190 = arith.constant 0 : index
    %swap3A_191 = vector.load %arg3[%swap3A_189, %swap3A_190] : memref<1x4096xf32, #tpu.memory_space<vmem>>, vector<1x4096xf32>
    tpu.vector_store %arg3[%swap3A_189, %swap3A_190], %concatenate3A_31 {strides = array<i32>} : memref<1x4096xf32, #tpu.memory_space<vmem>>, vector<1x4096xf32>,
    %swap3A_192 = arith.constant 0 : index
    %swap3A_193 = arith.constant 0 : index
    %swap3A_194 = vector.load %arg4[%swap3A_192, %swap3A_193] : memref<1x64xi32, #tpu.memory_space<vmem>>, vector<1x64xi32>
    tpu.vector_store %arg4[%swap3A_192, %swap3A_193], %select_n3A_186 {strides = array<i32>} : memref<1x64xi32, #tpu.memory_space<vmem>>, vector<1x64xi32>,
    %broadcast_in_dim3A_195 = vector.broadcast %reduce_max3A_162 : i32 to vector<1x8xi32>
    %swap3A_196 = arith.constant 0 : index
    %swap3A_197 = arith.constant 0 : index
    %swap3A_198 = vector.load %arg5[%swap3A_196, %swap3A_197] : memref<1x8xi32, #tpu.memory_space<vmem>>, vector<1x8xi32>
    tpu.vector_store %arg5[%swap3A_196, %swap3A_197], %broadcast_in_dim3A_195 {strides = array<i32>} : memref<1x8xi32, #tpu.memory_space<vmem>>, vector<1x8xi32>,
    return
  }
}

</mosaic_0001>

<sc_bundles>
// kernel: kernel.6.cloned.1.call-start
scs
__scs_entry_jumppad:
0x0: {  	(pc) =	sbr.rel $0x88, $3  }
0x1: {  	(tag) =	ssettag $0x0;
	lr =	simm.s32 $0x1  }
0x2: {  	[smem:$0x3F9C] =	sst lr;
	_ =	strace $0xD0000000  }
0x3: {  	_ = 	snop  }
0x4: {  	_ = 	snop  }
0x5: {  	_ = 	snop  }
0x6: {  	_ = 	snop  }
0x7: {  	_ = 	snop  }
__scs_overlays_trampoline_lowered:
0x8: {  	[smem:$0x3FAB] =	sst s0  }
0x9: {  	[smem:$0x3FAC] =	sst s1  }
0xa: {  	[smem:$0x3FAD] =	sst s2  }
0xb: {  	[smem:$0x3FAE] =	sst s3  }
0xc: {  	[smem:$0x3FAF] =	sst s4  }
0xd: {  	[smem:$0x3FB0] =	sst s5  }
0xe: {  	[smem:$0x3FB1] =	sst s6  }
0xf: {  	[smem:$0x3FB2] =	sst s7  }
0x10: {  	[smem:$0x3FB3] =	sst s8  }
0x11: {  	[smem:$0x3FB4] =	sst s9;
	s0 =	simm.s32 @!p0 $0x0  }
0x12: {  	s1 =	sld [smem:$0x3F9A];
	s0 =	simm.s32 @p0 $0x1  }
0x13: {  	[smem:$0x3FB5] =	sst s0;
	s0 =	simm.s32 @!p1 $0x0  }
0x14: {  	s2 =	sld [smem:$0x3F99];
	s0 =	simm.s32 @p1 $0x1  }
0x15: {  	[smem:$0x3FB6] =	sst s0;
	s0 =	simm.s32 @!p2 $0x0  }
0x16: {  	s3 =	sld [smem:$0x3FDB];
	s0 =	simm.s32 @p2 $0x1  }
0x17: {  	s4 =	simm.s32 $0x1BF5;
	[smem:$0x3FB8] =	sst s0  }
0x18: {  	s0 =	sld [smem:$0x3F9B];
	_ =	swait.ge [sflag:s4], $0x0  }
0x19: {  	s7 =	sld [smem:$0x3F9C]  }
0x1a: {  	s8 =	sadd.s32 $0xFFFFE003, lr  }
0x1b: {  	s9 =	sadd.s32 $0xFFFFFEF7, lr;
	s5 =	simm.s32 $0xFFFFFFFF;
	p2 =	slt.u32 s8, $0xFFFFF086  }
0x1c: {  	p1 =	slt.u32 s9, $0xF7A;
	s5 =	simm.s32 @!p2 $0x0  }
0x1d: {  	s5 =	simm.s32 @p1 $0x1;
	p0 =	seq.s32 s7, s2  }
0x1e: {  	s7 =	smul.u32 @!p0 $0xF7A, s2;
	p2 =	seq.s32 @!p0 s5, $0x0  }
0x1f: {  	s9 =	smul.u32 $0xF7A, s1;
	s8 =	simm.s32 @!p0 $0x1BF5;
	p2 =	por !p2, p0  }
0x20: {  	[sflag:s8] =	ssyncset.s32 @!p0 $0xFFFFF086;
	s6 =	sadd.s32 @!p0 s3, s7;
	s7 =	simm.s32 @!p0 $0x108  }
0x21: {  	s3 =	sadd.s32 s3, s9;
	s6 =	sadd.s32 @!p0 $0x88, s6;
	s7 =	simm.s32 @p2 $0x1082  }
0x22: {  	[simem:s7], [sflag:s8] =	dma.local @!p0 [hbm:s6], $0xF7A  }
0x23: {  	s9 =	sor.u32 $0xD0000000, s2;
	s6 =	simm.s32 $0x108;
	_ =	swait.ge @!p0 [sflag:s8], $0x0  }
0x24: {  	s3 =	sadd.s32 $0x88, s3;
	s6 =	simm.s32 @!p1 $0x1082;
	[sflag:s4] =	ssyncset.s32 $0xFFFFF086  }
0x25: {  	[simem:s6], [sflag:s4] =	dma.local [hbm:s3], $0xF7A  }
0x26: {  	[smem:$0x3F9C] =	sst s1;
	(tag) =	ssettag s2;
	_ =	strace s9  }
0x27: {  	s1 =	sld [smem:$0x3FAC]  }
0x28: {  	s2 =	sld [smem:$0x3FAD]  }
0x29: {  	s4 =	sld [smem:$0x3FAF]  }
0x2a: {  	p0 =	seq.s32 s5, $0x0;
	s5 =	sld [smem:$0x3FB0]  }
0x2b: {  	s6 =	sld [smem:$0x3FB1]  }
0x2c: {  	s7 =	sld [smem:$0x3FB2]  }
0x2d: {  	s3 =	simm.s32 $0x108;
	s8 =	sld [smem:$0x3FB3]  }
0x2e: {  	s3 =	simm.s32 @!p0 $0x1082;
	s9 =	sld [smem:$0x3FB4]  }
0x2f: {  	lr =	sadd.s32 s0, s3;
	s0 =	sld [smem:$0x3FAB]  }
0x30: {  	s3 =	sld [smem:$0x3FAE]  }
0x31: {  	[smem:$0x3FB7] =	sst s10  }
0x32: {  	s10 =	sld [smem:$0x3FB5];
	_ =	sdelay $0x3  }
0x33: {  	p0 =	seq.s32 s10, $0x1;
	s10 =	sld [smem:$0x3FB7];
	_ =	sdelay $0x3  }
0x34: {  	[smem:$0x3FB7] =	sst s10  }
0x35: {  	s10 =	sld [smem:$0x3FB6];
	_ =	sdelay $0x3  }
0x36: {  	p1 =	seq.s32 s10, $0x1;
	s10 =	sld [smem:$0x3FB7];
	_ =	sdelay $0x3  }
0x37: {  	[smem:$0x3FB7] =	sst s10  }
0x38: {  	s10 =	sld [smem:$0x3FB8]  }
0x39: {  	_ = 	snop;
	(pc) =	sbr.ind lr, $3  }
0x3a: {  	_ = 	snop  }
0x3b: {  	_ = 	snop  }
0x3c: {  	p2 =	seq.s32 s10, $0x1;
	s10 =	sld [smem:$0x3FB7]  }
0x3d: {  	_ =	shalt  }
0x3e: {  	_ =	shalt  }
0x3f: {  	_ =	shalt  }
0x40: {  	_ =	shalt  }
0x41: {  	_ =	shalt  }
0x42: {  	_ =	shalt  }
0x43: {  	_ =	shalt  }
0x44: {  	_ =	shalt  }
0x45: {  	_ =	shalt  }
0x46: {  	_ =	shalt  }
0x47: {  	_ =	shalt  }
0x48: {  	_ =	shalt  }
0x49: {  	_ =	shalt  }
0x4a: {  	_ =	shalt  }
0x4b: {  	_ =	shalt  }
0x4c: {  	_ =	shalt  }
0x4d: {  	_ =	shalt  }
0x4e: {  	_ =	shalt  }
0x4f: {  	_ =	shalt  }
0x50: {  	_ =	shalt  }
0x51: {  	_ =	shalt  }
0x52: {  	_ =	shalt  }
0x53: {  	_ =	shalt  }
0x54: {  	_ =	shalt  }
0x55: {  	_ =	shalt  }
0x56: {  	_ =	shalt  }
0x57: {  	_ =	shalt  }
0x58: {  	_ =	shalt  }
0x59: {  	_ =	shalt  }
0x5a: {  	_ =	shalt  }
0x5b: {  	_ =	shalt  }
0x5c: {  	_ =	shalt  }
0x5d: {  	_ =	shalt  }
0x5e: {  	_ =	shalt  }
0x5f: {  	_ =	shalt  }
0x60: {  	_ =	shalt  }
0x61: {  	_ =	shalt  }
0x62: {  	_ =	shalt  }
0x63: {  	_ =	shalt  }
0x64: {  	_ =	shalt  }
0x65: {  	_ =	shalt  }
0x66: {  	_ =	shalt  }
0x67: {  	_ =	shalt  }
0x68: {  	_ =	shalt  }
0x69: {  	_ =	shalt  }
0x6a: {  	_ =	shalt  }
0x6b: {  	_ =	shalt  }
0x6c: {  	_ =	shalt  }
0x6d: {  	_ =	shalt  }
0x6e: {  	_ =	shalt  }
0x6f: {  	_ =	shalt  }
0x70: {  	_ =	shalt  }
0x71: {  	_ =	shalt  }
0x72: {  	_ =	shalt  }
0x73: {  	_ =	shalt  }
0x74: {  	_ =	shalt  }
0x75: {  	_ =	shalt  }
0x76: {  	_ =	shalt  }
0x77: {  	_ =	shalt  }
0x78: {  	_ =	shalt  }
0x79: {  	_ =	shalt  }
0x7a: {  	_ =	shalt  }
0x7b: {  	_ =	shalt  }
0x7c: {  	_ =	shalt  }
0x7d: {  	_ =	shalt  }
0x7e: {  	_ =	shalt  }
0x7f: {  	_ =	shalt  }
0x80: {  	_ =	shalt  }
0x81: {  	_ =	shalt  }
0x82: {  	_ =	shalt  }
0x83: {  	_ =	shalt  }
0x84: {  	_ =	shalt  }
0x85: {  	_ =	shalt  }
0x86: {  	_ =	shalt  }
0x87: {  	_ =	shalt  }
.Lfunc_end0:
.L_simem_size_0:
called_computation_lowered:
.L_overlay_start_0:
0x88: {  	s2 =	sld [smem:$0x3FD9]  }
0x89: {  	s3 =	sld [smem:$0x3FFE];
	_ =	sdelay $0x1  }
0x8a: {  	s1 =	srdreg.scid  }
0x8b: {  	s0 =	sand.u32 $0x1, s1  }
0x8c: {  	s17 =	sshll.u32 s0, $0xA;
	s2 =	sadd.s32 s3, s2  }
0x8d: {  	s2 =	sadd.s32 s2, s17  }
0x8e: {  	[smem:$0x3FC3] =	sst s2  }
0x8f: {  	_ = 	snop  }
0x90: {  	s2 =	sld [smem:$0x3FC9]  }
0x91: {  	s18 =	sld [smem:$0x3FD0];
	(tm) =	ssettm $0x1  }
0x92: {  	s4 =	sld [smem:$0x3FFB];
	_ =	sdelay $0x3  }
0x93: {  	_ =	strace s4  }
0x94: {  	s4 =	sld [smem:$0x3FFC];
	_ =	sdelay $0x3  }
0x95: {  	_ =	strace s4  }
0x96: {  	s4 =	sld [smem:$0x3FFD];
	_ =	sdelay $0x3  }
0x97: {  	_ =	strace s4  }
0x98: {  	_ =	strace $0x8FFFFFFF  }
0x99: {  	s19 =	sld [smem:$0x3FDB];
	_ =	sdelay $0x1  }
0x9a: {  	s5 =	simm.s32 $_scs_section_size  }
0x9b: {  	s6 =	simm.s32 $_size__tile_overlayer_lowered;
	s7 =	simm.s32 $_tile_overlayer_lowered  }
0x9c: {  	s22 =	simm.s32 $0x1BFF;
	s21 =	sshll.u32 s7, $0x1;
	s4 =	sadd.s32 s5, s19  }
0x9d: {  	s8 =	simm.s32 $0x0;
	s20 =	sshll.u32 s6, $0x1;
	s6 =	sadd.s32 s21, s4  }
0x9e: {  	[timem:s8], [sflag:s22] =	dma.local [hbm:s6], s20  }
0x9f: {  	_ =	swait.ge [sflag:s22], s20  }
0xa0: {  	s5 =	ssub.s32 $0x0, s20;
	[sflag:s22] =	ssyncset.done $0x0  }
0xa1: {  	[sflag:s22] =	ssyncadd.s32 s5;
	_ =	sdelay $0x1  }
0xa2: {  	s23 =	simm.s32 $0x1B8B  }
0xa3: {  	_ =	swait.ge [sflag:s23], $0x1  }
0xa4: {  	[sflag:s23] =	ssyncset.done $0x0  }
0xa5: {  	s25 =	simm.s32 $0x1B8E;
	s24 =	sld [smem:$0x3FFE];
	[sflag:s23] =	ssyncadd.s32 $0xFFFFFFFF  }
0xa6: {  	s26 =	simm.s32 $execute0_lowered;
	[smem:$0x3FD2] =	sst s25  }
0xa7: {  	s6 =	sshll.u32 s26, $0x1;
	_ =	strace $0x80000046;
	[dreg:$0x1] =	wrdreg $0xFFFFFFFF  }
0xa8: {  	s28 =	simm.s32 $_size_execute0_lowered;
	s4 =	sadd.s32 s4, s6;
	[dreg:$0x0] =	wrdreg $0x0  }
0xa9: {  	s6 =	sshll.u32 s28, $0x1;
	[dreg:$0x2] =	wrdreg s4  }
0xaa: {  	[dreg:$0x3] =	wrdreg s6  }
0xab: {  	[dreg:$0x4] =	wrdreg $0xC0  }
0xac: {  	_ =	task [dreg:s8], $0x5FFFF  }
0xad: {  	[dreg:$0x1] =	wrdreg $0xFFFFFFFF  }
0xae: {  	[dreg:$0x0] =	wrdreg $0x60  }
0xaf: {  	[dreg:$0x2] =	wrdreg s2  }
0xb0: {  	[dreg:$0x3] =	wrdreg s24  }
0xb1: {  	[dreg:$0x4] =	wrdreg s18  }
0xb2: {  	[dreg:$0x5] =	wrdreg $0x9  }
0xb3: {  	_ =	task.clear_ibuf [dreg:s8], $0x6FFFF;
	_ =	strace $0x90000046  }
0xb4: {  	s29 =	simm.s32 $0x9;
	_ =	strace $0x80000048  }
0xb5: {  	_ =	swait.ge [sflag:s29], $0x1  }
0xb6: {  	[sflag:s29] =	ssyncadd.s32 $0xFFFFFFFF  }
0xb7: {  	_ =	strace $0x90000048  }
0xb8: {  	_ =	sfence  }
0xb9: {  	s30 =	sld [smem:$0x0];
	_ =	sdelay $0x2  }
0xba: {  	s31 =	sshll.u32 s1, $0xD;
	s1 =	sshrl.u32 s1, $0x2  }
0xbb: {  	s3 =	sand.u32 $0x4000, s31;
	s1 =	sadd.s32 s1, s30  }
0xbc: {  	s0 =	sor.u32 s3, s0;
	s1 =	sshll.u32 s1, $0x11  }
0xbd: {  	s0 =	sor.u32 s1, s0  }
0xbe: {  	s0 =	sadd.s32 $0x8F2B, s0  }
0xbf: {  	[sflag:s0] =	ssyncadd.remote.s32 $0x1  }
0xc0: {  	_ =	sfence.sel $0xFFFF  }
0xc1: {  	[dreg:$0x0] =	wrdreg $0xFFFFFFFF;
	(pc) =	sbr.abs _section_cstart, $3  }
0xc2: {  	[dreg:$0x1] =	wrdreg $0xFFFFFFFF  }
0xc3: {  	_ =	task.clear_ibuf [dreg:s8], $0x2FFFF;
	_ =	strace $0x9FFFFFFF  }
0xc4: {  	(tm) =	ssettm $0x7FFFFFFF  }
0xc5: {  	_ =	shalt  }
tec
execute0_lowered:
.L_overlay_start_1:
0x0: {  	(tag) =	ssettag $0x1  }
0x1: {  	s0 =	rddreg [dreg:$0x0]  }
0x2: {  	s1 =	rddreg [dreg:$0x1]  }
0x3: {  	s2 =	simm.s32 $0x0;
	s3 =	srdreg.scid;
	s7 =	stileid.u32  }
0x4: {  	s19 =	simm.s32 $0x1;
	s12 =	simm.s32 $0x0;
	s28 =	simm.s32 $0x2800  }
0x5: {  	s29 =	simm.s32 $0x3800;
	s30 =	simm.s32 $0x4000;
	s31 =	simm.s32 $0x4800  }
0x6: {  	[smem:$0x7FF] =	sst s2;
	s9 =	sadd.s32 $0x1A00, s1;
	s4 =	sadd.s32 $0x1C00, s1  }
0x7: {  	s3 =	sand.u32 $0x1, s3;
	s6 =	sadd.s32 $0x1E00, s1;
	s5 =	sshll.u32 s7, $0x1  }
0x8: {  	p0 =	slt.u32 s7, $0x8;
	s10 =	sadd.s32 $0x2000, s1;
	s11 =	sadd.s32 $0x2100, s1  }
0x9: {  	s7 =	simm.s32 $0xA080;
	_ =	strace $0x80000047;
	[dreg:$0x5] =	wrdreg s4  }
0xa: {  	s22 =	ssub.s32 $0x2, s3;
	s3 =	sor.u32 s3, s5;
	s5 =	simm.s32 $0x0  }
0xb: {  	[dreg:$0x4] =	wrdreg s9;
	s23 =	sshrl.u32 s22, $0x1;
	s8 =	sshll.u32 s3, $0xE  }
0xc: {  	s5 =	simm.s32 @!p0 $0xFFFC0000;
	s24 =	sshll.u32 s3, $0x4;
	p0 =	sne.s32 s3, $0x0  }
0xd: {  	s3 =	simm.s32 $0x5800;
	s4 =	ssub.s32 s22, s23;
	s5 =	sadd.s32 s5, s8  }
0xe: {  	s22 =	simm.s32 $0x8000;
	s23 =	simm.s32 $0x800;
	s8 =	sadd.s32 s0, s5  }
0xf: {  	s5 =	sand.u32 $0x1FFFC000, s5;
	s21 =	smax.u32 s4, $0x1;
	s4 =	simm.s32 $0x7800  }
0x10: {  	[dreg:$0x6] =	wrdreg s8;
	s8 =	sadd.s32 s9, s24;
	s9 =	sadd.s32 $0x1F00, s1  }
.Ltmp0:
0x11: {  	s0 =	sadd.s32 s5, s0;
	s5 =	simm.s32 $0x7000;
	(pc) =	sbr.rel .LBB2_1-.Ltmp0, $4  }
0x12: {  	s24 =	simm.s32 $0x1000;
	s1 =	simm.s32 $0x6000;
	s25 =	sadd.s32 $0x1000, s0  }
0x13: {  	v2 =	vlaneseq.u32;
	s26 =	sadd.s32 $0x4, s8;
	s16 =	sadd.s32 $0x2000, s0;
	s17 =	sadd.s32 $0x8, s8  }
0x14: {  	vm0 =	vmmov $0xffff;
	v3 =	vimm.f32 $0.0e+00;
	v1 =	vshrl.u32 v2, $0x3;
	s18 =	sadd.s32 $0x3000, s0;
	s20 =	sadd.s32 $0xC, s8;
	[dreg:$0x7] =	wrdreg s25  }
0x15: {  	v0 =	vand.u32 $0x7, v2;
	v2 =	vor.u32 $0x8, v2;
	v1 =	vmul.u32 $0x8, v1;
	[dreg:$0x8] =	wrdreg s26;
	s25 =	simm.s32 $0x1800;
	s26 =	simm.s32 $0x2000  }
.LBB2_7:
0x16: {  	s12 =	sadd.s32 $0x1, s12  }
0x17: {  	p1 =	sne.s32 s12, s21  }
.Ltmp1:
0x18: {  	_ = 	snop;
	(pc) =	sbr.rel @!p1 .LBB2_8-.Ltmp1, $1  }
0x19: {  	_ =	sdelay $0x3  }
.LBB2_1:
0x1a: {  	s0 =	rddreg [dreg:$0x6]  }
0x1b: {  	[tilespmem:s2], [sflag:$0x1] =	stream.linear.gather [hbm4b:s0+s2], $0x8000, $0x38;
	[tilespmem:$0xB480] =	vst v63  }
0x1c: {  	_ =	swait.ge [sflag:s19], $0x8000  }
0x1d: {  	[sflag:s19] =	ssyncset.done $0x0  }
0x1e: {  	[sflag:s19] =	ssyncadd.s32 $0xFFFF8000  }
0x1f: {  	[tilespmem:s22], [sflag:$0x1] =	stream.linear.gather [hbm4b:s8+s2], $0x20, $0x38;
	[tilespmem:$0xB480] =	vst v63  }
0x20: {  	_ =	swait.ge [sflag:s19], $0x20  }
0x21: {  	[sflag:s19] =	ssyncset.done $0x0  }
0x22: {  	[sflag:s19] =	ssyncadd.s32 $0xFFFFFFE0  }
0x23: {  	v4 =	vld [tilespmem:$0x8000];
	_ =	sdelay $0x4  }
0x24: {  	v5 =	vshll.u32 v4, $0x3  }
0x25: {  	v4 =	vand.u32 $0x7, v4;
	v5 =	vand.u32 $0xFFFFFFC0, v5  }
0x26: {  	v4 =	vor.u32 v4, v5  }
0x27: {  	v5 =	vperm.xlane v4, v0;
	_ =	sdelay $0x1  }
0x28: {  	v5 =	vadd.s32 v1, v5;
	_ =	sdelay $0x4  }
0x29: {  	[hbm4b:s6+s2] =	stream.indirect_vreg.scatter [tilespmem:s2], [sflag:$0x1], $0x80, v5, vm0, $0xb8;
	[tilespmem:$0xB480] =	vst v63  }
0x2a: {  	v4 =	vperm.xlane v4, v2  }
0x2b: {  	[hbm4b:s9+s2] =	stream.indirect_vreg.scatter [tilespmem:s23], [sflag:$0x1], $0x80, v5, vm0, $0xb8;
	[tilespmem:$0xB480] =	vst v63  }
0x2c: {  	v4 =	vadd.s32 v1, v4  }
0x2d: {  	[hbm4b:s10+s2] =	stream.indirect_vreg.scatter [tilespmem:s24], [sflag:$0x1], $0x80, v5, vm0, $0xb8;
	[tilespmem:$0xB480] =	vst v63  }
0x2e: {  	_ = 	snop  }
0x2f: {  	[hbm4b:s11+s2] =	stream.indirect_vreg.scatter [tilespmem:s25], [sflag:$0x1], $0x80, v5, vm0, $0xb8;
	[tilespmem:$0xB480] =	vst v63  }
0x30: {  	_ = 	snop  }
0x31: {  	[hbm4b:s6+s2] =	stream.indirect_vreg.scatter [tilespmem:s26], [sflag:$0x1], $0x80, v4, vm0, $0xb8;
	[tilespmem:$0xB480] =	vst v63  }
0x32: {  	_ = 	snop  }
0x33: {  	[hbm4b:s9+s2] =	stream.indirect_vreg.scatter [tilespmem:s28], [sflag:$0x1], $0x80, v4, vm0, $0xb8;
	[tilespmem:$0xB480] =	vst v63  }
0x34: {  	s13 =	simm.s32 $0x3000  }
0x35: {  	[hbm4b:s10+s2] =	stream.indirect_vreg.scatter [tilespmem:s13], [sflag:$0x1], $0x80, v4, vm0, $0xb8;
	[tilespmem:$0xB480] =	vst v63  }
0x36: {  	_ = 	snop  }
0x37: {  	[hbm4b:s11+s2] =	stream.indirect_vreg.scatter [tilespmem:s29], [sflag:$0x1], $0x80, v4, vm0, $0xb8;
	[tilespmem:$0xB480] =	vst v63  }
0x38: {  	v4 =	vld [tilespmem:$0x8010];
	_ =	sdelay $0x4  }
0x39: {  	v5 =	vshll.u32 v4, $0x3  }
0x3a: {  	v4 =	vand.u32 $0x7, v4;
	v5 =	vand.u32 $0xFFFFFFC0, v5  }
0x3b: {  	v4 =	vor.u32 v4, v5  }
0x3c: {  	v5 =	vperm.xlane v4, v0;
	_ =	sdelay $0x1  }
0x3d: {  	v5 =	vadd.s32 v1, v5;
	_ =	sdelay $0x4  }
0x3e: {  	[hbm4b:s6+s2] =	stream.indirect_vreg.scatter [tilespmem:s30], [sflag:$0x1], $0x80, v5, vm0, $0xb8;
	[tilespmem:$0xB480] =	vst v63  }
0x3f: {  	v4 =	vperm.xlane v4, v2  }
0x40: {  	[hbm4b:s9+s2] =	stream.indirect_vreg.scatter [tilespmem:s31], [sflag:$0x1], $0x80, v5, vm0, $0xb8;
	[tilespmem:$0xB480] =	vst v63  }
0x41: {  	s0 =	simm.s32 $0x5000;
	v4 =	vadd.s32 v1, v4  }
0x42: {  	[hbm4b:s10+s2] =	stream.indirect_vreg.scatter [tilespmem:s0], [sflag:$0x1], $0x80, v5, vm0, $0xb8;
	[tilespmem:$0xB480] =	vst v63  }
0x43: {  	_ = 	snop  }
0x44: {  	[hbm4b:s11+s2] =	stream.indirect_vreg.scatter [tilespmem:s3], [sflag:$0x1], $0x80, v5, vm0, $0xb8;
	[tilespmem:$0xB480] =	vst v63  }
0x45: {  	_ = 	snop  }
0x46: {  	[hbm4b:s6+s2] =	stream.indirect_vreg.scatter [tilespmem:s1], [sflag:$0x1], $0x80, v4, vm0, $0xb8;
	[tilespmem:$0xB480] =	vst v63  }
0x47: {  	s14 =	simm.s32 $0x6800  }
0x48: {  	[hbm4b:s9+s2] =	stream.indirect_vreg.scatter [tilespmem:s14], [sflag:$0x1], $0x80, v4, vm0, $0xb8;
	[tilespmem:$0xB480] =	vst v63  }
0x49: {  	_ = 	snop  }
0x4a: {  	[hbm4b:s10+s2] =	stream.indirect_vreg.scatter [tilespmem:s5], [sflag:$0x1], $0x80, v4, vm0, $0xb8;
	[tilespmem:$0xB480] =	vst v63  }
0x4b: {  	_ = 	snop  }
0x4c: {  	[hbm4b:s11+s2] =	stream.indirect_vreg.scatter [tilespmem:s4], [sflag:$0x1], $0x80, v4, vm0, $0xb8;
	[tilespmem:$0xB480] =	vst v63  }
0x4d: {  	_ =	swait.ge [sflag:s19], $0x8000  }
0x4e: {  	[sflag:s19] =	ssyncset.done $0x0  }
0x4f: {  	s15 =	rddreg [dreg:$0x7];
	[sflag:s19] =	ssyncadd.s32 $0xFFFF8000  }
0x50: {  	[tilespmem:s2], [sflag:$0x1] =	stream.linear.gather [hbm4b:s15+s2], $0x8000, $0x38;
	[tilespmem:$0xB480] =	vst v63  }
0x51: {  	_ =	swait.ge [sflag:s19], $0x8000  }
0x52: {  	[sflag:s19] =	ssyncset.done $0x0  }
0x53: {  	s15 =	rddreg [dreg:$0x8];
	[sflag:s19] =	ssyncadd.s32 $0xFFFF8000  }
0x54: {  	[tilespmem:s22], [sflag:$0x1] =	stream.linear.gather [hbm4b:s15+s2], $0x20, $0x38;
	[tilespmem:$0xB480] =	vst v63  }
0x55: {  	_ =	swait.ge [sflag:s19], $0x20  }
0x56: {  	[sflag:s19] =	ssyncset.done $0x0  }
0x57: {  	[sflag:s19] =	ssyncadd.s32 $0xFFFFFFE0  }
0x58: {  	v4 =	vld [tilespmem:$0x8000];
	_ =	sdelay $0x4  }
0x59: {  	v5 =	vshll.u32 v4, $0x3  }
0x5a: {  	v4 =	vand.u32 $0x7, v4;
	v5 =	vand.u32 $0xFFFFFFC0, v5  }
0x5b: {  	v4 =	vor.u32 v4, v5  }
0x5c: {  	v5 =	vperm.xlane v4, v0;
	_ =	sdelay $0x1  }
0x5d: {  	v5 =	vadd.s32 v1, v5;
	_ =	sdelay $0x4  }
0x5e: {  	[hbm4b:s6+s2] =	stream.indirect_vreg.scatter [tilespmem:s2], [sflag:$0x1], $0x80, v5, vm0, $0xb8;
	[tilespmem:$0xB480] =	vst v63  }
0x5f: {  	v4 =	vperm.xlane v4, v2  }
0x60: {  	[hbm4b:s9+s2] =	stream.indirect_vreg.scatter [tilespmem:s23], [sflag:$0x1], $0x80, v5, vm0, $0xb8;
	[tilespmem:$0xB480] =	vst v63  }
0x61: {  	v4 =	vadd.s32 v1, v4  }
0x62: {  	[hbm4b:s10+s2] =	stream.indirect_vreg.scatter [tilespmem:s24], [sflag:$0x1], $0x80, v5, vm0, $0xb8;
	[tilespmem:$0xB480] =	vst v63  }
0x63: {  	_ = 	snop  }
0x64: {  	[hbm4b:s11+s2] =	stream.indirect_vreg.scatter [tilespmem:s25], [sflag:$0x1], $0x80, v5, vm0, $0xb8;
	[tilespmem:$0xB480] =	vst v63  }
0x65: {  	_ = 	snop  }
0x66: {  	[hbm4b:s6+s2] =	stream.indirect_vreg.scatter [tilespmem:s26], [sflag:$0x1], $0x80, v4, vm0, $0xb8;
	[tilespmem:$0xB480] =	vst v63  }
0x67: {  	_ = 	snop  }
0x68: {  	[hbm4b:s9+s2] =	stream.indirect_vreg.scatter [tilespmem:s28], [sflag:$0x1], $0x80, v4, vm0, $0xb8;
	[tilespmem:$0xB480] =	vst v63  }
0x69: {  	_ = 	snop  }
0x6a: {  	[hbm4b:s10+s2] =	stream.indirect_vreg.scatter [tilespmem:s13], [sflag:$0x1], $0x80, v4, vm0, $0xb8;
	[tilespmem:$0xB480] =	vst v63  }
0x6b: {  	_ = 	snop  }
0x6c: {  	[hbm4b:s11+s2] =	stream.indirect_vreg.scatter [tilespmem:s29], [sflag:$0x1], $0x80, v4, vm0, $0xb8;
	[tilespmem:$0xB480] =	vst v63  }
0x6d: {  	v4 =	vld [tilespmem:$0x8010];
	_ =	sdelay $0x4  }
0x6e: {  	v5 =	vshll.u32 v4, $0x3  }
0x6f: {  	v4 =	vand.u32 $0x7, v4;
	v5 =	vand.u32 $0xFFFFFFC0, v5  }
0x70: {  	v4 =	vor.u32 v4, v5  }
0x71: {  	v5 =	vperm.xlane v4, v0;
	_ =	sdelay $0x1  }
0x72: {  	v5 =	vadd.s32 v1, v5;
	_ =	sdelay $0x4  }
0x73: {  	[hbm4b:s6+s2] =	stream.indirect_vreg.scatter [tilespmem:s30], [sflag:$0x1], $0x80, v5, vm0, $0xb8;
	[tilespmem:$0xB480] =	vst v63  }
0x74: {  	v4 =	vperm.xlane v4, v2  }
0x75: {  	[hbm4b:s9+s2] =	stream.indirect_vreg.scatter [tilespmem:s31], [sflag:$0x1], $0x80, v5, vm0, $0xb8;
	[tilespmem:$0xB480] =	vst v63  }
0x76: {  	v4 =	vadd.s32 v1, v4  }
0x77: {  	[hbm4b:s10+s2] =	stream.indirect_vreg.scatter [tilespmem:s0], [sflag:$0x1], $0x80, v5, vm0, $0xb8;
	[tilespmem:$0xB480] =	vst v63  }
0x78: {  	_ = 	snop  }
0x79: {  	[hbm4b:s11+s2] =	stream.indirect_vreg.scatter [tilespmem:s3], [sflag:$0x1], $0x80, v5, vm0, $0xb8;
	[tilespmem:$0xB480] =	vst v63  }
0x7a: {  	_ = 	snop  }
0x7b: {  	[hbm4b:s6+s2] =	stream.indirect_vreg.scatter [tilespmem:s1], [sflag:$0x1], $0x80, v4, vm0, $0xb8;
	[tilespmem:$0xB480] =	vst v63  }
0x7c: {  	_ = 	snop  }
0x7d: {  	[hbm4b:s9+s2] =	stream.indirect_vreg.scatter [tilespmem:s14], [sflag:$0x1], $0x80, v4, vm0, $0xb8;
	[tilespmem:$0xB480] =	vst v63  }
0x7e: {  	_ = 	snop  }
0x7f: {  	[hbm4b:s10+s2] =	stream.indirect_vreg.scatter [tilespmem:s5], [sflag:$0x1], $0x80, v4, vm0, $0xb8;
	[tilespmem:$0xB480] =	vst v63  }
0x80: {  	_ = 	snop  }
0x81: {  	[hbm4b:s11+s2] =	stream.indirect_vreg.scatter [tilespmem:s4], [sflag:$0x1], $0x80, v4, vm0, $0xb8;
	[tilespmem:$0xB480] =	vst v63  }
0x82: {  	_ =	swait.ge [sflag:s19], $0x8000  }
0x83: {  	[sflag:s19] =	ssyncset.done $0x0  }
0x84: {  	[sflag:s19] =	ssyncadd.s32 $0xFFFF8000  }
0x85: {  	[tilespmem:s2], [sflag:$0x1] =	stream.linear.gather [hbm4b:s16+s2], $0x8000, $0x38;
	[tilespmem:$0xB480] =	vst v63  }
0x86: {  	_ =	swait.ge [sflag:s19], $0x8000  }
0x87: {  	[sflag:s19] =	ssyncset.done $0x0  }
0x88: {  	[sflag:s19] =	ssyncadd.s32 $0xFFFF8000  }
0x89: {  	[tilespmem:s22], [sflag:$0x1] =	stream.linear.gather [hbm4b:s17+s2], $0x20, $0x38;
	[tilespmem:$0xB480] =	vst v63  }
0x8a: {  	_ =	swait.ge [sflag:s19], $0x20  }
0x8b: {  	[sflag:s19] =	ssyncset.done $0x0  }
0x8c: {  	[sflag:s19] =	ssyncadd.s32 $0xFFFFFFE0  }
0x8d: {  	v4 =	vld [tilespmem:$0x8000];
	_ =	sdelay $0x4  }
0x8e: {  	v5 =	vshll.u32 v4, $0x3  }
0x8f: {  	v4 =	vand.u32 $0x7, v4;
	v5 =	vand.u32 $0xFFFFFFC0, v5  }
0x90: {  	v4 =	vor.u32 v4, v5  }
0x91: {  	v5 =	vperm.xlane v4, v0;
	_ =	sdelay $0x1  }
0x92: {  	v5 =	vadd.s32 v1, v5;
	_ =	sdelay $0x4  }
0x93: {  	[hbm4b:s6+s2] =	stream.indirect_vreg.scatter [tilespmem:s2], [sflag:$0x1], $0x80, v5, vm0, $0xb8;
	[tilespmem:$0xB480] =	vst v63  }
0x94: {  	v4 =	vperm.xlane v4, v2  }
0x95: {  	[hbm4b:s9+s2] =	stream.indirect_vreg.scatter [tilespmem:s23], [sflag:$0x1], $0x80, v5, vm0, $0xb8;
	[tilespmem:$0xB480] =	vst v63  }
0x96: {  	v4 =	vadd.s32 v1, v4  }
0x97: {  	[hbm4b:s10+s2] =	stream.indirect_vreg.scatter [tilespmem:s24], [sflag:$0x1], $0x80, v5, vm0, $0xb8;
	[tilespmem:$0xB480] =	vst v63  }
0x98: {  	_ = 	snop  }
0x99: {  	[hbm4b:s11+s2] =	stream.indirect_vreg.scatter [tilespmem:s25], [sflag:$0x1], $0x80, v5, vm0, $0xb8;
	[tilespmem:$0xB480] =	vst v63  }
0x9a: {  	_ = 	snop  }
0x9b: {  	[hbm4b:s6+s2] =	stream.indirect_vreg.scatter [tilespmem:s26], [sflag:$0x1], $0x80, v4, vm0, $0xb8;
	[tilespmem:$0xB480] =	vst v63  }
0x9c: {  	_ = 	snop  }
0x9d: {  	[hbm4b:s9+s2] =	stream.indirect_vreg.scatter [tilespmem:s28], [sflag:$0x1], $0x80, v4, vm0, $0xb8;
	[tilespmem:$0xB480] =	vst v63  }
0x9e: {  	_ = 	snop  }
0x9f: {  	[hbm4b:s10+s2] =	stream.indirect_vreg.scatter [tilespmem:s13], [sflag:$0x1], $0x80, v4, vm0, $0xb8;
	[tilespmem:$0xB480] =	vst v63  }
0xa0: {  	_ = 	snop  }
0xa1: {  	[hbm4b:s11+s2] =	stream.indirect_vreg.scatter [tilespmem:s29], [sflag:$0x1], $0x80, v4, vm0, $0xb8;
	[tilespmem:$0xB480] =	vst v63  }
0xa2: {  	v4 =	vld [tilespmem:$0x8010];
	_ =	sdelay $0x4  }
0xa3: {  	v5 =	vshll.u32 v4, $0x3  }
0xa4: {  	v4 =	vand.u32 $0x7, v4;
	v5 =	vand.u32 $0xFFFFFFC0, v5  }
0xa5: {  	v4 =	vor.u32 v4, v5  }
0xa6: {  	v5 =	vperm.xlane v4, v0;
	_ =	sdelay $0x1  }
0xa7: {  	v5 =	vadd.s32 v1, v5;
	_ =	sdelay $0x4  }
0xa8: {  	[hbm4b:s6+s2] =	stream.indirect_vreg.scatter [tilespmem:s30], [sflag:$0x1], $0x80, v5, vm0, $0xb8;
	[tilespmem:$0xB480] =	vst v63  }
0xa9: {  	v4 =	vperm.xlane v4, v2  }
0xaa: {  	[hbm4b:s9+s2] =	stream.indirect_vreg.scatter [tilespmem:s31], [sflag:$0x1], $0x80, v5, vm0, $0xb8;
	[tilespmem:$0xB480] =	vst v63  }
0xab: {  	v4 =	vadd.s32 v1, v4  }
0xac: {  	[hbm4b:s10+s2] =	stream.indirect_vreg.scatter [tilespmem:s0], [sflag:$0x1], $0x80, v5, vm0, $0xb8;
	[tilespmem:$0xB480] =	vst v63  }
0xad: {  	_ = 	snop  }
0xae: {  	[hbm4b:s11+s2] =	stream.indirect_vreg.scatter [tilespmem:s3], [sflag:$0x1], $0x80, v5, vm0, $0xb8;
	[tilespmem:$0xB480] =	vst v63  }
0xaf: {  	_ = 	snop  }
0xb0: {  	[hbm4b:s6+s2] =	stream.indirect_vreg.scatter [tilespmem:s1], [sflag:$0x1], $0x80, v4, vm0, $0xb8;
	[tilespmem:$0xB480] =	vst v63  }
0xb1: {  	_ = 	snop  }
0xb2: {  	[hbm4b:s9+s2] =	stream.indirect_vreg.scatter [tilespmem:s14], [sflag:$0x1], $0x80, v4, vm0, $0xb8;
	[tilespmem:$0xB480] =	vst v63  }
0xb3: {  	_ = 	snop  }
0xb4: {  	[hbm4b:s10+s2] =	stream.indirect_vreg.scatter [tilespmem:s5], [sflag:$0x1], $0x80, v4, vm0, $0xb8;
	[tilespmem:$0xB480] =	vst v63  }
0xb5: {  	_ = 	snop  }
0xb6: {  	[hbm4b:s11+s2] =	stream.indirect_vreg.scatter [tilespmem:s4], [sflag:$0x1], $0x80, v4, vm0, $0xb8;
	[tilespmem:$0xB480] =	vst v63  }
0xb7: {  	_ =	swait.ge [sflag:s19], $0x8000  }
0xb8: {  	[sflag:s19] =	ssyncset.done $0x0  }
0xb9: {  	[sflag:s19] =	ssyncadd.s32 $0xFFFF8000  }
0xba: {  	[tilespmem:s2], [sflag:$0x1] =	stream.linear.gather [hbm4b:s18+s2], $0x8000, $0x38;
	[tilespmem:$0xB480] =	vst v63  }
0xbb: {  	_ =	swait.ge [sflag:s19], $0x8000  }
0xbc: {  	[sflag:s19] =	ssyncset.done $0x0  }
0xbd: {  	[sflag:s19] =	ssyncadd.s32 $0xFFFF8000  }
0xbe: {  	[tilespmem:s22], [sflag:$0x1] =	stream.linear.gather [hbm4b:s20+s2], $0x20, $0x38;
	[tilespmem:$0xB480] =	vst v63  }
0xbf: {  	_ =	swait.ge [sflag:s19], $0x20  }
0xc0: {  	[sflag:s19] =	ssyncset.done $0x0  }
0xc1: {  	[sflag:s19] =	ssyncadd.s32 $0xFFFFFFE0  }
0xc2: {  	v4 =	vld [tilespmem:$0x8000];
	_ =	sdelay $0x4  }
0xc3: {  	v5 =	vshll.u32 v4, $0x3  }
0xc4: {  	v4 =	vand.u32 $0x7, v4;
	v5 =	vand.u32 $0xFFFFFFC0, v5  }
0xc5: {  	v4 =	vor.u32 v4, v5  }
0xc6: {  	v5 =	vperm.xlane v4, v0;
	_ =	sdelay $0x1  }
0xc7: {  	v5 =	vadd.s32 v1, v5;
	_ =	sdelay $0x4  }
0xc8: {  	[hbm4b:s6+s2] =	stream.indirect_vreg.scatter [tilespmem:s2], [sflag:$0x1], $0x80, v5, vm0, $0xb8;
	[tilespmem:$0xB480] =	vst v63  }
0xc9: {  	v4 =	vperm.xlane v4, v2  }
0xca: {  	[hbm4b:s9+s2] =	stream.indirect_vreg.scatter [tilespmem:s23], [sflag:$0x1], $0x80, v5, vm0, $0xb8;
	[tilespmem:$0xB480] =	vst v63  }
0xcb: {  	v4 =	vadd.s32 v1, v4  }
0xcc: {  	[hbm4b:s10+s2] =	stream.indirect_vreg.scatter [tilespmem:s24], [sflag:$0x1], $0x80, v5, vm0, $0xb8;
	[tilespmem:$0xB480] =	vst v63  }
0xcd: {  	_ = 	snop  }
0xce: {  	[hbm4b:s11+s2] =	stream.indirect_vreg.scatter [tilespmem:s25], [sflag:$0x1], $0x80, v5, vm0, $0xb8;
	[tilespmem:$0xB480] =	vst v63  }
0xcf: {  	_ = 	snop  }
0xd0: {  	[hbm4b:s6+s2] =	stream.indirect_vreg.scatter [tilespmem:s26], [sflag:$0x1], $0x80, v4, vm0, $0xb8;
	[tilespmem:$0xB480] =	vst v63  }
0xd1: {  	_ = 	snop  }
0xd2: {  	[hbm4b:s9+s2] =	stream.indirect_vreg.scatter [tilespmem:s28], [sflag:$0x1], $0x80, v4, vm0, $0xb8;
	[tilespmem:$0xB480] =	vst v63  }
0xd3: {  	_ = 	snop  }
0xd4: {  	[hbm4b:s10+s2] =	stream.indirect_vreg.scatter [tilespmem:s13], [sflag:$0x1], $0x80, v4, vm0, $0xb8;
	[tilespmem:$0xB480] =	vst v63  }
0xd5: {  	_ = 	snop  }
0xd6: {  	[hbm4b:s11+s2] =	stream.indirect_vreg.scatter [tilespmem:s29], [sflag:$0x1], $0x80, v4, vm0, $0xb8;
	[tilespmem:$0xB480] =	vst v63  }
0xd7: {  	v4 =	vld [tilespmem:$0x8010];
	_ =	sdelay $0x4  }
0xd8: {  	v5 =	vshll.u32 v4, $0x3  }
0xd9: {  	v4 =	vand.u32 $0x7, v4;
	v5 =	vand.u32 $0xFFFFFFC0, v5  }
0xda: {  	v4 =	vor.u32 v4, v5  }
0xdb: {  	v5 =	vperm.xlane v4, v0;
	_ =	sdelay $0x1  }
0xdc: {  	v5 =	vadd.s32 v1, v5;
	_ =	sdelay $0x4  }
0xdd: {  	[hbm4b:s6+s2] =	stream.indirect_vreg.scatter [tilespmem:s30], [sflag:$0x1], $0x80, v5, vm0, $0xb8;
	[tilespmem:$0xB480] =	vst v63  }
0xde: {  	v4 =	vperm.xlane v4, v2  }
0xdf: {  	[hbm4b:s9+s2] =	stream.indirect_vreg.scatter [tilespmem:s31], [sflag:$0x1], $0x80, v5, vm0, $0xb8;
	[tilespmem:$0xB480] =	vst v63  }
0xe0: {  	v4 =	vadd.s32 v1, v4  }
0xe1: {  	[hbm4b:s10+s2] =	stream.indirect_vreg.scatter [tilespmem:s0], [sflag:$0x1], $0x80, v5, vm0, $0xb8;
	[tilespmem:$0xB480] =	vst v63  }
0xe2: {  	_ = 	snop  }
0xe3: {  	[hbm4b:s11+s2] =	stream.indirect_vreg.scatter [tilespmem:s3], [sflag:$0x1], $0x80, v5, vm0, $0xb8;
	[tilespmem:$0xB480] =	vst v63  }
0xe4: {  	_ = 	snop  }
0xe5: {  	[hbm4b:s6+s2] =	stream.indirect_vreg.scatter [tilespmem:s1], [sflag:$0x1], $0x80, v4, vm0, $0xb8;
	[tilespmem:$0xB480] =	vst v63  }
0xe6: {  	_ = 	snop  }
0xe7: {  	[hbm4b:s9+s2] =	stream.indirect_vreg.scatter [tilespmem:s14], [sflag:$0x1], $0x80, v4, vm0, $0xb8;
	[tilespmem:$0xB480] =	vst v63  }
0xe8: {  	_ = 	snop  }
0xe9: {  	[hbm4b:s10+s2] =	stream.indirect_vreg.scatter [tilespmem:s5], [sflag:$0x1], $0x80, v4, vm0, $0xb8;
	[tilespmem:$0xB480] =	vst v63  }
.Ltmp2:
0xea: {  	_ = 	snop;
	(pc) =	sbr.rel @p0 .LBB2_7-.Ltmp2, $4  }
0xeb: {  	[hbm4b:s11+s2] =	stream.indirect_vreg.scatter [tilespmem:s4], [sflag:$0x1], $0x80, v4, vm0, $0xb8;
	[tilespmem:$0xB480] =	vst v63  }
0xec: {  	_ =	swait.ge [sflag:s19], $0x8000  }
0xed: {  	[sflag:s19] =	ssyncset.done $0x0  }
0xee: {  	[sflag:s19] =	ssyncadd.s32 $0xFFFF8000  }
0xef: {  	s23 =	smov.u32 s21;
	s22 =	smov.u32 s20  }
0xf0: {  	s21 =	smov.u32 s18;
	s20 =	smov.u32 s8;
	s8 =	smov.u32 s17  }
0xf1: {  	s18 =	smov.u32 s16;
	s13 =	simm.s32 $0x40;
	s14 =	simm.s32 $0x0  }
.LBB2_3:
0xf2: {  	p1 =	sne.s32 s13, $0x4FC0;
	[tilespmem:s14+$0xA080] =	vst v3;
	s14 =	smov.u32 s13;
	s13 =	sadd.s32 $0x40, s13  }
.Ltmp3:
0xf3: {  	(pc) =	sbr.rel @p1 .LBB2_3-.Ltmp3, $2  }
0xf4: {  	_ =	sdelay $0x2  }
0xf5: {  	s14 =	sshra.s32 s14, $0x2  }
0xf6: {  	[tilespmem:s14+$0xA080] =	vst v3;
	s13 =	simm.s32 $0x0;
	s15 =	rddreg [dreg:$0x4];
	s0 =	simm.s32 $0x8080  }
0xf7: {  	[tilespmem:s0], [sflag:$0x1] =	stream.linear.gather [hbm4b:s15+s13], $0x1000, $0x38;
	[tilespmem:$0xB480] =	vst v63  }
0xf8: {  	_ =	swait.ge [sflag:s19], $0x1000  }
0xf9: {  	[sflag:s19] =	ssyncset.done $0x0  }
0xfa: {  	s17 =	simm.s32 $0x9080;
	s16 =	rddreg [dreg:$0x5];
	[sflag:s19] =	ssyncadd.s32 $0xFFFFF000  }
0xfb: {  	[tilespmem:s17], [sflag:$0x1] =	stream.linear.gather [hbm4b:s16+s13], $0x1000, $0x38;
	[tilespmem:$0xB480] =	vst v63  }
0xfc: {  	_ =	swait.ge [sflag:s19], $0x1000  }
0xfd: {  	[sflag:s19] =	ssyncset.done $0x0  }
0xfe: {  	s14 =	simm.s32 $0x0;
	s13 =	simm.s32 $0x40;
	[sflag:s19] =	ssyncadd.s32 $0xFFFFF000  }
.LBB2_5:
0xff: {  	p1 =	sne.s32 s13, $0x3FC0;
	v4 =	vld [tilespmem:s14+$0x8080];
	_ =	sdelay $0x2  }
0x100: {  	v5 =	vld [tilespmem:s14+$0x9080]  }
.Ltmp4:
0x101: {  	(pc) =	sbr.rel @p1 .LBB2_5-.Ltmp4, $2  }
0x102: {  	_ =	sdelay $0x2  }
0x103: {  	s14 =	sshra.s32 s13, $0x2;
	s13 =	sadd.s32 $0x40, s13;
	[tilespmem:v4+s7+$0x0] =	vst.idx.msk $0xffff, v5  }
0x104: {  	v4 =	vld [tilespmem:s14+$0x8080];
	_ =	sdelay $0x2  }
0x105: {  	v5 =	vld [tilespmem:s14+$0x9080];
	_ =	sdelay $0x3  }
0x106: {  	s13 =	rddreg [dreg:$0x2]  }
.Ltmp5:
0x107: {  	s16 =	smov.u32 s18;
	s17 =	smov.u32 s8;
	[tilespmem:v4+s7+$0x0] =	vst.idx.msk $0xffff, v5;
	(pc) =	sbr.rel .LBB2_7-.Ltmp5, $4  }
0x108: {  	[hbm4b:s13+s2] =	stream.linear.scatter [tilespmem:s7], [sflag:$0x1], $0x1400, $0x38;
	[tilespmem:$0xB480] =	vst v63  }
0x109: {  	s8 =	smov.u32 s20;
	s18 =	smov.u32 s21;
	_ =	swait.ge [sflag:s19], $0x1400  }
0x10a: {  	s20 =	smov.u32 s22;
	s21 =	smov.u32 s23;
	[sflag:s19] =	ssyncset.done $0x0  }
0x10b: {  	s22 =	simm.s32 $0x8000;
	s23 =	simm.s32 $0x800;
	[sflag:s19] =	ssyncadd.s32 $0xFFFFEC00  }
.LBB2_8:
0x10c: {  	_ =	sfence.sel $0x180000  }
0x10d: {  	[bflag:$0x0] =	sbarrier.arrive $0xFFFF  }
0x10e: {  	_ =	strace $0x90000047  }
0x10f: {  	s0 =	stileid.u32;
	[bflag:$0x2] =	sbarrier.arrive $0xFFFF  }
0x110: {  	p0 =	sne.s32 s0, $0x0;
	s0 =	rddreg [dreg:$0x3]  }
0x111: {  	s0 =	sadd.s32 @!p0 $0x100000, s0  }
0x112: {  	[sflag:s0] =	ssyncadd.tile.s32 @!p0 $0x1;
	_ =	shalt  }
.Lfunc_end2:
_tile_overlayer_lowered:
.L_overlay_start_2:
0x113: {  	(tag) =	ssettag $0x2  }
0x114: {  	s0 =	rddreg [dreg:$0x0];
	s2 =	stileid.u32  }
0x115: {  	s1 =	rddreg [dreg:$0x1];
	p0 =	sne.s32 s2, $0x0  }
0x116: {  	s3 =	rddreg [dreg:$0x2];
	[bflag:$0x3] =	sbarrier.arrive $0xFFFF;
	s2 =	simm.s32 @!p0 $0x1C01  }
0x117: {  	[timem:s3], [sflag:s2] =	dma.local @!p0 [hbm:s0], s1  }
0x118: {  	s0 =	simm.s32 @!p0 $0x1  }
0x119: {  	_ =	swait.ge @!p0 [sflag:s0], s1  }
0x11a: {  	s1 =	ssub.s32 @!p0 $0x0, s1;
	[sflag:s0] =	ssyncset.done @!p0 $0x0  }
0x11b: {  	[sflag:s0] =	ssyncadd.s32 @!p0 s1  }
0x11c: {  	[bflag:$0x3] =	sbarrier.arrive $0xFFFF  }
0x11d: {  	_ =	shalt  }

// kernel: kernel.9.cloned.1.call-start
scs
__scs_entry_jumppad:
0x0: {  	(pc) =	sbr.rel $0x88, $3  }
0x1: {  	(tag) =	ssettag $0x0;
	lr =	simm.s32 $0x1  }
0x2: {  	[smem:$0x3F9C] =	sst lr;
	_ =	strace $0xD0000000  }
0x3: {  	_ = 	snop  }
0x4: {  	_ = 	snop  }
0x5: {  	_ = 	snop  }
0x6: {  	_ = 	snop  }
0x7: {  	_ = 	snop  }
__scs_overlays_trampoline_lowered:
0x8: {  	[smem:$0x3FAB] =	sst s0  }
0x9: {  	[smem:$0x3FAC] =	sst s1  }
0xa: {  	[smem:$0x3FAD] =	sst s2  }
0xb: {  	[smem:$0x3FAE] =	sst s3  }
0xc: {  	[smem:$0x3FAF] =	sst s4  }
0xd: {  	[smem:$0x3FB0] =	sst s5  }
0xe: {  	[smem:$0x3FB1] =	sst s6  }
0xf: {  	[smem:$0x3FB2] =	sst s7  }
0x10: {  	[smem:$0x3FB3] =	sst s8  }
0x11: {  	[smem:$0x3FB4] =	sst s9;
	s0 =	simm.s32 @!p0 $0x0  }
0x12: {  	s1 =	sld [smem:$0x3F9A];
	s0 =	simm.s32 @p0 $0x1  }
0x13: {  	[smem:$0x3FB5] =	sst s0;
	s0 =	simm.s32 @!p1 $0x0  }
0x14: {  	s2 =	sld [smem:$0x3F99];
	s0 =	simm.s32 @p1 $0x1  }
0x15: {  	[smem:$0x3FB6] =	sst s0;
	s0 =	simm.s32 @!p2 $0x0  }
0x16: {  	s3 =	sld [smem:$0x3FDB];
	s0 =	simm.s32 @p2 $0x1  }
0x17: {  	s4 =	simm.s32 $0x1BF5;
	[smem:$0x3FB8] =	sst s0  }
0x18: {  	s0 =	sld [smem:$0x3F9B];
	_ =	swait.ge [sflag:s4], $0x0  }
0x19: {  	s7 =	sld [smem:$0x3F9C]  }
0x1a: {  	s8 =	sadd.s32 $0xFFFFE003, lr  }
0x1b: {  	s9 =	sadd.s32 $0xFFFFFEF7, lr;
	s5 =	simm.s32 $0xFFFFFFFF;
	p2 =	slt.u32 s8, $0xFFFFF086  }
0x1c: {  	p1 =	slt.u32 s9, $0xF7A;
	s5 =	simm.s32 @!p2 $0x0  }
0x1d: {  	s5 =	simm.s32 @p1 $0x1;
	p0 =	seq.s32 s7, s2  }
0x1e: {  	s7 =	smul.u32 @!p0 $0xF7A, s2;
	p2 =	seq.s32 @!p0 s5, $0x0  }
0x1f: {  	s9 =	smul.u32 $0xF7A, s1;
	s8 =	simm.s32 @!p0 $0x1BF5;
	p2 =	por !p2, p0  }
0x20: {  	[sflag:s8] =	ssyncset.s32 @!p0 $0xFFFFF086;
	s6 =	sadd.s32 @!p0 s3, s7;
	s7 =	simm.s32 @!p0 $0x108  }
0x21: {  	s3 =	sadd.s32 s3, s9;
	s6 =	sadd.s32 @!p0 $0x88, s6;
	s7 =	simm.s32 @p2 $0x1082  }
0x22: {  	[simem:s7], [sflag:s8] =	dma.local @!p0 [hbm:s6], $0xF7A  }
0x23: {  	s9 =	sor.u32 $0xD0000000, s2;
	s6 =	simm.s32 $0x108;
	_ =	swait.ge @!p0 [sflag:s8], $0x0  }
0x24: {  	s3 =	sadd.s32 $0x88, s3;
	s6 =	simm.s32 @!p1 $0x1082;
	[sflag:s4] =	ssyncset.s32 $0xFFFFF086  }
0x25: {  	[simem:s6], [sflag:s4] =	dma.local [hbm:s3], $0xF7A  }
0x26: {  	[smem:$0x3F9C] =	sst s1;
	(tag) =	ssettag s2;
	_ =	strace s9  }
0x27: {  	s1 =	sld [smem:$0x3FAC]  }
0x28: {  	s2 =	sld [smem:$0x3FAD]  }
0x29: {  	s4 =	sld [smem:$0x3FAF]  }
0x2a: {  	p0 =	seq.s32 s5, $0x0;
	s5 =	sld [smem:$0x3FB0]  }
0x2b: {  	s6 =	sld [smem:$0x3FB1]  }
0x2c: {  	s7 =	sld [smem:$0x3FB2]  }
0x2d: {  	s3 =	simm.s32 $0x108;
	s8 =	sld [smem:$0x3FB3]  }
0x2e: {  	s3 =	simm.s32 @!p0 $0x1082;
	s9 =	sld [smem:$0x3FB4]  }
0x2f: {  	lr =	sadd.s32 s0, s3;
	s0 =	sld [smem:$0x3FAB]  }
0x30: {  	s3 =	sld [smem:$0x3FAE]  }
0x31: {  	[smem:$0x3FB7] =	sst s10  }
0x32: {  	s10 =	sld [smem:$0x3FB5];
	_ =	sdelay $0x3  }
0x33: {  	p0 =	seq.s32 s10, $0x1;
	s10 =	sld [smem:$0x3FB7];
	_ =	sdelay $0x3  }
0x34: {  	[smem:$0x3FB7] =	sst s10  }
0x35: {  	s10 =	sld [smem:$0x3FB6];
	_ =	sdelay $0x3  }
0x36: {  	p1 =	seq.s32 s10, $0x1;
	s10 =	sld [smem:$0x3FB7];
	_ =	sdelay $0x3  }
0x37: {  	[smem:$0x3FB7] =	sst s10  }
0x38: {  	s10 =	sld [smem:$0x3FB8]  }
0x39: {  	_ = 	snop;
	(pc) =	sbr.ind lr, $3  }
0x3a: {  	_ = 	snop  }
0x3b: {  	_ = 	snop  }
0x3c: {  	p2 =	seq.s32 s10, $0x1;
	s10 =	sld [smem:$0x3FB7]  }
0x3d: {  	_ =	shalt  }
0x3e: {  	_ =	shalt  }
0x3f: {  	_ =	shalt  }
0x40: {  	_ =	shalt  }
0x41: {  	_ =	shalt  }
0x42: {  	_ =	shalt  }
0x43: {  	_ =	shalt  }
0x44: {  	_ =	shalt  }
0x45: {  	_ =	shalt  }
0x46: {  	_ =	shalt  }
0x47: {  	_ =	shalt  }
0x48: {  	_ =	shalt  }
0x49: {  	_ =	shalt  }
0x4a: {  	_ =	shalt  }
0x4b: {  	_ =	shalt  }
0x4c: {  	_ =	shalt  }
0x4d: {  	_ =	shalt  }
0x4e: {  	_ =	shalt  }
0x4f: {  	_ =	shalt  }
0x50: {  	_ =	shalt  }
0x51: {  	_ =	shalt  }
0x52: {  	_ =	shalt  }
0x53: {  	_ =	shalt  }
0x54: {  	_ =	shalt  }
0x55: {  	_ =	shalt  }
0x56: {  	_ =	shalt  }
0x57: {  	_ =	shalt  }
0x58: {  	_ =	shalt  }
0x59: {  	_ =	shalt  }
0x5a: {  	_ =	shalt  }
0x5b: {  	_ =	shalt  }
0x5c: {  	_ =	shalt  }
0x5d: {  	_ =	shalt  }
0x5e: {  	_ =	shalt  }
0x5f: {  	_ =	shalt  }
0x60: {  	_ =	shalt  }
0x61: {  	_ =	shalt  }
0x62: {  	_ =	shalt  }
0x63: {  	_ =	shalt  }
0x64: {  	_ =	shalt  }
0x65: {  	_ =	shalt  }
0x66: {  	_ =	shalt  }
0x67: {  	_ =	shalt  }
0x68: {  	_ =	shalt  }
0x69: {  	_ =	shalt  }
0x6a: {  	_ =	shalt  }
0x6b: {  	_ =	shalt  }
0x6c: {  	_ =	shalt  }
0x6d: {  	_ =	shalt  }
0x6e: {  	_ =	shalt  }
0x6f: {  	_ =	shalt  }
0x70: {  	_ =	shalt  }
0x71: {  	_ =	shalt  }
0x72: {  	_ =	shalt  }
0x73: {  	_ =	shalt  }
0x74: {  	_ =	shalt  }
0x75: {  	_ =	shalt  }
0x76: {  	_ =	shalt  }
0x77: {  	_ =	shalt  }
0x78: {  	_ =	shalt  }
0x79: {  	_ =	shalt  }
0x7a: {  	_ =	shalt  }
0x7b: {  	_ =	shalt  }
0x7c: {  	_ =	shalt  }
0x7d: {  	_ =	shalt  }
0x7e: {  	_ =	shalt  }
0x7f: {  	_ =	shalt  }
0x80: {  	_ =	shalt  }
0x81: {  	_ =	shalt  }
0x82: {  	_ =	shalt  }
0x83: {  	_ =	shalt  }
0x84: {  	_ =	shalt  }
0x85: {  	_ =	shalt  }
0x86: {  	_ =	shalt  }
0x87: {  	_ =	shalt  }
.Lfunc_end0:
.L_simem_size_0:
called_computation.1_lowered:
.L_overlay_start_0:
0x88: {  	s2 =	sld [smem:$0x3FD9]  }
0x89: {  	s3 =	sld [smem:$0x3FFE];
	_ =	sdelay $0x1  }
0x8a: {  	s1 =	srdreg.scid  }
0x8b: {  	s0 =	sand.u32 $0x1, s1  }
0x8c: {  	s17 =	sshll.u32 s0, $0xA;
	s2 =	sadd.s32 s3, s2  }
0x8d: {  	s2 =	sadd.s32 s2, s17  }
0x8e: {  	[smem:$0x3FC3] =	sst s2  }
0x8f: {  	_ = 	snop  }
0x90: {  	s2 =	sld [smem:$0x3FD0];
	(tm) =	ssettm $0x1  }
0x91: {  	s18 =	sld [smem:$0x3FFB];
	_ =	sdelay $0x3  }
0x92: {  	_ =	strace s18  }
0x93: {  	s3 =	sld [smem:$0x3FFC];
	_ =	sdelay $0x3  }
0x94: {  	_ =	strace s3  }
0x95: {  	s3 =	sld [smem:$0x3FFD];
	_ =	sdelay $0x3  }
0x96: {  	_ =	strace s3  }
0x97: {  	_ =	strace $0x8FFFFFFF  }
0x98: {  	s19 =	sld [smem:$0x3FDB];
	_ =	sdelay $0x1  }
0x99: {  	s4 =	simm.s32 $_scs_section_size  }
0x9a: {  	s5 =	simm.s32 $_size__tile_overlayer_lowered;
	s6 =	simm.s32 $_tile_overlayer_lowered  }
0x9b: {  	s22 =	simm.s32 $0x1BFF;
	s21 =	sshll.u32 s6, $0x1;
	s3 =	sadd.s32 s4, s19  }
0x9c: {  	s7 =	simm.s32 $0x0;
	s20 =	sshll.u32 s5, $0x1;
	s5 =	sadd.s32 s21, s3  }
0x9d: {  	[timem:s7], [sflag:s22] =	dma.local [hbm:s5], s20  }
0x9e: {  	_ =	swait.ge [sflag:s22], s20  }
0x9f: {  	s4 =	ssub.s32 $0x0, s20;
	[sflag:s22] =	ssyncset.done $0x0  }
0xa0: {  	[sflag:s22] =	ssyncadd.s32 s4;
	_ =	sdelay $0x1  }
0xa1: {  	s23 =	simm.s32 $0x1B8B  }
0xa2: {  	_ =	swait.ge [sflag:s23], $0x1  }
0xa3: {  	[sflag:s23] =	ssyncset.done $0x0  }
0xa4: {  	s25 =	simm.s32 $0x1B8E;
	s24 =	sld [smem:$0x3FFE];
	[sflag:s23] =	ssyncadd.s32 $0xFFFFFFFF  }
0xa5: {  	s26 =	simm.s32 $execute0_lowered;
	[smem:$0x3FD2] =	sst s25  }
0xa6: {  	s5 =	sshll.u32 s26, $0x1;
	_ =	strace $0x80000049;
	[dreg:$0x1] =	wrdreg $0xFFFFFFFF  }
0xa7: {  	s28 =	simm.s32 $_size_execute0_lowered;
	s3 =	sadd.s32 s3, s5;
	[dreg:$0x0] =	wrdreg $0x0  }
0xa8: {  	s5 =	sshll.u32 s28, $0x1;
	[dreg:$0x2] =	wrdreg s3  }
0xa9: {  	[dreg:$0x3] =	wrdreg s5  }
0xaa: {  	[dreg:$0x4] =	wrdreg $0xC0  }
0xab: {  	_ =	task [dreg:s7], $0x5FFFF  }
0xac: {  	[dreg:$0x1] =	wrdreg $0xFFFFFFFF  }
0xad: {  	[dreg:$0x0] =	wrdreg $0x60  }
0xae: {  	[dreg:$0x2] =	wrdreg s24  }
0xaf: {  	[dreg:$0x3] =	wrdreg s2  }
0xb0: {  	[dreg:$0x4] =	wrdreg $0x9  }
0xb1: {  	_ =	task.clear_ibuf [dreg:s7], $0x5FFFF;
	_ =	strace $0x90000049  }
0xb2: {  	s29 =	simm.s32 $0x9;
	_ =	strace $0x8000004B  }
0xb3: {  	_ =	swait.ge [sflag:s29], $0x1  }
0xb4: {  	[sflag:s29] =	ssyncadd.s32 $0xFFFFFFFF  }
0xb5: {  	_ =	strace $0x9000004B  }
0xb6: {  	_ =	sfence  }
0xb7: {  	s30 =	sld [smem:$0x0];
	_ =	sdelay $0x2  }
0xb8: {  	s31 =	sshll.u32 s1, $0xD;
	s1 =	sshrl.u32 s1, $0x2  }
0xb9: {  	s3 =	sand.u32 $0x4000, s31;
	s1 =	sadd.s32 s1, s30  }
0xba: {  	s0 =	sor.u32 s3, s0;
	s1 =	sshll.u32 s1, $0x11  }
0xbb: {  	s0 =	sor.u32 s1, s0  }
0xbc: {  	s0 =	sadd.s32 $0x8F2B, s0  }
0xbd: {  	[sflag:s0] =	ssyncadd.remote.s32 $0x1  }
0xbe: {  	_ =	sfence.sel $0xFFFF  }
0xbf: {  	[dreg:$0x0] =	wrdreg $0xFFFFFFFF;
	(pc) =	sbr.abs _section_cstart, $3  }
0xc0: {  	[dreg:$0x1] =	wrdreg $0xFFFFFFFF  }
0xc1: {  	_ =	task.clear_ibuf [dreg:s7], $0x2FFFF;
	_ =	strace $0x9FFFFFFF  }
0xc2: {  	(tm) =	ssettm $0x7FFFFFFF  }
0xc3: {  	_ =	shalt  }
tec
execute0_lowered:
.L_overlay_start_1:
0x0: {  	(tag) =	ssettag $0x1  }
0x1: {  	s0 =	rddreg [dreg:$0x0]  }
0x2: {  	s1 =	rddreg [dreg:$0x1]  }
0x3: {  	s2 =	srdreg.scid;
	s4 =	stileid.u32;
	s28 =	simm.s32 $0x2800  }
0x4: {  	s29 =	simm.s32 $0x3000;
	s30 =	simm.s32 $0x3800;
	s31 =	simm.s32 $0x4000  }
0x5: {  	s13 =	simm.s32 $0x1;
	s3 =	sand.u32 $0x1, s2;
	s2 =	simm.s32 $0x0  }
0x6: {  	s4 =	sshll.u32 s4, $0x7;
	s9 =	sadd.s32 $0x1A00, s0;
	s7 =	sadd.s32 $0x1E00, s0  }
0x7: {  	s8 =	sadd.s32 $0x1F00, s0;
	s5 =	sshll.u32 s3, $0x6;
	s3 =	ssub.s32 $0x2, s3  }
0x8: {  	[smem:$0x7FF] =	sst s2;
	s5 =	sor.u32 s5, s4;
	s6 =	sshrl.u32 s3, $0x1  }
0x9: {  	_ =	strace $0x8000004A;
	s4 =	sshrl.u32 s5, $0x3;
	s3 =	ssub.s32 s3, s6  }
0xa: {  	s6 =	sadd.s32 $0x1D00, s0;
	s10 =	sor.u32 $0x10, s5;
	s15 =	sshll.u32 s5, $0x7  }
0xb: {  	s17 =	sor.u32 $0x20, s5;
	s5 =	sor.u32 $0x30, s5;
	s12 =	sadd.s32 s9, s4  }
0xc: {  	s4 =	sadd.s32 $0x1C00, s0;
	s11 =	sshrl.u32 s10, $0x3;
	s0 =	sadd.s32 s1, s15  }
0xd: {  	s10 =	sshll.u32 s10, $0x7;
	s19 =	sshrl.u32 s17, $0x3;
	[dreg:$0x5] =	wrdreg s0  }
0xe: {  	s22 =	sshrl.u32 s5, $0x3;
	s26 =	smax.u32 s3, $0x1;
	[dreg:$0x3] =	wrdreg s12  }
0xf: {  	s24 =	sshll.u32 s5, $0x7;
	s14 =	sadd.s32 $0x100, s12;
	[dreg:$0xf] =	wrdreg s26  }
0x10: {  	s5 =	simm.s32 $0x5800;
	s16 =	sadd.s32 s9, s11;
	[dreg:$0x4] =	wrdreg s14  }
0x11: {  	s15 =	simm.s32 $0x0;
	s18 =	sadd.s32 $0x102, s12;
	[dreg:$0x6] =	wrdreg s16  }
0x12: {  	s10 =	sadd.s32 s1, s10;
	s20 =	sadd.s32 s9, s19;
	[dreg:$0x7] =	wrdreg s18  }
0x13: {  	s21 =	sadd.s32 $0x104, s12;
	s0 =	sshll.u32 s17, $0x7;
	[dreg:$0x8] =	wrdreg s10  }
0x14: {  	s23 =	sadd.s32 s9, s22;
	s25 =	sadd.s32 $0x106, s12;
	[dreg:$0x9] =	wrdreg s20  }
0x15: {  	s26 =	simm.s32 $0x2000;
	s9 =	simm.s32 $0x6000;
	[dreg:$0xa] =	wrdreg s21  }
0x16: {  	s11 =	simm.s32 $0x7000;
	s12 =	simm.s32 $0x7800;
	[dreg:$0xc] =	wrdreg s23  }
0x17: {  	s0 =	sadd.s32 s1, s0;
	[dreg:$0xd] =	wrdreg s25;
	s21 =	simm.s32 $0x3  }
0x18: {  	v2 =	vlaneseq.u32;
	s25 =	simm.s32 $0x1800;
	s10 =	simm.s32 $0x6800;
	s14 =	simm.s32 $0x2  }
0x19: {  	vm0 =	vmmov $0xffff;
	v1 =	vshrl.u32 v2, $0x3;
	[dreg:$0xb] =	wrdreg s0;
	s0 =	sadd.s32 s1, s24;
	s24 =	simm.s32 $0x1000  }
0x1a: {  	v0 =	vand.u32 $0x7, v2;
	v2 =	vor.u32 $0x8, v2;
	v1 =	vmul.u32 $0x8, v1;
	s1 =	simm.s32 $0x5000;
	[dreg:$0xe] =	wrdreg s0;
	s0 =	simm.s32 $0x4800  }
.LBB2_1:
0x1b: {  	s3 =	rddreg [dreg:$0x3];
	s16 =	simm.s32 $0x8000  }
0x1c: {  	[tilespmem:s16], [sflag:$0x3] =	stream.linear.gather [hbm4b:s3+s2], $0x10, $0x38;
	[tilespmem:$0x8100] =	vst v63  }
0x1d: {  	_ =	swait.ge [sflag:s21], $0x10  }
0x1e: {  	[sflag:s21] =	ssyncset.done $0x0  }
0x1f: {  	s18 =	simm.s32 $0x8080;
	s17 =	rddreg [dreg:$0x4];
	[sflag:s21] =	ssyncadd.s32 $0xFFFFFFF0  }
0x20: {  	[tilespmem:s18], [sflag:$0x3] =	stream.linear.gather [hbm4b:s17+s2], $0x10, $0x38;
	[tilespmem:$0x8100] =	vst v63  }
0x21: {  	_ =	swait.ge [sflag:s21], $0x10  }
0x22: {  	[sflag:s21] =	ssyncset.done $0x0  }
0x23: {  	[sflag:s21] =	ssyncadd.s32 $0xFFFFFFF0  }
0x24: {  	v3 =	vld [tilespmem:$0x8000];
	_ =	sdelay $0x4  }
0x25: {  	v4 =	vshll.u32 v3, $0x3  }
0x26: {  	v3 =	vand.u32 $0x7, v3;
	v4 =	vand.u32 $0xFFFFFFC0, v4  }
0x27: {  	v3 =	vor.u32 v3, v4  }
0x28: {  	v4 =	vperm.xlane v3, v0;
	_ =	sdelay $0x1  }
0x29: {  	v4 =	vadd.s32 v1, v4;
	_ =	sdelay $0x4  }
0x2a: {  	[tilespmem:s2], [sflag:$0x1] =	stream.indirect_vreg.gather [hbm4b:s4+s2], $0x80, v4, vm0, $0xb8;
	[tilespmem:$0x8100] =	vst v63  }
0x2b: {  	s19 =	simm.s32 $0x800;
	v3 =	vperm.xlane v3, v2  }
0x2c: {  	[tilespmem:s19], [sflag:$0x1] =	stream.indirect_vreg.gather [hbm4b:s6+s2], $0x80, v4, vm0, $0xb8;
	[tilespmem:$0x8100] =	vst v63  }
0x2d: {  	v3 =	vadd.s32 v1, v3  }
0x2e: {  	[tilespmem:s24], [sflag:$0x1] =	stream.indirect_vreg.gather [hbm4b:s7+s2], $0x80, v4, vm0, $0xb8;
	[tilespmem:$0x8100] =	vst v63  }
0x2f: {  	_ = 	snop  }
0x30: {  	[tilespmem:s25], [sflag:$0x1] =	stream.indirect_vreg.gather [hbm4b:s8+s2], $0x80, v4, vm0, $0xb8;
	[tilespmem:$0x8100] =	vst v63  }
0x31: {  	_ = 	snop  }
0x32: {  	[tilespmem:s26], [sflag:$0x1] =	stream.indirect_vreg.gather [hbm4b:s4+s2], $0x80, v3, vm0, $0xb8;
	[tilespmem:$0x8100] =	vst v63  }
0x33: {  	_ = 	snop  }
0x34: {  	[tilespmem:s28], [sflag:$0x1] =	stream.indirect_vreg.gather [hbm4b:s6+s2], $0x80, v3, vm0, $0xb8;
	[tilespmem:$0x8100] =	vst v63  }
0x35: {  	_ = 	snop  }
0x36: {  	[tilespmem:s29], [sflag:$0x1] =	stream.indirect_vreg.gather [hbm4b:s7+s2], $0x80, v3, vm0, $0xb8;
	[tilespmem:$0x8100] =	vst v63  }
0x37: {  	_ = 	snop  }
0x38: {  	[tilespmem:s30], [sflag:$0x1] =	stream.indirect_vreg.gather [hbm4b:s8+s2], $0x80, v3, vm0, $0xb8;
	[tilespmem:$0x8100] =	vst v63  }
0x39: {  	v3 =	vld [tilespmem:$0x8080];
	_ =	sdelay $0x4  }
0x3a: {  	v4 =	vshll.u32 v3, $0x3  }
0x3b: {  	v3 =	vand.u32 $0x7, v3;
	v4 =	vand.u32 $0xFFFFFFC0, v4  }
0x3c: {  	v3 =	vor.u32 v3, v4  }
0x3d: {  	v4 =	vperm.xlane v3, v0;
	_ =	sdelay $0x1  }
0x3e: {  	v4 =	vadd.s32 v1, v4;
	_ =	sdelay $0x4  }
0x3f: {  	[tilespmem:s31], [sflag:$0x2] =	stream.indirect_vreg.gather [hbm4b:s4+s2], $0x80, v4, vm0, $0xb8;
	[tilespmem:$0x8100] =	vst v63  }
0x40: {  	v3 =	vperm.xlane v3, v2  }
0x41: {  	[tilespmem:s0], [sflag:$0x2] =	stream.indirect_vreg.gather [hbm4b:s6+s2], $0x80, v4, vm0, $0xb8;
	[tilespmem:$0x8100] =	vst v63  }
0x42: {  	v3 =	vadd.s32 v1, v3  }
0x43: {  	[tilespmem:s1], [sflag:$0x2] =	stream.indirect_vreg.gather [hbm4b:s7+s2], $0x80, v4, vm0, $0xb8;
	[tilespmem:$0x8100] =	vst v63  }
0x44: {  	_ = 	snop  }
0x45: {  	[tilespmem:s5], [sflag:$0x2] =	stream.indirect_vreg.gather [hbm4b:s8+s2], $0x80, v4, vm0, $0xb8;
	[tilespmem:$0x8100] =	vst v63  }
0x46: {  	_ = 	snop  }
0x47: {  	[tilespmem:s9], [sflag:$0x2] =	stream.indirect_vreg.gather [hbm4b:s4+s2], $0x80, v3, vm0, $0xb8;
	[tilespmem:$0x8100] =	vst v63  }
0x48: {  	_ = 	snop  }
0x49: {  	[tilespmem:s10], [sflag:$0x2] =	stream.indirect_vreg.gather [hbm4b:s6+s2], $0x80, v3, vm0, $0xb8;
	[tilespmem:$0x8100] =	vst v63  }
0x4a: {  	_ = 	snop  }
0x4b: {  	[tilespmem:s11], [sflag:$0x2] =	stream.indirect_vreg.gather [hbm4b:s7+s2], $0x80, v3, vm0, $0xb8;
	[tilespmem:$0x8100] =	vst v63  }
0x4c: {  	_ = 	snop  }
0x4d: {  	[tilespmem:s12], [sflag:$0x2] =	stream.indirect_vreg.gather [hbm4b:s8+s2], $0x80, v3, vm0, $0xb8;
	[tilespmem:$0x8100] =	vst v63  }
0x4e: {  	_ =	swait.ge [sflag:s13], $0x4000  }
0x4f: {  	[sflag:s13] =	ssyncset.done $0x0  }
0x50: {  	[sflag:s13] =	ssyncadd.s32 $0xFFFFC000  }
0x51: {  	_ =	swait.ge [sflag:s14], $0x4000  }
0x52: {  	s20 =	sand.u32 $0x70, s2;
	s22 =	sand.u32 $0x1C00, s2;
	[sflag:s14] =	ssyncset.done $0x0  }
0x53: {  	s16 =	sor.u32 s20, s22;
	[sflag:s14] =	ssyncadd.s32 $0xFFFFC000  }
0x54: {  	v3 =	vld [tilespmem:s16+$0x4000]  }
0x55: {  	v4 =	vld [tilespmem:s16+$0x0];
	_ =	sdelay $0x3  }
0x56: {  	s23 =	simm.s32 $0x10;
	s17 =	simm.s32 $0x80  }
0x57: {  	s3 =	sand.u32 $0x70, s23;
	s18 =	sand.u32 $0x1C00, s17;
	v3 =	vadd.f32 v3, v4  }
0x58: {  	s18 =	sor.u32 s3, s18;
	s3 =	simm.s32 $0x20  }
.LBB2_2:
0x59: {  	p0 =	sne.s32 s3, $0x3F0;
	v4 =	vld [tilespmem:s18+$0x4000];
	[tilespmem:s16+$0x0] =	vst v3;
	s16 =	smov.u32 s18  }
0x5a: {  	v3 =	vld [tilespmem:s16+$0x0];
	_ =	sdelay $0x1  }
.Ltmp0:
0x5b: {  	(pc) =	sbr.rel @p0 .LBB2_2-.Ltmp0, $4  }
0x5c: {  	_ = 	snop  }
0x5d: {  	s17 =	sadd.s32 $0x80, s17  }
0x5e: {  	s18 =	sand.u32 $0x70, s3;
	s19 =	sand.u32 $0x1C00, s17;
	v3 =	vadd.f32 v4, v3  }
0x5f: {  	s3 =	sadd.s32 $0x10, s3;
	s18 =	sor.u32 s18, s19  }
0x60: {  	v4 =	vld [tilespmem:s18+$0x4000];
	[tilespmem:s16+$0x0] =	vst v3  }
0x61: {  	v3 =	vld [tilespmem:s18+$0x0];
	_ =	sdelay $0x4  }
0x62: {  	s3 =	simm.s32 $0x0;
	v3 =	vadd.f32 v4, v3  }
0x63: {  	s20 =	sand.u32 $0x70, s3;
	s3 =	sand.u32 $0x1C00, s3  }
0x64: {  	s16 =	sor.u32 s3, s20;
	[tilespmem:s18+$0x0] =	vst v3  }
0x65: {  	v3 =	vld [tilespmem:s16+$0x4080]  }
0x66: {  	v4 =	vld [tilespmem:s16+$0x80];
	_ =	sdelay $0x3  }
0x67: {  	s22 =	simm.s32 $0x10;
	s18 =	simm.s32 $0x80  }
0x68: {  	s17 =	sand.u32 $0x70, s22;
	s23 =	sand.u32 $0x1C00, s18;
	v3 =	vadd.f32 v3, v4  }
0x69: {  	s19 =	simm.s32 $0x20;
	s3 =	smov.u32 s16;
	s20 =	sor.u32 s23, s17  }
.LBB2_4:
0x6a: {  	p0 =	sne.s32 s19, $0x3F0;
	v4 =	vld [tilespmem:s20+$0x4080];
	[tilespmem:s3+$0x80] =	vst v3;
	s3 =	smov.u32 s20  }
0x6b: {  	v3 =	vld [tilespmem:s3+$0x80];
	_ =	sdelay $0x1  }
.Ltmp1:
0x6c: {  	(pc) =	sbr.rel @p0 .LBB2_4-.Ltmp1, $4  }
0x6d: {  	_ = 	snop  }
0x6e: {  	s18 =	sadd.s32 $0x80, s18  }
0x6f: {  	s20 =	sand.u32 $0x70, s19;
	s22 =	sand.u32 $0x1C00, s18;
	v3 =	vadd.f32 v4, v3  }
0x70: {  	s19 =	sadd.s32 $0x10, s19;
	s20 =	sor.u32 s22, s20  }
0x71: {  	v4 =	vld [tilespmem:s20+$0x4080];
	[tilespmem:s3+$0x80] =	vst v3  }
0x72: {  	v3 =	vld [tilespmem:s20+$0x80];
	_ =	sdelay $0x4  }
0x73: {  	v3 =	vadd.f32 v4, v3;
	_ =	sdelay $0x1  }
0x74: {  	[tilespmem:s20+$0x80] =	vst v3  }
0x75: {  	v3 =	vld [tilespmem:s16+$0x4100]  }
0x76: {  	v4 =	vld [tilespmem:s16+$0x100];
	_ =	sdelay $0x3  }
0x77: {  	s3 =	simm.s32 $0x80  }
0x78: {  	s18 =	sand.u32 $0x1C00, s3;
	v3 =	vadd.f32 v3, v4  }
0x79: {  	s18 =	sor.u32 s18, s17;
	s17 =	simm.s32 $0x20  }
.LBB2_6:
0x7a: {  	p0 =	sne.s32 s17, $0x3F0;
	v4 =	vld [tilespmem:s18+$0x4100];
	[tilespmem:s16+$0x100] =	vst v3;
	s16 =	smov.u32 s18  }
0x7b: {  	v3 =	vld [tilespmem:s16+$0x100];
	_ =	sdelay $0x1  }
.Ltmp2:
0x7c: {  	(pc) =	sbr.rel @p0 .LBB2_6-.Ltmp2, $4  }
0x7d: {  	_ = 	snop  }
0x7e: {  	s3 =	sadd.s32 $0x80, s3  }
0x7f: {  	s18 =	sand.u32 $0x70, s17;
	s19 =	sand.u32 $0x1C00, s3;
	v3 =	vadd.f32 v4, v3  }
0x80: {  	s17 =	sadd.s32 $0x10, s17;
	s18 =	sor.u32 s19, s18  }
0x81: {  	v4 =	vld [tilespmem:s18+$0x4100];
	[tilespmem:s16+$0x100] =	vst v3  }
0x82: {  	v3 =	vld [tilespmem:s18+$0x100];
	_ =	sdelay $0x4  }
0x83: {  	s3 =	simm.s32 $0x0;
	v3 =	vadd.f32 v4, v3  }
0x84: {  	s20 =	sand.u32 $0x70, s3;
	s3 =	sand.u32 $0x1C00, s3  }
0x85: {  	s16 =	sor.u32 s3, s20;
	[tilespmem:s18+$0x100] =	vst v3  }
0x86: {  	v3 =	vld [tilespmem:s16+$0x4180]  }
0x87: {  	v4 =	vld [tilespmem:s16+$0x180];
	_ =	sdelay $0x3  }
0x88: {  	s22 =	simm.s32 $0x10;
	s18 =	simm.s32 $0x80  }
0x89: {  	s17 =	sand.u32 $0x70, s22;
	s23 =	sand.u32 $0x1C00, s18;
	v3 =	vadd.f32 v3, v4  }
0x8a: {  	s19 =	simm.s32 $0x20;
	s3 =	smov.u32 s16;
	s20 =	sor.u32 s23, s17  }
.LBB2_8:
0x8b: {  	p0 =	sne.s32 s19, $0x3F0;
	v4 =	vld [tilespmem:s20+$0x4180];
	[tilespmem:s3+$0x180] =	vst v3;
	s3 =	smov.u32 s20  }
0x8c: {  	v3 =	vld [tilespmem:s3+$0x180];
	_ =	sdelay $0x1  }
.Ltmp3:
0x8d: {  	(pc) =	sbr.rel @p0 .LBB2_8-.Ltmp3, $4  }
0x8e: {  	_ = 	snop  }
0x8f: {  	s18 =	sadd.s32 $0x80, s18  }
0x90: {  	s20 =	sand.u32 $0x70, s19;
	s22 =	sand.u32 $0x1C00, s18;
	v3 =	vadd.f32 v4, v3  }
0x91: {  	s19 =	sadd.s32 $0x10, s19;
	s20 =	sor.u32 s22, s20  }
0x92: {  	v4 =	vld [tilespmem:s20+$0x4180];
	[tilespmem:s3+$0x180] =	vst v3  }
0x93: {  	v3 =	vld [tilespmem:s20+$0x180];
	_ =	sdelay $0x4  }
0x94: {  	v3 =	vadd.f32 v4, v3;
	_ =	sdelay $0x1  }
0x95: {  	[tilespmem:s20+$0x180] =	vst v3  }
0x96: {  	v3 =	vld [tilespmem:s16+$0x4200]  }
0x97: {  	v4 =	vld [tilespmem:s16+$0x200];
	_ =	sdelay $0x3  }
0x98: {  	s3 =	simm.s32 $0x80  }
0x99: {  	s18 =	sand.u32 $0x1C00, s3;
	v3 =	vadd.f32 v3, v4  }
0x9a: {  	s18 =	sor.u32 s18, s17;
	s17 =	simm.s32 $0x20  }
.LBB2_10:
0x9b: {  	p0 =	sne.s32 s17, $0x3F0;
	v4 =	vld [tilespmem:s18+$0x4200];
	[tilespmem:s16+$0x200] =	vst v3;
	s16 =	smov.u32 s18  }
0x9c: {  	v3 =	vld [tilespmem:s16+$0x200];
	_ =	sdelay $0x1  }
.Ltmp4:
0x9d: {  	(pc) =	sbr.rel @p0 .LBB2_10-.Ltmp4, $4  }
0x9e: {  	_ = 	snop  }
0x9f: {  	s3 =	sadd.s32 $0x80, s3  }
0xa0: {  	s18 =	sand.u32 $0x70, s17;
	s19 =	sand.u32 $0x1C00, s3;
	v3 =	vadd.f32 v4, v3  }
0xa1: {  	s17 =	sadd.s32 $0x10, s17;
	s18 =	sor.u32 s19, s18  }
0xa2: {  	v4 =	vld [tilespmem:s18+$0x4200];
	[tilespmem:s16+$0x200] =	vst v3  }
0xa3: {  	v3 =	vld [tilespmem:s18+$0x200];
	_ =	sdelay $0x4  }
0xa4: {  	s3 =	simm.s32 $0x0;
	v3 =	vadd.f32 v4, v3  }
0xa5: {  	s20 =	sand.u32 $0x70, s3;
	s3 =	sand.u32 $0x1C00, s3  }
0xa6: {  	s16 =	sor.u32 s3, s20;
	[tilespmem:s18+$0x200] =	vst v3  }
0xa7: {  	v3 =	vld [tilespmem:s16+$0x4280]  }
0xa8: {  	v4 =	vld [tilespmem:s16+$0x280];
	_ =	sdelay $0x3  }
0xa9: {  	s22 =	simm.s32 $0x10;
	s18 =	simm.s32 $0x80  }
0xaa: {  	s17 =	sand.u32 $0x70, s22;
	s23 =	sand.u32 $0x1C00, s18;
	v3 =	vadd.f32 v3, v4  }
0xab: {  	s19 =	simm.s32 $0x20;
	s3 =	smov.u32 s16;
	s20 =	sor.u32 s23, s17  }
.LBB2_12:
0xac: {  	p0 =	sne.s32 s19, $0x3F0;
	v4 =	vld [tilespmem:s20+$0x4280];
	[tilespmem:s3+$0x280] =	vst v3;
	s3 =	smov.u32 s20  }
0xad: {  	v3 =	vld [tilespmem:s3+$0x280];
	_ =	sdelay $0x1  }
.Ltmp5:
0xae: {  	(pc) =	sbr.rel @p0 .LBB2_12-.Ltmp5, $4  }
0xaf: {  	_ = 	snop  }
0xb0: {  	s18 =	sadd.s32 $0x80, s18  }
0xb1: {  	s20 =	sand.u32 $0x70, s19;
	s22 =	sand.u32 $0x1C00, s18;
	v3 =	vadd.f32 v4, v3  }
0xb2: {  	s19 =	sadd.s32 $0x10, s19;
	s20 =	sor.u32 s22, s20  }
0xb3: {  	v4 =	vld [tilespmem:s20+$0x4280];
	[tilespmem:s3+$0x280] =	vst v3  }
0xb4: {  	v3 =	vld [tilespmem:s20+$0x280];
	_ =	sdelay $0x4  }
0xb5: {  	v3 =	vadd.f32 v4, v3;
	_ =	sdelay $0x1  }
0xb6: {  	[tilespmem:s20+$0x280] =	vst v3  }
0xb7: {  	v3 =	vld [tilespmem:s16+$0x4300]  }
0xb8: {  	v4 =	vld [tilespmem:s16+$0x300];
	_ =	sdelay $0x3  }
0xb9: {  	s3 =	simm.s32 $0x80  }
0xba: {  	s18 =	sand.u32 $0x1C00, s3;
	v3 =	vadd.f32 v3, v4  }
0xbb: {  	s18 =	sor.u32 s18, s17;
	s17 =	simm.s32 $0x20  }
.LBB2_14:
0xbc: {  	p0 =	sne.s32 s17, $0x3F0;
	v4 =	vld [tilespmem:s18+$0x4300];
	[tilespmem:s16+$0x300] =	vst v3;
	s16 =	smov.u32 s18  }
0xbd: {  	v3 =	vld [tilespmem:s16+$0x300];
	_ =	sdelay $0x1  }
.Ltmp6:
0xbe: {  	(pc) =	sbr.rel @p0 .LBB2_14-.Ltmp6, $4  }
0xbf: {  	_ = 	snop  }
0xc0: {  	s3 =	sadd.s32 $0x80, s3  }
0xc1: {  	s18 =	sand.u32 $0x70, s17;
	s19 =	sand.u32 $0x1C00, s3;
	v3 =	vadd.f32 v4, v3  }
0xc2: {  	s17 =	sadd.s32 $0x10, s17;
	s18 =	sor.u32 s19, s18  }
0xc3: {  	v4 =	vld [tilespmem:s18+$0x4300];
	[tilespmem:s16+$0x300] =	vst v3  }
0xc4: {  	v3 =	vld [tilespmem:s18+$0x300];
	_ =	sdelay $0x4  }
0xc5: {  	s16 =	simm.s32 $0x0;
	v3 =	vadd.f32 v4, v3  }
0xc6: {  	s3 =	sor.u32 s16, s16  }
0xc7: {  	[tilespmem:s18+$0x300] =	vst v3;
	s18 =	sor.u32 $0x380, s3  }
0xc8: {  	v3 =	vld [tilespmem:s18+$0x4000]  }
0xc9: {  	v4 =	vld [tilespmem:s18+$0x0];
	_ =	sdelay $0x3  }
0xca: {  	s17 =	simm.s32 $0x10;
	s3 =	simm.s32 $0x80  }
0xcb: {  	s19 =	sor.u32 s3, s17;
	v3 =	vadd.f32 v3, v4  }
0xcc: {  	s20 =	sor.u32 $0x380, s19;
	s19 =	simm.s32 $0x20  }
.LBB2_16:
0xcd: {  	p0 =	sne.s32 s19, $0x3F0;
	v4 =	vld [tilespmem:s20+$0x4000];
	[tilespmem:s18+$0x0] =	vst v3;
	s18 =	smov.u32 s20  }
0xce: {  	v3 =	vld [tilespmem:s18+$0x0];
	_ =	sdelay $0x1  }
.Ltmp7:
0xcf: {  	(pc) =	sbr.rel @p0 .LBB2_16-.Ltmp7, $4  }
0xd0: {  	_ = 	snop  }
0xd1: {  	s3 =	sadd.s32 $0x80, s3  }
0xd2: {  	s20 =	sor.u32 s3, s19;
	v3 =	vadd.f32 v4, v3  }
0xd3: {  	s19 =	sadd.s32 $0x10, s19;
	s20 =	sor.u32 $0x380, s20  }
0xd4: {  	v4 =	vld [tilespmem:s20+$0x4000];
	[tilespmem:s18+$0x0] =	vst v3  }
0xd5: {  	v3 =	vld [tilespmem:s20+$0x0];
	_ =	sdelay $0x4  }
0xd6: {  	v3 =	vadd.f32 v4, v3  }
0xd7: {  	s3 =	sand.u32 $0x70, s16;
	s19 =	sand.u32 $0x1C00, s16  }
0xd8: {  	s16 =	sor.u32 s19, s3;
	[tilespmem:s20+$0x0] =	vst v3  }
0xd9: {  	v3 =	vld [tilespmem:s16+$0x6000]  }
0xda: {  	v4 =	vld [tilespmem:s16+$0x2000];
	_ =	sdelay $0x3  }
0xdb: {  	s18 =	simm.s32 $0x80  }
0xdc: {  	s22 =	sand.u32 $0x70, s17;
	s23 =	sand.u32 $0x1C00, s18;
	v3 =	vadd.f32 v3, v4  }
0xdd: {  	s3 =	simm.s32 $0x20;
	s17 =	sor.u32 s23, s22  }
.LBB2_18:
0xde: {  	p0 =	sne.s32 s3, $0x3F0;
	v4 =	vld [tilespmem:s17+$0x6000];
	[tilespmem:s16+$0x2000] =	vst v3;
	s16 =	smov.u32 s17  }
0xdf: {  	v3 =	vld [tilespmem:s16+$0x2000];
	_ =	sdelay $0x1  }
.Ltmp8:
0xe0: {  	(pc) =	sbr.rel @p0 .LBB2_18-.Ltmp8, $4  }
0xe1: {  	_ = 	snop  }
0xe2: {  	s18 =	sadd.s32 $0x80, s18  }
0xe3: {  	s17 =	sand.u32 $0x70, s3;
	s19 =	sand.u32 $0x1C00, s18;
	v3 =	vadd.f32 v4, v3  }
0xe4: {  	s3 =	sadd.s32 $0x10, s3;
	s17 =	sor.u32 s19, s17  }
0xe5: {  	v4 =	vld [tilespmem:s17+$0x6000];
	[tilespmem:s16+$0x2000] =	vst v3  }
0xe6: {  	v3 =	vld [tilespmem:s17+$0x2000];
	_ =	sdelay $0x4  }
0xe7: {  	s3 =	simm.s32 $0x0;
	v3 =	vadd.f32 v4, v3  }
0xe8: {  	s20 =	sand.u32 $0x70, s3;
	s3 =	sand.u32 $0x1C00, s3  }
0xe9: {  	s16 =	sor.u32 s3, s20;
	[tilespmem:s17+$0x2000] =	vst v3  }
0xea: {  	v3 =	vld [tilespmem:s16+$0x6080]  }
0xeb: {  	v4 =	vld [tilespmem:s16+$0x2080];
	_ =	sdelay $0x3  }
0xec: {  	s22 =	simm.s32 $0x10;
	s18 =	simm.s32 $0x80  }
0xed: {  	s23 =	sand.u32 $0x1C00, s18;
	s17 =	sand.u32 $0x70, s22;
	v3 =	vadd.f32 v3, v4  }
0xee: {  	s19 =	simm.s32 $0x20;
	s3 =	smov.u32 s16;
	s20 =	sor.u32 s23, s17  }
.LBB2_20:
0xef: {  	p0 =	sne.s32 s19, $0x3F0;
	v4 =	vld [tilespmem:s20+$0x6080];
	[tilespmem:s3+$0x2080] =	vst v3;
	s3 =	smov.u32 s20  }
0xf0: {  	v3 =	vld [tilespmem:s3+$0x2080];
	_ =	sdelay $0x1  }
.Ltmp9:
0xf1: {  	(pc) =	sbr.rel @p0 .LBB2_20-.Ltmp9, $4  }
0xf2: {  	_ = 	snop  }
0xf3: {  	s18 =	sadd.s32 $0x80, s18  }
0xf4: {  	s20 =	sand.u32 $0x70, s19;
	s22 =	sand.u32 $0x1C00, s18;
	v3 =	vadd.f32 v4, v3  }
0xf5: {  	s19 =	sadd.s32 $0x10, s19;
	s20 =	sor.u32 s22, s20  }
0xf6: {  	v4 =	vld [tilespmem:s20+$0x6080];
	[tilespmem:s3+$0x2080] =	vst v3  }
0xf7: {  	v3 =	vld [tilespmem:s20+$0x2080];
	_ =	sdelay $0x4  }
0xf8: {  	v3 =	vadd.f32 v4, v3;
	_ =	sdelay $0x1  }
0xf9: {  	[tilespmem:s20+$0x2080] =	vst v3  }
0xfa: {  	v3 =	vld [tilespmem:s16+$0x6100]  }
0xfb: {  	v4 =	vld [tilespmem:s16+$0x2100];
	_ =	sdelay $0x3  }
0xfc: {  	s3 =	simm.s32 $0x80  }
0xfd: {  	s18 =	sand.u32 $0x1C00, s3;
	v3 =	vadd.f32 v3, v4  }
0xfe: {  	s18 =	sor.u32 s18, s17;
	s17 =	simm.s32 $0x20  }
.LBB2_22:
0xff: {  	p0 =	sne.s32 s17, $0x3F0;
	v4 =	vld [tilespmem:s18+$0x6100];
	[tilespmem:s16+$0x2100] =	vst v3;
	s16 =	smov.u32 s18  }
0x100: {  	v3 =	vld [tilespmem:s16+$0x2100];
	_ =	sdelay $0x1  }
.Ltmp10:
0x101: {  	(pc) =	sbr.rel @p0 .LBB2_22-.Ltmp10, $4  }
0x102: {  	_ = 	snop  }
0x103: {  	s3 =	sadd.s32 $0x80, s3  }
0x104: {  	s18 =	sand.u32 $0x70, s17;
	s19 =	sand.u32 $0x1C00, s3;
	v3 =	vadd.f32 v4, v3  }
0x105: {  	s17 =	sadd.s32 $0x10, s17;
	s18 =	sor.u32 s19, s18  }
0x106: {  	v4 =	vld [tilespmem:s18+$0x6100];
	[tilespmem:s16+$0x2100] =	vst v3  }
0x107: {  	v3 =	vld [tilespmem:s18+$0x2100];
	_ =	sdelay $0x4  }
0x108: {  	s3 =	simm.s32 $0x0;
	v3 =	vadd.f32 v4, v3  }
0x109: {  	s20 =	sand.u32 $0x70, s3;
	s3 =	sand.u32 $0x1C00, s3  }
0x10a: {  	s16 =	sor.u32 s3, s20;
	[tilespmem:s18+$0x2100] =	vst v3  }
0x10b: {  	v3 =	vld [tilespmem:s16+$0x6180]  }
0x10c: {  	v4 =	vld [tilespmem:s16+$0x2180];
	_ =	sdelay $0x3  }
0x10d: {  	s22 =	simm.s32 $0x10;
	s18 =	simm.s32 $0x80  }
0x10e: {  	s17 =	sand.u32 $0x70, s22;
	s23 =	sand.u32 $0x1C00, s18;
	v3 =	vadd.f32 v3, v4  }
0x10f: {  	s19 =	simm.s32 $0x20;
	s3 =	smov.u32 s16;
	s20 =	sor.u32 s23, s17  }
.LBB2_24:
0x110: {  	p0 =	sne.s32 s19, $0x3F0;
	v4 =	vld [tilespmem:s20+$0x6180];
	[tilespmem:s3+$0x2180] =	vst v3;
	s3 =	smov.u32 s20  }
0x111: {  	v3 =	vld [tilespmem:s3+$0x2180];
	_ =	sdelay $0x1  }
.Ltmp11:
0x112: {  	(pc) =	sbr.rel @p0 .LBB2_24-.Ltmp11, $4  }
0x113: {  	_ = 	snop  }
0x114: {  	s18 =	sadd.s32 $0x80, s18  }
0x115: {  	s20 =	sand.u32 $0x70, s19;
	s22 =	sand.u32 $0x1C00, s18;
	v3 =	vadd.f32 v4, v3  }
0x116: {  	s19 =	sadd.s32 $0x10, s19;
	s20 =	sor.u32 s22, s20  }
0x117: {  	v4 =	vld [tilespmem:s20+$0x6180];
	[tilespmem:s3+$0x2180] =	vst v3  }
0x118: {  	v3 =	vld [tilespmem:s20+$0x2180];
	_ =	sdelay $0x4  }
0x119: {  	v3 =	vadd.f32 v4, v3;
	_ =	sdelay $0x1  }
0x11a: {  	[tilespmem:s20+$0x2180] =	vst v3  }
0x11b: {  	v3 =	vld [tilespmem:s16+$0x6200]  }
0x11c: {  	v4 =	vld [tilespmem:s16+$0x2200];
	_ =	sdelay $0x3  }
0x11d: {  	s3 =	simm.s32 $0x80  }
0x11e: {  	s18 =	sand.u32 $0x1C00, s3;
	v3 =	vadd.f32 v3, v4  }
0x11f: {  	s18 =	sor.u32 s18, s17;
	s17 =	simm.s32 $0x20  }
.LBB2_26:
0x120: {  	p0 =	sne.s32 s17, $0x3F0;
	v4 =	vld [tilespmem:s18+$0x6200];
	[tilespmem:s16+$0x2200] =	vst v3;
	s16 =	smov.u32 s18  }
0x121: {  	v3 =	vld [tilespmem:s16+$0x2200];
	_ =	sdelay $0x1  }
.Ltmp12:
0x122: {  	(pc) =	sbr.rel @p0 .LBB2_26-.Ltmp12, $4  }
0x123: {  	_ = 	snop  }
0x124: {  	s3 =	sadd.s32 $0x80, s3  }
0x125: {  	s18 =	sand.u32 $0x70, s17;
	s19 =	sand.u32 $0x1C00, s3;
	v3 =	vadd.f32 v4, v3  }
0x126: {  	s17 =	sadd.s32 $0x10, s17;
	s18 =	sor.u32 s19, s18  }
0x127: {  	v4 =	vld [tilespmem:s18+$0x6200];
	[tilespmem:s16+$0x2200] =	vst v3  }
0x128: {  	v3 =	vld [tilespmem:s18+$0x2200];
	_ =	sdelay $0x4  }
0x129: {  	s3 =	simm.s32 $0x0;
	v3 =	vadd.f32 v4, v3  }
0x12a: {  	s20 =	sand.u32 $0x70, s3;
	s3 =	sand.u32 $0x1C00, s3  }
0x12b: {  	s16 =	sor.u32 s3, s20;
	[tilespmem:s18+$0x2200] =	vst v3  }
0x12c: {  	v3 =	vld [tilespmem:s16+$0x6280]  }
0x12d: {  	v4 =	vld [tilespmem:s16+$0x2280];
	_ =	sdelay $0x3  }
0x12e: {  	s22 =	simm.s32 $0x10;
	s18 =	simm.s32 $0x80  }
0x12f: {  	s17 =	sand.u32 $0x70, s22;
	s23 =	sand.u32 $0x1C00, s18;
	v3 =	vadd.f32 v3, v4  }
0x130: {  	s19 =	simm.s32 $0x20;
	s3 =	smov.u32 s16;
	s20 =	sor.u32 s23, s17  }
.LBB2_28:
0x131: {  	p0 =	sne.s32 s19, $0x3F0;
	v4 =	vld [tilespmem:s20+$0x6280];
	[tilespmem:s3+$0x2280] =	vst v3;
	s3 =	smov.u32 s20  }
0x132: {  	v3 =	vld [tilespmem:s3+$0x2280];
	_ =	sdelay $0x1  }
.Ltmp13:
0x133: {  	(pc) =	sbr.rel @p0 .LBB2_28-.Ltmp13, $4  }
0x134: {  	_ = 	snop  }
0x135: {  	s18 =	sadd.s32 $0x80, s18  }
0x136: {  	s20 =	sand.u32 $0x70, s19;
	s22 =	sand.u32 $0x1C00, s18;
	v3 =	vadd.f32 v4, v3  }
0x137: {  	s19 =	sadd.s32 $0x10, s19;
	s20 =	sor.u32 s22, s20  }
0x138: {  	v4 =	vld [tilespmem:s20+$0x6280];
	[tilespmem:s3+$0x2280] =	vst v3  }
0x139: {  	v3 =	vld [tilespmem:s20+$0x2280];
	_ =	sdelay $0x4  }
0x13a: {  	v3 =	vadd.f32 v4, v3;
	_ =	sdelay $0x1  }
0x13b: {  	[tilespmem:s20+$0x2280] =	vst v3  }
0x13c: {  	v3 =	vld [tilespmem:s16+$0x6300]  }
0x13d: {  	v4 =	vld [tilespmem:s16+$0x2300];
	_ =	sdelay $0x3  }
0x13e: {  	s3 =	simm.s32 $0x80  }
0x13f: {  	s18 =	sand.u32 $0x1C00, s3;
	v3 =	vadd.f32 v3, v4  }
0x140: {  	s18 =	sor.u32 s18, s17;
	s17 =	simm.s32 $0x20  }
.LBB2_30:
0x141: {  	p0 =	sne.s32 s17, $0x3F0;
	v4 =	vld [tilespmem:s18+$0x6300];
	[tilespmem:s16+$0x2300] =	vst v3;
	s16 =	smov.u32 s18  }
0x142: {  	v3 =	vld [tilespmem:s16+$0x2300];
	_ =	sdelay $0x1  }
.Ltmp14:
0x143: {  	(pc) =	sbr.rel @p0 .LBB2_30-.Ltmp14, $4  }
0x144: {  	_ = 	snop  }
0x145: {  	s3 =	sadd.s32 $0x80, s3  }
0x146: {  	s18 =	sand.u32 $0x70, s17;
	s19 =	sand.u32 $0x1C00, s3;
	v3 =	vadd.f32 v4, v3  }
0x147: {  	s17 =	sadd.s32 $0x10, s17;
	s18 =	sor.u32 s19, s18  }
0x148: {  	v4 =	vld [tilespmem:s18+$0x6300];
	[tilespmem:s16+$0x2300] =	vst v3  }
0x149: {  	v3 =	vld [tilespmem:s18+$0x2300];
	_ =	sdelay $0x4  }
0x14a: {  	s3 =	simm.s32 $0x0;
	v3 =	vadd.f32 v4, v3  }
0x14b: {  	s3 =	sor.u32 s3, s3  }
0x14c: {  	s16 =	sor.u32 $0x2380, s3;
	[tilespmem:s18+$0x2300] =	vst v3  }
0x14d: {  	v3 =	vld [tilespmem:s16+$0x4000]  }
0x14e: {  	v4 =	vld [tilespmem:s16+$0x0];
	_ =	sdelay $0x3  }
0x14f: {  	s17 =	simm.s32 $0x10;
	s3 =	simm.s32 $0x80  }
0x150: {  	s17 =	sor.u32 s3, s17;
	v3 =	vadd.f32 v3, v4  }
0x151: {  	s18 =	sor.u32 $0x2380, s17;
	s17 =	simm.s32 $0x20  }
.LBB2_32:
0x152: {  	p0 =	sne.s32 s17, $0x3F0;
	v4 =	vld [tilespmem:s18+$0x4000];
	[tilespmem:s16+$0x0] =	vst v3;
	s16 =	smov.u32 s18  }
0x153: {  	v3 =	vld [tilespmem:s16+$0x0];
	_ =	sdelay $0x1  }
.Ltmp15:
0x154: {  	(pc) =	sbr.rel @p0 .LBB2_32-.Ltmp15, $4  }
0x155: {  	_ = 	snop  }
0x156: {  	s3 =	sadd.s32 $0x80, s3  }
0x157: {  	s18 =	sor.u32 s3, s17;
	v3 =	vadd.f32 v4, v3  }
0x158: {  	s17 =	sadd.s32 $0x10, s17;
	s18 =	sor.u32 $0x2380, s18  }
0x159: {  	v4 =	vld [tilespmem:s18+$0x4000];
	[tilespmem:s16+$0x0] =	vst v3  }
0x15a: {  	v3 =	vld [tilespmem:s18+$0x0];
	_ =	sdelay $0x4  }
0x15b: {  	v3 =	vadd.f32 v4, v3;
	_ =	sdelay $0x1  }
0x15c: {  	s3 =	simm.s32 $0x0;
	s17 =	rddreg [dreg:$0x5];
	[tilespmem:s18+$0x0] =	vst v3  }
0x15d: {  	[hbm4b:s17+s3] =	stream.linear.scatter [tilespmem:s3], [sflag:$0x3], $0x4000, $0x38;
	[tilespmem:$0x8100] =	vst v63  }
0x15e: {  	_ =	swait.ge [sflag:s21], $0x4000  }
0x15f: {  	[sflag:s21] =	ssyncset.done $0x0  }
0x160: {  	s17 =	simm.s32 $0x8000;
	s18 =	rddreg [dreg:$0x6];
	[sflag:s21] =	ssyncadd.s32 $0xFFFFC000  }
0x161: {  	[tilespmem:s17], [sflag:$0x3] =	stream.linear.gather [hbm4b:s18+s3], $0x10, $0x38;
	[tilespmem:$0x8100] =	vst v63  }
0x162: {  	_ =	swait.ge [sflag:s21], $0x10  }
0x163: {  	[sflag:s21] =	ssyncset.done $0x0  }
0x164: {  	s20 =	simm.s32 $0x8080;
	s19 =	rddreg [dreg:$0x7];
	[sflag:s21] =	ssyncadd.s32 $0xFFFFFFF0  }
0x165: {  	[tilespmem:s20], [sflag:$0x3] =	stream.linear.gather [hbm4b:s19+s3], $0x10, $0x38;
	[tilespmem:$0x8100] =	vst v63  }
0x166: {  	_ =	swait.ge [sflag:s21], $0x10  }
0x167: {  	[sflag:s21] =	ssyncset.done $0x0  }
0x168: {  	[sflag:s21] =	ssyncadd.s32 $0xFFFFFFF0  }
0x169: {  	v3 =	vld [tilespmem:$0x8000];
	_ =	sdelay $0x4  }
0x16a: {  	v4 =	vshll.u32 v3, $0x3  }
0x16b: {  	v3 =	vand.u32 $0x7, v3;
	v4 =	vand.u32 $0xFFFFFFC0, v4  }
0x16c: {  	v3 =	vor.u32 v3, v4  }
0x16d: {  	v4 =	vperm.xlane v3, v0;
	_ =	sdelay $0x1  }
0x16e: {  	v4 =	vadd.s32 v1, v4;
	_ =	sdelay $0x4  }
0x16f: {  	[tilespmem:s3], [sflag:$0x1] =	stream.indirect_vreg.gather [hbm4b:s4+s3], $0x80, v4, vm0, $0xb8;
	[tilespmem:$0x8100] =	vst v63  }
0x170: {  	s22 =	simm.s32 $0x800;
	v3 =	vperm.xlane v3, v2  }
0x171: {  	[tilespmem:s22], [sflag:$0x1] =	stream.indirect_vreg.gather [hbm4b:s6+s3], $0x80, v4, vm0, $0xb8;
	[tilespmem:$0x8100] =	vst v63  }
0x172: {  	v3 =	vadd.s32 v1, v3  }
0x173: {  	[tilespmem:s24], [sflag:$0x1] =	stream.indirect_vreg.gather [hbm4b:s7+s3], $0x80, v4, vm0, $0xb8;
	[tilespmem:$0x8100] =	vst v63  }
0x174: {  	_ = 	snop  }
0x175: {  	[tilespmem:s25], [sflag:$0x1] =	stream.indirect_vreg.gather [hbm4b:s8+s3], $0x80, v4, vm0, $0xb8;
	[tilespmem:$0x8100] =	vst v63  }
0x176: {  	_ = 	snop  }
0x177: {  	[tilespmem:s26], [sflag:$0x1] =	stream.indirect_vreg.gather [hbm4b:s4+s3], $0x80, v3, vm0, $0xb8;
	[tilespmem:$0x8100] =	vst v63  }
0x178: {  	_ = 	snop  }
0x179: {  	[tilespmem:s28], [sflag:$0x1] =	stream.indirect_vreg.gather [hbm4b:s6+s3], $0x80, v3, vm0, $0xb8;
	[tilespmem:$0x8100] =	vst v63  }
0x17a: {  	_ = 	snop  }
0x17b: {  	[tilespmem:s29], [sflag:$0x1] =	stream.indirect_vreg.gather [hbm4b:s7+s3], $0x80, v3, vm0, $0xb8;
	[tilespmem:$0x8100] =	vst v63  }
0x17c: {  	_ = 	snop  }
0x17d: {  	[tilespmem:s30], [sflag:$0x1] =	stream.indirect_vreg.gather [hbm4b:s8+s3], $0x80, v3, vm0, $0xb8;
	[tilespmem:$0x8100] =	vst v63  }
0x17e: {  	v3 =	vld [tilespmem:$0x8080];
	_ =	sdelay $0x4  }
0x17f: {  	v4 =	vshll.u32 v3, $0x3  }
0x180: {  	v3 =	vand.u32 $0x7, v3;
	v4 =	vand.u32 $0xFFFFFFC0, v4  }
0x181: {  	v3 =	vor.u32 v3, v4  }
0x182: {  	v4 =	vperm.xlane v3, v0;
	_ =	sdelay $0x1  }
0x183: {  	v4 =	vadd.s32 v1, v4;
	_ =	sdelay $0x4  }
0x184: {  	[tilespmem:s31], [sflag:$0x2] =	stream.indirect_vreg.gather [hbm4b:s4+s3], $0x80, v4, vm0, $0xb8;
	[tilespmem:$0x8100] =	vst v63  }
0x185: {  	v3 =	vperm.xlane v3, v2  }
0x186: {  	[tilespmem:s0], [sflag:$0x2] =	stream.indirect_vreg.gather [hbm4b:s6+s3], $0x80, v4, vm0, $0xb8;
	[tilespmem:$0x8100] =	vst v63  }
0x187: {  	v3 =	vadd.s32 v1, v3  }
0x188: {  	[tilespmem:s1], [sflag:$0x2] =	stream.indirect_vreg.gather [hbm4b:s7+s3], $0x80, v4, vm0, $0xb8;
	[tilespmem:$0x8100] =	vst v63  }
0x189: {  	_ = 	snop  }
0x18a: {  	[tilespmem:s5], [sflag:$0x2] =	stream.indirect_vreg.gather [hbm4b:s8+s3], $0x80, v4, vm0, $0xb8;
	[tilespmem:$0x8100] =	vst v63  }
0x18b: {  	_ = 	snop  }
0x18c: {  	[tilespmem:s9], [sflag:$0x2] =	stream.indirect_vreg.gather [hbm4b:s4+s3], $0x80, v3, vm0, $0xb8;
	[tilespmem:$0x8100] =	vst v63  }
0x18d: {  	_ = 	snop  }
0x18e: {  	[tilespmem:s10], [sflag:$0x2] =	stream.indirect_vreg.gather [hbm4b:s6+s3], $0x80, v3, vm0, $0xb8;
	[tilespmem:$0x8100] =	vst v63  }
0x18f: {  	_ = 	snop  }
0x190: {  	[tilespmem:s11], [sflag:$0x2] =	stream.indirect_vreg.gather [hbm4b:s7+s3], $0x80, v3, vm0, $0xb8;
	[tilespmem:$0x8100] =	vst v63  }
0x191: {  	_ = 	snop  }
0x192: {  	[tilespmem:s12], [sflag:$0x2] =	stream.indirect_vreg.gather [hbm4b:s8+s3], $0x80, v3, vm0, $0xb8;
	[tilespmem:$0x8100] =	vst v63  }
0x193: {  	_ =	swait.ge [sflag:s13], $0x4000  }
0x194: {  	[sflag:s13] =	ssyncset.done $0x0  }
0x195: {  	[sflag:s13] =	ssyncadd.s32 $0xFFFFC000  }
0x196: {  	_ =	swait.ge [sflag:s14], $0x4000  }
0x197: {  	s16 =	sand.u32 $0x70, s3;
	s17 =	sand.u32 $0x1C00, s3;
	[sflag:s14] =	ssyncset.done $0x0  }
0x198: {  	s19 =	sor.u32 s16, s17;
	[sflag:s14] =	ssyncadd.s32 $0xFFFFC000  }
0x199: {  	v3 =	vld [tilespmem:s19+$0x4000]  }
0x19a: {  	v4 =	vld [tilespmem:s19+$0x0];
	_ =	sdelay $0x3  }
0x19b: {  	s23 =	simm.s32 $0x10;
	s3 =	simm.s32 $0x80  }
0x19c: {  	s18 =	sand.u32 $0x70, s23;
	s20 =	sand.u32 $0x1C00, s3;
	v3 =	vadd.f32 v3, v4  }
0x19d: {  	s22 =	sor.u32 s18, s20;
	s20 =	simm.s32 $0x20  }
.LBB2_34:
0x19e: {  	p0 =	sne.s32 s20, $0x3F0;
	v4 =	vld [tilespmem:s22+$0x4000];
	[tilespmem:s19+$0x0] =	vst v3;
	s19 =	smov.u32 s22  }
0x19f: {  	v3 =	vld [tilespmem:s19+$0x0];
	_ =	sdelay $0x1  }
.Ltmp16:
0x1a0: {  	(pc) =	sbr.rel @p0 .LBB2_34-.Ltmp16, $4  }
0x1a1: {  	_ = 	snop  }
0x1a2: {  	s3 =	sadd.s32 $0x80, s3  }
0x1a3: {  	s22 =	sand.u32 $0x70, s20;
	s23 =	sand.u32 $0x1C00, s3;
	v3 =	vadd.f32 v4, v3  }
0x1a4: {  	s20 =	sadd.s32 $0x10, s20;
	s22 =	sor.u32 s22, s23  }
0x1a5: {  	v4 =	vld [tilespmem:s22+$0x4000];
	[tilespmem:s19+$0x0] =	vst v3  }
0x1a6: {  	v3 =	vld [tilespmem:s22+$0x0];
	_ =	sdelay $0x4  }
0x1a7: {  	v3 =	vadd.f32 v4, v3;
	_ =	sdelay $0x1  }
0x1a8: {  	s16 =	sor.u32 s17, s16;
	[tilespmem:s22+$0x0] =	vst v3  }
0x1a9: {  	v3 =	vld [tilespmem:s16+$0x4080]  }
0x1aa: {  	v4 =	vld [tilespmem:s16+$0x80];
	_ =	sdelay $0x3  }
0x1ab: {  	s3 =	simm.s32 $0x80  }
0x1ac: {  	s23 =	sand.u32 $0x1C00, s3;
	v3 =	vadd.f32 v3, v4  }
0x1ad: {  	s17 =	simm.s32 $0x20;
	s18 =	sor.u32 s23, s18  }
.LBB2_36:
0x1ae: {  	p0 =	sne.s32 s17, $0x3F0;
	v4 =	vld [tilespmem:s18+$0x4080];
	[tilespmem:s16+$0x80] =	vst v3;
	s16 =	smov.u32 s18  }
0x1af: {  	v3 =	vld [tilespmem:s16+$0x80];
	_ =	sdelay $0x1  }
.Ltmp17:
0x1b0: {  	(pc) =	sbr.rel @p0 .LBB2_36-.Ltmp17, $4  }
0x1b1: {  	_ = 	snop  }
0x1b2: {  	s3 =	sadd.s32 $0x80, s3  }
0x1b3: {  	s18 =	sand.u32 $0x70, s17;
	s19 =	sand.u32 $0x1C00, s3;
	v3 =	vadd.f32 v4, v3  }
0x1b4: {  	s17 =	sadd.s32 $0x10, s17;
	s18 =	sor.u32 s19, s18  }
0x1b5: {  	v4 =	vld [tilespmem:s18+$0x4080];
	[tilespmem:s16+$0x80] =	vst v3  }
0x1b6: {  	v3 =	vld [tilespmem:s18+$0x80];
	_ =	sdelay $0x4  }
0x1b7: {  	s3 =	simm.s32 $0x0;
	v3 =	vadd.f32 v4, v3  }
0x1b8: {  	s20 =	sand.u32 $0x70, s3;
	s3 =	sand.u32 $0x1C00, s3  }
0x1b9: {  	s16 =	sor.u32 s3, s20;
	[tilespmem:s18+$0x80] =	vst v3  }
0x1ba: {  	v3 =	vld [tilespmem:s16+$0x4100]  }
0x1bb: {  	v4 =	vld [tilespmem:s16+$0x100];
	_ =	sdelay $0x3  }
0x1bc: {  	s22 =	simm.s32 $0x10;
	s18 =	simm.s32 $0x80  }
0x1bd: {  	s17 =	sand.u32 $0x70, s22;
	s23 =	sand.u32 $0x1C00, s18;
	v3 =	vadd.f32 v3, v4  }
0x1be: {  	s19 =	simm.s32 $0x20;
	s3 =	smov.u32 s16;
	s20 =	sor.u32 s23, s17  }
.LBB2_38:
0x1bf: {  	p0 =	sne.s32 s19, $0x3F0;
	v4 =	vld [tilespmem:s20+$0x4100];
	[tilespmem:s3+$0x100] =	vst v3;
	s3 =	smov.u32 s20  }
0x1c0: {  	v3 =	vld [tilespmem:s3+$0x100];
	_ =	sdelay $0x1  }
.Ltmp18:
0x1c1: {  	(pc) =	sbr.rel @p0 .LBB2_38-.Ltmp18, $4  }
0x1c2: {  	_ = 	snop  }
0x1c3: {  	s18 =	sadd.s32 $0x80, s18  }
0x1c4: {  	s20 =	sand.u32 $0x70, s19;
	s22 =	sand.u32 $0x1C00, s18;
	v3 =	vadd.f32 v4, v3  }
0x1c5: {  	s19 =	sadd.s32 $0x10, s19;
	s20 =	sor.u32 s22, s20  }
0x1c6: {  	v4 =	vld [tilespmem:s20+$0x4100];
	[tilespmem:s3+$0x100] =	vst v3  }
0x1c7: {  	v3 =	vld [tilespmem:s20+$0x100];
	_ =	sdelay $0x4  }
0x1c8: {  	v3 =	vadd.f32 v4, v3;
	_ =	sdelay $0x1  }
0x1c9: {  	[tilespmem:s20+$0x100] =	vst v3  }
0x1ca: {  	v3 =	vld [tilespmem:s16+$0x4180]  }
0x1cb: {  	v4 =	vld [tilespmem:s16+$0x180];
	_ =	sdelay $0x3  }
0x1cc: {  	s3 =	simm.s32 $0x80  }
0x1cd: {  	s18 =	sand.u32 $0x1C00, s3;
	v3 =	vadd.f32 v3, v4  }
0x1ce: {  	s18 =	sor.u32 s18, s17;
	s17 =	simm.s32 $0x20  }
.LBB2_40:
0x1cf: {  	p0 =	sne.s32 s17, $0x3F0;
	v4 =	vld [tilespmem:s18+$0x4180];
	[tilespmem:s16+$0x180] =	vst v3;
	s16 =	smov.u32 s18  }
0x1d0: {  	v3 =	vld [tilespmem:s16+$0x180];
	_ =	sdelay $0x1  }
.Ltmp19:
0x1d1: {  	(pc) =	sbr.rel @p0 .LBB2_40-.Ltmp19, $4  }
0x1d2: {  	_ = 	snop  }
0x1d3: {  	s3 =	sadd.s32 $0x80, s3  }
0x1d4: {  	s18 =	sand.u32 $0x70, s17;
	s19 =	sand.u32 $0x1C00, s3;
	v3 =	vadd.f32 v4, v3  }
0x1d5: {  	s17 =	sadd.s32 $0x10, s17;
	s18 =	sor.u32 s19, s18  }
0x1d6: {  	v4 =	vld [tilespmem:s18+$0x4180];
	[tilespmem:s16+$0x180] =	vst v3  }
0x1d7: {  	v3 =	vld [tilespmem:s18+$0x180];
	_ =	sdelay $0x4  }
0x1d8: {  	s3 =	simm.s32 $0x0;
	v3 =	vadd.f32 v4, v3  }
0x1d9: {  	s20 =	sand.u32 $0x70, s3;
	s3 =	sand.u32 $0x1C00, s3  }
0x1da: {  	s16 =	sor.u32 s3, s20;
	[tilespmem:s18+$0x180] =	vst v3  }
0x1db: {  	v3 =	vld [tilespmem:s16+$0x4200]  }
0x1dc: {  	v4 =	vld [tilespmem:s16+$0x200];
	_ =	sdelay $0x3  }
0x1dd: {  	s22 =	simm.s32 $0x10;
	s18 =	simm.s32 $0x80  }
0x1de: {  	s17 =	sand.u32 $0x70, s22;
	s23 =	sand.u32 $0x1C00, s18;
	v3 =	vadd.f32 v3, v4  }
0x1df: {  	s19 =	simm.s32 $0x20;
	s3 =	smov.u32 s16;
	s20 =	sor.u32 s23, s17  }
.LBB2_42:
0x1e0: {  	p0 =	sne.s32 s19, $0x3F0;
	v4 =	vld [tilespmem:s20+$0x4200];
	[tilespmem:s3+$0x200] =	vst v3;
	s3 =	smov.u32 s20  }
0x1e1: {  	v3 =	vld [tilespmem:s3+$0x200];
	_ =	sdelay $0x1  }
.Ltmp20:
0x1e2: {  	(pc) =	sbr.rel @p0 .LBB2_42-.Ltmp20, $4  }
0x1e3: {  	_ = 	snop  }
0x1e4: {  	s18 =	sadd.s32 $0x80, s18  }
0x1e5: {  	s20 =	sand.u32 $0x70, s19;
	s22 =	sand.u32 $0x1C00, s18;
	v3 =	vadd.f32 v4, v3  }
0x1e6: {  	s19 =	sadd.s32 $0x10, s19;
	s20 =	sor.u32 s22, s20  }
0x1e7: {  	v4 =	vld [tilespmem:s20+$0x4200];
	[tilespmem:s3+$0x200] =	vst v3  }
0x1e8: {  	v3 =	vld [tilespmem:s20+$0x200];
	_ =	sdelay $0x4  }
0x1e9: {  	v3 =	vadd.f32 v4, v3;
	_ =	sdelay $0x1  }
0x1ea: {  	[tilespmem:s20+$0x200] =	vst v3  }
0x1eb: {  	v3 =	vld [tilespmem:s16+$0x4280]  }
0x1ec: {  	v4 =	vld [tilespmem:s16+$0x280];
	_ =	sdelay $0x3  }
0x1ed: {  	s3 =	simm.s32 $0x80  }
0x1ee: {  	s18 =	sand.u32 $0x1C00, s3;
	v3 =	vadd.f32 v3, v4  }
0x1ef: {  	s18 =	sor.u32 s18, s17;
	s17 =	simm.s32 $0x20  }
.LBB2_44:
0x1f0: {  	p0 =	sne.s32 s17, $0x3F0;
	v4 =	vld [tilespmem:s18+$0x4280];
	[tilespmem:s16+$0x280] =	vst v3;
	s16 =	smov.u32 s18  }
0x1f1: {  	v3 =	vld [tilespmem:s16+$0x280];
	_ =	sdelay $0x1  }
.Ltmp21:
0x1f2: {  	(pc) =	sbr.rel @p0 .LBB2_44-.Ltmp21, $4  }
0x1f3: {  	_ = 	snop  }
0x1f4: {  	s3 =	sadd.s32 $0x80, s3  }
0x1f5: {  	s18 =	sand.u32 $0x70, s17;
	s19 =	sand.u32 $0x1C00, s3;
	v3 =	vadd.f32 v4, v3  }
0x1f6: {  	s17 =	sadd.s32 $0x10, s17;
	s18 =	sor.u32 s19, s18  }
0x1f7: {  	v4 =	vld [tilespmem:s18+$0x4280];
	[tilespmem:s16+$0x280] =	vst v3  }
0x1f8: {  	v3 =	vld [tilespmem:s18+$0x280];
	_ =	sdelay $0x4  }
0x1f9: {  	s16 =	simm.s32 $0x0;
	v3 =	vadd.f32 v4, v3  }
0x1fa: {  	s3 =	sand.u32 $0x70, s16;
	s17 =	sand.u32 $0x1C00, s16  }
0x1fb: {  	[tilespmem:s18+$0x280] =	vst v3;
	s18 =	sor.u32 s17, s3  }
0x1fc: {  	v3 =	vld [tilespmem:s18+$0x4300]  }
0x1fd: {  	v4 =	vld [tilespmem:s18+$0x300];
	_ =	sdelay $0x3  }
0x1fe: {  	s17 =	simm.s32 $0x10;
	s3 =	simm.s32 $0x80  }
0x1ff: {  	s19 =	sand.u32 $0x70, s17;
	s20 =	sand.u32 $0x1C00, s3;
	v3 =	vadd.f32 v3, v4  }
0x200: {  	s20 =	sor.u32 s20, s19;
	s19 =	simm.s32 $0x20  }
.LBB2_46:
0x201: {  	p0 =	sne.s32 s19, $0x3F0;
	v4 =	vld [tilespmem:s20+$0x4300];
	[tilespmem:s18+$0x300] =	vst v3;
	s18 =	smov.u32 s20  }
0x202: {  	v3 =	vld [tilespmem:s18+$0x300];
	_ =	sdelay $0x1  }
.Ltmp22:
0x203: {  	(pc) =	sbr.rel @p0 .LBB2_46-.Ltmp22, $4  }
0x204: {  	_ = 	snop  }
0x205: {  	s3 =	sadd.s32 $0x80, s3  }
0x206: {  	s20 =	sand.u32 $0x70, s19;
	s22 =	sand.u32 $0x1C00, s3;
	v3 =	vadd.f32 v4, v3  }
0x207: {  	s19 =	sadd.s32 $0x10, s19;
	s20 =	sor.u32 s22, s20  }
0x208: {  	v4 =	vld [tilespmem:s20+$0x4300];
	[tilespmem:s18+$0x300] =	vst v3  }
0x209: {  	v3 =	vld [tilespmem:s20+$0x300];
	_ =	sdelay $0x4  }
0x20a: {  	v3 =	vadd.f32 v4, v3  }
0x20b: {  	s3 =	sor.u32 s16, s16  }
0x20c: {  	s16 =	sor.u32 $0x380, s3;
	[tilespmem:s20+$0x300] =	vst v3  }
0x20d: {  	v3 =	vld [tilespmem:s16+$0x4000]  }
0x20e: {  	v4 =	vld [tilespmem:s16+$0x0];
	_ =	sdelay $0x3  }
0x20f: {  	s3 =	simm.s32 $0x80  }
0x210: {  	s17 =	sor.u32 s3, s17;
	v3 =	vadd.f32 v3, v4  }
0x211: {  	s18 =	sor.u32 $0x380, s17;
	s17 =	simm.s32 $0x20  }
.LBB2_48:
0x212: {  	p0 =	sne.s32 s17, $0x3F0;
	v4 =	vld [tilespmem:s18+$0x4000];
	[tilespmem:s16+$0x0] =	vst v3;
	s16 =	smov.u32 s18  }
0x213: {  	v3 =	vld [tilespmem:s16+$0x0];
	_ =	sdelay $0x1  }
.Ltmp23:
0x214: {  	(pc) =	sbr.rel @p0 .LBB2_48-.Ltmp23, $4  }
0x215: {  	_ = 	snop  }
0x216: {  	s3 =	sadd.s32 $0x80, s3  }
0x217: {  	s18 =	sor.u32 s3, s17;
	v3 =	vadd.f32 v4, v3  }
0x218: {  	s17 =	sadd.s32 $0x10, s17;
	s18 =	sor.u32 $0x380, s18  }
0x219: {  	v4 =	vld [tilespmem:s18+$0x4000];
	[tilespmem:s16+$0x0] =	vst v3  }
0x21a: {  	v3 =	vld [tilespmem:s18+$0x0];
	_ =	sdelay $0x4  }
0x21b: {  	s3 =	simm.s32 $0x0;
	v3 =	vadd.f32 v4, v3  }
0x21c: {  	s20 =	sand.u32 $0x70, s3;
	s3 =	sand.u32 $0x1C00, s3  }
0x21d: {  	s16 =	sor.u32 s3, s20;
	[tilespmem:s18+$0x0] =	vst v3  }
0x21e: {  	v3 =	vld [tilespmem:s16+$0x6000]  }
0x21f: {  	v4 =	vld [tilespmem:s16+$0x2000];
	_ =	sdelay $0x3  }
0x220: {  	s22 =	simm.s32 $0x10;
	s18 =	simm.s32 $0x80  }
0x221: {  	s17 =	sand.u32 $0x70, s22;
	s23 =	sand.u32 $0x1C00, s18;
	v3 =	vadd.f32 v3, v4  }
0x222: {  	s19 =	simm.s32 $0x20;
	s3 =	smov.u32 s16;
	s20 =	sor.u32 s23, s17  }
.LBB2_50:
0x223: {  	p0 =	sne.s32 s19, $0x3F0;
	v4 =	vld [tilespmem:s20+$0x6000];
	[tilespmem:s3+$0x2000] =	vst v3;
	s3 =	smov.u32 s20  }
0x224: {  	v3 =	vld [tilespmem:s3+$0x2000];
	_ =	sdelay $0x1  }
.Ltmp24:
0x225: {  	(pc) =	sbr.rel @p0 .LBB2_50-.Ltmp24, $4  }
0x226: {  	_ = 	snop  }
0x227: {  	s18 =	sadd.s32 $0x80, s18  }
0x228: {  	s20 =	sand.u32 $0x70, s19;
	s22 =	sand.u32 $0x1C00, s18;
	v3 =	vadd.f32 v4, v3  }
0x229: {  	s19 =	sadd.s32 $0x10, s19;
	s20 =	sor.u32 s22, s20  }
0x22a: {  	v4 =	vld [tilespmem:s20+$0x6000];
	[tilespmem:s3+$0x2000] =	vst v3  }
0x22b: {  	v3 =	vld [tilespmem:s20+$0x2000];
	_ =	sdelay $0x4  }
0x22c: {  	v3 =	vadd.f32 v4, v3;
	_ =	sdelay $0x1  }
0x22d: {  	[tilespmem:s20+$0x2000] =	vst v3  }
0x22e: {  	v3 =	vld [tilespmem:s16+$0x6080]  }
0x22f: {  	v4 =	vld [tilespmem:s16+$0x2080];
	_ =	sdelay $0x3  }
0x230: {  	s3 =	simm.s32 $0x80  }
0x231: {  	s18 =	sand.u32 $0x1C00, s3;
	v3 =	vadd.f32 v3, v4  }
0x232: {  	s18 =	sor.u32 s18, s17;
	s17 =	simm.s32 $0x20  }
.LBB2_52:
0x233: {  	p0 =	sne.s32 s17, $0x3F0;
	v4 =	vld [tilespmem:s18+$0x6080];
	[tilespmem:s16+$0x2080] =	vst v3;
	s16 =	smov.u32 s18  }
0x234: {  	v3 =	vld [tilespmem:s16+$0x2080];
	_ =	sdelay $0x1  }
.Ltmp25:
0x235: {  	(pc) =	sbr.rel @p0 .LBB2_52-.Ltmp25, $4  }
0x236: {  	_ = 	snop  }
0x237: {  	s3 =	sadd.s32 $0x80, s3  }
0x238: {  	s18 =	sand.u32 $0x70, s17;
	s19 =	sand.u32 $0x1C00, s3;
	v3 =	vadd.f32 v4, v3  }
0x239: {  	s17 =	sadd.s32 $0x10, s17;
	s18 =	sor.u32 s19, s18  }
0x23a: {  	v4 =	vld [tilespmem:s18+$0x6080];
	[tilespmem:s16+$0x2080] =	vst v3  }
0x23b: {  	v3 =	vld [tilespmem:s18+$0x2080];
	_ =	sdelay $0x4  }
0x23c: {  	s3 =	simm.s32 $0x0;
	v3 =	vadd.f32 v4, v3  }
0x23d: {  	s20 =	sand.u32 $0x70, s3;
	s3 =	sand.u32 $0x1C00, s3  }
0x23e: {  	s16 =	sor.u32 s3, s20;
	[tilespmem:s18+$0x2080] =	vst v3  }
0x23f: {  	v3 =	vld [tilespmem:s16+$0x6100]  }
0x240: {  	v4 =	vld [tilespmem:s16+$0x2100];
	_ =	sdelay $0x3  }
0x241: {  	s22 =	simm.s32 $0x10;
	s18 =	simm.s32 $0x80  }
0x242: {  	s17 =	sand.u32 $0x70, s22;
	s23 =	sand.u32 $0x1C00, s18;
	v3 =	vadd.f32 v3, v4  }
0x243: {  	s19 =	simm.s32 $0x20;
	s3 =	smov.u32 s16;
	s20 =	sor.u32 s23, s17  }
.LBB2_54:
0x244: {  	p0 =	sne.s32 s19, $0x3F0;
	v4 =	vld [tilespmem:s20+$0x6100];
	[tilespmem:s3+$0x2100] =	vst v3;
	s3 =	smov.u32 s20  }
0x245: {  	v3 =	vld [tilespmem:s3+$0x2100];
	_ =	sdelay $0x1  }
.Ltmp26:
0x246: {  	(pc) =	sbr.rel @p0 .LBB2_54-.Ltmp26, $4  }
0x247: {  	_ = 	snop  }
0x248: {  	s18 =	sadd.s32 $0x80, s18  }
0x249: {  	s20 =	sand.u32 $0x70, s19;
	s22 =	sand.u32 $0x1C00, s18;
	v3 =	vadd.f32 v4, v3  }
0x24a: {  	s19 =	sadd.s32 $0x10, s19;
	s20 =	sor.u32 s22, s20  }
0x24b: {  	v4 =	vld [tilespmem:s20+$0x6100];
	[tilespmem:s3+$0x2100] =	vst v3  }
0x24c: {  	v3 =	vld [tilespmem:s20+$0x2100];
	_ =	sdelay $0x4  }
0x24d: {  	v3 =	vadd.f32 v4, v3;
	_ =	sdelay $0x1  }
0x24e: {  	[tilespmem:s20+$0x2100] =	vst v3  }
0x24f: {  	v3 =	vld [tilespmem:s16+$0x6180]  }
0x250: {  	v4 =	vld [tilespmem:s16+$0x2180];
	_ =	sdelay $0x3  }
0x251: {  	s3 =	simm.s32 $0x80  }
0x252: {  	s18 =	sand.u32 $0x1C00, s3;
	v3 =	vadd.f32 v3, v4  }
0x253: {  	s18 =	sor.u32 s18, s17;
	s17 =	simm.s32 $0x20  }
.LBB2_56:
0x254: {  	p0 =	sne.s32 s17, $0x3F0;
	v4 =	vld [tilespmem:s18+$0x6180];
	[tilespmem:s16+$0x2180] =	vst v3;
	s16 =	smov.u32 s18  }
0x255: {  	v3 =	vld [tilespmem:s16+$0x2180];
	_ =	sdelay $0x1  }
.Ltmp27:
0x256: {  	(pc) =	sbr.rel @p0 .LBB2_56-.Ltmp27, $4  }
0x257: {  	_ = 	snop  }
0x258: {  	s3 =	sadd.s32 $0x80, s3  }
0x259: {  	s18 =	sand.u32 $0x70, s17;
	s19 =	sand.u32 $0x1C00, s3;
	v3 =	vadd.f32 v4, v3  }
0x25a: {  	s17 =	sadd.s32 $0x10, s17;
	s18 =	sor.u32 s19, s18  }
0x25b: {  	v4 =	vld [tilespmem:s18+$0x6180];
	[tilespmem:s16+$0x2180] =	vst v3  }
0x25c: {  	v3 =	vld [tilespmem:s18+$0x2180];
	_ =	sdelay $0x4  }
0x25d: {  	s3 =	simm.s32 $0x0;
	v3 =	vadd.f32 v4, v3  }
0x25e: {  	s20 =	sand.u32 $0x70, s3;
	s3 =	sand.u32 $0x1C00, s3  }
0x25f: {  	s16 =	sor.u32 s3, s20;
	[tilespmem:s18+$0x2180] =	vst v3  }
0x260: {  	v3 =	vld [tilespmem:s16+$0x6200]  }
0x261: {  	v4 =	vld [tilespmem:s16+$0x2200];
	_ =	sdelay $0x3  }
0x262: {  	s22 =	simm.s32 $0x10;
	s18 =	simm.s32 $0x80  }
0x263: {  	s17 =	sand.u32 $0x70, s22;
	s23 =	sand.u32 $0x1C00, s18;
	v3 =	vadd.f32 v3, v4  }
0x264: {  	s19 =	simm.s32 $0x20;
	s3 =	smov.u32 s16;
	s20 =	sor.u32 s23, s17  }
.LBB2_58:
0x265: {  	p0 =	sne.s32 s19, $0x3F0;
	v4 =	vld [tilespmem:s20+$0x6200];
	[tilespmem:s3+$0x2200] =	vst v3;
	s3 =	smov.u32 s20  }
0x266: {  	v3 =	vld [tilespmem:s3+$0x2200];
	_ =	sdelay $0x1  }
.Ltmp28:
0x267: {  	(pc) =	sbr.rel @p0 .LBB2_58-.Ltmp28, $4  }
0x268: {  	_ = 	snop  }
0x269: {  	s18 =	sadd.s32 $0x80, s18  }
0x26a: {  	s20 =	sand.u32 $0x70, s19;
	s22 =	sand.u32 $0x1C00, s18;
	v3 =	vadd.f32 v4, v3  }
0x26b: {  	s19 =	sadd.s32 $0x10, s19;
	s20 =	sor.u32 s22, s20  }
0x26c: {  	v4 =	vld [tilespmem:s20+$0x6200];
	[tilespmem:s3+$0x2200] =	vst v3  }
0x26d: {  	v3 =	vld [tilespmem:s20+$0x2200];
	_ =	sdelay $0x4  }
0x26e: {  	v3 =	vadd.f32 v4, v3;
	_ =	sdelay $0x1  }
0x26f: {  	[tilespmem:s20+$0x2200] =	vst v3  }
0x270: {  	v3 =	vld [tilespmem:s16+$0x6280]  }
0x271: {  	v4 =	vld [tilespmem:s16+$0x2280];
	_ =	sdelay $0x3  }
0x272: {  	s3 =	simm.s32 $0x80  }
0x273: {  	s18 =	sand.u32 $0x1C00, s3;
	v3 =	vadd.f32 v3, v4  }
0x274: {  	s18 =	sor.u32 s18, s17;
	s17 =	simm.s32 $0x20  }
.LBB2_60:
0x275: {  	p0 =	sne.s32 s17, $0x3F0;
	v4 =	vld [tilespmem:s18+$0x6280];
	[tilespmem:s16+$0x2280] =	vst v3;
	s16 =	smov.u32 s18  }
0x276: {  	v3 =	vld [tilespmem:s16+$0x2280];
	_ =	sdelay $0x1  }
.Ltmp29:
0x277: {  	(pc) =	sbr.rel @p0 .LBB2_60-.Ltmp29, $4  }
0x278: {  	_ = 	snop  }
0x279: {  	s3 =	sadd.s32 $0x80, s3  }
0x27a: {  	s18 =	sand.u32 $0x70, s17;
	s19 =	sand.u32 $0x1C00, s3;
	v3 =	vadd.f32 v4, v3  }
0x27b: {  	s17 =	sadd.s32 $0x10, s17;
	s18 =	sor.u32 s19, s18  }
0x27c: {  	v4 =	vld [tilespmem:s18+$0x6280];
	[tilespmem:s16+$0x2280] =	vst v3  }
0x27d: {  	v3 =	vld [tilespmem:s18+$0x2280];
	_ =	sdelay $0x4  }
0x27e: {  	s16 =	simm.s32 $0x0;
	v3 =	vadd.f32 v4, v3  }
0x27f: {  	s3 =	sand.u32 $0x70, s16;
	s17 =	sand.u32 $0x1C00, s16  }
0x280: {  	[tilespmem:s18+$0x2280] =	vst v3;
	s18 =	sor.u32 s17, s3  }
0x281: {  	v3 =	vld [tilespmem:s18+$0x6300]  }
0x282: {  	v4 =	vld [tilespmem:s18+$0x2300];
	_ =	sdelay $0x3  }
0x283: {  	s17 =	simm.s32 $0x10;
	s3 =	simm.s32 $0x80  }
0x284: {  	s19 =	sand.u32 $0x70, s17;
	s20 =	sand.u32 $0x1C00, s3;
	v3 =	vadd.f32 v3, v4  }
0x285: {  	s20 =	sor.u32 s20, s19;
	s19 =	simm.s32 $0x20  }
.LBB2_62:
0x286: {  	p0 =	sne.s32 s19, $0x3F0;
	v4 =	vld [tilespmem:s20+$0x6300];
	[tilespmem:s18+$0x2300] =	vst v3;
	s18 =	smov.u32 s20  }
0x287: {  	v3 =	vld [tilespmem:s18+$0x2300];
	_ =	sdelay $0x1  }
.Ltmp30:
0x288: {  	(pc) =	sbr.rel @p0 .LBB2_62-.Ltmp30, $4  }
0x289: {  	_ = 	snop  }
0x28a: {  	s3 =	sadd.s32 $0x80, s3  }
0x28b: {  	s20 =	sand.u32 $0x70, s19;
	s22 =	sand.u32 $0x1C00, s3;
	v3 =	vadd.f32 v4, v3  }
0x28c: {  	s19 =	sadd.s32 $0x10, s19;
	s20 =	sor.u32 s22, s20  }
0x28d: {  	v4 =	vld [tilespmem:s20+$0x6300];
	[tilespmem:s18+$0x2300] =	vst v3  }
0x28e: {  	v3 =	vld [tilespmem:s20+$0x2300];
	_ =	sdelay $0x4  }
0x28f: {  	v3 =	vadd.f32 v4, v3  }
0x290: {  	s3 =	sor.u32 s16, s16  }
0x291: {  	s16 =	sor.u32 $0x2380, s3;
	[tilespmem:s20+$0x2300] =	vst v3  }
0x292: {  	v3 =	vld [tilespmem:s16+$0x4000]  }
0x293: {  	v4 =	vld [tilespmem:s16+$0x0];
	_ =	sdelay $0x3  }
0x294: {  	s3 =	simm.s32 $0x80  }
0x295: {  	s17 =	sor.u32 s3, s17;
	v3 =	vadd.f32 v3, v4  }
0x296: {  	s18 =	sor.u32 $0x2380, s17;
	s17 =	simm.s32 $0x20  }
.LBB2_64:
0x297: {  	p0 =	sne.s32 s17, $0x3F0;
	v4 =	vld [tilespmem:s18+$0x4000];
	[tilespmem:s16+$0x0] =	vst v3;
	s16 =	smov.u32 s18  }
0x298: {  	v3 =	vld [tilespmem:s16+$0x0];
	_ =	sdelay $0x1  }
.Ltmp31:
0x299: {  	(pc) =	sbr.rel @p0 .LBB2_64-.Ltmp31, $4  }
0x29a: {  	_ = 	snop  }
0x29b: {  	s3 =	sadd.s32 $0x80, s3  }
0x29c: {  	s18 =	sor.u32 s3, s17;
	v3 =	vadd.f32 v4, v3  }
0x29d: {  	s17 =	sadd.s32 $0x10, s17;
	s18 =	sor.u32 $0x2380, s18  }
0x29e: {  	v4 =	vld [tilespmem:s18+$0x4000];
	[tilespmem:s16+$0x0] =	vst v3  }
0x29f: {  	v3 =	vld [tilespmem:s18+$0x0];
	_ =	sdelay $0x4  }
0x2a0: {  	v3 =	vadd.f32 v4, v3;
	_ =	sdelay $0x1  }
0x2a1: {  	s3 =	simm.s32 $0x0;
	s17 =	rddreg [dreg:$0x8];
	[tilespmem:s18+$0x0] =	vst v3  }
0x2a2: {  	[hbm4b:s17+s3] =	stream.linear.scatter [tilespmem:s3], [sflag:$0x3], $0x4000, $0x38;
	[tilespmem:$0x8100] =	vst v63  }
0x2a3: {  	_ =	swait.ge [sflag:s21], $0x4000  }
0x2a4: {  	[sflag:s21] =	ssyncset.done $0x0  }
0x2a5: {  	s17 =	simm.s32 $0x8000;
	s18 =	rddreg [dreg:$0x9];
	[sflag:s21] =	ssyncadd.s32 $0xFFFFC000  }
0x2a6: {  	[tilespmem:s17], [sflag:$0x3] =	stream.linear.gather [hbm4b:s18+s3], $0x10, $0x38;
	[tilespmem:$0x8100] =	vst v63  }
0x2a7: {  	_ =	swait.ge [sflag:s21], $0x10  }
0x2a8: {  	[sflag:s21] =	ssyncset.done $0x0  }
0x2a9: {  	s20 =	simm.s32 $0x8080;
	s19 =	rddreg [dreg:$0xa];
	[sflag:s21] =	ssyncadd.s32 $0xFFFFFFF0  }
0x2aa: {  	[tilespmem:s20], [sflag:$0x3] =	stream.linear.gather [hbm4b:s19+s3], $0x10, $0x38;
	[tilespmem:$0x8100] =	vst v63  }
0x2ab: {  	_ =	swait.ge [sflag:s21], $0x10  }
0x2ac: {  	[sflag:s21] =	ssyncset.done $0x0  }
0x2ad: {  	[sflag:s21] =	ssyncadd.s32 $0xFFFFFFF0  }
0x2ae: {  	v3 =	vld [tilespmem:$0x8000];
	_ =	sdelay $0x4  }
0x2af: {  	v4 =	vshll.u32 v3, $0x3  }
0x2b0: {  	v3 =	vand.u32 $0x7, v3;
	v4 =	vand.u32 $0xFFFFFFC0, v4  }
0x2b1: {  	v3 =	vor.u32 v3, v4  }
0x2b2: {  	v4 =	vperm.xlane v3, v0;
	_ =	sdelay $0x1  }
0x2b3: {  	v4 =	vadd.s32 v1, v4;
	_ =	sdelay $0x4  }
0x2b4: {  	[tilespmem:s3], [sflag:$0x1] =	stream.indirect_vreg.gather [hbm4b:s4+s3], $0x80, v4, vm0, $0xb8;
	[tilespmem:$0x8100] =	vst v63  }
0x2b5: {  	s22 =	simm.s32 $0x800;
	v3 =	vperm.xlane v3, v2  }
0x2b6: {  	[tilespmem:s22], [sflag:$0x1] =	stream.indirect_vreg.gather [hbm4b:s6+s3], $0x80, v4, vm0, $0xb8;
	[tilespmem:$0x8100] =	vst v63  }
0x2b7: {  	v3 =	vadd.s32 v1, v3  }
0x2b8: {  	[tilespmem:s24], [sflag:$0x1] =	stream.indirect_vreg.gather [hbm4b:s7+s3], $0x80, v4, vm0, $0xb8;
	[tilespmem:$0x8100] =	vst v63  }
0x2b9: {  	_ = 	snop  }
0x2ba: {  	[tilespmem:s25], [sflag:$0x1] =	stream.indirect_vreg.gather [hbm4b:s8+s3], $0x80, v4, vm0, $0xb8;
	[tilespmem:$0x8100] =	vst v63  }
0x2bb: {  	_ = 	snop  }
0x2bc: {  	[tilespmem:s26], [sflag:$0x1] =	stream.indirect_vreg.gather [hbm4b:s4+s3], $0x80, v3, vm0, $0xb8;
	[tilespmem:$0x8100] =	vst v63  }
0x2bd: {  	_ = 	snop  }
0x2be: {  	[tilespmem:s28], [sflag:$0x1] =	stream.indirect_vreg.gather [hbm4b:s6+s3], $0x80, v3, vm0, $0xb8;
	[tilespmem:$0x8100] =	vst v63  }
0x2bf: {  	_ = 	snop  }
0x2c0: {  	[tilespmem:s29], [sflag:$0x1] =	stream.indirect_vreg.gather [hbm4b:s7+s3], $0x80, v3, vm0, $0xb8;
	[tilespmem:$0x8100] =	vst v63  }
0x2c1: {  	_ = 	snop  }
0x2c2: {  	[tilespmem:s30], [sflag:$0x1] =	stream.indirect_vreg.gather [hbm4b:s8+s3], $0x80, v3, vm0, $0xb8;
	[tilespmem:$0x8100] =	vst v63  }
0x2c3: {  	v3 =	vld [tilespmem:$0x8080];
	_ =	sdelay $0x4  }
0x2c4: {  	v4 =	vshll.u32 v3, $0x3  }
0x2c5: {  	v3 =	vand.u32 $0x7, v3;
	v4 =	vand.u32 $0xFFFFFFC0, v4  }
0x2c6: {  	v3 =	vor.u32 v3, v4  }
0x2c7: {  	v4 =	vperm.xlane v3, v0;
	_ =	sdelay $0x1  }
0x2c8: {  	v4 =	vadd.s32 v1, v4;
	_ =	sdelay $0x4  }
0x2c9: {  	[tilespmem:s31], [sflag:$0x2] =	stream.indirect_vreg.gather [hbm4b:s4+s3], $0x80, v4, vm0, $0xb8;
	[tilespmem:$0x8100] =	vst v63  }
0x2ca: {  	v3 =	vperm.xlane v3, v2  }
0x2cb: {  	[tilespmem:s0], [sflag:$0x2] =	stream.indirect_vreg.gather [hbm4b:s6+s3], $0x80, v4, vm0, $0xb8;
	[tilespmem:$0x8100] =	vst v63  }
0x2cc: {  	v3 =	vadd.s32 v1, v3  }
0x2cd: {  	[tilespmem:s1], [sflag:$0x2] =	stream.indirect_vreg.gather [hbm4b:s7+s3], $0x80, v4, vm0, $0xb8;
	[tilespmem:$0x8100] =	vst v63  }
0x2ce: {  	_ = 	snop  }
0x2cf: {  	[tilespmem:s5], [sflag:$0x2] =	stream.indirect_vreg.gather [hbm4b:s8+s3], $0x80, v4, vm0, $0xb8;
	[tilespmem:$0x8100] =	vst v63  }
0x2d0: {  	_ = 	snop  }
0x2d1: {  	[tilespmem:s9], [sflag:$0x2] =	stream.indirect_vreg.gather [hbm4b:s4+s3], $0x80, v3, vm0, $0xb8;
	[tilespmem:$0x8100] =	vst v63  }
0x2d2: {  	_ = 	snop  }
0x2d3: {  	[tilespmem:s10], [sflag:$0x2] =	stream.indirect_vreg.gather [hbm4b:s6+s3], $0x80, v3, vm0, $0xb8;
	[tilespmem:$0x8100] =	vst v63  }
0x2d4: {  	_ = 	snop  }
0x2d5: {  	[tilespmem:s11], [sflag:$0x2] =	stream.indirect_vreg.gather [hbm4b:s7+s3], $0x80, v3, vm0, $0xb8;
	[tilespmem:$0x8100] =	vst v63  }
0x2d6: {  	_ = 	snop  }
0x2d7: {  	[tilespmem:s12], [sflag:$0x2] =	stream.indirect_vreg.gather [hbm4b:s8+s3], $0x80, v3, vm0, $0xb8;
	[tilespmem:$0x8100] =	vst v63  }
0x2d8: {  	_ =	swait.ge [sflag:s13], $0x4000  }
0x2d9: {  	[sflag:s13] =	ssyncset.done $0x0  }
0x2da: {  	[sflag:s13] =	ssyncadd.s32 $0xFFFFC000  }
0x2db: {  	_ =	swait.ge [sflag:s14], $0x4000  }
0x2dc: {  	s16 =	sand.u32 $0x70, s3;
	s17 =	sand.u32 $0x1C00, s3;
	[sflag:s14] =	ssyncset.done $0x0  }
0x2dd: {  	s19 =	sor.u32 s16, s17;
	[sflag:s14] =	ssyncadd.s32 $0xFFFFC000  }
0x2de: {  	v3 =	vld [tilespmem:s19+$0x4000]  }
0x2df: {  	v4 =	vld [tilespmem:s19+$0x0];
	_ =	sdelay $0x3  }
0x2e0: {  	s23 =	simm.s32 $0x10;
	s3 =	simm.s32 $0x80  }
0x2e1: {  	s18 =	sand.u32 $0x70, s23;
	s20 =	sand.u32 $0x1C00, s3;
	v3 =	vadd.f32 v3, v4  }
0x2e2: {  	s22 =	sor.u32 s18, s20;
	s20 =	simm.s32 $0x20  }
.LBB2_66:
0x2e3: {  	p0 =	sne.s32 s20, $0x3F0;
	v4 =	vld [tilespmem:s22+$0x4000];
	[tilespmem:s19+$0x0] =	vst v3;
	s19 =	smov.u32 s22  }
0x2e4: {  	v3 =	vld [tilespmem:s19+$0x0];
	_ =	sdelay $0x1  }
.Ltmp32:
0x2e5: {  	(pc) =	sbr.rel @p0 .LBB2_66-.Ltmp32, $4  }
0x2e6: {  	_ = 	snop  }
0x2e7: {  	s3 =	sadd.s32 $0x80, s3  }
0x2e8: {  	s22 =	sand.u32 $0x70, s20;
	s23 =	sand.u32 $0x1C00, s3;
	v3 =	vadd.f32 v4, v3  }
0x2e9: {  	s20 =	sadd.s32 $0x10, s20;
	s22 =	sor.u32 s22, s23  }
0x2ea: {  	v4 =	vld [tilespmem:s22+$0x4000];
	[tilespmem:s19+$0x0] =	vst v3  }
0x2eb: {  	v3 =	vld [tilespmem:s22+$0x0];
	_ =	sdelay $0x4  }
0x2ec: {  	v3 =	vadd.f32 v4, v3;
	_ =	sdelay $0x1  }
0x2ed: {  	s16 =	sor.u32 s17, s16;
	[tilespmem:s22+$0x0] =	vst v3  }
0x2ee: {  	v3 =	vld [tilespmem:s16+$0x4080]  }
0x2ef: {  	v4 =	vld [tilespmem:s16+$0x80];
	_ =	sdelay $0x3  }
0x2f0: {  	s3 =	simm.s32 $0x80  }
0x2f1: {  	s23 =	sand.u32 $0x1C00, s3;
	v3 =	vadd.f32 v3, v4  }
0x2f2: {  	s17 =	simm.s32 $0x20;
	s18 =	sor.u32 s23, s18  }
.LBB2_68:
0x2f3: {  	p0 =	sne.s32 s17, $0x3F0;
	v4 =	vld [tilespmem:s18+$0x4080];
	[tilespmem:s16+$0x80] =	vst v3;
	s16 =	smov.u32 s18  }
0x2f4: {  	v3 =	vld [tilespmem:s16+$0x80];
	_ =	sdelay $0x1  }
.Ltmp33:
0x2f5: {  	(pc) =	sbr.rel @p0 .LBB2_68-.Ltmp33, $4  }
0x2f6: {  	_ = 	snop  }
0x2f7: {  	s3 =	sadd.s32 $0x80, s3  }
0x2f8: {  	s18 =	sand.u32 $0x70, s17;
	s19 =	sand.u32 $0x1C00, s3;
	v3 =	vadd.f32 v4, v3  }
0x2f9: {  	s17 =	sadd.s32 $0x10, s17;
	s18 =	sor.u32 s19, s18  }
0x2fa: {  	v4 =	vld [tilespmem:s18+$0x4080];
	[tilespmem:s16+$0x80] =	vst v3  }
0x2fb: {  	v3 =	vld [tilespmem:s18+$0x80];
	_ =	sdelay $0x4  }
0x2fc: {  	s3 =	simm.s32 $0x0;
	v3 =	vadd.f32 v4, v3  }
0x2fd: {  	s20 =	sand.u32 $0x70, s3;
	s3 =	sand.u32 $0x1C00, s3  }
0x2fe: {  	s16 =	sor.u32 s3, s20;
	[tilespmem:s18+$0x80] =	vst v3  }
0x2ff: {  	v3 =	vld [tilespmem:s16+$0x4100]  }
0x300: {  	v4 =	vld [tilespmem:s16+$0x100];
	_ =	sdelay $0x3  }
0x301: {  	s22 =	simm.s32 $0x10;
	s18 =	simm.s32 $0x80  }
0x302: {  	s17 =	sand.u32 $0x70, s22;
	s23 =	sand.u32 $0x1C00, s18;
	v3 =	vadd.f32 v3, v4  }
0x303: {  	s19 =	simm.s32 $0x20;
	s3 =	smov.u32 s16;
	s20 =	sor.u32 s23, s17  }
.LBB2_70:
0x304: {  	p0 =	sne.s32 s19, $0x3F0;
	v4 =	vld [tilespmem:s20+$0x4100];
	[tilespmem:s3+$0x100] =	vst v3;
	s3 =	smov.u32 s20  }
0x305: {  	v3 =	vld [tilespmem:s3+$0x100];
	_ =	sdelay $0x1  }
.Ltmp34:
0x306: {  	(pc) =	sbr.rel @p0 .LBB2_70-.Ltmp34, $4  }
0x307: {  	_ = 	snop  }
0x308: {  	s18 =	sadd.s32 $0x80, s18  }
0x309: {  	s20 =	sand.u32 $0x70, s19;
	s22 =	sand.u32 $0x1C00, s18;
	v3 =	vadd.f32 v4, v3  }
0x30a: {  	s19 =	sadd.s32 $0x10, s19;
	s20 =	sor.u32 s22, s20  }
0x30b: {  	v4 =	vld [tilespmem:s20+$0x4100];
	[tilespmem:s3+$0x100] =	vst v3  }
0x30c: {  	v3 =	vld [tilespmem:s20+$0x100];
	_ =	sdelay $0x4  }
0x30d: {  	v3 =	vadd.f32 v4, v3;
	_ =	sdelay $0x1  }
0x30e: {  	[tilespmem:s20+$0x100] =	vst v3  }
0x30f: {  	v3 =	vld [tilespmem:s16+$0x4180]  }
0x310: {  	v4 =	vld [tilespmem:s16+$0x180];
	_ =	sdelay $0x3  }
0x311: {  	s3 =	simm.s32 $0x80  }
0x312: {  	s18 =	sand.u32 $0x1C00, s3;
	v3 =	vadd.f32 v3, v4  }
0x313: {  	s18 =	sor.u32 s18, s17;
	s17 =	simm.s32 $0x20  }
.LBB2_72:
0x314: {  	p0 =	sne.s32 s17, $0x3F0;
	v4 =	vld [tilespmem:s18+$0x4180];
	[tilespmem:s16+$0x180] =	vst v3;
	s16 =	smov.u32 s18  }
0x315: {  	v3 =	vld [tilespmem:s16+$0x180];
	_ =	sdelay $0x1  }
.Ltmp35:
0x316: {  	(pc) =	sbr.rel @p0 .LBB2_72-.Ltmp35, $4  }
0x317: {  	_ = 	snop  }
0x318: {  	s3 =	sadd.s32 $0x80, s3  }
0x319: {  	s18 =	sand.u32 $0x70, s17;
	s19 =	sand.u32 $0x1C00, s3;
	v3 =	vadd.f32 v4, v3  }
0x31a: {  	s17 =	sadd.s32 $0x10, s17;
	s18 =	sor.u32 s19, s18  }
0x31b: {  	v4 =	vld [tilespmem:s18+$0x4180];
	[tilespmem:s16+$0x180] =	vst v3  }
0x31c: {  	v3 =	vld [tilespmem:s18+$0x180];
	_ =	sdelay $0x4  }
0x31d: {  	s3 =	simm.s32 $0x0;
	v3 =	vadd.f32 v4, v3  }
0x31e: {  	s20 =	sand.u32 $0x70, s3;
	s3 =	sand.u32 $0x1C00, s3  }
0x31f: {  	s16 =	sor.u32 s3, s20;
	[tilespmem:s18+$0x180] =	vst v3  }
0x320: {  	v3 =	vld [tilespmem:s16+$0x4200]  }
0x321: {  	v4 =	vld [tilespmem:s16+$0x200];
	_ =	sdelay $0x3  }
0x322: {  	s22 =	simm.s32 $0x10;
	s18 =	simm.s32 $0x80  }
0x323: {  	s17 =	sand.u32 $0x70, s22;
	s23 =	sand.u32 $0x1C00, s18;
	v3 =	vadd.f32 v3, v4  }
0x324: {  	s19 =	simm.s32 $0x20;
	s3 =	smov.u32 s16;
	s20 =	sor.u32 s23, s17  }
.LBB2_74:
0x325: {  	p0 =	sne.s32 s19, $0x3F0;
	v4 =	vld [tilespmem:s20+$0x4200];
	[tilespmem:s3+$0x200] =	vst v3;
	s3 =	smov.u32 s20  }
0x326: {  	v3 =	vld [tilespmem:s3+$0x200];
	_ =	sdelay $0x1  }
.Ltmp36:
0x327: {  	(pc) =	sbr.rel @p0 .LBB2_74-.Ltmp36, $4  }
0x328: {  	_ = 	snop  }
0x329: {  	s18 =	sadd.s32 $0x80, s18  }
0x32a: {  	s20 =	sand.u32 $0x70, s19;
	s22 =	sand.u32 $0x1C00, s18;
	v3 =	vadd.f32 v4, v3  }
0x32b: {  	s19 =	sadd.s32 $0x10, s19;
	s20 =	sor.u32 s22, s20  }
0x32c: {  	v4 =	vld [tilespmem:s20+$0x4200];
	[tilespmem:s3+$0x200] =	vst v3  }
0x32d: {  	v3 =	vld [tilespmem:s20+$0x200];
	_ =	sdelay $0x4  }
0x32e: {  	v3 =	vadd.f32 v4, v3;
	_ =	sdelay $0x1  }
0x32f: {  	[tilespmem:s20+$0x200] =	vst v3  }
0x330: {  	v3 =	vld [tilespmem:s16+$0x4280]  }
0x331: {  	v4 =	vld [tilespmem:s16+$0x280];
	_ =	sdelay $0x3  }
0x332: {  	s3 =	simm.s32 $0x80  }
0x333: {  	s18 =	sand.u32 $0x1C00, s3;
	v3 =	vadd.f32 v3, v4  }
0x334: {  	s18 =	sor.u32 s18, s17;
	s17 =	simm.s32 $0x20  }
.LBB2_76:
0x335: {  	p0 =	sne.s32 s17, $0x3F0;
	v4 =	vld [tilespmem:s18+$0x4280];
	[tilespmem:s16+$0x280] =	vst v3;
	s16 =	smov.u32 s18  }
0x336: {  	v3 =	vld [tilespmem:s16+$0x280];
	_ =	sdelay $0x1  }
.Ltmp37:
0x337: {  	(pc) =	sbr.rel @p0 .LBB2_76-.Ltmp37, $4  }
0x338: {  	_ = 	snop  }
0x339: {  	s3 =	sadd.s32 $0x80, s3  }
0x33a: {  	s18 =	sand.u32 $0x70, s17;
	s19 =	sand.u32 $0x1C00, s3;
	v3 =	vadd.f32 v4, v3  }
0x33b: {  	s17 =	sadd.s32 $0x10, s17;
	s18 =	sor.u32 s19, s18  }
0x33c: {  	v4 =	vld [tilespmem:s18+$0x4280];
	[tilespmem:s16+$0x280] =	vst v3  }
0x33d: {  	v3 =	vld [tilespmem:s18+$0x280];
	_ =	sdelay $0x4  }
0x33e: {  	s16 =	simm.s32 $0x0;
	v3 =	vadd.f32 v4, v3  }
0x33f: {  	s3 =	sand.u32 $0x70, s16;
	s17 =	sand.u32 $0x1C00, s16  }
0x340: {  	[tilespmem:s18+$0x280] =	vst v3;
	s18 =	sor.u32 s17, s3  }
0x341: {  	v3 =	vld [tilespmem:s18+$0x4300]  }
0x342: {  	v4 =	vld [tilespmem:s18+$0x300];
	_ =	sdelay $0x3  }
0x343: {  	s17 =	simm.s32 $0x10;
	s3 =	simm.s32 $0x80  }
0x344: {  	s19 =	sand.u32 $0x70, s17;
	s20 =	sand.u32 $0x1C00, s3;
	v3 =	vadd.f32 v3, v4  }
0x345: {  	s20 =	sor.u32 s20, s19;
	s19 =	simm.s32 $0x20  }
.LBB2_78:
0x346: {  	p0 =	sne.s32 s19, $0x3F0;
	v4 =	vld [tilespmem:s20+$0x4300];
	[tilespmem:s18+$0x300] =	vst v3;
	s18 =	smov.u32 s20  }
0x347: {  	v3 =	vld [tilespmem:s18+$0x300];
	_ =	sdelay $0x1  }
.Ltmp38:
0x348: {  	(pc) =	sbr.rel @p0 .LBB2_78-.Ltmp38, $4  }
0x349: {  	_ = 	snop  }
0x34a: {  	s3 =	sadd.s32 $0x80, s3  }
0x34b: {  	s20 =	sand.u32 $0x70, s19;
	s22 =	sand.u32 $0x1C00, s3;
	v3 =	vadd.f32 v4, v3  }
0x34c: {  	s19 =	sadd.s32 $0x10, s19;
	s20 =	sor.u32 s22, s20  }
0x34d: {  	v4 =	vld [tilespmem:s20+$0x4300];
	[tilespmem:s18+$0x300] =	vst v3  }
0x34e: {  	v3 =	vld [tilespmem:s20+$0x300];
	_ =	sdelay $0x4  }
0x34f: {  	v3 =	vadd.f32 v4, v3  }
0x350: {  	s3 =	sor.u32 s16, s16  }
0x351: {  	s16 =	sor.u32 $0x380, s3;
	[tilespmem:s20+$0x300] =	vst v3  }
0x352: {  	v3 =	vld [tilespmem:s16+$0x4000]  }
0x353: {  	v4 =	vld [tilespmem:s16+$0x0];
	_ =	sdelay $0x3  }
0x354: {  	s3 =	simm.s32 $0x80  }
0x355: {  	s17 =	sor.u32 s3, s17;
	v3 =	vadd.f32 v3, v4  }
0x356: {  	s18 =	sor.u32 $0x380, s17;
	s17 =	simm.s32 $0x20  }
.LBB2_80:
0x357: {  	p0 =	sne.s32 s17, $0x3F0;
	v4 =	vld [tilespmem:s18+$0x4000];
	[tilespmem:s16+$0x0] =	vst v3;
	s16 =	smov.u32 s18  }
0x358: {  	v3 =	vld [tilespmem:s16+$0x0];
	_ =	sdelay $0x1  }
.Ltmp39:
0x359: {  	(pc) =	sbr.rel @p0 .LBB2_80-.Ltmp39, $4  }
0x35a: {  	_ = 	snop  }
0x35b: {  	s3 =	sadd.s32 $0x80, s3  }
0x35c: {  	s18 =	sor.u32 s3, s17;
	v3 =	vadd.f32 v4, v3  }
0x35d: {  	s17 =	sadd.s32 $0x10, s17;
	s18 =	sor.u32 $0x380, s18  }
0x35e: {  	v4 =	vld [tilespmem:s18+$0x4000];
	[tilespmem:s16+$0x0] =	vst v3  }
0x35f: {  	v3 =	vld [tilespmem:s18+$0x0];
	_ =	sdelay $0x4  }
0x360: {  	s3 =	simm.s32 $0x0;
	v3 =	vadd.f32 v4, v3  }
0x361: {  	s20 =	sand.u32 $0x70, s3;
	s3 =	sand.u32 $0x1C00, s3  }
0x362: {  	s16 =	sor.u32 s3, s20;
	[tilespmem:s18+$0x0] =	vst v3  }
0x363: {  	v3 =	vld [tilespmem:s16+$0x6000]  }
0x364: {  	v4 =	vld [tilespmem:s16+$0x2000];
	_ =	sdelay $0x3  }
0x365: {  	s22 =	simm.s32 $0x10;
	s18 =	simm.s32 $0x80  }
0x366: {  	s17 =	sand.u32 $0x70, s22;
	s23 =	sand.u32 $0x1C00, s18;
	v3 =	vadd.f32 v3, v4  }
0x367: {  	s19 =	simm.s32 $0x20;
	s3 =	smov.u32 s16;
	s20 =	sor.u32 s23, s17  }
.LBB2_82:
0x368: {  	p0 =	sne.s32 s19, $0x3F0;
	v4 =	vld [tilespmem:s20+$0x6000];
	[tilespmem:s3+$0x2000] =	vst v3;
	s3 =	smov.u32 s20  }
0x369: {  	v3 =	vld [tilespmem:s3+$0x2000];
	_ =	sdelay $0x1  }
.Ltmp40:
0x36a: {  	(pc) =	sbr.rel @p0 .LBB2_82-.Ltmp40, $4  }
0x36b: {  	_ = 	snop  }
0x36c: {  	s18 =	sadd.s32 $0x80, s18  }
0x36d: {  	s20 =	sand.u32 $0x70, s19;
	s22 =	sand.u32 $0x1C00, s18;
	v3 =	vadd.f32 v4, v3  }
0x36e: {  	s19 =	sadd.s32 $0x10, s19;
	s20 =	sor.u32 s22, s20  }
0x36f: {  	v4 =	vld [tilespmem:s20+$0x6000];
	[tilespmem:s3+$0x2000] =	vst v3  }
0x370: {  	v3 =	vld [tilespmem:s20+$0x2000];
	_ =	sdelay $0x4  }
0x371: {  	v3 =	vadd.f32 v4, v3;
	_ =	sdelay $0x1  }
0x372: {  	[tilespmem:s20+$0x2000] =	vst v3  }
0x373: {  	v3 =	vld [tilespmem:s16+$0x6080]  }
0x374: {  	v4 =	vld [tilespmem:s16+$0x2080];
	_ =	sdelay $0x3  }
0x375: {  	s3 =	simm.s32 $0x80  }
0x376: {  	s18 =	sand.u32 $0x1C00, s3;
	v3 =	vadd.f32 v3, v4  }
0x377: {  	s18 =	sor.u32 s18, s17;
	s17 =	simm.s32 $0x20  }
.LBB2_84:
0x378: {  	p0 =	sne.s32 s17, $0x3F0;
	v4 =	vld [tilespmem:s18+$0x6080];
	[tilespmem:s16+$0x2080] =	vst v3;
	s16 =	smov.u32 s18  }
0x379: {  	v3 =	vld [tilespmem:s16+$0x2080];
	_ =	sdelay $0x1  }
.Ltmp41:
0x37a: {  	(pc) =	sbr.rel @p0 .LBB2_84-.Ltmp41, $4  }
0x37b: {  	_ = 	snop  }
0x37c: {  	s3 =	sadd.s32 $0x80, s3  }
0x37d: {  	s18 =	sand.u32 $0x70, s17;
	s19 =	sand.u32 $0x1C00, s3;
	v3 =	vadd.f32 v4, v3  }
0x37e: {  	s17 =	sadd.s32 $0x10, s17;
	s18 =	sor.u32 s19, s18  }
0x37f: {  	v4 =	vld [tilespmem:s18+$0x6080];
	[tilespmem:s16+$0x2080] =	vst v3  }
0x380: {  	v3 =	vld [tilespmem:s18+$0x2080];
	_ =	sdelay $0x4  }
0x381: {  	s3 =	simm.s32 $0x0;
	v3 =	vadd.f32 v4, v3  }
0x382: {  	s20 =	sand.u32 $0x70, s3;
	s3 =	sand.u32 $0x1C00, s3  }
0x383: {  	s16 =	sor.u32 s3, s20;
	[tilespmem:s18+$0x2080] =	vst v3  }
0x384: {  	v3 =	vld [tilespmem:s16+$0x6100]  }
0x385: {  	v4 =	vld [tilespmem:s16+$0x2100];
	_ =	sdelay $0x3  }
0x386: {  	s22 =	simm.s32 $0x10;
	s18 =	simm.s32 $0x80  }
0x387: {  	s17 =	sand.u32 $0x70, s22;
	s23 =	sand.u32 $0x1C00, s18;
	v3 =	vadd.f32 v3, v4  }
0x388: {  	s19 =	simm.s32 $0x20;
	s3 =	smov.u32 s16;
	s20 =	sor.u32 s23, s17  }
.LBB2_86:
0x389: {  	p0 =	sne.s32 s19, $0x3F0;
	v4 =	vld [tilespmem:s20+$0x6100];
	[tilespmem:s3+$0x2100] =	vst v3;
	s3 =	smov.u32 s20  }
0x38a: {  	v3 =	vld [tilespmem:s3+$0x2100];
	_ =	sdelay $0x1  }
.Ltmp42:
0x38b: {  	(pc) =	sbr.rel @p0 .LBB2_86-.Ltmp42, $4  }
0x38c: {  	_ = 	snop  }
0x38d: {  	s18 =	sadd.s32 $0x80, s18  }
0x38e: {  	s20 =	sand.u32 $0x70, s19;
	s22 =	sand.u32 $0x1C00, s18;
	v3 =	vadd.f32 v4, v3  }
0x38f: {  	s19 =	sadd.s32 $0x10, s19;
	s20 =	sor.u32 s22, s20  }
0x390: {  	v4 =	vld [tilespmem:s20+$0x6100];
	[tilespmem:s3+$0x2100] =	vst v3  }
0x391: {  	v3 =	vld [tilespmem:s20+$0x2100];
	_ =	sdelay $0x4  }
0x392: {  	v3 =	vadd.f32 v4, v3;
	_ =	sdelay $0x1  }
0x393: {  	[tilespmem:s20+$0x2100] =	vst v3  }
0x394: {  	v3 =	vld [tilespmem:s16+$0x6180]  }
0x395: {  	v4 =	vld [tilespmem:s16+$0x2180];
	_ =	sdelay $0x3  }
0x396: {  	s3 =	simm.s32 $0x80  }
0x397: {  	s18 =	sand.u32 $0x1C00, s3;
	v3 =	vadd.f32 v3, v4  }
0x398: {  	s18 =	sor.u32 s18, s17;
	s17 =	simm.s32 $0x20  }
.LBB2_88:
0x399: {  	p0 =	sne.s32 s17, $0x3F0;
	v4 =	vld [tilespmem:s18+$0x6180];
	[tilespmem:s16+$0x2180] =	vst v3;
	s16 =	smov.u32 s18  }
0x39a: {  	v3 =	vld [tilespmem:s16+$0x2180];
	_ =	sdelay $0x1  }
.Ltmp43:
0x39b: {  	(pc) =	sbr.rel @p0 .LBB2_88-.Ltmp43, $4  }
0x39c: {  	_ = 	snop  }
0x39d: {  	s3 =	sadd.s32 $0x80, s3  }
0x39e: {  	s18 =	sand.u32 $0x70, s17;
	s19 =	sand.u32 $0x1C00, s3;
	v3 =	vadd.f32 v4, v3  }
0x39f: {  	s17 =	sadd.s32 $0x10, s17;
	s18 =	sor.u32 s19, s18  }
0x3a0: {  	v4 =	vld [tilespmem:s18+$0x6180];
	[tilespmem:s16+$0x2180] =	vst v3  }
0x3a1: {  	v3 =	vld [tilespmem:s18+$0x2180];
	_ =	sdelay $0x4  }
0x3a2: {  	s3 =	simm.s32 $0x0;
	v3 =	vadd.f32 v4, v3  }
0x3a3: {  	s20 =	sand.u32 $0x70, s3;
	s3 =	sand.u32 $0x1C00, s3  }
0x3a4: {  	s16 =	sor.u32 s3, s20;
	[tilespmem:s18+$0x2180] =	vst v3  }
0x3a5: {  	v3 =	vld [tilespmem:s16+$0x6200]  }
0x3a6: {  	v4 =	vld [tilespmem:s16+$0x2200];
	_ =	sdelay $0x3  }
0x3a7: {  	s22 =	simm.s32 $0x10;
	s18 =	simm.s32 $0x80  }
0x3a8: {  	s17 =	sand.u32 $0x70, s22;
	s23 =	sand.u32 $0x1C00, s18;
	v3 =	vadd.f32 v3, v4  }
0x3a9: {  	s19 =	simm.s32 $0x20;
	s3 =	smov.u32 s16;
	s20 =	sor.u32 s23, s17  }
.LBB2_90:
0x3aa: {  	p0 =	sne.s32 s19, $0x3F0;
	v4 =	vld [tilespmem:s20+$0x6200];
	[tilespmem:s3+$0x2200] =	vst v3;
	s3 =	smov.u32 s20  }
0x3ab: {  	v3 =	vld [tilespmem:s3+$0x2200];
	_ =	sdelay $0x1  }
.Ltmp44:
0x3ac: {  	(pc) =	sbr.rel @p0 .LBB2_90-.Ltmp44, $4  }
0x3ad: {  	_ = 	snop  }
0x3ae: {  	s18 =	sadd.s32 $0x80, s18  }
0x3af: {  	s20 =	sand.u32 $0x70, s19;
	s22 =	sand.u32 $0x1C00, s18;
	v3 =	vadd.f32 v4, v3  }
0x3b0: {  	s19 =	sadd.s32 $0x10, s19;
	s20 =	sor.u32 s22, s20  }
0x3b1: {  	v4 =	vld [tilespmem:s20+$0x6200];
	[tilespmem:s3+$0x2200] =	vst v3  }
0x3b2: {  	v3 =	vld [tilespmem:s20+$0x2200];
	_ =	sdelay $0x4  }
0x3b3: {  	v3 =	vadd.f32 v4, v3;
	_ =	sdelay $0x1  }
0x3b4: {  	[tilespmem:s20+$0x2200] =	vst v3  }
0x3b5: {  	v3 =	vld [tilespmem:s16+$0x6280]  }
0x3b6: {  	v4 =	vld [tilespmem:s16+$0x2280];
	_ =	sdelay $0x3  }
0x3b7: {  	s3 =	simm.s32 $0x80  }
0x3b8: {  	s18 =	sand.u32 $0x1C00, s3;
	v3 =	vadd.f32 v3, v4  }
0x3b9: {  	s18 =	sor.u32 s18, s17;
	s17 =	simm.s32 $0x20  }
.LBB2_92:
0x3ba: {  	p0 =	sne.s32 s17, $0x3F0;
	v4 =	vld [tilespmem:s18+$0x6280];
	[tilespmem:s16+$0x2280] =	vst v3;
	s16 =	smov.u32 s18  }
0x3bb: {  	v3 =	vld [tilespmem:s16+$0x2280];
	_ =	sdelay $0x1  }
.Ltmp45:
0x3bc: {  	(pc) =	sbr.rel @p0 .LBB2_92-.Ltmp45, $4  }
0x3bd: {  	_ = 	snop  }
0x3be: {  	s3 =	sadd.s32 $0x80, s3  }
0x3bf: {  	s18 =	sand.u32 $0x70, s17;
	s19 =	sand.u32 $0x1C00, s3;
	v3 =	vadd.f32 v4, v3  }
0x3c0: {  	s17 =	sadd.s32 $0x10, s17;
	s18 =	sor.u32 s19, s18  }
0x3c1: {  	v4 =	vld [tilespmem:s18+$0x6280];
	[tilespmem:s16+$0x2280] =	vst v3  }
0x3c2: {  	v3 =	vld [tilespmem:s18+$0x2280];
	_ =	sdelay $0x4  }
0x3c3: {  	s16 =	simm.s32 $0x0;
	v3 =	vadd.f32 v4, v3  }
0x3c4: {  	s3 =	sand.u32 $0x70, s16;
	s17 =	sand.u32 $0x1C00, s16  }
0x3c5: {  	[tilespmem:s18+$0x2280] =	vst v3;
	s18 =	sor.u32 s17, s3  }
0x3c6: {  	v3 =	vld [tilespmem:s18+$0x6300]  }
0x3c7: {  	v4 =	vld [tilespmem:s18+$0x2300];
	_ =	sdelay $0x3  }
0x3c8: {  	s17 =	simm.s32 $0x10;
	s3 =	simm.s32 $0x80  }
0x3c9: {  	s19 =	sand.u32 $0x70, s17;
	s20 =	sand.u32 $0x1C00, s3;
	v3 =	vadd.f32 v3, v4  }
0x3ca: {  	s20 =	sor.u32 s20, s19;
	s19 =	simm.s32 $0x20  }
.LBB2_94:
0x3cb: {  	p0 =	sne.s32 s19, $0x3F0;
	v4 =	vld [tilespmem:s20+$0x6300];
	[tilespmem:s18+$0x2300] =	vst v3;
	s18 =	smov.u32 s20  }
0x3cc: {  	v3 =	vld [tilespmem:s18+$0x2300];
	_ =	sdelay $0x1  }
.Ltmp46:
0x3cd: {  	(pc) =	sbr.rel @p0 .LBB2_94-.Ltmp46, $4  }
0x3ce: {  	_ = 	snop  }
0x3cf: {  	s3 =	sadd.s32 $0x80, s3  }
0x3d0: {  	s20 =	sand.u32 $0x70, s19;
	s22 =	sand.u32 $0x1C00, s3;
	v3 =	vadd.f32 v4, v3  }
0x3d1: {  	s19 =	sadd.s32 $0x10, s19;
	s20 =	sor.u32 s22, s20  }
0x3d2: {  	v4 =	vld [tilespmem:s20+$0x6300];
	[tilespmem:s18+$0x2300] =	vst v3  }
0x3d3: {  	v3 =	vld [tilespmem:s20+$0x2300];
	_ =	sdelay $0x4  }
0x3d4: {  	v3 =	vadd.f32 v4, v3  }
0x3d5: {  	s3 =	sor.u32 s16, s16  }
0x3d6: {  	s16 =	sor.u32 $0x2380, s3;
	[tilespmem:s20+$0x2300] =	vst v3  }
0x3d7: {  	v3 =	vld [tilespmem:s16+$0x4000]  }
0x3d8: {  	v4 =	vld [tilespmem:s16+$0x0];
	_ =	sdelay $0x3  }
0x3d9: {  	s3 =	simm.s32 $0x80  }
0x3da: {  	s17 =	sor.u32 s3, s17;
	v3 =	vadd.f32 v3, v4  }
0x3db: {  	s18 =	sor.u32 $0x2380, s17;
	s17 =	simm.s32 $0x20  }
.LBB2_96:
0x3dc: {  	p0 =	sne.s32 s17, $0x3F0;
	v4 =	vld [tilespmem:s18+$0x4000];
	[tilespmem:s16+$0x0] =	vst v3;
	s16 =	smov.u32 s18  }
0x3dd: {  	v3 =	vld [tilespmem:s16+$0x0];
	_ =	sdelay $0x1  }
.Ltmp47:
0x3de: {  	(pc) =	sbr.rel @p0 .LBB2_96-.Ltmp47, $4  }
0x3df: {  	_ = 	snop  }
0x3e0: {  	s3 =	sadd.s32 $0x80, s3  }
0x3e1: {  	s18 =	sor.u32 s3, s17;
	v3 =	vadd.f32 v4, v3  }
0x3e2: {  	s17 =	sadd.s32 $0x10, s17;
	s18 =	sor.u32 $0x2380, s18  }
0x3e3: {  	v4 =	vld [tilespmem:s18+$0x4000];
	[tilespmem:s16+$0x0] =	vst v3  }
0x3e4: {  	v3 =	vld [tilespmem:s18+$0x0];
	_ =	sdelay $0x4  }
0x3e5: {  	v3 =	vadd.f32 v4, v3;
	_ =	sdelay $0x1  }
0x3e6: {  	s3 =	simm.s32 $0x0;
	s17 =	rddreg [dreg:$0xb];
	[tilespmem:s18+$0x0] =	vst v3  }
0x3e7: {  	[hbm4b:s17+s3] =	stream.linear.scatter [tilespmem:s3], [sflag:$0x3], $0x4000, $0x38;
	[tilespmem:$0x8100] =	vst v63  }
0x3e8: {  	_ =	swait.ge [sflag:s21], $0x4000  }
0x3e9: {  	[sflag:s21] =	ssyncset.done $0x0  }
0x3ea: {  	s17 =	simm.s32 $0x8000;
	s18 =	rddreg [dreg:$0xc];
	[sflag:s21] =	ssyncadd.s32 $0xFFFFC000  }
0x3eb: {  	[tilespmem:s17], [sflag:$0x3] =	stream.linear.gather [hbm4b:s18+s3], $0x10, $0x38;
	[tilespmem:$0x8100] =	vst v63  }
0x3ec: {  	_ =	swait.ge [sflag:s21], $0x10  }
0x3ed: {  	[sflag:s21] =	ssyncset.done $0x0  }
0x3ee: {  	s20 =	simm.s32 $0x8080;
	s19 =	rddreg [dreg:$0xd];
	[sflag:s21] =	ssyncadd.s32 $0xFFFFFFF0  }
0x3ef: {  	[tilespmem:s20], [sflag:$0x3] =	stream.linear.gather [hbm4b:s19+s3], $0x10, $0x38;
	[tilespmem:$0x8100] =	vst v63  }
0x3f0: {  	_ =	swait.ge [sflag:s21], $0x10  }
0x3f1: {  	[sflag:s21] =	ssyncset.done $0x0  }
0x3f2: {  	[sflag:s21] =	ssyncadd.s32 $0xFFFFFFF0  }
0x3f3: {  	v3 =	vld [tilespmem:$0x8000];
	_ =	sdelay $0x4  }
0x3f4: {  	v4 =	vshll.u32 v3, $0x3  }
0x3f5: {  	v3 =	vand.u32 $0x7, v3;
	v4 =	vand.u32 $0xFFFFFFC0, v4  }
0x3f6: {  	v3 =	vor.u32 v3, v4  }
0x3f7: {  	v4 =	vperm.xlane v3, v0;
	_ =	sdelay $0x1  }
0x3f8: {  	v4 =	vadd.s32 v1, v4;
	_ =	sdelay $0x4  }
0x3f9: {  	[tilespmem:s3], [sflag:$0x1] =	stream.indirect_vreg.gather [hbm4b:s4+s3], $0x80, v4, vm0, $0xb8;
	[tilespmem:$0x8100] =	vst v63  }
0x3fa: {  	s22 =	simm.s32 $0x800;
	v3 =	vperm.xlane v3, v2  }
0x3fb: {  	[tilespmem:s22], [sflag:$0x1] =	stream.indirect_vreg.gather [hbm4b:s6+s3], $0x80, v4, vm0, $0xb8;
	[tilespmem:$0x8100] =	vst v63  }
0x3fc: {  	v3 =	vadd.s32 v1, v3  }
0x3fd: {  	[tilespmem:s24], [sflag:$0x1] =	stream.indirect_vreg.gather [hbm4b:s7+s3], $0x80, v4, vm0, $0xb8;
	[tilespmem:$0x8100] =	vst v63  }
0x3fe: {  	_ = 	snop  }
0x3ff: {  	[tilespmem:s25], [sflag:$0x1] =	stream.indirect_vreg.gather [hbm4b:s8+s3], $0x80, v4, vm0, $0xb8;
	[tilespmem:$0x8100] =	vst v63  }
0x400: {  	_ = 	snop  }
0x401: {  	[tilespmem:s26], [sflag:$0x1] =	stream.indirect_vreg.gather [hbm4b:s4+s3], $0x80, v3, vm0, $0xb8;
	[tilespmem:$0x8100] =	vst v63  }
0x402: {  	_ = 	snop  }
0x403: {  	[tilespmem:s28], [sflag:$0x1] =	stream.indirect_vreg.gather [hbm4b:s6+s3], $0x80, v3, vm0, $0xb8;
	[tilespmem:$0x8100] =	vst v63  }
0x404: {  	_ = 	snop  }
0x405: {  	[tilespmem:s29], [sflag:$0x1] =	stream.indirect_vreg.gather [hbm4b:s7+s3], $0x80, v3, vm0, $0xb8;
	[tilespmem:$0x8100] =	vst v63  }
0x406: {  	_ = 	snop  }
0x407: {  	[tilespmem:s30], [sflag:$0x1] =	stream.indirect_vreg.gather [hbm4b:s8+s3], $0x80, v3, vm0, $0xb8;
	[tilespmem:$0x8100] =	vst v63  }
0x408: {  	v3 =	vld [tilespmem:$0x8080];
	_ =	sdelay $0x4  }
0x409: {  	v4 =	vshll.u32 v3, $0x3  }
0x40a: {  	v3 =	vand.u32 $0x7, v3;
	v4 =	vand.u32 $0xFFFFFFC0, v4  }
0x40b: {  	v3 =	vor.u32 v3, v4  }
0x40c: {  	v4 =	vperm.xlane v3, v0;
	_ =	sdelay $0x1  }
0x40d: {  	v4 =	vadd.s32 v1, v4;
	_ =	sdelay $0x4  }
0x40e: {  	[tilespmem:s31], [sflag:$0x2] =	stream.indirect_vreg.gather [hbm4b:s4+s3], $0x80, v4, vm0, $0xb8;
	[tilespmem:$0x8100] =	vst v63  }
0x40f: {  	v3 =	vperm.xlane v3, v2  }
0x410: {  	[tilespmem:s0], [sflag:$0x2] =	stream.indirect_vreg.gather [hbm4b:s6+s3], $0x80, v4, vm0, $0xb8;
	[tilespmem:$0x8100] =	vst v63  }
0x411: {  	v3 =	vadd.s32 v1, v3  }
0x412: {  	[tilespmem:s1], [sflag:$0x2] =	stream.indirect_vreg.gather [hbm4b:s7+s3], $0x80, v4, vm0, $0xb8;
	[tilespmem:$0x8100] =	vst v63  }
0x413: {  	_ = 	snop  }
0x414: {  	[tilespmem:s5], [sflag:$0x2] =	stream.indirect_vreg.gather [hbm4b:s8+s3], $0x80, v4, vm0, $0xb8;
	[tilespmem:$0x8100] =	vst v63  }
0x415: {  	_ = 	snop  }
0x416: {  	[tilespmem:s9], [sflag:$0x2] =	stream.indirect_vreg.gather [hbm4b:s4+s3], $0x80, v3, vm0, $0xb8;
	[tilespmem:$0x8100] =	vst v63  }
0x417: {  	_ = 	snop  }
0x418: {  	[tilespmem:s10], [sflag:$0x2] =	stream.indirect_vreg.gather [hbm4b:s6+s3], $0x80, v3, vm0, $0xb8;
	[tilespmem:$0x8100] =	vst v63  }
0x419: {  	_ = 	snop  }
0x41a: {  	[tilespmem:s11], [sflag:$0x2] =	stream.indirect_vreg.gather [hbm4b:s7+s3], $0x80, v3, vm0, $0xb8;
	[tilespmem:$0x8100] =	vst v63  }
0x41b: {  	_ = 	snop  }
0x41c: {  	[tilespmem:s12], [sflag:$0x2] =	stream.indirect_vreg.gather [hbm4b:s8+s3], $0x80, v3, vm0, $0xb8;
	[tilespmem:$0x8100] =	vst v63  }
0x41d: {  	_ =	swait.ge [sflag:s13], $0x4000  }
0x41e: {  	[sflag:s13] =	ssyncset.done $0x0  }
0x41f: {  	[sflag:s13] =	ssyncadd.s32 $0xFFFFC000  }
0x420: {  	_ =	swait.ge [sflag:s14], $0x4000  }
0x421: {  	s16 =	sand.u32 $0x70, s3;
	s17 =	sand.u32 $0x1C00, s3;
	[sflag:s14] =	ssyncset.done $0x0  }
0x422: {  	s19 =	sor.u32 s16, s17;
	[sflag:s14] =	ssyncadd.s32 $0xFFFFC000  }
0x423: {  	v3 =	vld [tilespmem:s19+$0x4000]  }
0x424: {  	v4 =	vld [tilespmem:s19+$0x0];
	_ =	sdelay $0x3  }
0x425: {  	s23 =	simm.s32 $0x10;
	s3 =	simm.s32 $0x80  }
0x426: {  	s18 =	sand.u32 $0x70, s23;
	s20 =	sand.u32 $0x1C00, s3;
	v3 =	vadd.f32 v3, v4  }
0x427: {  	s22 =	sor.u32 s18, s20;
	s20 =	simm.s32 $0x20  }
.LBB2_98:
0x428: {  	p0 =	sne.s32 s20, $0x3F0;
	v4 =	vld [tilespmem:s22+$0x4000];
	[tilespmem:s19+$0x0] =	vst v3;
	s19 =	smov.u32 s22  }
0x429: {  	v3 =	vld [tilespmem:s19+$0x0];
	_ =	sdelay $0x1  }
.Ltmp48:
0x42a: {  	(pc) =	sbr.rel @p0 .LBB2_98-.Ltmp48, $4  }
0x42b: {  	_ = 	snop  }
0x42c: {  	s3 =	sadd.s32 $0x80, s3  }
0x42d: {  	s22 =	sand.u32 $0x70, s20;
	s23 =	sand.u32 $0x1C00, s3;
	v3 =	vadd.f32 v4, v3  }
0x42e: {  	s20 =	sadd.s32 $0x10, s20;
	s22 =	sor.u32 s22, s23  }
0x42f: {  	v4 =	vld [tilespmem:s22+$0x4000];
	[tilespmem:s19+$0x0] =	vst v3  }
0x430: {  	v3 =	vld [tilespmem:s22+$0x0];
	_ =	sdelay $0x4  }
0x431: {  	v3 =	vadd.f32 v4, v3;
	_ =	sdelay $0x1  }
0x432: {  	s16 =	sor.u32 s17, s16;
	[tilespmem:s22+$0x0] =	vst v3  }
0x433: {  	v3 =	vld [tilespmem:s16+$0x4080]  }
0x434: {  	v4 =	vld [tilespmem:s16+$0x80];
	_ =	sdelay $0x3  }
0x435: {  	s3 =	simm.s32 $0x80  }
0x436: {  	s23 =	sand.u32 $0x1C00, s3;
	v3 =	vadd.f32 v3, v4  }
0x437: {  	s17 =	simm.s32 $0x20;
	s18 =	sor.u32 s23, s18  }
.LBB2_100:
0x438: {  	p0 =	sne.s32 s17, $0x3F0;
	v4 =	vld [tilespmem:s18+$0x4080];
	[tilespmem:s16+$0x80] =	vst v3;
	s16 =	smov.u32 s18  }
0x439: {  	v3 =	vld [tilespmem:s16+$0x80];
	_ =	sdelay $0x1  }
.Ltmp49:
0x43a: {  	(pc) =	sbr.rel @p0 .LBB2_100-.Ltmp49, $4  }
0x43b: {  	_ = 	snop  }
0x43c: {  	s3 =	sadd.s32 $0x80, s3  }
0x43d: {  	s18 =	sand.u32 $0x70, s17;
	s19 =	sand.u32 $0x1C00, s3;
	v3 =	vadd.f32 v4, v3  }
0x43e: {  	s17 =	sadd.s32 $0x10, s17;
	s18 =	sor.u32 s19, s18  }
0x43f: {  	v4 =	vld [tilespmem:s18+$0x4080];
	[tilespmem:s16+$0x80] =	vst v3  }
0x440: {  	v3 =	vld [tilespmem:s18+$0x80];
	_ =	sdelay $0x4  }
0x441: {  	s3 =	simm.s32 $0x0;
	v3 =	vadd.f32 v4, v3  }
0x442: {  	s20 =	sand.u32 $0x70, s3;
	s3 =	sand.u32 $0x1C00, s3  }
0x443: {  	s16 =	sor.u32 s3, s20;
	[tilespmem:s18+$0x80] =	vst v3  }
0x444: {  	v3 =	vld [tilespmem:s16+$0x4100]  }
0x445: {  	v4 =	vld [tilespmem:s16+$0x100];
	_ =	sdelay $0x3  }
0x446: {  	s22 =	simm.s32 $0x10;
	s18 =	simm.s32 $0x80  }
0x447: {  	s17 =	sand.u32 $0x70, s22;
	s23 =	sand.u32 $0x1C00, s18;
	v3 =	vadd.f32 v3, v4  }
0x448: {  	s19 =	simm.s32 $0x20;
	s3 =	smov.u32 s16;
	s20 =	sor.u32 s23, s17  }
.LBB2_102:
0x449: {  	p0 =	sne.s32 s19, $0x3F0;
	v4 =	vld [tilespmem:s20+$0x4100];
	[tilespmem:s3+$0x100] =	vst v3;
	s3 =	smov.u32 s20  }
0x44a: {  	v3 =	vld [tilespmem:s3+$0x100];
	_ =	sdelay $0x1  }
.Ltmp50:
0x44b: {  	(pc) =	sbr.rel @p0 .LBB2_102-.Ltmp50, $4  }
0x44c: {  	_ = 	snop  }
0x44d: {  	s18 =	sadd.s32 $0x80, s18  }
0x44e: {  	s20 =	sand.u32 $0x70, s19;
	s22 =	sand.u32 $0x1C00, s18;
	v3 =	vadd.f32 v4, v3  }
0x44f: {  	s19 =	sadd.s32 $0x10, s19;
	s20 =	sor.u32 s22, s20  }
0x450: {  	v4 =	vld [tilespmem:s20+$0x4100];
	[tilespmem:s3+$0x100] =	vst v3  }
0x451: {  	v3 =	vld [tilespmem:s20+$0x100];
	_ =	sdelay $0x4  }
0x452: {  	v3 =	vadd.f32 v4, v3;
	_ =	sdelay $0x1  }
0x453: {  	[tilespmem:s20+$0x100] =	vst v3  }
0x454: {  	v3 =	vld [tilespmem:s16+$0x4180]  }
0x455: {  	v4 =	vld [tilespmem:s16+$0x180];
	_ =	sdelay $0x3  }
0x456: {  	s3 =	simm.s32 $0x80  }
0x457: {  	s18 =	sand.u32 $0x1C00, s3;
	v3 =	vadd.f32 v3, v4  }
0x458: {  	s18 =	sor.u32 s18, s17;
	s17 =	simm.s32 $0x20  }
.LBB2_104:
0x459: {  	p0 =	sne.s32 s17, $0x3F0;
	v4 =	vld [tilespmem:s18+$0x4180];
	[tilespmem:s16+$0x180] =	vst v3;
	s16 =	smov.u32 s18  }
0x45a: {  	v3 =	vld [tilespmem:s16+$0x180];
	_ =	sdelay $0x1  }
.Ltmp51:
0x45b: {  	(pc) =	sbr.rel @p0 .LBB2_104-.Ltmp51, $4  }
0x45c: {  	_ = 	snop  }
0x45d: {  	s3 =	sadd.s32 $0x80, s3  }
0x45e: {  	s18 =	sand.u32 $0x70, s17;
	s19 =	sand.u32 $0x1C00, s3;
	v3 =	vadd.f32 v4, v3  }
0x45f: {  	s17 =	sadd.s32 $0x10, s17;
	s18 =	sor.u32 s19, s18  }
0x460: {  	v4 =	vld [tilespmem:s18+$0x4180];
	[tilespmem:s16+$0x180] =	vst v3  }
0x461: {  	v3 =	vld [tilespmem:s18+$0x180];
	_ =	sdelay $0x4  }
0x462: {  	s3 =	simm.s32 $0x0;
	v3 =	vadd.f32 v4, v3  }
0x463: {  	s20 =	sand.u32 $0x70, s3;
	s3 =	sand.u32 $0x1C00, s3  }
0x464: {  	s16 =	sor.u32 s3, s20;
	[tilespmem:s18+$0x180] =	vst v3  }
0x465: {  	v3 =	vld [tilespmem:s16+$0x4200]  }
0x466: {  	v4 =	vld [tilespmem:s16+$0x200];
	_ =	sdelay $0x3  }
0x467: {  	s22 =	simm.s32 $0x10;
	s18 =	simm.s32 $0x80  }
0x468: {  	s17 =	sand.u32 $0x70, s22;
	s23 =	sand.u32 $0x1C00, s18;
	v3 =	vadd.f32 v3, v4  }
0x469: {  	s19 =	simm.s32 $0x20;
	s3 =	smov.u32 s16;
	s20 =	sor.u32 s23, s17  }
.LBB2_106:
0x46a: {  	p0 =	sne.s32 s19, $0x3F0;
	v4 =	vld [tilespmem:s20+$0x4200];
	[tilespmem:s3+$0x200] =	vst v3;
	s3 =	smov.u32 s20  }
0x46b: {  	v3 =	vld [tilespmem:s3+$0x200];
	_ =	sdelay $0x1  }
.Ltmp52:
0x46c: {  	(pc) =	sbr.rel @p0 .LBB2_106-.Ltmp52, $4  }
0x46d: {  	_ = 	snop  }
0x46e: {  	s18 =	sadd.s32 $0x80, s18  }
0x46f: {  	s20 =	sand.u32 $0x70, s19;
	s22 =	sand.u32 $0x1C00, s18;
	v3 =	vadd.f32 v4, v3  }
0x470: {  	s19 =	sadd.s32 $0x10, s19;
	s20 =	sor.u32 s22, s20  }
0x471: {  	v4 =	vld [tilespmem:s20+$0x4200];
	[tilespmem:s3+$0x200] =	vst v3  }
0x472: {  	v3 =	vld [tilespmem:s20+$0x200];
	_ =	sdelay $0x4  }
0x473: {  	v3 =	vadd.f32 v4, v3;
	_ =	sdelay $0x1  }
0x474: {  	[tilespmem:s20+$0x200] =	vst v3  }
0x475: {  	v3 =	vld [tilespmem:s16+$0x4280]  }
0x476: {  	v4 =	vld [tilespmem:s16+$0x280];
	_ =	sdelay $0x3  }
0x477: {  	s3 =	simm.s32 $0x80  }
0x478: {  	s18 =	sand.u32 $0x1C00, s3;
	v3 =	vadd.f32 v3, v4  }
0x479: {  	s18 =	sor.u32 s18, s17;
	s17 =	simm.s32 $0x20  }
.LBB2_108:
0x47a: {  	p0 =	sne.s32 s17, $0x3F0;
	v4 =	vld [tilespmem:s18+$0x4280];
	[tilespmem:s16+$0x280] =	vst v3;
	s16 =	smov.u32 s18  }
0x47b: {  	v3 =	vld [tilespmem:s16+$0x280];
	_ =	sdelay $0x1  }
.Ltmp53:
0x47c: {  	(pc) =	sbr.rel @p0 .LBB2_108-.Ltmp53, $4  }
0x47d: {  	_ = 	snop  }
0x47e: {  	s3 =	sadd.s32 $0x80, s3  }
0x47f: {  	s18 =	sand.u32 $0x70, s17;
	s19 =	sand.u32 $0x1C00, s3;
	v3 =	vadd.f32 v4, v3  }
0x480: {  	s17 =	sadd.s32 $0x10, s17;
	s18 =	sor.u32 s19, s18  }
0x481: {  	v4 =	vld [tilespmem:s18+$0x4280];
	[tilespmem:s16+$0x280] =	vst v3  }
0x482: {  	v3 =	vld [tilespmem:s18+$0x280];
	_ =	sdelay $0x4  }
0x483: {  	s16 =	simm.s32 $0x0;
	v3 =	vadd.f32 v4, v3  }
0x484: {  	s3 =	sand.u32 $0x70, s16;
	s17 =	sand.u32 $0x1C00, s16  }
0x485: {  	[tilespmem:s18+$0x280] =	vst v3;
	s18 =	sor.u32 s17, s3  }
0x486: {  	v3 =	vld [tilespmem:s18+$0x4300]  }
0x487: {  	v4 =	vld [tilespmem:s18+$0x300];
	_ =	sdelay $0x3  }
0x488: {  	s17 =	simm.s32 $0x10;
	s3 =	simm.s32 $0x80  }
0x489: {  	s19 =	sand.u32 $0x70, s17;
	s20 =	sand.u32 $0x1C00, s3;
	v3 =	vadd.f32 v3, v4  }
0x48a: {  	s20 =	sor.u32 s20, s19;
	s19 =	simm.s32 $0x20  }
.LBB2_110:
0x48b: {  	p0 =	sne.s32 s19, $0x3F0;
	v4 =	vld [tilespmem:s20+$0x4300];
	[tilespmem:s18+$0x300] =	vst v3;
	s18 =	smov.u32 s20  }
0x48c: {  	v3 =	vld [tilespmem:s18+$0x300];
	_ =	sdelay $0x1  }
.Ltmp54:
0x48d: {  	(pc) =	sbr.rel @p0 .LBB2_110-.Ltmp54, $4  }
0x48e: {  	_ = 	snop  }
0x48f: {  	s3 =	sadd.s32 $0x80, s3  }
0x490: {  	s20 =	sand.u32 $0x70, s19;
	s22 =	sand.u32 $0x1C00, s3;
	v3 =	vadd.f32 v4, v3  }
0x491: {  	s19 =	sadd.s32 $0x10, s19;
	s20 =	sor.u32 s22, s20  }
0x492: {  	v4 =	vld [tilespmem:s20+$0x4300];
	[tilespmem:s18+$0x300] =	vst v3  }
0x493: {  	v3 =	vld [tilespmem:s20+$0x300];
	_ =	sdelay $0x4  }
0x494: {  	v3 =	vadd.f32 v4, v3  }
0x495: {  	s3 =	sor.u32 s16, s16  }
0x496: {  	s16 =	sor.u32 $0x380, s3;
	[tilespmem:s20+$0x300] =	vst v3  }
0x497: {  	v3 =	vld [tilespmem:s16+$0x4000]  }
0x498: {  	v4 =	vld [tilespmem:s16+$0x0];
	_ =	sdelay $0x3  }
0x499: {  	s3 =	simm.s32 $0x80  }
0x49a: {  	s17 =	sor.u32 s3, s17;
	v3 =	vadd.f32 v3, v4  }
0x49b: {  	s18 =	sor.u32 $0x380, s17;
	s17 =	simm.s32 $0x20  }
.LBB2_112:
0x49c: {  	p0 =	sne.s32 s17, $0x3F0;
	v4 =	vld [tilespmem:s18+$0x4000];
	[tilespmem:s16+$0x0] =	vst v3;
	s16 =	smov.u32 s18  }
0x49d: {  	v3 =	vld [tilespmem:s16+$0x0];
	_ =	sdelay $0x1  }
.Ltmp55:
0x49e: {  	(pc) =	sbr.rel @p0 .LBB2_112-.Ltmp55, $4  }
0x49f: {  	_ = 	snop  }
0x4a0: {  	s3 =	sadd.s32 $0x80, s3  }
0x4a1: {  	s18 =	sor.u32 s3, s17;
	v3 =	vadd.f32 v4, v3  }
0x4a2: {  	s17 =	sadd.s32 $0x10, s17;
	s18 =	sor.u32 $0x380, s18  }
0x4a3: {  	v4 =	vld [tilespmem:s18+$0x4000];
	[tilespmem:s16+$0x0] =	vst v3  }
0x4a4: {  	v3 =	vld [tilespmem:s18+$0x0];
	_ =	sdelay $0x4  }
0x4a5: {  	s3 =	simm.s32 $0x0;
	v3 =	vadd.f32 v4, v3  }
0x4a6: {  	s20 =	sand.u32 $0x70, s3;
	s3 =	sand.u32 $0x1C00, s3  }
0x4a7: {  	s16 =	sor.u32 s3, s20;
	[tilespmem:s18+$0x0] =	vst v3  }
0x4a8: {  	v3 =	vld [tilespmem:s16+$0x6000]  }
0x4a9: {  	v4 =	vld [tilespmem:s16+$0x2000];
	_ =	sdelay $0x3  }
0x4aa: {  	s22 =	simm.s32 $0x10;
	s18 =	simm.s32 $0x80  }
0x4ab: {  	s17 =	sand.u32 $0x70, s22;
	s23 =	sand.u32 $0x1C00, s18;
	v3 =	vadd.f32 v3, v4  }
0x4ac: {  	s19 =	simm.s32 $0x20;
	s3 =	smov.u32 s16;
	s20 =	sor.u32 s23, s17  }
.LBB2_114:
0x4ad: {  	p0 =	sne.s32 s19, $0x3F0;
	v4 =	vld [tilespmem:s20+$0x6000];
	[tilespmem:s3+$0x2000] =	vst v3;
	s3 =	smov.u32 s20  }
0x4ae: {  	v3 =	vld [tilespmem:s3+$0x2000];
	_ =	sdelay $0x1  }
.Ltmp56:
0x4af: {  	(pc) =	sbr.rel @p0 .LBB2_114-.Ltmp56, $4  }
0x4b0: {  	_ = 	snop  }
0x4b1: {  	s18 =	sadd.s32 $0x80, s18  }
0x4b2: {  	s20 =	sand.u32 $0x70, s19;
	s22 =	sand.u32 $0x1C00, s18;
	v3 =	vadd.f32 v4, v3  }
0x4b3: {  	s19 =	sadd.s32 $0x10, s19;
	s20 =	sor.u32 s22, s20  }
0x4b4: {  	v4 =	vld [tilespmem:s20+$0x6000];
	[tilespmem:s3+$0x2000] =	vst v3  }
0x4b5: {  	v3 =	vld [tilespmem:s20+$0x2000];
	_ =	sdelay $0x4  }
0x4b6: {  	v3 =	vadd.f32 v4, v3;
	_ =	sdelay $0x1  }
0x4b7: {  	[tilespmem:s20+$0x2000] =	vst v3  }
0x4b8: {  	v3 =	vld [tilespmem:s16+$0x6080]  }
0x4b9: {  	v4 =	vld [tilespmem:s16+$0x2080];
	_ =	sdelay $0x3  }
0x4ba: {  	s3 =	simm.s32 $0x80  }
0x4bb: {  	s18 =	sand.u32 $0x1C00, s3;
	v3 =	vadd.f32 v3, v4  }
0x4bc: {  	s18 =	sor.u32 s18, s17;
	s17 =	simm.s32 $0x20  }
.LBB2_116:
0x4bd: {  	p0 =	sne.s32 s17, $0x3F0;
	v4 =	vld [tilespmem:s18+$0x6080];
	[tilespmem:s16+$0x2080] =	vst v3;
	s16 =	smov.u32 s18  }
0x4be: {  	v3 =	vld [tilespmem:s16+$0x2080];
	_ =	sdelay $0x1  }
.Ltmp57:
0x4bf: {  	(pc) =	sbr.rel @p0 .LBB2_116-.Ltmp57, $4  }
0x4c0: {  	_ = 	snop  }
0x4c1: {  	s3 =	sadd.s32 $0x80, s3  }
0x4c2: {  	s18 =	sand.u32 $0x70, s17;
	s19 =	sand.u32 $0x1C00, s3;
	v3 =	vadd.f32 v4, v3  }
0x4c3: {  	s17 =	sadd.s32 $0x10, s17;
	s18 =	sor.u32 s19, s18  }
0x4c4: {  	v4 =	vld [tilespmem:s18+$0x6080];
	[tilespmem:s16+$0x2080] =	vst v3  }
0x4c5: {  	v3 =	vld [tilespmem:s18+$0x2080];
	_ =	sdelay $0x4  }
0x4c6: {  	s3 =	simm.s32 $0x0;
	v3 =	vadd.f32 v4, v3  }
0x4c7: {  	s20 =	sand.u32 $0x70, s3;
	s3 =	sand.u32 $0x1C00, s3  }
0x4c8: {  	s16 =	sor.u32 s3, s20;
	[tilespmem:s18+$0x2080] =	vst v3  }
0x4c9: {  	v3 =	vld [tilespmem:s16+$0x6100]  }
0x4ca: {  	v4 =	vld [tilespmem:s16+$0x2100];
	_ =	sdelay $0x3  }
0x4cb: {  	s22 =	simm.s32 $0x10;
	s18 =	simm.s32 $0x80  }
0x4cc: {  	s17 =	sand.u32 $0x70, s22;
	s23 =	sand.u32 $0x1C00, s18;
	v3 =	vadd.f32 v3, v4  }
0x4cd: {  	s19 =	simm.s32 $0x20;
	s3 =	smov.u32 s16;
	s20 =	sor.u32 s23, s17  }
.LBB2_118:
0x4ce: {  	p0 =	sne.s32 s19, $0x3F0;
	v4 =	vld [tilespmem:s20+$0x6100];
	[tilespmem:s3+$0x2100] =	vst v3;
	s3 =	smov.u32 s20  }
0x4cf: {  	v3 =	vld [tilespmem:s3+$0x2100];
	_ =	sdelay $0x1  }
.Ltmp58:
0x4d0: {  	(pc) =	sbr.rel @p0 .LBB2_118-.Ltmp58, $4  }
0x4d1: {  	_ = 	snop  }
0x4d2: {  	s18 =	sadd.s32 $0x80, s18  }
0x4d3: {  	s20 =	sand.u32 $0x70, s19;
	s22 =	sand.u32 $0x1C00, s18;
	v3 =	vadd.f32 v4, v3  }
0x4d4: {  	s19 =	sadd.s32 $0x10, s19;
	s20 =	sor.u32 s22, s20  }
0x4d5: {  	v4 =	vld [tilespmem:s20+$0x6100];
	[tilespmem:s3+$0x2100] =	vst v3  }
0x4d6: {  	v3 =	vld [tilespmem:s20+$0x2100];
	_ =	sdelay $0x4  }
0x4d7: {  	v3 =	vadd.f32 v4, v3;
	_ =	sdelay $0x1  }
0x4d8: {  	[tilespmem:s20+$0x2100] =	vst v3  }
0x4d9: {  	v3 =	vld [tilespmem:s16+$0x6180]  }
0x4da: {  	v4 =	vld [tilespmem:s16+$0x2180];
	_ =	sdelay $0x3  }
0x4db: {  	s3 =	simm.s32 $0x80  }
0x4dc: {  	s18 =	sand.u32 $0x1C00, s3;
	v3 =	vadd.f32 v3, v4  }
0x4dd: {  	s18 =	sor.u32 s18, s17;
	s17 =	simm.s32 $0x20  }
.LBB2_120:
0x4de: {  	p0 =	sne.s32 s17, $0x3F0;
	v4 =	vld [tilespmem:s18+$0x6180];
	[tilespmem:s16+$0x2180] =	vst v3;
	s16 =	smov.u32 s18  }
0x4df: {  	v3 =	vld [tilespmem:s16+$0x2180];
	_ =	sdelay $0x1  }
.Ltmp59:
0x4e0: {  	(pc) =	sbr.rel @p0 .LBB2_120-.Ltmp59, $4  }
0x4e1: {  	_ = 	snop  }
0x4e2: {  	s3 =	sadd.s32 $0x80, s3  }
0x4e3: {  	s18 =	sand.u32 $0x70, s17;
	s19 =	sand.u32 $0x1C00, s3;
	v3 =	vadd.f32 v4, v3  }
0x4e4: {  	s17 =	sadd.s32 $0x10, s17;
	s18 =	sor.u32 s19, s18  }
0x4e5: {  	v4 =	vld [tilespmem:s18+$0x6180];
	[tilespmem:s16+$0x2180] =	vst v3  }
0x4e6: {  	v3 =	vld [tilespmem:s18+$0x2180];
	_ =	sdelay $0x4  }
0x4e7: {  	s3 =	simm.s32 $0x0;
	v3 =	vadd.f32 v4, v3  }
0x4e8: {  	s20 =	sand.u32 $0x70, s3;
	s3 =	sand.u32 $0x1C00, s3  }
0x4e9: {  	s16 =	sor.u32 s3, s20;
	[tilespmem:s18+$0x2180] =	vst v3  }
0x4ea: {  	v3 =	vld [tilespmem:s16+$0x6200]  }
0x4eb: {  	v4 =	vld [tilespmem:s16+$0x2200];
	_ =	sdelay $0x3  }
0x4ec: {  	s22 =	simm.s32 $0x10;
	s18 =	simm.s32 $0x80  }
0x4ed: {  	s17 =	sand.u32 $0x70, s22;
	s23 =	sand.u32 $0x1C00, s18;
	v3 =	vadd.f32 v3, v4  }
0x4ee: {  	s19 =	simm.s32 $0x20;
	s3 =	smov.u32 s16;
	s20 =	sor.u32 s23, s17  }
.LBB2_122:
0x4ef: {  	p0 =	sne.s32 s19, $0x3F0;
	v4 =	vld [tilespmem:s20+$0x6200];
	[tilespmem:s3+$0x2200] =	vst v3;
	s3 =	smov.u32 s20  }
0x4f0: {  	v3 =	vld [tilespmem:s3+$0x2200];
	_ =	sdelay $0x1  }
.Ltmp60:
0x4f1: {  	(pc) =	sbr.rel @p0 .LBB2_122-.Ltmp60, $4  }
0x4f2: {  	_ = 	snop  }
0x4f3: {  	s18 =	sadd.s32 $0x80, s18  }
0x4f4: {  	s20 =	sand.u32 $0x70, s19;
	s22 =	sand.u32 $0x1C00, s18;
	v3 =	vadd.f32 v4, v3  }
0x4f5: {  	s19 =	sadd.s32 $0x10, s19;
	s20 =	sor.u32 s22, s20  }
0x4f6: {  	v4 =	vld [tilespmem:s20+$0x6200];
	[tilespmem:s3+$0x2200] =	vst v3  }
0x4f7: {  	v3 =	vld [tilespmem:s20+$0x2200];
	_ =	sdelay $0x4  }
0x4f8: {  	v3 =	vadd.f32 v4, v3;
	_ =	sdelay $0x1  }
0x4f9: {  	[tilespmem:s20+$0x2200] =	vst v3  }
0x4fa: {  	v3 =	vld [tilespmem:s16+$0x6280]  }
0x4fb: {  	v4 =	vld [tilespmem:s16+$0x2280];
	_ =	sdelay $0x3  }
0x4fc: {  	s3 =	simm.s32 $0x80  }
0x4fd: {  	s18 =	sand.u32 $0x1C00, s3;
	v3 =	vadd.f32 v3, v4  }
0x4fe: {  	s18 =	sor.u32 s18, s17;
	s17 =	simm.s32 $0x20  }
.LBB2_124:
0x4ff: {  	p0 =	sne.s32 s17, $0x3F0;
	v4 =	vld [tilespmem:s18+$0x6280];
	[tilespmem:s16+$0x2280] =	vst v3;
	s16 =	smov.u32 s18  }
0x500: {  	v3 =	vld [tilespmem:s16+$0x2280];
	_ =	sdelay $0x1  }
.Ltmp61:
0x501: {  	(pc) =	sbr.rel @p0 .LBB2_124-.Ltmp61, $4  }
0x502: {  	_ = 	snop  }
0x503: {  	s3 =	sadd.s32 $0x80, s3  }
0x504: {  	s18 =	sand.u32 $0x70, s17;
	s19 =	sand.u32 $0x1C00, s3;
	v3 =	vadd.f32 v4, v3  }
0x505: {  	s17 =	sadd.s32 $0x10, s17;
	s18 =	sor.u32 s19, s18  }
0x506: {  	v4 =	vld [tilespmem:s18+$0x6280];
	[tilespmem:s16+$0x2280] =	vst v3  }
0x507: {  	v3 =	vld [tilespmem:s18+$0x2280];
	_ =	sdelay $0x4  }
0x508: {  	s16 =	simm.s32 $0x0;
	v3 =	vadd.f32 v4, v3  }
0x509: {  	s3 =	sand.u32 $0x70, s16;
	s17 =	sand.u32 $0x1C00, s16  }
0x50a: {  	[tilespmem:s18+$0x2280] =	vst v3;
	s18 =	sor.u32 s17, s3  }
0x50b: {  	v3 =	vld [tilespmem:s18+$0x6300]  }
0x50c: {  	v4 =	vld [tilespmem:s18+$0x2300];
	_ =	sdelay $0x3  }
0x50d: {  	s17 =	simm.s32 $0x10;
	s3 =	simm.s32 $0x80  }
0x50e: {  	s19 =	sand.u32 $0x70, s17;
	s20 =	sand.u32 $0x1C00, s3;
	v3 =	vadd.f32 v3, v4  }
0x50f: {  	s20 =	sor.u32 s20, s19;
	s19 =	simm.s32 $0x20  }
.LBB2_126:
0x510: {  	p0 =	sne.s32 s19, $0x3F0;
	v4 =	vld [tilespmem:s20+$0x6300];
	[tilespmem:s18+$0x2300] =	vst v3;
	s18 =	smov.u32 s20  }
0x511: {  	v3 =	vld [tilespmem:s18+$0x2300];
	_ =	sdelay $0x1  }
.Ltmp62:
0x512: {  	(pc) =	sbr.rel @p0 .LBB2_126-.Ltmp62, $4  }
0x513: {  	_ = 	snop  }
0x514: {  	s3 =	sadd.s32 $0x80, s3  }
0x515: {  	s20 =	sand.u32 $0x70, s19;
	s22 =	sand.u32 $0x1C00, s3;
	v3 =	vadd.f32 v4, v3  }
0x516: {  	s19 =	sadd.s32 $0x10, s19;
	s20 =	sor.u32 s22, s20  }
0x517: {  	v4 =	vld [tilespmem:s20+$0x6300];
	[tilespmem:s18+$0x2300] =	vst v3  }
0x518: {  	v3 =	vld [tilespmem:s20+$0x2300];
	_ =	sdelay $0x4  }
0x519: {  	v3 =	vadd.f32 v4, v3  }
0x51a: {  	s3 =	sor.u32 s16, s16  }
0x51b: {  	s16 =	sor.u32 $0x2380, s3;
	[tilespmem:s20+$0x2300] =	vst v3  }
0x51c: {  	v3 =	vld [tilespmem:s16+$0x4000]  }
0x51d: {  	v4 =	vld [tilespmem:s16+$0x0];
	_ =	sdelay $0x3  }
0x51e: {  	s3 =	simm.s32 $0x80  }
0x51f: {  	s17 =	sor.u32 s3, s17;
	v3 =	vadd.f32 v3, v4  }
0x520: {  	s18 =	sor.u32 $0x2380, s17;
	s17 =	simm.s32 $0x20  }
.LBB2_128:
0x521: {  	p0 =	sne.s32 s17, $0x3F0;
	v4 =	vld [tilespmem:s18+$0x4000];
	[tilespmem:s16+$0x0] =	vst v3;
	s16 =	smov.u32 s18  }
0x522: {  	v3 =	vld [tilespmem:s16+$0x0];
	_ =	sdelay $0x1  }
.Ltmp63:
0x523: {  	(pc) =	sbr.rel @p0 .LBB2_128-.Ltmp63, $4  }
0x524: {  	_ = 	snop  }
0x525: {  	s3 =	sadd.s32 $0x80, s3  }
0x526: {  	s18 =	sor.u32 s3, s17;
	v3 =	vadd.f32 v4, v3  }
0x527: {  	s17 =	sadd.s32 $0x10, s17;
	s18 =	sor.u32 $0x2380, s18  }
0x528: {  	v4 =	vld [tilespmem:s18+$0x4000];
	[tilespmem:s16+$0x0] =	vst v3  }
0x529: {  	v3 =	vld [tilespmem:s18+$0x0];
	_ =	sdelay $0x4  }
0x52a: {  	v3 =	vadd.f32 v4, v3;
	_ =	sdelay $0x1  }
0x52b: {  	s3 =	rddreg [dreg:$0xe];
	[tilespmem:s18+$0x0] =	vst v3  }
0x52c: {  	[hbm4b:s3+s2] =	stream.linear.scatter [tilespmem:s2], [sflag:$0x3], $0x4000, $0x38;
	[tilespmem:$0x8100] =	vst v63  }
0x52d: {  	_ =	swait.ge [sflag:s21], $0x4000  }
0x52e: {  	s15 =	sadd.s32 $0x1, s15;
	s23 =	rddreg [dreg:$0xf]  }
0x52f: {  	p0 =	sne.s32 s15, s23  }
.Ltmp64:
0x530: {  	_ = 	snop;
	(pc) =	sbr.rel @p0 .LBB2_1-.Ltmp64, $3  }
0x531: {  	_ =	sdelay $0x1  }
0x532: {  	[sflag:s21] =	ssyncset.done $0x0  }
0x533: {  	[sflag:s21] =	ssyncadd.s32 $0xFFFFC000  }
0x534: {  	_ =	sfence.sel $0x180000  }
0x535: {  	[bflag:$0x0] =	sbarrier.arrive $0xFFFF  }
0x536: {  	_ =	strace $0x9000004A  }
0x537: {  	s0 =	stileid.u32;
	[bflag:$0x2] =	sbarrier.arrive $0xFFFF  }
0x538: {  	p0 =	sne.s32 s0, $0x0;
	s0 =	rddreg [dreg:$0x2]  }
0x539: {  	s0 =	sadd.s32 @!p0 $0x100000, s0  }
0x53a: {  	[sflag:s0] =	ssyncadd.tile.s32 @!p0 $0x1;
	_ =	shalt  }
.Lfunc_end2:
_tile_overlayer_lowered:
.L_overlay_start_2:
0x53b: {  	(tag) =	ssettag $0x2  }
0x53c: {  	s0 =	rddreg [dreg:$0x0];
	s2 =	stileid.u32  }
0x53d: {  	s1 =	rddreg [dreg:$0x1];
	p0 =	sne.s32 s2, $0x0  }
0x53e: {  	s3 =	rddreg [dreg:$0x2];
	[bflag:$0x3] =	sbarrier.arrive $0xFFFF;
	s2 =	simm.s32 @!p0 $0x1C03  }
0x53f: {  	[timem:s3], [sflag:s2] =	dma.local @!p0 [hbm:s0], s1  }
0x540: {  	s0 =	simm.s32 @!p0 $0x3  }
0x541: {  	_ =	swait.ge @!p0 [sflag:s0], s1  }
0x542: {  	s1 =	ssub.s32 @!p0 $0x0, s1;
	[sflag:s0] =	ssyncset.done @!p0 $0x0  }
0x543: {  	[sflag:s0] =	ssyncadd.s32 @!p0 s1  }
0x544: {  	[bflag:$0x3] =	sbarrier.arrive $0xFFFF  }
0x545: {  	_ =	shalt  }

</sc_bundles>
